<compile_context>
chip_gen: v7x
topology: tpu7x:2x2x1
jax: 0.10.2.dev20260603
libtpu: 0.0.44.dev20260713+nightly
codegen_flags: <defaults>
</compile_context>

<pallas_src>
import functools

import jax
import jax.numpy as jnp
from jax import lax
from jax.experimental import pallas as pl
from jax.experimental.pallas import tpu as pltpu
from jax.experimental.pallas import tpu_sc as plsc

N = 10000
E = 160000
D = 256

NP_ROWS = 96
EC = E // 16
CH = 1280
NCH = E // CH
SB = 64
RT = 312

_CP = pltpu.CompilerParams(needs_layout_passes=False)

def _z16f():
    return jnp.zeros((16,), jnp.float32)


def _mm_body(h_ref, w_ref, a2_ref, z_ref, st_ref):
    z = jnp.dot(h_ref[...], w_ref[...], preferred_element_type=jnp.float32)
    z_ref[...] = z
    st_ref[...] = jnp.dot(z, a2_ref[...], preferred_element_type=jnp.float32)


def _project(h, W, A2):
    blk = 1000
    return pl.pallas_call(
        _mm_body,
        grid=(N // blk,),
        in_specs=[
            pl.BlockSpec((blk, D), lambda i: (i, 0)),
            pl.BlockSpec((D, D), lambda i: (0, 0)),
            pl.BlockSpec((D, 128), lambda i: (0, 0)),
        ],
        out_specs=[
            pl.BlockSpec((blk, D), lambda i: (i, 0)),
            pl.BlockSpec((blk, 128), lambda i: (i, 0)),
        ],
        out_shape=[
            jax.ShapeDtypeStruct((N, D), jnp.float32),
            jax.ShapeDtypeStruct((N, 128), jnp.float32),
        ],
    )(h, W, A2)


def _zero2d(ref, nrows):
    ncol16 = ref.shape[1] // 16

    def row(r, carry):
        for q in range(ncol16):
            ref[r, pl.ds(q * 16, 16)] = _z16f()
        return carry

    lax.fori_loop(0, nrows, row, 0)


def _sc_body(z_hbm, s_hbm, t_hbm, src_hbm, dst_hbm, out_hbm,
             sh_deg, sh_sum, sh_den, sh_max, sh_ex, sem_a, sem_b, sem_g):
    c = lax.axis_index("c")
    sidx = lax.axis_index("s")
    e0 = sidx * EC

    def scalar_phase(sv, tv, srcv, dstv, ev, la, lb, idx80, mxb):
        pltpu.sync_copy(s_hbm, sv)
        pltpu.sync_copy(t_hbm, tv)
        pltpu.sync_copy(src_hbm.at[pl.ds(e0, EC)], srcv)
        pltpu.sync_copy(dst_hbm.at[pl.ds(e0, EC)], dstv)
        _zero2d(la, NP_ROWS)
        _zero2d(lb, NP_ROWS)

        @pl.when(sidx == 0)
        def _():
            pltpu.sync_copy(la, sh_deg)
            pltpu.sync_copy(la, sh_sum)
            pltpu.sync_copy(la, sh_den)

        def fill_idx(j, carry):
            idx80[pl.ds(j * 16, 16)] = lax.iota(jnp.int32, 16) + j * 16
            return carry

        lax.fori_loop(0, NP_ROWS // 16, fill_idx, 0)
        plsc.subcore_barrier()

        def edge_step(i, mx):
            sv16 = srcv[pl.ds(i * 16, 16)]
            dv16 = dstv[pl.ds(i * 16, 16)]
            ss = plsc.load_gather(sv, [sv16])
            tt = plsc.load_gather(tv, [dv16])
            x = ss + tt
            e = jnp.where(x >= 0.0, x, 0.01 * x)
            ev[pl.ds(i * 16, 16)] = e
            dr = lax.shift_right_logical(dv16, 7)
            dc = lax.bitwise_and(dv16, 127)
            plsc.addupdate_scatter(la, [dr, dc], jnp.ones((16,), jnp.float32))
            plsc.addupdate_scatter(lb, [dr, dc], e)
            return jnp.maximum(mx, e)

        mxv = lax.fori_loop(0, EC // 16, edge_step,
                            jnp.full((16,), -1e30, jnp.float32))
        mxb[...] = mxv
        pltpu.sync_copy(mxb, sh_max.at[sidx])
        pltpu.sync_copy(la, sh_deg.at[idx80], add=True)
        pltpu.sync_copy(lb, sh_sum.at[idx80], add=True)
        plsc.subcore_barrier()

        pltpu.sync_copy(sh_deg, la)
        pltpu.sync_copy(sh_sum, lb)

        def mean_row(r, carry):
            for q in range(8):
                dg = la[r, pl.ds(q * 16, 16)]
                sm = lb[r, pl.ds(q * 16, 16)]
                la[r, pl.ds(q * 16, 16)] = sm / jnp.maximum(dg, 1.0)
            return carry

        lax.fori_loop(0, NP_ROWS, mean_row, 0)

        _zero2d(lb, NP_ROWS)

        def mask_step(i, mm):
            dv16 = dstv[pl.ds(i * 16, 16)]
            e = ev[pl.ds(i * 16, 16)]
            dr = lax.shift_right_logical(dv16, 7)
            dc = lax.bitwise_and(dv16, 127)
            mn = plsc.load_gather(la, [dr, dc])
            em = jnp.where(e < mn, 0.0, e)
            ex = jnp.exp(em - mm)
            ev[pl.ds(i * 16, 16)] = ex
            plsc.addupdate_scatter(lb, [dr, dc], ex)
            return mm

        return mask_step

    def scope1(sv, tv, srcv, dstv, ev, la, lb, idx80, mxb, mx2):
        mask_step = scalar_phase(sv, tv, srcv, dstv, ev, la, lb, idx80, mxb)
        pltpu.sync_copy(sh_max, mx2)
        mm = jnp.full((16,), 0.0, jnp.float32)
        for r in range(16):
            mm = jnp.maximum(mm, mx2[r, :])
        m_scalar = jnp.max(mm)
        mmv = jnp.full((16,), 1.0, jnp.float32) * m_scalar
        lax.fori_loop(0, EC // 16, mask_step, mmv)
        pltpu.sync_copy(lb, sh_den.at[idx80], add=True)
        pltpu.sync_copy(ev, sh_ex.at[pl.ds(e0, EC)])
        plsc.subcore_barrier()

    pl.run_scoped(
        scope1,
        pltpu.VMEM((N,), jnp.float32),
        pltpu.VMEM((N,), jnp.float32),
        pltpu.VMEM((EC,), jnp.int32),
        pltpu.VMEM((EC,), jnp.int32),
        pltpu.VMEM((EC,), jnp.float32),
        pltpu.VMEM((NP_ROWS, 128), jnp.float32),
        pltpu.VMEM((NP_ROWS, 128), jnp.float32),
        pltpu.VMEM((NP_ROWS,), jnp.int32),
        pltpu.VMEM((16,), jnp.float32),
        pltpu.VMEM((16, 16), jnp.float32),
    )

    def scope2(acc, rows, dstc, srcc, exc, seld, selsrc, selex, scl, inv, win8):
        w = c * 16 + sidx
        lo = RT * w
        nloc = jnp.where(w == 31, RT + 16, RT)
        hi = lo + nloc
        r0 = lax.shift_right_logical(lo, 7)
        loff = lax.bitwise_and(lo, 127)

        win8[...] = lax.iota(jnp.int32, 16) + r0
        pltpu.sync_copy(sh_den.at[win8], inv)
        for r in range(16):
            for q in range(8):
                v = inv[r, pl.ds(q * 16, 16)]
                inv[r, pl.ds(q * 16, 16)] = 1.0 / v

        _zero2d(acc, RT + 16)

        def z16(j, carry):
            seld[pl.ds(j * 16, 16)] = lax.iota(jnp.int32, 16) * 0
            selsrc[pl.ds(j * 16, 16)] = lax.iota(jnp.int32, 16) * 0
            return carry

        lax.fori_loop(0, CH // 16, z16, 0)

        def issue(jn, slot):
            eb = jn * CH
            pltpu.async_copy(dst_hbm.at[pl.ds(eb, CH)], dstc.at[slot], sem_a)
            pltpu.async_copy(src_hbm.at[pl.ds(eb, CH)], srcc.at[slot], sem_a)
            pltpu.async_copy(sh_ex.at[pl.ds(eb, CH)], exc.at[slot], sem_b)

        def drain(slot):
            pltpu.make_async_copy(dst_hbm.at[pl.ds(0, CH)], dstc.at[slot], sem_a).wait()
            pltpu.make_async_copy(src_hbm.at[pl.ds(0, CH)], srcc.at[slot], sem_a).wait()
            pltpu.make_async_copy(sh_ex.at[pl.ds(0, CH)], exc.at[slot], sem_b).wait()

        issue(0, 0)

        def chunk_step(j, carry):
            slot = lax.rem(j, 2)

            @pl.when(j < NCH - 1)
            def _():
                issue(j + 1, 1 - slot)

            drain(slot)

            def filt(k, pos):
                dv = dstc[slot, pl.ds(k * 16, 16)]
                m = jnp.logical_and(dv >= lo, dv < hi)
                plsc.store_compressed(seld.at[pl.ds(pos, 16)], dv - lo, mask=m)
                plsc.store_compressed(selsrc.at[pl.ds(pos, 16)],
                                      srcc[slot, pl.ds(k * 16, 16)], mask=m)
                plsc.store_compressed(selex.at[pl.ds(pos, 16)],
                                      exc[slot, pl.ds(k * 16, 16)], mask=m)
                cnt16 = plsc.all_reduce_population_count(m)[0]
                return pos + cnt16

            cnt = lax.fori_loop(0, CH // 16, filt, 0)

            def scale16(q, carry2):
                di = seld[pl.ds(q * 16, 16)] + loff
                iv = plsc.load_gather(
                    inv, [lax.shift_right_logical(di, 7), lax.bitwise_and(di, 127)])
                scl[pl.ds(q * 16, 16)] = selex[pl.ds(q * 16, 16)] * iv
                return carry2

            lax.fori_loop(0, (cnt + 15) // 16, scale16, 0)

            def subbatch(b, carry3):
                pltpu.async_copy(
                    z_hbm.at[selsrc.at[pl.ds(b * SB, SB)]], rows, sem_g).wait()

                def edge(i, carry4):
                    gi = b * SB + i
                    gv = jnp.full((16,), 1, jnp.int32) * gi
                    d = plsc.load_gather(seld, [gv])[0]
                    sc = plsc.load_gather(scl, [gv])
                    for q in range(16):
                        plsc.addupdate(acc.at[d, pl.ds(q * 16, 16)],
                                       sc * rows[i, pl.ds(q * 16, 16)])
                    return carry4

                lax.fori_loop(0, jnp.minimum(SB, cnt - b * SB), edge, 0)
                return carry3

            lax.fori_loop(0, (cnt + SB - 1) // SB, subbatch, 0)
            return carry

        lax.fori_loop(0, NCH, chunk_step, 0)

        pltpu.sync_copy(acc.at[pl.ds(0, RT)], out_hbm.at[pl.ds(lo, RT)])

        @pl.when(w == 31)
        def _():
            pltpu.sync_copy(acc.at[pl.ds(RT, 16)], out_hbm.at[pl.ds(N - 16, 16)])

    pl.run_scoped(
        scope2,
        pltpu.VMEM((RT + 16, D), jnp.float32),
        pltpu.VMEM((SB, D), jnp.float32),
        pltpu.VMEM((2, CH), jnp.int32),
        pltpu.VMEM((2, CH), jnp.int32),
        pltpu.VMEM((2, CH), jnp.float32),
        pltpu.VMEM((CH,), jnp.int32),
        pltpu.VMEM((CH,), jnp.int32),
        pltpu.VMEM((CH,), jnp.float32),
        pltpu.VMEM((CH,), jnp.float32),
        pltpu.VMEM((16, 128), jnp.float32),
        pltpu.VMEM((16,), jnp.int32),
    )


def _sc_call(z, s, t, src, dst):
    mesh = plsc.VectorSubcoreMesh(core_axis_name="c", subcore_axis_name="s")
    fn = functools.partial(
        pl.kernel,
        out_type=jax.ShapeDtypeStruct((N, D), jnp.float32),
        mesh=mesh,
        compiler_params=_CP,
        scratch_types=[
            pltpu.VMEM_SHARED((NP_ROWS, 128), jnp.float32),
            pltpu.VMEM_SHARED((NP_ROWS, 128), jnp.float32),
            pltpu.VMEM_SHARED((NP_ROWS, 128), jnp.float32),
            pltpu.VMEM_SHARED((16, 16), jnp.float32),
            pltpu.VMEM_SHARED((E,), jnp.float32),
            pltpu.SemaphoreType.DMA,
            pltpu.SemaphoreType.DMA,
            pltpu.SemaphoreType.DMA,
        ],
    )(_sc_body)
    return fn(z, s, t, src, dst)


def kernel(h, edge_index, W, a):
    A2 = jnp.zeros((D, 128), jnp.float32)
    A2 = A2.at[:, 0].set(a[:D]).at[:, 1].set(a[D:])
    z, st = _project(h, W, A2)
    s = st[:, 0]
    t = st[:, 1]
    src = edge_index[0]
    dst = edge_index[1]
    return _sc_call(z, s, t, src, dst)

# --- scband reference (transcript-rebuilt; emitter-appended) ---
"""Pipeline reference for scband-gatlayer-van-5317169512568 (READ-ONLY COPY).

The authoritative reference and input builder live on the scoring server;
editing this copy changes nothing except your own understanding.
"""

import jax, jax.numpy as jnp
import numpy as np

N = 10000
E = 160000
IN_DIM = 256
OUT_DIM = 256


def setup_inputs(seed: int = 0) -> dict:
    key = jax.random.key(seed)
    k1, k2, k3, k4 = jax.random.split(key, 4)
    h = jax.random.normal(k1, (N, IN_DIM), dtype=jnp.float32)
    edge_index = jax.random.randint(k2, (2, E), 0, N, dtype=jnp.int32)
    gain = np.sqrt(2.0)  # relu gain, matches nn.init.calculate_gain('relu')
    # xavier_normal for fc.weight [out, in]; we store W as [in, out] for h @ W
    std_fc = gain * np.sqrt(2.0 / (IN_DIM + OUT_DIM))
    W = jax.random.normal(k3, (IN_DIM, OUT_DIM), dtype=jnp.float32) * std_fc
    # attn_fc.weight shape [1, 2*out] -> vector a [2*out]
    std_a = gain * np.sqrt(2.0 / (2 * OUT_DIM + 1))
    a = jax.random.normal(k4, (2 * OUT_DIM,), dtype=jnp.float32) * std_a
    return {"h": h, "edge_index": edge_index, "W": W, "a": a}


def reference(h, edge_index, W, a):
    src = edge_index[0]
    dst = edge_index[1]
    # z = self.fc(h)
    z = h @ W  # [N, OUT_DIM]
    z_src = z[src]  # gather, [E, OUT_DIM]
    z_dst = z[dst]  # gather, [E, OUT_DIM]
    # edge_attention: e = leaky_relu(attn_fc(cat(z_src, z_dst)))
    z2 = jnp.concatenate([z_src, z_dst], axis=1)  # [E, 2*OUT_DIM]
    e = jax.nn.leaky_relu(z2 @ a, negative_slope=0.01)  # [E]
    # reduce_func: per-dst mean thresholding of e (in-place zeroing below mean)
    ones = jnp.ones_like(e)
    deg = jax.ops.segment_sum(ones, dst, num_segments=N)  # [N]
    sum_e = jax.ops.segment_sum(e, dst, num_segments=N)  # [N]
    mean_e = sum_e / jnp.maximum(deg, 1.0)  # [N]
    e_masked = jnp.where(e < mean_e[dst], jnp.float32(0.0), e)  # [E]
    # segment softmax over incoming edges of each dst node
    seg_max = jax.ops.segment_max(e_masked, dst, num_segments=N)  # [N]
    ex = jnp.exp(e_masked - seg_max[dst])  # [E]
    denom = jax.ops.segment_sum(ex, dst, num_segments=N)  # [N]
    alpha = ex / denom[dst]  # [E]
    # h_out = sum_j alpha_ij * z_j
    h_out = jax.ops.segment_sum(alpha[:, None] * z_src, dst, num_segments=N)  # [N, OUT_DIM]
    return h_out

if __name__ == "__main__":
    import jax
    _d = setup_inputs()
    print(jax.jit(kernel)(*tuple(_d.values())))

</pallas_src>

<mosaic_0001>
#map = affine_map<(d0, d1) -> (0, 0)>
#map1 = affine_map<(d0, d1) -> (0)>
module attributes {stable_mosaic.version = 14 : i64} {
  func.func @_sc_body(%arg0: i32, %arg1: i32, %arg2: memref<10000x256xf32, #tpu.memory_space<hbm>>, %arg3: memref<10000xf32, #tpu.memory_space<hbm>>, %arg4: memref<10000xf32, #tpu.memory_space<hbm>>, %arg5: memref<160000xi32, #tpu.memory_space<hbm>>, %arg6: memref<160000xi32, #tpu.memory_space<hbm>>, %arg7: memref<10000x256xf32, #tpu.memory_space<hbm>>, %arg8: memref<96x128xf32, #tpu.memory_space<vmem_shared>>, %arg9: memref<96x128xf32, #tpu.memory_space<vmem_shared>>, %arg10: memref<96x128xf32, #tpu.memory_space<vmem_shared>>, %arg11: memref<16x16xf32, #tpu.memory_space<vmem_shared>>, %arg12: memref<160000xf32, #tpu.memory_space<vmem_shared>>, %arg13: memref<!tpu.dma_semaphore, #tpu.memory_space<semaphore_mem>>, %arg14: memref<!tpu.dma_semaphore, #tpu.memory_space<semaphore_mem>>, %arg15: memref<!tpu.dma_semaphore, #tpu.memory_space<semaphore_mem>>) attributes {dimension_semantics = [#tpu.dimension_semantics<core_parallel>, #tpu.dimension_semantics<subcore_parallel>], iteration_bounds = array<i64: 2, 16>, scalar_prefetch = 0 : i64, scratch_operands = 8 : i64, tpu.core_type = #tpu.core_type<sc_vector_subcore>, window_params = [{transform_indices = #map}, {transform_indices = #map1}, {transform_indices = #map1}, {transform_indices = #map1}, {transform_indices = #map1}, {transform_indices = #map}]} {
    %mul3A = arith.constant 10000 : i32
    %mul3A_0 = arith.muli %arg1, %mul3A : i32
    "tpu.region"() ({
      %run_scoped3A = memref.alloca() : memref<10000xf32, #tpu.memory_space<vmem>>
      %run_scoped3A_1 = memref.alloca() : memref<10000xf32, #tpu.memory_space<vmem>>
      %run_scoped3A_2 = memref.alloca() : memref<10000xi32, #tpu.memory_space<vmem>>
      %run_scoped3A_3 = memref.alloca() : memref<10000xi32, #tpu.memory_space<vmem>>
      %run_scoped3A_4 = memref.alloca() : memref<10000xf32, #tpu.memory_space<vmem>>
      %run_scoped3A_5 = memref.alloca() : memref<96x128xf32, #tpu.memory_space<vmem>>
      %run_scoped3A_6 = memref.alloca() : memref<96x128xf32, #tpu.memory_space<vmem>>
      %run_scoped3A_7 = memref.alloca() : memref<96xi32, #tpu.memory_space<vmem>>
      %run_scoped3A_8 = memref.alloca() : memref<16xf32, #tpu.memory_space<vmem>>
      %run_scoped3A_9 = memref.alloca() : memref<16x16xf32, #tpu.memory_space<vmem>>
      "tpu.region"() ({
        %run_scoped3A_143 = tpu.sem_alloc : memref<!tpu.dma_semaphore, #tpu.memory_space<semaphore_mem>>
        tpu.enqueue_dma source(%arg3 : memref<10000xf32, #tpu.memory_space<hbm>>) target(%run_scoped3A : memref<10000xf32, #tpu.memory_space<vmem>>) target_semaphore(%run_scoped3A_143 : memref<!tpu.dma_semaphore, #tpu.memory_space<semaphore_mem>>)
        tpu.wait_dma2 semaphore(%run_scoped3A_143 : memref<!tpu.dma_semaphore, #tpu.memory_space<semaphore_mem>>) src(%arg3 : memref<10000xf32, #tpu.memory_space<hbm>>) dst(%run_scoped3A : memref<10000xf32, #tpu.memory_space<vmem>>)
        tpu.yield
      }) : () -> ()
      "tpu.region"() ({
        %run_scoped3A_143 = tpu.sem_alloc : memref<!tpu.dma_semaphore, #tpu.memory_space<semaphore_mem>>
        tpu.enqueue_dma source(%arg4 : memref<10000xf32, #tpu.memory_space<hbm>>) target(%run_scoped3A_1 : memref<10000xf32, #tpu.memory_space<vmem>>) target_semaphore(%run_scoped3A_143 : memref<!tpu.dma_semaphore, #tpu.memory_space<semaphore_mem>>)
        tpu.wait_dma2 semaphore(%run_scoped3A_143 : memref<!tpu.dma_semaphore, #tpu.memory_space<semaphore_mem>>) src(%arg4 : memref<10000xf32, #tpu.memory_space<hbm>>) dst(%run_scoped3A_1 : memref<10000xf32, #tpu.memory_space<vmem>>)
        tpu.yield
      }) : () -> ()
      "tpu.region"() ({
        %run_scoped3A_143 = tpu.sem_alloc : memref<!tpu.dma_semaphore, #tpu.memory_space<semaphore_mem>>
        %dma_start3A = tpu.memref_slice %arg5[%mul3A_0] : memref<160000xi32, #tpu.memory_space<hbm>> -> memref<10000xi32, #tpu.memory_space<hbm>>
        %dma_start3A_144 = tpu.memref_slice %arg5[%mul3A_0] : memref<160000xi32, #tpu.memory_space<hbm>> -> memref<10000xi32, #tpu.memory_space<hbm>>
        tpu.enqueue_dma source(%dma_start3A_144 : memref<10000xi32, #tpu.memory_space<hbm>>) target(%run_scoped3A_2 : memref<10000xi32, #tpu.memory_space<vmem>>) target_semaphore(%run_scoped3A_143 : memref<!tpu.dma_semaphore, #tpu.memory_space<semaphore_mem>>)
        %dma_wait3A = tpu.memref_slice %arg5[%mul3A_0] : memref<160000xi32, #tpu.memory_space<hbm>> -> memref<10000xi32, #tpu.memory_space<hbm>>
        %dma_wait3A_145 = tpu.memref_slice %arg5[%mul3A_0] : memref<160000xi32, #tpu.memory_space<hbm>> -> memref<10000xi32, #tpu.memory_space<hbm>>
        tpu.wait_dma2 semaphore(%run_scoped3A_143 : memref<!tpu.dma_semaphore, #tpu.memory_space<semaphore_mem>>) src(%dma_wait3A_145 : memref<10000xi32, #tpu.memory_space<hbm>>) dst(%run_scoped3A_2 : memref<10000xi32, #tpu.memory_space<vmem>>)
        tpu.yield
      }) : () -> ()
      "tpu.region"() ({
        %run_scoped3A_143 = tpu.sem_alloc : memref<!tpu.dma_semaphore, #tpu.memory_space<semaphore_mem>>
        %dma_start3A = tpu.memref_slice %arg6[%mul3A_0] : memref<160000xi32, #tpu.memory_space<hbm>> -> memref<10000xi32, #tpu.memory_space<hbm>>
        %dma_start3A_144 = tpu.memref_slice %arg6[%mul3A_0] : memref<160000xi32, #tpu.memory_space<hbm>> -> memref<10000xi32, #tpu.memory_space<hbm>>
        tpu.enqueue_dma source(%dma_start3A_144 : memref<10000xi32, #tpu.memory_space<hbm>>) target(%run_scoped3A_3 : memref<10000xi32, #tpu.memory_space<vmem>>) target_semaphore(%run_scoped3A_143 : memref<!tpu.dma_semaphore, #tpu.memory_space<semaphore_mem>>)
        %dma_wait3A = tpu.memref_slice %arg6[%mul3A_0] : memref<160000xi32, #tpu.memory_space<hbm>> -> memref<10000xi32, #tpu.memory_space<hbm>>
        %dma_wait3A_145 = tpu.memref_slice %arg6[%mul3A_0] : memref<160000xi32, #tpu.memory_space<hbm>> -> memref<10000xi32, #tpu.memory_space<hbm>>
        tpu.wait_dma2 semaphore(%run_scoped3A_143 : memref<!tpu.dma_semaphore, #tpu.memory_space<semaphore_mem>>) src(%dma_wait3A_145 : memref<10000xi32, #tpu.memory_space<hbm>>) dst(%run_scoped3A_3 : memref<10000xi32, #tpu.memory_space<vmem>>)
        tpu.yield
      }) : () -> ()
      %scan3A = arith.constant 0 : i32
      %scan3A_10 = arith.constant 0 : i32
      %scan3A_11 = arith.constant 96 : i32
      %scan3A_12 = arith.addi %scan3A_10, %scan3A_11 : i32
      %scan3A_13 = arith.constant 1 : i32
      scf.for %scan3A_143 = %scan3A_10 to %scan3A_12 step %scan3A_13  : i32 {
        %broadcast_in_dim3A_144 = arith.constant 0.000000e+00 : f32
        %broadcast_in_dim3A_145 = vector.broadcast %broadcast_in_dim3A_144 : f32 to vector<16xf32>
        %swap3A_146 = arith.index_cast %scan3A_143 : i32 to index
        %swap3A_147 = arith.constant 0 : index
        %swap3A_148 = tpu.vector_load %run_scoped3A_5[%swap3A_146, %swap3A_147] {strides = array<i32>} : memref<96x128xf32, #tpu.memory_space<vmem>>, vector<16xf32>,
        tpu.vector_store %run_scoped3A_5[%swap3A_146, %swap3A_147], %broadcast_in_dim3A_145 {strides = array<i32>} : memref<96x128xf32, #tpu.memory_space<vmem>>, vector<16xf32>,
        %broadcast_in_dim3A_149 = arith.constant 0.000000e+00 : f32
        %broadcast_in_dim3A_150 = vector.broadcast %broadcast_in_dim3A_149 : f32 to vector<16xf32>
        %swap3A_151 = arith.index_cast %scan3A_143 : i32 to index
        %swap3A_152 = arith.constant 16 : index
        %swap3A_153 = tpu.vector_load %run_scoped3A_5[%swap3A_151, %swap3A_152] {strides = array<i32>} : memref<96x128xf32, #tpu.memory_space<vmem>>, vector<16xf32>,
        tpu.vector_store %run_scoped3A_5[%swap3A_151, %swap3A_152], %broadcast_in_dim3A_150 {strides = array<i32>} : memref<96x128xf32, #tpu.memory_space<vmem>>, vector<16xf32>,
        %broadcast_in_dim3A_154 = arith.constant 0.000000e+00 : f32
        %broadcast_in_dim3A_155 = vector.broadcast %broadcast_in_dim3A_154 : f32 to vector<16xf32>
        %swap3A_156 = arith.index_cast %scan3A_143 : i32 to index
        %swap3A_157 = arith.constant 32 : index
        %swap3A_158 = tpu.vector_load %run_scoped3A_5[%swap3A_156, %swap3A_157] {strides = array<i32>} : memref<96x128xf32, #tpu.memory_space<vmem>>, vector<16xf32>,
        tpu.vector_store %run_scoped3A_5[%swap3A_156, %swap3A_157], %broadcast_in_dim3A_155 {strides = array<i32>} : memref<96x128xf32, #tpu.memory_space<vmem>>, vector<16xf32>,
        %broadcast_in_dim3A_159 = arith.constant 0.000000e+00 : f32
        %broadcast_in_dim3A_160 = vector.broadcast %broadcast_in_dim3A_159 : f32 to vector<16xf32>
        %swap3A_161 = arith.index_cast %scan3A_143 : i32 to index
        %swap3A_162 = arith.constant 48 : index
        %swap3A_163 = tpu.vector_load %run_scoped3A_5[%swap3A_161, %swap3A_162] {strides = array<i32>} : memref<96x128xf32, #tpu.memory_space<vmem>>, vector<16xf32>,
        tpu.vector_store %run_scoped3A_5[%swap3A_161, %swap3A_162], %broadcast_in_dim3A_160 {strides = array<i32>} : memref<96x128xf32, #tpu.memory_space<vmem>>, vector<16xf32>,
        %broadcast_in_dim3A_164 = arith.constant 0.000000e+00 : f32
        %broadcast_in_dim3A_165 = vector.broadcast %broadcast_in_dim3A_164 : f32 to vector<16xf32>
        %swap3A_166 = arith.index_cast %scan3A_143 : i32 to index
        %swap3A_167 = arith.constant 64 : index
        %swap3A_168 = tpu.vector_load %run_scoped3A_5[%swap3A_166, %swap3A_167] {strides = array<i32>} : memref<96x128xf32, #tpu.memory_space<vmem>>, vector<16xf32>,
        tpu.vector_store %run_scoped3A_5[%swap3A_166, %swap3A_167], %broadcast_in_dim3A_165 {strides = array<i32>} : memref<96x128xf32, #tpu.memory_space<vmem>>, vector<16xf32>,
        %broadcast_in_dim3A_169 = arith.constant 0.000000e+00 : f32
        %broadcast_in_dim3A_170 = vector.broadcast %broadcast_in_dim3A_169 : f32 to vector<16xf32>
        %swap3A_171 = arith.index_cast %scan3A_143 : i32 to index
        %swap3A_172 = arith.constant 80 : index
        %swap3A_173 = tpu.vector_load %run_scoped3A_5[%swap3A_171, %swap3A_172] {strides = array<i32>} : memref<96x128xf32, #tpu.memory_space<vmem>>, vector<16xf32>,
        tpu.vector_store %run_scoped3A_5[%swap3A_171, %swap3A_172], %broadcast_in_dim3A_170 {strides = array<i32>} : memref<96x128xf32, #tpu.memory_space<vmem>>, vector<16xf32>,
        %broadcast_in_dim3A_174 = arith.constant 0.000000e+00 : f32
        %broadcast_in_dim3A_175 = vector.broadcast %broadcast_in_dim3A_174 : f32 to vector<16xf32>
        %swap3A_176 = arith.index_cast %scan3A_143 : i32 to index
        %swap3A_177 = arith.constant 96 : index
        %swap3A_178 = tpu.vector_load %run_scoped3A_5[%swap3A_176, %swap3A_177] {strides = array<i32>} : memref<96x128xf32, #tpu.memory_space<vmem>>, vector<16xf32>,
        tpu.vector_store %run_scoped3A_5[%swap3A_176, %swap3A_177], %broadcast_in_dim3A_175 {strides = array<i32>} : memref<96x128xf32, #tpu.memory_space<vmem>>, vector<16xf32>,
        %broadcast_in_dim3A_179 = arith.constant 0.000000e+00 : f32
        %broadcast_in_dim3A_180 = vector.broadcast %broadcast_in_dim3A_179 : f32 to vector<16xf32>
        %swap3A_181 = arith.index_cast %scan3A_143 : i32 to index
        %swap3A_182 = arith.constant 112 : index
        %swap3A_183 = tpu.vector_load %run_scoped3A_5[%swap3A_181, %swap3A_182] {strides = array<i32>} : memref<96x128xf32, #tpu.memory_space<vmem>>, vector<16xf32>,
        tpu.vector_store %run_scoped3A_5[%swap3A_181, %swap3A_182], %broadcast_in_dim3A_180 {strides = array<i32>} : memref<96x128xf32, #tpu.memory_space<vmem>>, vector<16xf32>,
      }
      %scan3A_14 = arith.constant 96 : i32
      %scan3A_15 = arith.constant 0 : i32
      %scan3A_16 = arith.constant 0 : i32
      %scan3A_17 = arith.constant 96 : i32
      %scan3A_18 = arith.addi %scan3A_16, %scan3A_17 : i32
      %scan3A_19 = arith.constant 1 : i32
      scf.for %scan3A_143 = %scan3A_16 to %scan3A_18 step %scan3A_19  : i32 {
        %broadcast_in_dim3A_144 = arith.constant 0.000000e+00 : f32
        %broadcast_in_dim3A_145 = vector.broadcast %broadcast_in_dim3A_144 : f32 to vector<16xf32>
        %swap3A_146 = arith.index_cast %scan3A_143 : i32 to index
        %swap3A_147 = arith.constant 0 : index
        %swap3A_148 = tpu.vector_load %run_scoped3A_6[%swap3A_146, %swap3A_147] {strides = array<i32>} : memref<96x128xf32, #tpu.memory_space<vmem>>, vector<16xf32>,
        tpu.vector_store %run_scoped3A_6[%swap3A_146, %swap3A_147], %broadcast_in_dim3A_145 {strides = array<i32>} : memref<96x128xf32, #tpu.memory_space<vmem>>, vector<16xf32>,
        %broadcast_in_dim3A_149 = arith.constant 0.000000e+00 : f32
        %broadcast_in_dim3A_150 = vector.broadcast %broadcast_in_dim3A_149 : f32 to vector<16xf32>
        %swap3A_151 = arith.index_cast %scan3A_143 : i32 to index
        %swap3A_152 = arith.constant 16 : index
        %swap3A_153 = tpu.vector_load %run_scoped3A_6[%swap3A_151, %swap3A_152] {strides = array<i32>} : memref<96x128xf32, #tpu.memory_space<vmem>>, vector<16xf32>,
        tpu.vector_store %run_scoped3A_6[%swap3A_151, %swap3A_152], %broadcast_in_dim3A_150 {strides = array<i32>} : memref<96x128xf32, #tpu.memory_space<vmem>>, vector<16xf32>,
        %broadcast_in_dim3A_154 = arith.constant 0.000000e+00 : f32
        %broadcast_in_dim3A_155 = vector.broadcast %broadcast_in_dim3A_154 : f32 to vector<16xf32>
        %swap3A_156 = arith.index_cast %scan3A_143 : i32 to index
        %swap3A_157 = arith.constant 32 : index
        %swap3A_158 = tpu.vector_load %run_scoped3A_6[%swap3A_156, %swap3A_157] {strides = array<i32>} : memref<96x128xf32, #tpu.memory_space<vmem>>, vector<16xf32>,
        tpu.vector_store %run_scoped3A_6[%swap3A_156, %swap3A_157], %broadcast_in_dim3A_155 {strides = array<i32>} : memref<96x128xf32, #tpu.memory_space<vmem>>, vector<16xf32>,
        %broadcast_in_dim3A_159 = arith.constant 0.000000e+00 : f32
        %broadcast_in_dim3A_160 = vector.broadcast %broadcast_in_dim3A_159 : f32 to vector<16xf32>
        %swap3A_161 = arith.index_cast %scan3A_143 : i32 to index
        %swap3A_162 = arith.constant 48 : index
        %swap3A_163 = tpu.vector_load %run_scoped3A_6[%swap3A_161, %swap3A_162] {strides = array<i32>} : memref<96x128xf32, #tpu.memory_space<vmem>>, vector<16xf32>,
        tpu.vector_store %run_scoped3A_6[%swap3A_161, %swap3A_162], %broadcast_in_dim3A_160 {strides = array<i32>} : memref<96x128xf32, #tpu.memory_space<vmem>>, vector<16xf32>,
        %broadcast_in_dim3A_164 = arith.constant 0.000000e+00 : f32
        %broadcast_in_dim3A_165 = vector.broadcast %broadcast_in_dim3A_164 : f32 to vector<16xf32>
        %swap3A_166 = arith.index_cast %scan3A_143 : i32 to index
        %swap3A_167 = arith.constant 64 : index
        %swap3A_168 = tpu.vector_load %run_scoped3A_6[%swap3A_166, %swap3A_167] {strides = array<i32>} : memref<96x128xf32, #tpu.memory_space<vmem>>, vector<16xf32>,
        tpu.vector_store %run_scoped3A_6[%swap3A_166, %swap3A_167], %broadcast_in_dim3A_165 {strides = array<i32>} : memref<96x128xf32, #tpu.memory_space<vmem>>, vector<16xf32>,
        %broadcast_in_dim3A_169 = arith.constant 0.000000e+00 : f32
        %broadcast_in_dim3A_170 = vector.broadcast %broadcast_in_dim3A_169 : f32 to vector<16xf32>
        %swap3A_171 = arith.index_cast %scan3A_143 : i32 to index
        %swap3A_172 = arith.constant 80 : index
        %swap3A_173 = tpu.vector_load %run_scoped3A_6[%swap3A_171, %swap3A_172] {strides = array<i32>} : memref<96x128xf32, #tpu.memory_space<vmem>>, vector<16xf32>,
        tpu.vector_store %run_scoped3A_6[%swap3A_171, %swap3A_172], %broadcast_in_dim3A_170 {strides = array<i32>} : memref<96x128xf32, #tpu.memory_space<vmem>>, vector<16xf32>,
        %broadcast_in_dim3A_174 = arith.constant 0.000000e+00 : f32
        %broadcast_in_dim3A_175 = vector.broadcast %broadcast_in_dim3A_174 : f32 to vector<16xf32>
        %swap3A_176 = arith.index_cast %scan3A_143 : i32 to index
        %swap3A_177 = arith.constant 96 : index
        %swap3A_178 = tpu.vector_load %run_scoped3A_6[%swap3A_176, %swap3A_177] {strides = array<i32>} : memref<96x128xf32, #tpu.memory_space<vmem>>, vector<16xf32>,
        tpu.vector_store %run_scoped3A_6[%swap3A_176, %swap3A_177], %broadcast_in_dim3A_175 {strides = array<i32>} : memref<96x128xf32, #tpu.memory_space<vmem>>, vector<16xf32>,
        %broadcast_in_dim3A_179 = arith.constant 0.000000e+00 : f32
        %broadcast_in_dim3A_180 = vector.broadcast %broadcast_in_dim3A_179 : f32 to vector<16xf32>
        %swap3A_181 = arith.index_cast %scan3A_143 : i32 to index
        %swap3A_182 = arith.constant 112 : index
        %swap3A_183 = tpu.vector_load %run_scoped3A_6[%swap3A_181, %swap3A_182] {strides = array<i32>} : memref<96x128xf32, #tpu.memory_space<vmem>>, vector<16xf32>,
        tpu.vector_store %run_scoped3A_6[%swap3A_181, %swap3A_182], %broadcast_in_dim3A_180 {strides = array<i32>} : memref<96x128xf32, #tpu.memory_space<vmem>>, vector<16xf32>,
      }
      %scan3A_20 = arith.constant 96 : i32
      %eq3A = arith.constant 0 : i32
      %eq3A_21 = arith.cmpi eq, %arg1, %eq3A : i32
      %convert_element_type3A = arith.extui %eq3A_21 : i1 to i32
      %cond3A = arith.constant 0 : i32
      %cond3A_22 = arith.cmpi ne, %convert_element_type3A, %cond3A : i32
      scf.if %cond3A_22 {
        "tpu.region"() ({
          %run_scoped3A_143 = tpu.sem_alloc : memref<!tpu.dma_semaphore, #tpu.memory_space<semaphore_mem>>
          tpu.enqueue_dma source(%run_scoped3A_5 : memref<96x128xf32, #tpu.memory_space<vmem>>) target(%arg8 : memref<96x128xf32, #tpu.memory_space<vmem_shared>>) target_semaphore(%run_scoped3A_143 : memref<!tpu.dma_semaphore, #tpu.memory_space<semaphore_mem>>)
          tpu.wait_dma2 semaphore(%run_scoped3A_143 : memref<!tpu.dma_semaphore, #tpu.memory_space<semaphore_mem>>) src(%run_scoped3A_5 : memref<96x128xf32, #tpu.memory_space<vmem>>) dst(%arg8 : memref<96x128xf32, #tpu.memory_space<vmem_shared>>)
          tpu.yield
        }) : () -> ()
        "tpu.region"() ({
          %run_scoped3A_143 = tpu.sem_alloc : memref<!tpu.dma_semaphore, #tpu.memory_space<semaphore_mem>>
          tpu.enqueue_dma source(%run_scoped3A_5 : memref<96x128xf32, #tpu.memory_space<vmem>>) target(%arg9 : memref<96x128xf32, #tpu.memory_space<vmem_shared>>) target_semaphore(%run_scoped3A_143 : memref<!tpu.dma_semaphore, #tpu.memory_space<semaphore_mem>>)
          tpu.wait_dma2 semaphore(%run_scoped3A_143 : memref<!tpu.dma_semaphore, #tpu.memory_space<semaphore_mem>>) src(%run_scoped3A_5 : memref<96x128xf32, #tpu.memory_space<vmem>>) dst(%arg9 : memref<96x128xf32, #tpu.memory_space<vmem_shared>>)
          tpu.yield
        }) : () -> ()
        "tpu.region"() ({
          %run_scoped3A_143 = tpu.sem_alloc : memref<!tpu.dma_semaphore, #tpu.memory_space<semaphore_mem>>
          tpu.enqueue_dma source(%run_scoped3A_5 : memref<96x128xf32, #tpu.memory_space<vmem>>) target(%arg10 : memref<96x128xf32, #tpu.memory_space<vmem_shared>>) target_semaphore(%run_scoped3A_143 : memref<!tpu.dma_semaphore, #tpu.memory_space<semaphore_mem>>)
          tpu.wait_dma2 semaphore(%run_scoped3A_143 : memref<!tpu.dma_semaphore, #tpu.memory_space<semaphore_mem>>) src(%run_scoped3A_5 : memref<96x128xf32, #tpu.memory_space<vmem>>) dst(%arg10 : memref<96x128xf32, #tpu.memory_space<vmem_shared>>)
          tpu.yield
        }) : () -> ()
      } else {
      }
      %scan3A_23 = arith.constant 0 : i32
      %scan3A_24 = arith.constant 0 : i32
      %scan3A_25 = arith.constant 6 : i32
      %scan3A_26 = arith.addi %scan3A_24, %scan3A_25 : i32
      %scan3A_27 = arith.constant 1 : i32
      scf.for %scan3A_143 = %scan3A_24 to %scan3A_26 step %scan3A_27  : i32 {
        %iota3A = tpu.iota {dimensions = array<i32: 0>} : vector<16xi32>
        %mul3A_144 = arith.constant 16 : i32
        %mul3A_145 = arith.muli %scan3A_143, %mul3A_144 : i32
        %add3A = vector.broadcast %mul3A_145 : i32 to vector<16xi32>
        %add3A_146 = arith.addi %iota3A, %add3A : vector<16xi32>
        %mul3A_147 = arith.constant 16 : i32
        %mul3A_148 = arith.muli %scan3A_143, %mul3A_147 : i32
        %swap3A_149 = arith.index_cast %mul3A_148 : i32 to index
        %swap3A_150 = tpu.vector_load %run_scoped3A_7[%swap3A_149] {strides = array<i32>} : memref<96xi32, #tpu.memory_space<vmem>>, vector<16xi32>,
        tpu.vector_store %run_scoped3A_7[%swap3A_149], %add3A_146 {strides = array<i32>} : memref<96xi32, #tpu.memory_space<vmem>>, vector<16xi32>,
      }
      %scan3A_28 = arith.constant 6 : i32
      %barrier3A = arith.constant 0 : index
      tpu.barrier barrier_id(%barrier3A)
      %broadcast_in_dim3A = arith.constant -1.000000e+30 : f32
      %broadcast_in_dim3A_29 = vector.broadcast %broadcast_in_dim3A : f32 to vector<16xf32>
      %scan3A_30 = arith.constant 0 : i32
      %scan3A_31 = arith.constant 625 : i32
      %scan3A_32 = arith.addi %scan3A_30, %scan3A_31 : i32
      %scan3A_33 = arith.constant 1 : i32
      %scan3A_34 = scf.for %scan3A_143 = %scan3A_30 to %scan3A_32 step %scan3A_33 iter_args(%scan3A_144 = %broadcast_in_dim3A_29) -> (vector<16xf32>)  : i32 {
        %mul3A_145 = arith.constant 16 : i32
        %mul3A_146 = arith.muli %scan3A_143, %mul3A_145 : i32
        %get3A_147 = arith.index_cast %mul3A_146 : i32 to index
        %get3A_148 = tpu.vector_load %run_scoped3A_2[%get3A_147] {strides = array<i32>} : memref<10000xi32, #tpu.memory_space<vmem>>, vector<16xi32>,
        %mul3A_149 = arith.constant 16 : i32
        %mul3A_150 = arith.muli %scan3A_143, %mul3A_149 : i32
        %get3A_151 = arith.index_cast %mul3A_150 : i32 to index
        %get3A_152 = tpu.vector_load %run_scoped3A_3[%get3A_151] {strides = array<i32>} : memref<10000xi32, #tpu.memory_space<vmem>>, vector<16xi32>,
        %gather3A = tpu.vector_load_idx %run_scoped3A[%get3A_148] : memref<10000xf32, #tpu.memory_space<vmem>>[vector<16xi32>], vector<16xf32>,
        %gather3A_153 = tpu.vector_load_idx %run_scoped3A_1[%get3A_152] : memref<10000xf32, #tpu.memory_space<vmem>>[vector<16xi32>], vector<16xf32>,
        %add3A = arith.addf %gather3A, %gather3A_153 : vector<16xf32>
        %ge3A = arith.constant 0.000000e+00 : f32
        %ge3A_154 = vector.broadcast %ge3A : f32 to vector<16xf32>
        %ge3A_155 = arith.cmpf oge, %add3A, %ge3A_154 : vector<16xf32>
        %mul3A_156 = arith.constant 0.00999999977 : f32
        %mul3A_157 = vector.broadcast %mul3A_156 : f32 to vector<16xf32>
        %mul3A_158 = arith.mulf %mul3A_157, %add3A : vector<16xf32>
        %select_n3A = arith.select %ge3A_155, %add3A, %mul3A_158 : vector<16xi1>, vector<16xf32>
        %mul3A_159 = arith.constant 16 : i32
        %mul3A_160 = arith.muli %scan3A_143, %mul3A_159 : i32
        %swap3A_161 = arith.index_cast %mul3A_160 : i32 to index
        %swap3A_162 = tpu.vector_load %run_scoped3A_4[%swap3A_161] {strides = array<i32>} : memref<10000xf32, #tpu.memory_space<vmem>>, vector<16xf32>,
        tpu.vector_store %run_scoped3A_4[%swap3A_161], %select_n3A {strides = array<i32>} : memref<10000xf32, #tpu.memory_space<vmem>>, vector<16xf32>,
        %shift_right_logical3A = arith.constant 7 : i32
        %shift_right_logical3A_163 = vector.broadcast %shift_right_logical3A : i32 to vector<16xi32>
        %shift_right_logical3A_164 = arith.shrui %get3A_152, %shift_right_logical3A_163 : vector<16xi32>
        %and3A = arith.constant 127 : i32
        %and3A_165 = vector.broadcast %and3A : i32 to vector<16xi32>
        %and3A_166 = arith.andi %get3A_152, %and3A_165 : vector<16xi32>
        %broadcast_in_dim3A_167 = arith.constant 1.000000e+00 : f32
        %broadcast_in_dim3A_168 = vector.broadcast %broadcast_in_dim3A_167 : f32 to vector<16xf32>
        tpu.vector_store_idx %run_scoped3A_5[%shift_right_logical3A_164, %and3A_166], %broadcast_in_dim3A_168 {add = true} : memref<96x128xf32, #tpu.memory_space<vmem>>[vector<16xi32>, vector<16xi32>], vector<16xf32>,
        tpu.vector_store_idx %run_scoped3A_6[%shift_right_logical3A_164, %and3A_166], %select_n3A {add = true} : memref<96x128xf32, #tpu.memory_space<vmem>>[vector<16xi32>, vector<16xi32>], vector<16xf32>,
        %max3A_169 = arith.maximumf %scan3A_144, %select_n3A : vector<16xf32>
        scf.yield %max3A_169 : vector<16xf32>
      }
      %scan3A_35 = arith.constant 625 : i32
      %swap3A = arith.constant 0 : index
      %swap3A_36 = tpu.vector_load %run_scoped3A_8[%swap3A] {strides = array<i32>} : memref<16xf32, #tpu.memory_space<vmem>>, vector<16xf32>,
      tpu.vector_store %run_scoped3A_8[%swap3A], %scan3A_34 {strides = array<i32>} : memref<16xf32, #tpu.memory_space<vmem>>, vector<16xf32>,
      "tpu.region"() ({
        %run_scoped3A_143 = tpu.sem_alloc : memref<!tpu.dma_semaphore, #tpu.memory_space<semaphore_mem>>
        %dma_start3A = arith.constant 0 : i32
        %dma_start3A_144 = tpu.memref_slice %arg11[%arg1, %dma_start3A] : memref<16x16xf32, #tpu.memory_space<vmem_shared>> -> memref<1x16xf32, #tpu.memory_space<vmem_shared>>
        %dma_start3A_145 = tpu.memref_squeeze %dma_start3A_144 : memref<1x16xf32, #tpu.memory_space<vmem_shared>> -> memref<16xf32, #tpu.memory_space<vmem_shared>>
        %dma_start3A_146 = arith.constant 0 : i32
        %dma_start3A_147 = tpu.memref_slice %arg11[%arg1, %dma_start3A_146] : memref<16x16xf32, #tpu.memory_space<vmem_shared>> -> memref<1x16xf32, #tpu.memory_space<vmem_shared>>
        %dma_start3A_148 = tpu.memref_squeeze %dma_start3A_147 : memref<1x16xf32, #tpu.memory_space<vmem_shared>> -> memref<16xf32, #tpu.memory_space<vmem_shared>>
        tpu.enqueue_dma source(%run_scoped3A_8 : memref<16xf32, #tpu.memory_space<vmem>>) target(%dma_start3A_148 : memref<16xf32, #tpu.memory_space<vmem_shared>>) target_semaphore(%run_scoped3A_143 : memref<!tpu.dma_semaphore, #tpu.memory_space<semaphore_mem>>)
        %dma_wait3A = arith.constant 0 : i32
        %dma_wait3A_149 = tpu.memref_slice %arg11[%arg1, %dma_wait3A] : memref<16x16xf32, #tpu.memory_space<vmem_shared>> -> memref<1x16xf32, #tpu.memory_space<vmem_shared>>
        %dma_wait3A_150 = tpu.memref_squeeze %dma_wait3A_149 : memref<1x16xf32, #tpu.memory_space<vmem_shared>> -> memref<16xf32, #tpu.memory_space<vmem_shared>>
        %dma_wait3A_151 = arith.constant 0 : i32
        %dma_wait3A_152 = tpu.memref_slice %arg11[%arg1, %dma_wait3A_151] : memref<16x16xf32, #tpu.memory_space<vmem_shared>> -> memref<1x16xf32, #tpu.memory_space<vmem_shared>>
        %dma_wait3A_153 = tpu.memref_squeeze %dma_wait3A_152 : memref<1x16xf32, #tpu.memory_space<vmem_shared>> -> memref<16xf32, #tpu.memory_space<vmem_shared>>
        tpu.wait_dma2 semaphore(%run_scoped3A_143 : memref<!tpu.dma_semaphore, #tpu.memory_space<semaphore_mem>>) src(%run_scoped3A_8 : memref<16xf32, #tpu.memory_space<vmem>>) dst(%dma_wait3A_153 : memref<16xf32, #tpu.memory_space<vmem_shared>>)
        tpu.yield
      }) : () -> ()
      "tpu.region"() ({
        %run_scoped3A_143 = tpu.sem_alloc : memref<!tpu.dma_semaphore, #tpu.memory_space<semaphore_mem>>
        %dma_start3A = arith.constant 0 : i32
        %dma_start3A_144 = arith.constant 0 : i32
        %dma_start3A_145 = tpu.memref_slice %arg8[%dma_start3A, %dma_start3A_144] : memref<96x128xf32, #tpu.memory_space<vmem_shared>> -> memref<96x128xf32, #tpu.memory_space<vmem_shared>>
        tpu.enqueue_indirect_dma source(%run_scoped3A_5 : memref<96x128xf32, #tpu.memory_space<vmem>>) target(%dma_start3A_145 : memref<96x128xf32, #tpu.memory_space<vmem_shared>>) offsets(%run_scoped3A_7 : memref<96xi32, #tpu.memory_space<vmem>>) semaphore(%run_scoped3A_143 : memref<!tpu.dma_semaphore, #tpu.memory_space<semaphore_mem>>) {add = true}
        %dma_wait3A = arith.constant 0 : i32
        %dma_wait3A_146 = arith.constant 0 : i32
        %dma_wait3A_147 = tpu.memref_slice %arg8[%dma_wait3A, %dma_wait3A_146] : memref<96x128xf32, #tpu.memory_space<vmem_shared>> -> memref<96x128xf32, #tpu.memory_space<vmem_shared>>
        tpu.wait_indirect_dma semaphore(%run_scoped3A_143 : memref<!tpu.dma_semaphore, #tpu.memory_space<semaphore_mem>>) src(%run_scoped3A_5 : memref<96x128xf32, #tpu.memory_space<vmem>>) dst(%dma_wait3A_147 : memref<96x128xf32, #tpu.memory_space<vmem_shared>>)
        tpu.yield
      }) : () -> ()
      "tpu.region"() ({
        %run_scoped3A_143 = tpu.sem_alloc : memref<!tpu.dma_semaphore, #tpu.memory_space<semaphore_mem>>
        %dma_start3A = arith.constant 0 : i32
        %dma_start3A_144 = arith.constant 0 : i32
        %dma_start3A_145 = tpu.memref_slice %arg9[%dma_start3A, %dma_start3A_144] : memref<96x128xf32, #tpu.memory_space<vmem_shared>> -> memref<96x128xf32, #tpu.memory_space<vmem_shared>>
        tpu.enqueue_indirect_dma source(%run_scoped3A_6 : memref<96x128xf32, #tpu.memory_space<vmem>>) target(%dma_start3A_145 : memref<96x128xf32, #tpu.memory_space<vmem_shared>>) offsets(%run_scoped3A_7 : memref<96xi32, #tpu.memory_space<vmem>>) semaphore(%run_scoped3A_143 : memref<!tpu.dma_semaphore, #tpu.memory_space<semaphore_mem>>) {add = true}
        %dma_wait3A = arith.constant 0 : i32
        %dma_wait3A_146 = arith.constant 0 : i32
        %dma_wait3A_147 = tpu.memref_slice %arg9[%dma_wait3A, %dma_wait3A_146] : memref<96x128xf32, #tpu.memory_space<vmem_shared>> -> memref<96x128xf32, #tpu.memory_space<vmem_shared>>
        tpu.wait_indirect_dma semaphore(%run_scoped3A_143 : memref<!tpu.dma_semaphore, #tpu.memory_space<semaphore_mem>>) src(%run_scoped3A_6 : memref<96x128xf32, #tpu.memory_space<vmem>>) dst(%dma_wait3A_147 : memref<96x128xf32, #tpu.memory_space<vmem_shared>>)
        tpu.yield
      }) : () -> ()
      %barrier3A_37 = arith.constant 0 : index
      tpu.barrier barrier_id(%barrier3A_37)
      "tpu.region"() ({
        %run_scoped3A_143 = tpu.sem_alloc : memref<!tpu.dma_semaphore, #tpu.memory_space<semaphore_mem>>
        tpu.enqueue_dma source(%arg8 : memref<96x128xf32, #tpu.memory_space<vmem_shared>>) target(%run_scoped3A_5 : memref<96x128xf32, #tpu.memory_space<vmem>>) target_semaphore(%run_scoped3A_143 : memref<!tpu.dma_semaphore, #tpu.memory_space<semaphore_mem>>)
        tpu.wait_dma2 semaphore(%run_scoped3A_143 : memref<!tpu.dma_semaphore, #tpu.memory_space<semaphore_mem>>) src(%arg8 : memref<96x128xf32, #tpu.memory_space<vmem_shared>>) dst(%run_scoped3A_5 : memref<96x128xf32, #tpu.memory_space<vmem>>)
        tpu.yield
      }) : () -> ()
      "tpu.region"() ({
        %run_scoped3A_143 = tpu.sem_alloc : memref<!tpu.dma_semaphore, #tpu.memory_space<semaphore_mem>>
        tpu.enqueue_dma source(%arg9 : memref<96x128xf32, #tpu.memory_space<vmem_shared>>) target(%run_scoped3A_6 : memref<96x128xf32, #tpu.memory_space<vmem>>) target_semaphore(%run_scoped3A_143 : memref<!tpu.dma_semaphore, #tpu.memory_space<semaphore_mem>>)
        tpu.wait_dma2 semaphore(%run_scoped3A_143 : memref<!tpu.dma_semaphore, #tpu.memory_space<semaphore_mem>>) src(%arg9 : memref<96x128xf32, #tpu.memory_space<vmem_shared>>) dst(%run_scoped3A_6 : memref<96x128xf32, #tpu.memory_space<vmem>>)
        tpu.yield
      }) : () -> ()
      %scan3A_38 = arith.constant 0 : i32
      %scan3A_39 = arith.constant 0 : i32
      %scan3A_40 = arith.constant 96 : i32
      %scan3A_41 = arith.addi %scan3A_39, %scan3A_40 : i32
      %scan3A_42 = arith.constant 1 : i32
      scf.for %scan3A_143 = %scan3A_39 to %scan3A_41 step %scan3A_42  : i32 {
        %get3A_144 = arith.index_cast %scan3A_143 : i32 to index
        %get3A_145 = arith.constant 0 : index
        %get3A_146 = tpu.vector_load %run_scoped3A_5[%get3A_144, %get3A_145] {strides = array<i32>} : memref<96x128xf32, #tpu.memory_space<vmem>>, vector<16xf32>,
        %get3A_147 = arith.index_cast %scan3A_143 : i32 to index
        %get3A_148 = arith.constant 0 : index
        %get3A_149 = tpu.vector_load %run_scoped3A_6[%get3A_147, %get3A_148] {strides = array<i32>} : memref<96x128xf32, #tpu.memory_space<vmem>>, vector<16xf32>,
        %max3A_150 = arith.constant 1.000000e+00 : f32
        %max3A_151 = vector.broadcast %max3A_150 : f32 to vector<16xf32>
        %max3A_152 = arith.maximumf %get3A_146, %max3A_151 : vector<16xf32>
        %div3A = arith.divf %get3A_149, %max3A_152 : vector<16xf32>
        %swap3A_153 = arith.index_cast %scan3A_143 : i32 to index
        %swap3A_154 = arith.constant 0 : index
        %swap3A_155 = tpu.vector_load %run_scoped3A_5[%swap3A_153, %swap3A_154] {strides = array<i32>} : memref<96x128xf32, #tpu.memory_space<vmem>>, vector<16xf32>,
        tpu.vector_store %run_scoped3A_5[%swap3A_153, %swap3A_154], %div3A {strides = array<i32>} : memref<96x128xf32, #tpu.memory_space<vmem>>, vector<16xf32>,
        %get3A_156 = arith.index_cast %scan3A_143 : i32 to index
        %get3A_157 = arith.constant 16 : index
        %get3A_158 = tpu.vector_load %run_scoped3A_5[%get3A_156, %get3A_157] {strides = array<i32>} : memref<96x128xf32, #tpu.memory_space<vmem>>, vector<16xf32>,
        %get3A_159 = arith.index_cast %scan3A_143 : i32 to index
        %get3A_160 = arith.constant 16 : index
        %get3A_161 = tpu.vector_load %run_scoped3A_6[%get3A_159, %get3A_160] {strides = array<i32>} : memref<96x128xf32, #tpu.memory_space<vmem>>, vector<16xf32>,
        %max3A_162 = arith.constant 1.000000e+00 : f32
        %max3A_163 = vector.broadcast %max3A_162 : f32 to vector<16xf32>
        %max3A_164 = arith.maximumf %get3A_158, %max3A_163 : vector<16xf32>
        %div3A_165 = arith.divf %get3A_161, %max3A_164 : vector<16xf32>
        %swap3A_166 = arith.index_cast %scan3A_143 : i32 to index
        %swap3A_167 = arith.constant 16 : index
        %swap3A_168 = tpu.vector_load %run_scoped3A_5[%swap3A_166, %swap3A_167] {strides = array<i32>} : memref<96x128xf32, #tpu.memory_space<vmem>>, vector<16xf32>,
        tpu.vector_store %run_scoped3A_5[%swap3A_166, %swap3A_167], %div3A_165 {strides = array<i32>} : memref<96x128xf32, #tpu.memory_space<vmem>>, vector<16xf32>,
        %get3A_169 = arith.index_cast %scan3A_143 : i32 to index
        %get3A_170 = arith.constant 32 : index
        %get3A_171 = tpu.vector_load %run_scoped3A_5[%get3A_169, %get3A_170] {strides = array<i32>} : memref<96x128xf32, #tpu.memory_space<vmem>>, vector<16xf32>,
        %get3A_172 = arith.index_cast %scan3A_143 : i32 to index
        %get3A_173 = arith.constant 32 : index
        %get3A_174 = tpu.vector_load %run_scoped3A_6[%get3A_172, %get3A_173] {strides = array<i32>} : memref<96x128xf32, #tpu.memory_space<vmem>>, vector<16xf32>,
        %max3A_175 = arith.constant 1.000000e+00 : f32
        %max3A_176 = vector.broadcast %max3A_175 : f32 to vector<16xf32>
        %max3A_177 = arith.maximumf %get3A_171, %max3A_176 : vector<16xf32>
        %div3A_178 = arith.divf %get3A_174, %max3A_177 : vector<16xf32>
        %swap3A_179 = arith.index_cast %scan3A_143 : i32 to index
        %swap3A_180 = arith.constant 32 : index
        %swap3A_181 = tpu.vector_load %run_scoped3A_5[%swap3A_179, %swap3A_180] {strides = array<i32>} : memref<96x128xf32, #tpu.memory_space<vmem>>, vector<16xf32>,
        tpu.vector_store %run_scoped3A_5[%swap3A_179, %swap3A_180], %div3A_178 {strides = array<i32>} : memref<96x128xf32, #tpu.memory_space<vmem>>, vector<16xf32>,
        %get3A_182 = arith.index_cast %scan3A_143 : i32 to index
        %get3A_183 = arith.constant 48 : index
        %get3A_184 = tpu.vector_load %run_scoped3A_5[%get3A_182, %get3A_183] {strides = array<i32>} : memref<96x128xf32, #tpu.memory_space<vmem>>, vector<16xf32>,
        %get3A_185 = arith.index_cast %scan3A_143 : i32 to index
        %get3A_186 = arith.constant 48 : index
        %get3A_187 = tpu.vector_load %run_scoped3A_6[%get3A_185, %get3A_186] {strides = array<i32>} : memref<96x128xf32, #tpu.memory_space<vmem>>, vector<16xf32>,
        %max3A_188 = arith.constant 1.000000e+00 : f32
        %max3A_189 = vector.broadcast %max3A_188 : f32 to vector<16xf32>
        %max3A_190 = arith.maximumf %get3A_184, %max3A_189 : vector<16xf32>
        %div3A_191 = arith.divf %get3A_187, %max3A_190 : vector<16xf32>
        %swap3A_192 = arith.index_cast %scan3A_143 : i32 to index
        %swap3A_193 = arith.constant 48 : index
        %swap3A_194 = tpu.vector_load %run_scoped3A_5[%swap3A_192, %swap3A_193] {strides = array<i32>} : memref<96x128xf32, #tpu.memory_space<vmem>>, vector<16xf32>,
        tpu.vector_store %run_scoped3A_5[%swap3A_192, %swap3A_193], %div3A_191 {strides = array<i32>} : memref<96x128xf32, #tpu.memory_space<vmem>>, vector<16xf32>,
        %get3A_195 = arith.index_cast %scan3A_143 : i32 to index
        %get3A_196 = arith.constant 64 : index
        %get3A_197 = tpu.vector_load %run_scoped3A_5[%get3A_195, %get3A_196] {strides = array<i32>} : memref<96x128xf32, #tpu.memory_space<vmem>>, vector<16xf32>,
        %get3A_198 = arith.index_cast %scan3A_143 : i32 to index
        %get3A_199 = arith.constant 64 : index
        %get3A_200 = tpu.vector_load %run_scoped3A_6[%get3A_198, %get3A_199] {strides = array<i32>} : memref<96x128xf32, #tpu.memory_space<vmem>>, vector<16xf32>,
        %max3A_201 = arith.constant 1.000000e+00 : f32
        %max3A_202 = vector.broadcast %max3A_201 : f32 to vector<16xf32>
        %max3A_203 = arith.maximumf %get3A_197, %max3A_202 : vector<16xf32>
        %div3A_204 = arith.divf %get3A_200, %max3A_203 : vector<16xf32>
        %swap3A_205 = arith.index_cast %scan3A_143 : i32 to index
        %swap3A_206 = arith.constant 64 : index
        %swap3A_207 = tpu.vector_load %run_scoped3A_5[%swap3A_205, %swap3A_206] {strides = array<i32>} : memref<96x128xf32, #tpu.memory_space<vmem>>, vector<16xf32>,
        tpu.vector_store %run_scoped3A_5[%swap3A_205, %swap3A_206], %div3A_204 {strides = array<i32>} : memref<96x128xf32, #tpu.memory_space<vmem>>, vector<16xf32>,
        %get3A_208 = arith.index_cast %scan3A_143 : i32 to index
        %get3A_209 = arith.constant 80 : index
        %get3A_210 = tpu.vector_load %run_scoped3A_5[%get3A_208, %get3A_209] {strides = array<i32>} : memref<96x128xf32, #tpu.memory_space<vmem>>, vector<16xf32>,
        %get3A_211 = arith.index_cast %scan3A_143 : i32 to index
        %get3A_212 = arith.constant 80 : index
        %get3A_213 = tpu.vector_load %run_scoped3A_6[%get3A_211, %get3A_212] {strides = array<i32>} : memref<96x128xf32, #tpu.memory_space<vmem>>, vector<16xf32>,
        %max3A_214 = arith.constant 1.000000e+00 : f32
        %max3A_215 = vector.broadcast %max3A_214 : f32 to vector<16xf32>
        %max3A_216 = arith.maximumf %get3A_210, %max3A_215 : vector<16xf32>
        %div3A_217 = arith.divf %get3A_213, %max3A_216 : vector<16xf32>
        %swap3A_218 = arith.index_cast %scan3A_143 : i32 to index
        %swap3A_219 = arith.constant 80 : index
        %swap3A_220 = tpu.vector_load %run_scoped3A_5[%swap3A_218, %swap3A_219] {strides = array<i32>} : memref<96x128xf32, #tpu.memory_space<vmem>>, vector<16xf32>,
        tpu.vector_store %run_scoped3A_5[%swap3A_218, %swap3A_219], %div3A_217 {strides = array<i32>} : memref<96x128xf32, #tpu.memory_space<vmem>>, vector<16xf32>,
        %get3A_221 = arith.index_cast %scan3A_143 : i32 to index
        %get3A_222 = arith.constant 96 : index
        %get3A_223 = tpu.vector_load %run_scoped3A_5[%get3A_221, %get3A_222] {strides = array<i32>} : memref<96x128xf32, #tpu.memory_space<vmem>>, vector<16xf32>,
        %get3A_224 = arith.index_cast %scan3A_143 : i32 to index
        %get3A_225 = arith.constant 96 : index
        %get3A_226 = tpu.vector_load %run_scoped3A_6[%get3A_224, %get3A_225] {strides = array<i32>} : memref<96x128xf32, #tpu.memory_space<vmem>>, vector<16xf32>,
        %max3A_227 = arith.constant 1.000000e+00 : f32
        %max3A_228 = vector.broadcast %max3A_227 : f32 to vector<16xf32>
        %max3A_229 = arith.maximumf %get3A_223, %max3A_228 : vector<16xf32>
        %div3A_230 = arith.divf %get3A_226, %max3A_229 : vector<16xf32>
        %swap3A_231 = arith.index_cast %scan3A_143 : i32 to index
        %swap3A_232 = arith.constant 96 : index
        %swap3A_233 = tpu.vector_load %run_scoped3A_5[%swap3A_231, %swap3A_232] {strides = array<i32>} : memref<96x128xf32, #tpu.memory_space<vmem>>, vector<16xf32>,
        tpu.vector_store %run_scoped3A_5[%swap3A_231, %swap3A_232], %div3A_230 {strides = array<i32>} : memref<96x128xf32, #tpu.memory_space<vmem>>, vector<16xf32>,
        %get3A_234 = arith.index_cast %scan3A_143 : i32 to index
        %get3A_235 = arith.constant 112 : index
        %get3A_236 = tpu.vector_load %run_scoped3A_5[%get3A_234, %get3A_235] {strides = array<i32>} : memref<96x128xf32, #tpu.memory_space<vmem>>, vector<16xf32>,
        %get3A_237 = arith.index_cast %scan3A_143 : i32 to index
        %get3A_238 = arith.constant 112 : index
        %get3A_239 = tpu.vector_load %run_scoped3A_6[%get3A_237, %get3A_238] {strides = array<i32>} : memref<96x128xf32, #tpu.memory_space<vmem>>, vector<16xf32>,
        %max3A_240 = arith.constant 1.000000e+00 : f32
        %max3A_241 = vector.broadcast %max3A_240 : f32 to vector<16xf32>
        %max3A_242 = arith.maximumf %get3A_236, %max3A_241 : vector<16xf32>
        %div3A_243 = arith.divf %get3A_239, %max3A_242 : vector<16xf32>
        %swap3A_244 = arith.index_cast %scan3A_143 : i32 to index
        %swap3A_245 = arith.constant 112 : index
        %swap3A_246 = tpu.vector_load %run_scoped3A_5[%swap3A_244, %swap3A_245] {strides = array<i32>} : memref<96x128xf32, #tpu.memory_space<vmem>>, vector<16xf32>,
        tpu.vector_store %run_scoped3A_5[%swap3A_244, %swap3A_245], %div3A_243 {strides = array<i32>} : memref<96x128xf32, #tpu.memory_space<vmem>>, vector<16xf32>,
      }
      %scan3A_43 = arith.constant 96 : i32
      %scan3A_44 = arith.constant 0 : i32
      %scan3A_45 = arith.constant 0 : i32
      %scan3A_46 = arith.constant 96 : i32
      %scan3A_47 = arith.addi %scan3A_45, %scan3A_46 : i32
      %scan3A_48 = arith.constant 1 : i32
      scf.for %scan3A_143 = %scan3A_45 to %scan3A_47 step %scan3A_48  : i32 {
        %broadcast_in_dim3A_144 = arith.constant 0.000000e+00 : f32
        %broadcast_in_dim3A_145 = vector.broadcast %broadcast_in_dim3A_144 : f32 to vector<16xf32>
        %swap3A_146 = arith.index_cast %scan3A_143 : i32 to index
        %swap3A_147 = arith.constant 0 : index
        %swap3A_148 = tpu.vector_load %run_scoped3A_6[%swap3A_146, %swap3A_147] {strides = array<i32>} : memref<96x128xf32, #tpu.memory_space<vmem>>, vector<16xf32>,
        tpu.vector_store %run_scoped3A_6[%swap3A_146, %swap3A_147], %broadcast_in_dim3A_145 {strides = array<i32>} : memref<96x128xf32, #tpu.memory_space<vmem>>, vector<16xf32>,
        %broadcast_in_dim3A_149 = arith.constant 0.000000e+00 : f32
        %broadcast_in_dim3A_150 = vector.broadcast %broadcast_in_dim3A_149 : f32 to vector<16xf32>
        %swap3A_151 = arith.index_cast %scan3A_143 : i32 to index
        %swap3A_152 = arith.constant 16 : index
        %swap3A_153 = tpu.vector_load %run_scoped3A_6[%swap3A_151, %swap3A_152] {strides = array<i32>} : memref<96x128xf32, #tpu.memory_space<vmem>>, vector<16xf32>,
        tpu.vector_store %run_scoped3A_6[%swap3A_151, %swap3A_152], %broadcast_in_dim3A_150 {strides = array<i32>} : memref<96x128xf32, #tpu.memory_space<vmem>>, vector<16xf32>,
        %broadcast_in_dim3A_154 = arith.constant 0.000000e+00 : f32
        %broadcast_in_dim3A_155 = vector.broadcast %broadcast_in_dim3A_154 : f32 to vector<16xf32>
        %swap3A_156 = arith.index_cast %scan3A_143 : i32 to index
        %swap3A_157 = arith.constant 32 : index
        %swap3A_158 = tpu.vector_load %run_scoped3A_6[%swap3A_156, %swap3A_157] {strides = array<i32>} : memref<96x128xf32, #tpu.memory_space<vmem>>, vector<16xf32>,
        tpu.vector_store %run_scoped3A_6[%swap3A_156, %swap3A_157], %broadcast_in_dim3A_155 {strides = array<i32>} : memref<96x128xf32, #tpu.memory_space<vmem>>, vector<16xf32>,
        %broadcast_in_dim3A_159 = arith.constant 0.000000e+00 : f32
        %broadcast_in_dim3A_160 = vector.broadcast %broadcast_in_dim3A_159 : f32 to vector<16xf32>
        %swap3A_161 = arith.index_cast %scan3A_143 : i32 to index
        %swap3A_162 = arith.constant 48 : index
        %swap3A_163 = tpu.vector_load %run_scoped3A_6[%swap3A_161, %swap3A_162] {strides = array<i32>} : memref<96x128xf32, #tpu.memory_space<vmem>>, vector<16xf32>,
        tpu.vector_store %run_scoped3A_6[%swap3A_161, %swap3A_162], %broadcast_in_dim3A_160 {strides = array<i32>} : memref<96x128xf32, #tpu.memory_space<vmem>>, vector<16xf32>,
        %broadcast_in_dim3A_164 = arith.constant 0.000000e+00 : f32
        %broadcast_in_dim3A_165 = vector.broadcast %broadcast_in_dim3A_164 : f32 to vector<16xf32>
        %swap3A_166 = arith.index_cast %scan3A_143 : i32 to index
        %swap3A_167 = arith.constant 64 : index
        %swap3A_168 = tpu.vector_load %run_scoped3A_6[%swap3A_166, %swap3A_167] {strides = array<i32>} : memref<96x128xf32, #tpu.memory_space<vmem>>, vector<16xf32>,
        tpu.vector_store %run_scoped3A_6[%swap3A_166, %swap3A_167], %broadcast_in_dim3A_165 {strides = array<i32>} : memref<96x128xf32, #tpu.memory_space<vmem>>, vector<16xf32>,
        %broadcast_in_dim3A_169 = arith.constant 0.000000e+00 : f32
        %broadcast_in_dim3A_170 = vector.broadcast %broadcast_in_dim3A_169 : f32 to vector<16xf32>
        %swap3A_171 = arith.index_cast %scan3A_143 : i32 to index
        %swap3A_172 = arith.constant 80 : index
        %swap3A_173 = tpu.vector_load %run_scoped3A_6[%swap3A_171, %swap3A_172] {strides = array<i32>} : memref<96x128xf32, #tpu.memory_space<vmem>>, vector<16xf32>,
        tpu.vector_store %run_scoped3A_6[%swap3A_171, %swap3A_172], %broadcast_in_dim3A_170 {strides = array<i32>} : memref<96x128xf32, #tpu.memory_space<vmem>>, vector<16xf32>,
        %broadcast_in_dim3A_174 = arith.constant 0.000000e+00 : f32
        %broadcast_in_dim3A_175 = vector.broadcast %broadcast_in_dim3A_174 : f32 to vector<16xf32>
        %swap3A_176 = arith.index_cast %scan3A_143 : i32 to index
        %swap3A_177 = arith.constant 96 : index
        %swap3A_178 = tpu.vector_load %run_scoped3A_6[%swap3A_176, %swap3A_177] {strides = array<i32>} : memref<96x128xf32, #tpu.memory_space<vmem>>, vector<16xf32>,
        tpu.vector_store %run_scoped3A_6[%swap3A_176, %swap3A_177], %broadcast_in_dim3A_175 {strides = array<i32>} : memref<96x128xf32, #tpu.memory_space<vmem>>, vector<16xf32>,
        %broadcast_in_dim3A_179 = arith.constant 0.000000e+00 : f32
        %broadcast_in_dim3A_180 = vector.broadcast %broadcast_in_dim3A_179 : f32 to vector<16xf32>
        %swap3A_181 = arith.index_cast %scan3A_143 : i32 to index
        %swap3A_182 = arith.constant 112 : index
        %swap3A_183 = tpu.vector_load %run_scoped3A_6[%swap3A_181, %swap3A_182] {strides = array<i32>} : memref<96x128xf32, #tpu.memory_space<vmem>>, vector<16xf32>,
        tpu.vector_store %run_scoped3A_6[%swap3A_181, %swap3A_182], %broadcast_in_dim3A_180 {strides = array<i32>} : memref<96x128xf32, #tpu.memory_space<vmem>>, vector<16xf32>,
      }
      %scan3A_49 = arith.constant 96 : i32
      "tpu.region"() ({
        %run_scoped3A_143 = tpu.sem_alloc : memref<!tpu.dma_semaphore, #tpu.memory_space<semaphore_mem>>
        tpu.enqueue_dma source(%arg11 : memref<16x16xf32, #tpu.memory_space<vmem_shared>>) target(%run_scoped3A_9 : memref<16x16xf32, #tpu.memory_space<vmem>>) target_semaphore(%run_scoped3A_143 : memref<!tpu.dma_semaphore, #tpu.memory_space<semaphore_mem>>)
        tpu.wait_dma2 semaphore(%run_scoped3A_143 : memref<!tpu.dma_semaphore, #tpu.memory_space<semaphore_mem>>) src(%arg11 : memref<16x16xf32, #tpu.memory_space<vmem_shared>>) dst(%run_scoped3A_9 : memref<16x16xf32, #tpu.memory_space<vmem>>)
        tpu.yield
      }) : () -> ()
      %broadcast_in_dim3A_50 = arith.constant 0.000000e+00 : f32
      %broadcast_in_dim3A_51 = vector.broadcast %broadcast_in_dim3A_50 : f32 to vector<16xf32>
      %get3A = arith.constant 0 : i32
      %get3A_52 = arith.index_cast %get3A : i32 to index
      %get3A_53 = arith.constant 0 : index
      %get3A_54 = tpu.vector_load %run_scoped3A_9[%get3A_52, %get3A_53] {strides = array<i32>} : memref<16x16xf32, #tpu.memory_space<vmem>>, vector<16xf32>,
      %max3A = arith.maximumf %broadcast_in_dim3A_51, %get3A_54 : vector<16xf32>
      %get3A_55 = arith.constant 1 : i32
      %get3A_56 = arith.index_cast %get3A_55 : i32 to index
      %get3A_57 = arith.constant 0 : index
      %get3A_58 = tpu.vector_load %run_scoped3A_9[%get3A_56, %get3A_57] {strides = array<i32>} : memref<16x16xf32, #tpu.memory_space<vmem>>, vector<16xf32>,
      %max3A_59 = arith.maximumf %max3A, %get3A_58 : vector<16xf32>
      %get3A_60 = arith.constant 2 : i32
      %get3A_61 = arith.index_cast %get3A_60 : i32 to index
      %get3A_62 = arith.constant 0 : index
      %get3A_63 = tpu.vector_load %run_scoped3A_9[%get3A_61, %get3A_62] {strides = array<i32>} : memref<16x16xf32, #tpu.memory_space<vmem>>, vector<16xf32>,
      %max3A_64 = arith.maximumf %max3A_59, %get3A_63 : vector<16xf32>
      %get3A_65 = arith.constant 3 : i32
      %get3A_66 = arith.index_cast %get3A_65 : i32 to index
      %get3A_67 = arith.constant 0 : index
      %get3A_68 = tpu.vector_load %run_scoped3A_9[%get3A_66, %get3A_67] {strides = array<i32>} : memref<16x16xf32, #tpu.memory_space<vmem>>, vector<16xf32>,
      %max3A_69 = arith.maximumf %max3A_64, %get3A_68 : vector<16xf32>
      %get3A_70 = arith.constant 4 : i32
      %get3A_71 = arith.index_cast %get3A_70 : i32 to index
      %get3A_72 = arith.constant 0 : index
      %get3A_73 = tpu.vector_load %run_scoped3A_9[%get3A_71, %get3A_72] {strides = array<i32>} : memref<16x16xf32, #tpu.memory_space<vmem>>, vector<16xf32>,
      %max3A_74 = arith.maximumf %max3A_69, %get3A_73 : vector<16xf32>
      %get3A_75 = arith.constant 5 : i32
      %get3A_76 = arith.index_cast %get3A_75 : i32 to index
      %get3A_77 = arith.constant 0 : index
      %get3A_78 = tpu.vector_load %run_scoped3A_9[%get3A_76, %get3A_77] {strides = array<i32>} : memref<16x16xf32, #tpu.memory_space<vmem>>, vector<16xf32>,
      %max3A_79 = arith.maximumf %max3A_74, %get3A_78 : vector<16xf32>
      %get3A_80 = arith.constant 6 : i32
      %get3A_81 = arith.index_cast %get3A_80 : i32 to index
      %get3A_82 = arith.constant 0 : index
      %get3A_83 = tpu.vector_load %run_scoped3A_9[%get3A_81, %get3A_82] {strides = array<i32>} : memref<16x16xf32, #tpu.memory_space<vmem>>, vector<16xf32>,
      %max3A_84 = arith.maximumf %max3A_79, %get3A_83 : vector<16xf32>
      %get3A_85 = arith.constant 7 : i32
      %get3A_86 = arith.index_cast %get3A_85 : i32 to index
      %get3A_87 = arith.constant 0 : index
      %get3A_88 = tpu.vector_load %run_scoped3A_9[%get3A_86, %get3A_87] {strides = array<i32>} : memref<16x16xf32, #tpu.memory_space<vmem>>, vector<16xf32>,
      %max3A_89 = arith.maximumf %max3A_84, %get3A_88 : vector<16xf32>
      %get3A_90 = arith.constant 8 : i32
      %get3A_91 = arith.index_cast %get3A_90 : i32 to index
      %get3A_92 = arith.constant 0 : index
      %get3A_93 = tpu.vector_load %run_scoped3A_9[%get3A_91, %get3A_92] {strides = array<i32>} : memref<16x16xf32, #tpu.memory_space<vmem>>, vector<16xf32>,
      %max3A_94 = arith.maximumf %max3A_89, %get3A_93 : vector<16xf32>
      %get3A_95 = arith.constant 9 : i32
      %get3A_96 = arith.index_cast %get3A_95 : i32 to index
      %get3A_97 = arith.constant 0 : index
      %get3A_98 = tpu.vector_load %run_scoped3A_9[%get3A_96, %get3A_97] {strides = array<i32>} : memref<16x16xf32, #tpu.memory_space<vmem>>, vector<16xf32>,
      %max3A_99 = arith.maximumf %max3A_94, %get3A_98 : vector<16xf32>
      %get3A_100 = arith.constant 10 : i32
      %get3A_101 = arith.index_cast %get3A_100 : i32 to index
      %get3A_102 = arith.constant 0 : index
      %get3A_103 = tpu.vector_load %run_scoped3A_9[%get3A_101, %get3A_102] {strides = array<i32>} : memref<16x16xf32, #tpu.memory_space<vmem>>, vector<16xf32>,
      %max3A_104 = arith.maximumf %max3A_99, %get3A_103 : vector<16xf32>
      %get3A_105 = arith.constant 11 : i32
      %get3A_106 = arith.index_cast %get3A_105 : i32 to index
      %get3A_107 = arith.constant 0 : index
      %get3A_108 = tpu.vector_load %run_scoped3A_9[%get3A_106, %get3A_107] {strides = array<i32>} : memref<16x16xf32, #tpu.memory_space<vmem>>, vector<16xf32>,
      %max3A_109 = arith.maximumf %max3A_104, %get3A_108 : vector<16xf32>
      %get3A_110 = arith.constant 12 : i32
      %get3A_111 = arith.index_cast %get3A_110 : i32 to index
      %get3A_112 = arith.constant 0 : index
      %get3A_113 = tpu.vector_load %run_scoped3A_9[%get3A_111, %get3A_112] {strides = array<i32>} : memref<16x16xf32, #tpu.memory_space<vmem>>, vector<16xf32>,
      %max3A_114 = arith.maximumf %max3A_109, %get3A_113 : vector<16xf32>
      %get3A_115 = arith.constant 13 : i32
      %get3A_116 = arith.index_cast %get3A_115 : i32 to index
      %get3A_117 = arith.constant 0 : index
      %get3A_118 = tpu.vector_load %run_scoped3A_9[%get3A_116, %get3A_117] {strides = array<i32>} : memref<16x16xf32, #tpu.memory_space<vmem>>, vector<16xf32>,
      %max3A_119 = arith.maximumf %max3A_114, %get3A_118 : vector<16xf32>
      %get3A_120 = arith.constant 14 : i32
      %get3A_121 = arith.index_cast %get3A_120 : i32 to index
      %get3A_122 = arith.constant 0 : index
      %get3A_123 = tpu.vector_load %run_scoped3A_9[%get3A_121, %get3A_122] {strides = array<i32>} : memref<16x16xf32, #tpu.memory_space<vmem>>, vector<16xf32>,
      %max3A_124 = arith.maximumf %max3A_119, %get3A_123 : vector<16xf32>
      %get3A_125 = arith.constant 15 : i32
      %get3A_126 = arith.index_cast %get3A_125 : i32 to index
      %get3A_127 = arith.constant 0 : index
      %get3A_128 = tpu.vector_load %run_scoped3A_9[%get3A_126, %get3A_127] {strides = array<i32>} : memref<16x16xf32, #tpu.memory_space<vmem>>, vector<16xf32>,
      %max3A_129 = arith.maximumf %max3A_124, %get3A_128 : vector<16xf32>
      %reduce_max3A = arith.constant true
      %reduce_max3A_130 = vector.broadcast %reduce_max3A : i1 to vector<16xi1>
      %reduce_max3A_131 = tpu.scan <max>, %max3A_129 masked %reduce_max3A_130 : vector<16xf32>, vector<16xi1> -> vector<16xf32>
      %reduce_max3A_132 = vector.extract %reduce_max3A_131[15] : f32 from vector<16xf32>
      %broadcast_in_dim3A_133 = arith.constant 1.000000e+00 : f32
      %broadcast_in_dim3A_134 = vector.broadcast %broadcast_in_dim3A_133 : f32 to vector<16xf32>
      %mul3A_135 = vector.broadcast %reduce_max3A_132 : f32 to vector<16xf32>
      %mul3A_136 = arith.mulf %broadcast_in_dim3A_134, %mul3A_135 : vector<16xf32>
      %scan3A_137 = arith.constant 0 : i32
      %scan3A_138 = arith.constant 625 : i32
      %scan3A_139 = arith.addi %scan3A_137, %scan3A_138 : i32
      %scan3A_140 = arith.constant 1 : i32
      scf.for %scan3A_143 = %scan3A_137 to %scan3A_139 step %scan3A_140  : i32 {
        %mul3A_144 = arith.constant 16 : i32
        %mul3A_145 = arith.muli %scan3A_143, %mul3A_144 : i32
        %get3A_146 = arith.index_cast %mul3A_145 : i32 to index
        %get3A_147 = tpu.vector_load %run_scoped3A_3[%get3A_146] {strides = array<i32>} : memref<10000xi32, #tpu.memory_space<vmem>>, vector<16xi32>,
        %mul3A_148 = arith.constant 16 : i32
        %mul3A_149 = arith.muli %scan3A_143, %mul3A_148 : i32
        %get3A_150 = arith.index_cast %mul3A_149 : i32 to index
        %get3A_151 = tpu.vector_load %run_scoped3A_4[%get3A_150] {strides = array<i32>} : memref<10000xf32, #tpu.memory_space<vmem>>, vector<16xf32>,
        %shift_right_logical3A = arith.constant 7 : i32
        %shift_right_logical3A_152 = vector.broadcast %shift_right_logical3A : i32 to vector<16xi32>
        %shift_right_logical3A_153 = arith.shrui %get3A_147, %shift_right_logical3A_152 : vector<16xi32>
        %and3A = arith.constant 127 : i32
        %and3A_154 = vector.broadcast %and3A : i32 to vector<16xi32>
        %and3A_155 = arith.andi %get3A_147, %and3A_154 : vector<16xi32>
        %gather3A = tpu.vector_load_idx %run_scoped3A_5[%shift_right_logical3A_153, %and3A_155] : memref<96x128xf32, #tpu.memory_space<vmem>>[vector<16xi32>, vector<16xi32>], vector<16xf32>,
        %lt3A = arith.cmpf olt, %get3A_151, %gather3A : vector<16xf32>
        %jit3A = arith.constant 0.000000e+00 : f32
        %broadcast_in_dim3A_156 = vector.broadcast %jit3A : f32 to vector<16xf32>
        %select_n3A = arith.select %lt3A, %broadcast_in_dim3A_156, %get3A_151 : vector<16xi1>, vector<16xf32>
        %sub3A = arith.subf %select_n3A, %mul3A_136 : vector<16xf32>
        %exp3A = math.exp %sub3A : vector<16xf32>
        %mul3A_157 = arith.constant 16 : i32
        %mul3A_158 = arith.muli %scan3A_143, %mul3A_157 : i32
        %swap3A_159 = arith.index_cast %mul3A_158 : i32 to index
        %swap3A_160 = tpu.vector_load %run_scoped3A_4[%swap3A_159] {strides = array<i32>} : memref<10000xf32, #tpu.memory_space<vmem>>, vector<16xf32>,
        tpu.vector_store %run_scoped3A_4[%swap3A_159], %exp3A {strides = array<i32>} : memref<10000xf32, #tpu.memory_space<vmem>>, vector<16xf32>,
        tpu.vector_store_idx %run_scoped3A_6[%shift_right_logical3A_153, %and3A_155], %exp3A {add = true} : memref<96x128xf32, #tpu.memory_space<vmem>>[vector<16xi32>, vector<16xi32>], vector<16xf32>,
      }
      %scan3A_141 = arith.constant 625 : i32
      "tpu.region"() ({
        %run_scoped3A_143 = tpu.sem_alloc : memref<!tpu.dma_semaphore, #tpu.memory_space<semaphore_mem>>
        %dma_start3A = arith.constant 0 : i32
        %dma_start3A_144 = arith.constant 0 : i32
        %dma_start3A_145 = tpu.memref_slice %arg10[%dma_start3A, %dma_start3A_144] : memref<96x128xf32, #tpu.memory_space<vmem_shared>> -> memref<96x128xf32, #tpu.memory_space<vmem_shared>>
        tpu.enqueue_indirect_dma source(%run_scoped3A_6 : memref<96x128xf32, #tpu.memory_space<vmem>>) target(%dma_start3A_145 : memref<96x128xf32, #tpu.memory_space<vmem_shared>>) offsets(%run_scoped3A_7 : memref<96xi32, #tpu.memory_space<vmem>>) semaphore(%run_scoped3A_143 : memref<!tpu.dma_semaphore, #tpu.memory_space<semaphore_mem>>) {add = true}
        %dma_wait3A = arith.constant 0 : i32
        %dma_wait3A_146 = arith.constant 0 : i32
        %dma_wait3A_147 = tpu.memref_slice %arg10[%dma_wait3A, %dma_wait3A_146] : memref<96x128xf32, #tpu.memory_space<vmem_shared>> -> memref<96x128xf32, #tpu.memory_space<vmem_shared>>
        tpu.wait_indirect_dma semaphore(%run_scoped3A_143 : memref<!tpu.dma_semaphore, #tpu.memory_space<semaphore_mem>>) src(%run_scoped3A_6 : memref<96x128xf32, #tpu.memory_space<vmem>>) dst(%dma_wait3A_147 : memref<96x128xf32, #tpu.memory_space<vmem_shared>>)
        tpu.yield
      }) : () -> ()
      "tpu.region"() ({
        %run_scoped3A_143 = tpu.sem_alloc : memref<!tpu.dma_semaphore, #tpu.memory_space<semaphore_mem>>
        %dma_start3A = tpu.memref_slice %arg12[%mul3A_0] : memref<160000xf32, #tpu.memory_space<vmem_shared>> -> memref<10000xf32, #tpu.memory_space<vmem_shared>>
        %dma_start3A_144 = tpu.memref_slice %arg12[%mul3A_0] : memref<160000xf32, #tpu.memory_space<vmem_shared>> -> memref<10000xf32, #tpu.memory_space<vmem_shared>>
        tpu.enqueue_dma source(%run_scoped3A_4 : memref<10000xf32, #tpu.memory_space<vmem>>) target(%dma_start3A_144 : memref<10000xf32, #tpu.memory_space<vmem_shared>>) target_semaphore(%run_scoped3A_143 : memref<!tpu.dma_semaphore, #tpu.memory_space<semaphore_mem>>)
        %dma_wait3A = tpu.memref_slice %arg12[%mul3A_0] : memref<160000xf32, #tpu.memory_space<vmem_shared>> -> memref<10000xf32, #tpu.memory_space<vmem_shared>>
        %dma_wait3A_145 = tpu.memref_slice %arg12[%mul3A_0] : memref<160000xf32, #tpu.memory_space<vmem_shared>> -> memref<10000xf32, #tpu.memory_space<vmem_shared>>
        tpu.wait_dma2 semaphore(%run_scoped3A_143 : memref<!tpu.dma_semaphore, #tpu.memory_space<semaphore_mem>>) src(%run_scoped3A_4 : memref<10000xf32, #tpu.memory_space<vmem>>) dst(%dma_wait3A_145 : memref<10000xf32, #tpu.memory_space<vmem_shared>>)
        tpu.yield
      }) : () -> ()
      %barrier3A_142 = arith.constant 0 : index
      tpu.barrier barrier_id(%barrier3A_142)
      tpu.yield
    }) : () -> ()
    "tpu.region"() ({
      %run_scoped3A = memref.alloca() : memref<328x256xf32, #tpu.memory_space<vmem>>
      %run_scoped3A_1 = memref.alloca() : memref<64x256xf32, #tpu.memory_space<vmem>>
      %run_scoped3A_2 = memref.alloca() : memref<2x1280xi32, #tpu.memory_space<vmem>>
      %run_scoped3A_3 = memref.alloca() : memref<2x1280xi32, #tpu.memory_space<vmem>>
      %run_scoped3A_4 = memref.alloca() : memref<2x1280xf32, #tpu.memory_space<vmem>>
      %run_scoped3A_5 = memref.alloca() : memref<1280xi32, #tpu.memory_space<vmem>>
      %run_scoped3A_6 = memref.alloca() : memref<1280xi32, #tpu.memory_space<vmem>>
      %run_scoped3A_7 = memref.alloca() : memref<1280xf32, #tpu.memory_space<vmem>>
      %run_scoped3A_8 = memref.alloca() : memref<1280xf32, #tpu.memory_space<vmem>>
      %run_scoped3A_9 = memref.alloca() : memref<16x128xf32, #tpu.memory_space<vmem>>
      %run_scoped3A_10 = memref.alloca() : memref<16xi32, #tpu.memory_space<vmem>>
      %mul3A_11 = arith.constant 16 : i32
      %mul3A_12 = arith.muli %arg0, %mul3A_11 : i32
      %add3A = arith.addi %mul3A_12, %arg1 : i32
      %mul3A_13 = arith.constant 312 : i32
      %mul3A_14 = arith.muli %mul3A_13, %add3A : i32
      %eq3A = arith.constant 31 : i32
      %eq3A_15 = arith.cmpi eq, %add3A, %eq3A : i32
      %jit3A = arith.constant 328 : i32
      %jit3A_16 = arith.constant 312 : i32
      %select_n3A = arith.select %eq3A_15, %jit3A, %jit3A_16 : i32
      %add3A_17 = arith.addi %mul3A_14, %select_n3A : i32
      %shift_right_logical3A = arith.constant 7 : i32
      %shift_right_logical3A_18 = arith.shrui %mul3A_14, %shift_right_logical3A : i32
      %and3A = arith.constant 127 : i32
      %and3A_19 = arith.andi %mul3A_14, %and3A : i32
      %iota3A = tpu.iota {dimensions = array<i32: 0>} : vector<16xi32>
      %add3A_20 = vector.broadcast %shift_right_logical3A_18 : i32 to vector<16xi32>
      %add3A_21 = arith.addi %iota3A, %add3A_20 : vector<16xi32>
      %swap3A = arith.constant 0 : index
      %swap3A_22 = tpu.vector_load %run_scoped3A_10[%swap3A] {strides = array<i32>} : memref<16xi32, #tpu.memory_space<vmem>>, vector<16xi32>,
      tpu.vector_store %run_scoped3A_10[%swap3A], %add3A_21 {strides = array<i32>} : memref<16xi32, #tpu.memory_space<vmem>>, vector<16xi32>,
      "tpu.region"() ({
        %run_scoped3A_1481 = tpu.sem_alloc : memref<!tpu.dma_semaphore, #tpu.memory_space<semaphore_mem>>
        %dma_start3A_1482 = arith.constant 0 : i32
        %dma_start3A_1483 = arith.constant 0 : i32
        %dma_start3A_1484 = tpu.memref_slice %arg10[%dma_start3A_1482, %dma_start3A_1483] : memref<96x128xf32, #tpu.memory_space<vmem_shared>> -> memref<96x128xf32, #tpu.memory_space<vmem_shared>>
        tpu.enqueue_indirect_dma source(%dma_start3A_1484 : memref<96x128xf32, #tpu.memory_space<vmem_shared>>) target(%run_scoped3A_9 : memref<16x128xf32, #tpu.memory_space<vmem>>) offsets(%run_scoped3A_10 : memref<16xi32, #tpu.memory_space<vmem>>) semaphore(%run_scoped3A_1481 : memref<!tpu.dma_semaphore, #tpu.memory_space<semaphore_mem>>)
        %dma_wait3A = arith.constant 0 : i32
        %dma_wait3A_1485 = arith.constant 0 : i32
        %dma_wait3A_1486 = tpu.memref_slice %arg10[%dma_wait3A, %dma_wait3A_1485] : memref<96x128xf32, #tpu.memory_space<vmem_shared>> -> memref<96x128xf32, #tpu.memory_space<vmem_shared>>
        tpu.wait_indirect_dma semaphore(%run_scoped3A_1481 : memref<!tpu.dma_semaphore, #tpu.memory_space<semaphore_mem>>) src(%dma_wait3A_1486 : memref<96x128xf32, #tpu.memory_space<vmem_shared>>) dst(%run_scoped3A_9 : memref<16x128xf32, #tpu.memory_space<vmem>>)
        tpu.yield
      }) : () -> ()
      %get3A = arith.constant 0 : i32
      %get3A_23 = arith.index_cast %get3A : i32 to index
      %get3A_24 = arith.constant 0 : index
      %get3A_25 = tpu.vector_load %run_scoped3A_9[%get3A_23, %get3A_24] {strides = array<i32>} : memref<16x128xf32, #tpu.memory_space<vmem>>, vector<16xf32>,
      %div3A = arith.constant 1.000000e+00 : f32
      %div3A_26 = vector.broadcast %div3A : f32 to vector<16xf32>
      %div3A_27 = arith.divf %div3A_26, %get3A_25 : vector<16xf32>
      %swap3A_28 = arith.constant 0 : i32
      %swap3A_29 = arith.index_cast %swap3A_28 : i32 to index
      %swap3A_30 = arith.constant 0 : index
      %swap3A_31 = tpu.vector_load %run_scoped3A_9[%swap3A_29, %swap3A_30] {strides = array<i32>} : memref<16x128xf32, #tpu.memory_space<vmem>>, vector<16xf32>,
      tpu.vector_store %run_scoped3A_9[%swap3A_29, %swap3A_30], %div3A_27 {strides = array<i32>} : memref<16x128xf32, #tpu.memory_space<vmem>>, vector<16xf32>,
      %get3A_32 = arith.constant 0 : i32
      %get3A_33 = arith.index_cast %get3A_32 : i32 to index
      %get3A_34 = arith.constant 16 : index
      %get3A_35 = tpu.vector_load %run_scoped3A_9[%get3A_33, %get3A_34] {strides = array<i32>} : memref<16x128xf32, #tpu.memory_space<vmem>>, vector<16xf32>,
      %div3A_36 = arith.constant 1.000000e+00 : f32
      %div3A_37 = vector.broadcast %div3A_36 : f32 to vector<16xf32>
      %div3A_38 = arith.divf %div3A_37, %get3A_35 : vector<16xf32>
      %swap3A_39 = arith.constant 0 : i32
      %swap3A_40 = arith.index_cast %swap3A_39 : i32 to index
      %swap3A_41 = arith.constant 16 : index
      %swap3A_42 = tpu.vector_load %run_scoped3A_9[%swap3A_40, %swap3A_41] {strides = array<i32>} : memref<16x128xf32, #tpu.memory_space<vmem>>, vector<16xf32>,
      tpu.vector_store %run_scoped3A_9[%swap3A_40, %swap3A_41], %div3A_38 {strides = array<i32>} : memref<16x128xf32, #tpu.memory_space<vmem>>, vector<16xf32>,
      %get3A_43 = arith.constant 0 : i32
      %get3A_44 = arith.index_cast %get3A_43 : i32 to index
      %get3A_45 = arith.constant 32 : index
      %get3A_46 = tpu.vector_load %run_scoped3A_9[%get3A_44, %get3A_45] {strides = array<i32>} : memref<16x128xf32, #tpu.memory_space<vmem>>, vector<16xf32>,
      %div3A_47 = arith.constant 1.000000e+00 : f32
      %div3A_48 = vector.broadcast %div3A_47 : f32 to vector<16xf32>
      %div3A_49 = arith.divf %div3A_48, %get3A_46 : vector<16xf32>
      %swap3A_50 = arith.constant 0 : i32
      %swap3A_51 = arith.index_cast %swap3A_50 : i32 to index
      %swap3A_52 = arith.constant 32 : index
      %swap3A_53 = tpu.vector_load %run_scoped3A_9[%swap3A_51, %swap3A_52] {strides = array<i32>} : memref<16x128xf32, #tpu.memory_space<vmem>>, vector<16xf32>,
      tpu.vector_store %run_scoped3A_9[%swap3A_51, %swap3A_52], %div3A_49 {strides = array<i32>} : memref<16x128xf32, #tpu.memory_space<vmem>>, vector<16xf32>,
      %get3A_54 = arith.constant 0 : i32
      %get3A_55 = arith.index_cast %get3A_54 : i32 to index
      %get3A_56 = arith.constant 48 : index
      %get3A_57 = tpu.vector_load %run_scoped3A_9[%get3A_55, %get3A_56] {strides = array<i32>} : memref<16x128xf32, #tpu.memory_space<vmem>>, vector<16xf32>,
      %div3A_58 = arith.constant 1.000000e+00 : f32
      %div3A_59 = vector.broadcast %div3A_58 : f32 to vector<16xf32>
      %div3A_60 = arith.divf %div3A_59, %get3A_57 : vector<16xf32>
      %swap3A_61 = arith.constant 0 : i32
      %swap3A_62 = arith.index_cast %swap3A_61 : i32 to index
      %swap3A_63 = arith.constant 48 : index
      %swap3A_64 = tpu.vector_load %run_scoped3A_9[%swap3A_62, %swap3A_63] {strides = array<i32>} : memref<16x128xf32, #tpu.memory_space<vmem>>, vector<16xf32>,
      tpu.vector_store %run_scoped3A_9[%swap3A_62, %swap3A_63], %div3A_60 {strides = array<i32>} : memref<16x128xf32, #tpu.memory_space<vmem>>, vector<16xf32>,
      %get3A_65 = arith.constant 0 : i32
      %get3A_66 = arith.index_cast %get3A_65 : i32 to index
      %get3A_67 = arith.constant 64 : index
      %get3A_68 = tpu.vector_load %run_scoped3A_9[%get3A_66, %get3A_67] {strides = array<i32>} : memref<16x128xf32, #tpu.memory_space<vmem>>, vector<16xf32>,
      %div3A_69 = arith.constant 1.000000e+00 : f32
      %div3A_70 = vector.broadcast %div3A_69 : f32 to vector<16xf32>
      %div3A_71 = arith.divf %div3A_70, %get3A_68 : vector<16xf32>
      %swap3A_72 = arith.constant 0 : i32
      %swap3A_73 = arith.index_cast %swap3A_72 : i32 to index
      %swap3A_74 = arith.constant 64 : index
      %swap3A_75 = tpu.vector_load %run_scoped3A_9[%swap3A_73, %swap3A_74] {strides = array<i32>} : memref<16x128xf32, #tpu.memory_space<vmem>>, vector<16xf32>,
      tpu.vector_store %run_scoped3A_9[%swap3A_73, %swap3A_74], %div3A_71 {strides = array<i32>} : memref<16x128xf32, #tpu.memory_space<vmem>>, vector<16xf32>,
      %get3A_76 = arith.constant 0 : i32
      %get3A_77 = arith.index_cast %get3A_76 : i32 to index
      %get3A_78 = arith.constant 80 : index
      %get3A_79 = tpu.vector_load %run_scoped3A_9[%get3A_77, %get3A_78] {strides = array<i32>} : memref<16x128xf32, #tpu.memory_space<vmem>>, vector<16xf32>,
      %div3A_80 = arith.constant 1.000000e+00 : f32
      %div3A_81 = vector.broadcast %div3A_80 : f32 to vector<16xf32>
      %div3A_82 = arith.divf %div3A_81, %get3A_79 : vector<16xf32>
      %swap3A_83 = arith.constant 0 : i32
      %swap3A_84 = arith.index_cast %swap3A_83 : i32 to index
      %swap3A_85 = arith.constant 80 : index
      %swap3A_86 = tpu.vector_load %run_scoped3A_9[%swap3A_84, %swap3A_85] {strides = array<i32>} : memref<16x128xf32, #tpu.memory_space<vmem>>, vector<16xf32>,
      tpu.vector_store %run_scoped3A_9[%swap3A_84, %swap3A_85], %div3A_82 {strides = array<i32>} : memref<16x128xf32, #tpu.memory_space<vmem>>, vector<16xf32>,
      %get3A_87 = arith.constant 0 : i32
      %get3A_88 = arith.index_cast %get3A_87 : i32 to index
      %get3A_89 = arith.constant 96 : index
      %get3A_90 = tpu.vector_load %run_scoped3A_9[%get3A_88, %get3A_89] {strides = array<i32>} : memref<16x128xf32, #tpu.memory_space<vmem>>, vector<16xf32>,
      %div3A_91 = arith.constant 1.000000e+00 : f32
      %div3A_92 = vector.broadcast %div3A_91 : f32 to vector<16xf32>
      %div3A_93 = arith.divf %div3A_92, %get3A_90 : vector<16xf32>
      %swap3A_94 = arith.constant 0 : i32
      %swap3A_95 = arith.index_cast %swap3A_94 : i32 to index
      %swap3A_96 = arith.constant 96 : index
      %swap3A_97 = tpu.vector_load %run_scoped3A_9[%swap3A_95, %swap3A_96] {strides = array<i32>} : memref<16x128xf32, #tpu.memory_space<vmem>>, vector<16xf32>,
      tpu.vector_store %run_scoped3A_9[%swap3A_95, %swap3A_96], %div3A_93 {strides = array<i32>} : memref<16x128xf32, #tpu.memory_space<vmem>>, vector<16xf32>,
      %get3A_98 = arith.constant 0 : i32
      %get3A_99 = arith.index_cast %get3A_98 : i32 to index
      %get3A_100 = arith.constant 112 : index
      %get3A_101 = tpu.vector_load %run_scoped3A_9[%get3A_99, %get3A_100] {strides = array<i32>} : memref<16x128xf32, #tpu.memory_space<vmem>>, vector<16xf32>,
      %div3A_102 = arith.constant 1.000000e+00 : f32
      %div3A_103 = vector.broadcast %div3A_102 : f32 to vector<16xf32>
      %div3A_104 = arith.divf %div3A_103, %get3A_101 : vector<16xf32>
      %swap3A_105 = arith.constant 0 : i32
      %swap3A_106 = arith.index_cast %swap3A_105 : i32 to index
      %swap3A_107 = arith.constant 112 : index
      %swap3A_108 = tpu.vector_load %run_scoped3A_9[%swap3A_106, %swap3A_107] {strides = array<i32>} : memref<16x128xf32, #tpu.memory_space<vmem>>, vector<16xf32>,
      tpu.vector_store %run_scoped3A_9[%swap3A_106, %swap3A_107], %div3A_104 {strides = array<i32>} : memref<16x128xf32, #tpu.memory_space<vmem>>, vector<16xf32>,
      %get3A_109 = arith.constant 1 : i32
      %get3A_110 = arith.index_cast %get3A_109 : i32 to index
      %get3A_111 = arith.constant 0 : index
      %get3A_112 = tpu.vector_load %run_scoped3A_9[%get3A_110, %get3A_111] {strides = array<i32>} : memref<16x128xf32, #tpu.memory_space<vmem>>, vector<16xf32>,
      %div3A_113 = arith.constant 1.000000e+00 : f32
      %div3A_114 = vector.broadcast %div3A_113 : f32 to vector<16xf32>
      %div3A_115 = arith.divf %div3A_114, %get3A_112 : vector<16xf32>
      %swap3A_116 = arith.constant 1 : i32
      %swap3A_117 = arith.index_cast %swap3A_116 : i32 to index
      %swap3A_118 = arith.constant 0 : index
      %swap3A_119 = tpu.vector_load %run_scoped3A_9[%swap3A_117, %swap3A_118] {strides = array<i32>} : memref<16x128xf32, #tpu.memory_space<vmem>>, vector<16xf32>,
      tpu.vector_store %run_scoped3A_9[%swap3A_117, %swap3A_118], %div3A_115 {strides = array<i32>} : memref<16x128xf32, #tpu.memory_space<vmem>>, vector<16xf32>,
      %get3A_120 = arith.constant 1 : i32
      %get3A_121 = arith.index_cast %get3A_120 : i32 to index
      %get3A_122 = arith.constant 16 : index
      %get3A_123 = tpu.vector_load %run_scoped3A_9[%get3A_121, %get3A_122] {strides = array<i32>} : memref<16x128xf32, #tpu.memory_space<vmem>>, vector<16xf32>,
      %div3A_124 = arith.constant 1.000000e+00 : f32
      %div3A_125 = vector.broadcast %div3A_124 : f32 to vector<16xf32>
      %div3A_126 = arith.divf %div3A_125, %get3A_123 : vector<16xf32>
      %swap3A_127 = arith.constant 1 : i32
      %swap3A_128 = arith.index_cast %swap3A_127 : i32 to index
      %swap3A_129 = arith.constant 16 : index
      %swap3A_130 = tpu.vector_load %run_scoped3A_9[%swap3A_128, %swap3A_129] {strides = array<i32>} : memref<16x128xf32, #tpu.memory_space<vmem>>, vector<16xf32>,
      tpu.vector_store %run_scoped3A_9[%swap3A_128, %swap3A_129], %div3A_126 {strides = array<i32>} : memref<16x128xf32, #tpu.memory_space<vmem>>, vector<16xf32>,
      %get3A_131 = arith.constant 1 : i32
      %get3A_132 = arith.index_cast %get3A_131 : i32 to index
      %get3A_133 = arith.constant 32 : index
      %get3A_134 = tpu.vector_load %run_scoped3A_9[%get3A_132, %get3A_133] {strides = array<i32>} : memref<16x128xf32, #tpu.memory_space<vmem>>, vector<16xf32>,
      %div3A_135 = arith.constant 1.000000e+00 : f32
      %div3A_136 = vector.broadcast %div3A_135 : f32 to vector<16xf32>
      %div3A_137 = arith.divf %div3A_136, %get3A_134 : vector<16xf32>
      %swap3A_138 = arith.constant 1 : i32
      %swap3A_139 = arith.index_cast %swap3A_138 : i32 to index
      %swap3A_140 = arith.constant 32 : index
      %swap3A_141 = tpu.vector_load %run_scoped3A_9[%swap3A_139, %swap3A_140] {strides = array<i32>} : memref<16x128xf32, #tpu.memory_space<vmem>>, vector<16xf32>,
      tpu.vector_store %run_scoped3A_9[%swap3A_139, %swap3A_140], %div3A_137 {strides = array<i32>} : memref<16x128xf32, #tpu.memory_space<vmem>>, vector<16xf32>,
      %get3A_142 = arith.constant 1 : i32
      %get3A_143 = arith.index_cast %get3A_142 : i32 to index
      %get3A_144 = arith.constant 48 : index
      %get3A_145 = tpu.vector_load %run_scoped3A_9[%get3A_143, %get3A_144] {strides = array<i32>} : memref<16x128xf32, #tpu.memory_space<vmem>>, vector<16xf32>,
      %div3A_146 = arith.constant 1.000000e+00 : f32
      %div3A_147 = vector.broadcast %div3A_146 : f32 to vector<16xf32>
      %div3A_148 = arith.divf %div3A_147, %get3A_145 : vector<16xf32>
      %swap3A_149 = arith.constant 1 : i32
      %swap3A_150 = arith.index_cast %swap3A_149 : i32 to index
      %swap3A_151 = arith.constant 48 : index
      %swap3A_152 = tpu.vector_load %run_scoped3A_9[%swap3A_150, %swap3A_151] {strides = array<i32>} : memref<16x128xf32, #tpu.memory_space<vmem>>, vector<16xf32>,
      tpu.vector_store %run_scoped3A_9[%swap3A_150, %swap3A_151], %div3A_148 {strides = array<i32>} : memref<16x128xf32, #tpu.memory_space<vmem>>, vector<16xf32>,
      %get3A_153 = arith.constant 1 : i32
      %get3A_154 = arith.index_cast %get3A_153 : i32 to index
      %get3A_155 = arith.constant 64 : index
      %get3A_156 = tpu.vector_load %run_scoped3A_9[%get3A_154, %get3A_155] {strides = array<i32>} : memref<16x128xf32, #tpu.memory_space<vmem>>, vector<16xf32>,
      %div3A_157 = arith.constant 1.000000e+00 : f32
      %div3A_158 = vector.broadcast %div3A_157 : f32 to vector<16xf32>
      %div3A_159 = arith.divf %div3A_158, %get3A_156 : vector<16xf32>
      %swap3A_160 = arith.constant 1 : i32
      %swap3A_161 = arith.index_cast %swap3A_160 : i32 to index
      %swap3A_162 = arith.constant 64 : index
      %swap3A_163 = tpu.vector_load %run_scoped3A_9[%swap3A_161, %swap3A_162] {strides = array<i32>} : memref<16x128xf32, #tpu.memory_space<vmem>>, vector<16xf32>,
      tpu.vector_store %run_scoped3A_9[%swap3A_161, %swap3A_162], %div3A_159 {strides = array<i32>} : memref<16x128xf32, #tpu.memory_space<vmem>>, vector<16xf32>,
      %get3A_164 = arith.constant 1 : i32
      %get3A_165 = arith.index_cast %get3A_164 : i32 to index
      %get3A_166 = arith.constant 80 : index
      %get3A_167 = tpu.vector_load %run_scoped3A_9[%get3A_165, %get3A_166] {strides = array<i32>} : memref<16x128xf32, #tpu.memory_space<vmem>>, vector<16xf32>,
      %div3A_168 = arith.constant 1.000000e+00 : f32
      %div3A_169 = vector.broadcast %div3A_168 : f32 to vector<16xf32>
      %div3A_170 = arith.divf %div3A_169, %get3A_167 : vector<16xf32>
      %swap3A_171 = arith.constant 1 : i32
      %swap3A_172 = arith.index_cast %swap3A_171 : i32 to index
      %swap3A_173 = arith.constant 80 : index
      %swap3A_174 = tpu.vector_load %run_scoped3A_9[%swap3A_172, %swap3A_173] {strides = array<i32>} : memref<16x128xf32, #tpu.memory_space<vmem>>, vector<16xf32>,
      tpu.vector_store %run_scoped3A_9[%swap3A_172, %swap3A_173], %div3A_170 {strides = array<i32>} : memref<16x128xf32, #tpu.memory_space<vmem>>, vector<16xf32>,
      %get3A_175 = arith.constant 1 : i32
      %get3A_176 = arith.index_cast %get3A_175 : i32 to index
      %get3A_177 = arith.constant 96 : index
      %get3A_178 = tpu.vector_load %run_scoped3A_9[%get3A_176, %get3A_177] {strides = array<i32>} : memref<16x128xf32, #tpu.memory_space<vmem>>, vector<16xf32>,
      %div3A_179 = arith.constant 1.000000e+00 : f32
      %div3A_180 = vector.broadcast %div3A_179 : f32 to vector<16xf32>
      %div3A_181 = arith.divf %div3A_180, %get3A_178 : vector<16xf32>
      %swap3A_182 = arith.constant 1 : i32
      %swap3A_183 = arith.index_cast %swap3A_182 : i32 to index
      %swap3A_184 = arith.constant 96 : index
      %swap3A_185 = tpu.vector_load %run_scoped3A_9[%swap3A_183, %swap3A_184] {strides = array<i32>} : memref<16x128xf32, #tpu.memory_space<vmem>>, vector<16xf32>,
      tpu.vector_store %run_scoped3A_9[%swap3A_183, %swap3A_184], %div3A_181 {strides = array<i32>} : memref<16x128xf32, #tpu.memory_space<vmem>>, vector<16xf32>,
      %get3A_186 = arith.constant 1 : i32
      %get3A_187 = arith.index_cast %get3A_186 : i32 to index
      %get3A_188 = arith.constant 112 : index
      %get3A_189 = tpu.vector_load %run_scoped3A_9[%get3A_187, %get3A_188] {strides = array<i32>} : memref<16x128xf32, #tpu.memory_space<vmem>>, vector<16xf32>,
      %div3A_190 = arith.constant 1.000000e+00 : f32
      %div3A_191 = vector.broadcast %div3A_190 : f32 to vector<16xf32>
      %div3A_192 = arith.divf %div3A_191, %get3A_189 : vector<16xf32>
      %swap3A_193 = arith.constant 1 : i32
      %swap3A_194 = arith.index_cast %swap3A_193 : i32 to index
      %swap3A_195 = arith.constant 112 : index
      %swap3A_196 = tpu.vector_load %run_scoped3A_9[%swap3A_194, %swap3A_195] {strides = array<i32>} : memref<16x128xf32, #tpu.memory_space<vmem>>, vector<16xf32>,
      tpu.vector_store %run_scoped3A_9[%swap3A_194, %swap3A_195], %div3A_192 {strides = array<i32>} : memref<16x128xf32, #tpu.memory_space<vmem>>, vector<16xf32>,
      %get3A_197 = arith.constant 2 : i32
      %get3A_198 = arith.index_cast %get3A_197 : i32 to index
      %get3A_199 = arith.constant 0 : index
      %get3A_200 = tpu.vector_load %run_scoped3A_9[%get3A_198, %get3A_199] {strides = array<i32>} : memref<16x128xf32, #tpu.memory_space<vmem>>, vector<16xf32>,
      %div3A_201 = arith.constant 1.000000e+00 : f32
      %div3A_202 = vector.broadcast %div3A_201 : f32 to vector<16xf32>
      %div3A_203 = arith.divf %div3A_202, %get3A_200 : vector<16xf32>
      %swap3A_204 = arith.constant 2 : i32
      %swap3A_205 = arith.index_cast %swap3A_204 : i32 to index
      %swap3A_206 = arith.constant 0 : index
      %swap3A_207 = tpu.vector_load %run_scoped3A_9[%swap3A_205, %swap3A_206] {strides = array<i32>} : memref<16x128xf32, #tpu.memory_space<vmem>>, vector<16xf32>,
      tpu.vector_store %run_scoped3A_9[%swap3A_205, %swap3A_206], %div3A_203 {strides = array<i32>} : memref<16x128xf32, #tpu.memory_space<vmem>>, vector<16xf32>,
      %get3A_208 = arith.constant 2 : i32
      %get3A_209 = arith.index_cast %get3A_208 : i32 to index
      %get3A_210 = arith.constant 16 : index
      %get3A_211 = tpu.vector_load %run_scoped3A_9[%get3A_209, %get3A_210] {strides = array<i32>} : memref<16x128xf32, #tpu.memory_space<vmem>>, vector<16xf32>,
      %div3A_212 = arith.constant 1.000000e+00 : f32
      %div3A_213 = vector.broadcast %div3A_212 : f32 to vector<16xf32>
      %div3A_214 = arith.divf %div3A_213, %get3A_211 : vector<16xf32>
      %swap3A_215 = arith.constant 2 : i32
      %swap3A_216 = arith.index_cast %swap3A_215 : i32 to index
      %swap3A_217 = arith.constant 16 : index
      %swap3A_218 = tpu.vector_load %run_scoped3A_9[%swap3A_216, %swap3A_217] {strides = array<i32>} : memref<16x128xf32, #tpu.memory_space<vmem>>, vector<16xf32>,
      tpu.vector_store %run_scoped3A_9[%swap3A_216, %swap3A_217], %div3A_214 {strides = array<i32>} : memref<16x128xf32, #tpu.memory_space<vmem>>, vector<16xf32>,
      %get3A_219 = arith.constant 2 : i32
      %get3A_220 = arith.index_cast %get3A_219 : i32 to index
      %get3A_221 = arith.constant 32 : index
      %get3A_222 = tpu.vector_load %run_scoped3A_9[%get3A_220, %get3A_221] {strides = array<i32>} : memref<16x128xf32, #tpu.memory_space<vmem>>, vector<16xf32>,
      %div3A_223 = arith.constant 1.000000e+00 : f32
      %div3A_224 = vector.broadcast %div3A_223 : f32 to vector<16xf32>
      %div3A_225 = arith.divf %div3A_224, %get3A_222 : vector<16xf32>
      %swap3A_226 = arith.constant 2 : i32
      %swap3A_227 = arith.index_cast %swap3A_226 : i32 to index
      %swap3A_228 = arith.constant 32 : index
      %swap3A_229 = tpu.vector_load %run_scoped3A_9[%swap3A_227, %swap3A_228] {strides = array<i32>} : memref<16x128xf32, #tpu.memory_space<vmem>>, vector<16xf32>,
      tpu.vector_store %run_scoped3A_9[%swap3A_227, %swap3A_228], %div3A_225 {strides = array<i32>} : memref<16x128xf32, #tpu.memory_space<vmem>>, vector<16xf32>,
      %get3A_230 = arith.constant 2 : i32
      %get3A_231 = arith.index_cast %get3A_230 : i32 to index
      %get3A_232 = arith.constant 48 : index
      %get3A_233 = tpu.vector_load %run_scoped3A_9[%get3A_231, %get3A_232] {strides = array<i32>} : memref<16x128xf32, #tpu.memory_space<vmem>>, vector<16xf32>,
      %div3A_234 = arith.constant 1.000000e+00 : f32
      %div3A_235 = vector.broadcast %div3A_234 : f32 to vector<16xf32>
      %div3A_236 = arith.divf %div3A_235, %get3A_233 : vector<16xf32>
      %swap3A_237 = arith.constant 2 : i32
      %swap3A_238 = arith.index_cast %swap3A_237 : i32 to index
      %swap3A_239 = arith.constant 48 : index
      %swap3A_240 = tpu.vector_load %run_scoped3A_9[%swap3A_238, %swap3A_239] {strides = array<i32>} : memref<16x128xf32, #tpu.memory_space<vmem>>, vector<16xf32>,
      tpu.vector_store %run_scoped3A_9[%swap3A_238, %swap3A_239], %div3A_236 {strides = array<i32>} : memref<16x128xf32, #tpu.memory_space<vmem>>, vector<16xf32>,
      %get3A_241 = arith.constant 2 : i32
      %get3A_242 = arith.index_cast %get3A_241 : i32 to index
      %get3A_243 = arith.constant 64 : index
      %get3A_244 = tpu.vector_load %run_scoped3A_9[%get3A_242, %get3A_243] {strides = array<i32>} : memref<16x128xf32, #tpu.memory_space<vmem>>, vector<16xf32>,
      %div3A_245 = arith.constant 1.000000e+00 : f32
      %div3A_246 = vector.broadcast %div3A_245 : f32 to vector<16xf32>
      %div3A_247 = arith.divf %div3A_246, %get3A_244 : vector<16xf32>
      %swap3A_248 = arith.constant 2 : i32
      %swap3A_249 = arith.index_cast %swap3A_248 : i32 to index
      %swap3A_250 = arith.constant 64 : index
      %swap3A_251 = tpu.vector_load %run_scoped3A_9[%swap3A_249, %swap3A_250] {strides = array<i32>} : memref<16x128xf32, #tpu.memory_space<vmem>>, vector<16xf32>,
      tpu.vector_store %run_scoped3A_9[%swap3A_249, %swap3A_250], %div3A_247 {strides = array<i32>} : memref<16x128xf32, #tpu.memory_space<vmem>>, vector<16xf32>,
      %get3A_252 = arith.constant 2 : i32
      %get3A_253 = arith.index_cast %get3A_252 : i32 to index
      %get3A_254 = arith.constant 80 : index
      %get3A_255 = tpu.vector_load %run_scoped3A_9[%get3A_253, %get3A_254] {strides = array<i32>} : memref<16x128xf32, #tpu.memory_space<vmem>>, vector<16xf32>,
      %div3A_256 = arith.constant 1.000000e+00 : f32
      %div3A_257 = vector.broadcast %div3A_256 : f32 to vector<16xf32>
      %div3A_258 = arith.divf %div3A_257, %get3A_255 : vector<16xf32>
      %swap3A_259 = arith.constant 2 : i32
      %swap3A_260 = arith.index_cast %swap3A_259 : i32 to index
      %swap3A_261 = arith.constant 80 : index
      %swap3A_262 = tpu.vector_load %run_scoped3A_9[%swap3A_260, %swap3A_261] {strides = array<i32>} : memref<16x128xf32, #tpu.memory_space<vmem>>, vector<16xf32>,
      tpu.vector_store %run_scoped3A_9[%swap3A_260, %swap3A_261], %div3A_258 {strides = array<i32>} : memref<16x128xf32, #tpu.memory_space<vmem>>, vector<16xf32>,
      %get3A_263 = arith.constant 2 : i32
      %get3A_264 = arith.index_cast %get3A_263 : i32 to index
      %get3A_265 = arith.constant 96 : index
      %get3A_266 = tpu.vector_load %run_scoped3A_9[%get3A_264, %get3A_265] {strides = array<i32>} : memref<16x128xf32, #tpu.memory_space<vmem>>, vector<16xf32>,
      %div3A_267 = arith.constant 1.000000e+00 : f32
      %div3A_268 = vector.broadcast %div3A_267 : f32 to vector<16xf32>
      %div3A_269 = arith.divf %div3A_268, %get3A_266 : vector<16xf32>
      %swap3A_270 = arith.constant 2 : i32
      %swap3A_271 = arith.index_cast %swap3A_270 : i32 to index
      %swap3A_272 = arith.constant 96 : index
      %swap3A_273 = tpu.vector_load %run_scoped3A_9[%swap3A_271, %swap3A_272] {strides = array<i32>} : memref<16x128xf32, #tpu.memory_space<vmem>>, vector<16xf32>,
      tpu.vector_store %run_scoped3A_9[%swap3A_271, %swap3A_272], %div3A_269 {strides = array<i32>} : memref<16x128xf32, #tpu.memory_space<vmem>>, vector<16xf32>,
      %get3A_274 = arith.constant 2 : i32
      %get3A_275 = arith.index_cast %get3A_274 : i32 to index
      %get3A_276 = arith.constant 112 : index
      %get3A_277 = tpu.vector_load %run_scoped3A_9[%get3A_275, %get3A_276] {strides = array<i32>} : memref<16x128xf32, #tpu.memory_space<vmem>>, vector<16xf32>,
      %div3A_278 = arith.constant 1.000000e+00 : f32
      %div3A_279 = vector.broadcast %div3A_278 : f32 to vector<16xf32>
      %div3A_280 = arith.divf %div3A_279, %get3A_277 : vector<16xf32>
      %swap3A_281 = arith.constant 2 : i32
      %swap3A_282 = arith.index_cast %swap3A_281 : i32 to index
      %swap3A_283 = arith.constant 112 : index
      %swap3A_284 = tpu.vector_load %run_scoped3A_9[%swap3A_282, %swap3A_283] {strides = array<i32>} : memref<16x128xf32, #tpu.memory_space<vmem>>, vector<16xf32>,
      tpu.vector_store %run_scoped3A_9[%swap3A_282, %swap3A_283], %div3A_280 {strides = array<i32>} : memref<16x128xf32, #tpu.memory_space<vmem>>, vector<16xf32>,
      %get3A_285 = arith.constant 3 : i32
      %get3A_286 = arith.index_cast %get3A_285 : i32 to index
      %get3A_287 = arith.constant 0 : index
      %get3A_288 = tpu.vector_load %run_scoped3A_9[%get3A_286, %get3A_287] {strides = array<i32>} : memref<16x128xf32, #tpu.memory_space<vmem>>, vector<16xf32>,
      %div3A_289 = arith.constant 1.000000e+00 : f32
      %div3A_290 = vector.broadcast %div3A_289 : f32 to vector<16xf32>
      %div3A_291 = arith.divf %div3A_290, %get3A_288 : vector<16xf32>
      %swap3A_292 = arith.constant 3 : i32
      %swap3A_293 = arith.index_cast %swap3A_292 : i32 to index
      %swap3A_294 = arith.constant 0 : index
      %swap3A_295 = tpu.vector_load %run_scoped3A_9[%swap3A_293, %swap3A_294] {strides = array<i32>} : memref<16x128xf32, #tpu.memory_space<vmem>>, vector<16xf32>,
      tpu.vector_store %run_scoped3A_9[%swap3A_293, %swap3A_294], %div3A_291 {strides = array<i32>} : memref<16x128xf32, #tpu.memory_space<vmem>>, vector<16xf32>,
      %get3A_296 = arith.constant 3 : i32
      %get3A_297 = arith.index_cast %get3A_296 : i32 to index
      %get3A_298 = arith.constant 16 : index
      %get3A_299 = tpu.vector_load %run_scoped3A_9[%get3A_297, %get3A_298] {strides = array<i32>} : memref<16x128xf32, #tpu.memory_space<vmem>>, vector<16xf32>,
      %div3A_300 = arith.constant 1.000000e+00 : f32
      %div3A_301 = vector.broadcast %div3A_300 : f32 to vector<16xf32>
      %div3A_302 = arith.divf %div3A_301, %get3A_299 : vector<16xf32>
      %swap3A_303 = arith.constant 3 : i32
      %swap3A_304 = arith.index_cast %swap3A_303 : i32 to index
      %swap3A_305 = arith.constant 16 : index
      %swap3A_306 = tpu.vector_load %run_scoped3A_9[%swap3A_304, %swap3A_305] {strides = array<i32>} : memref<16x128xf32, #tpu.memory_space<vmem>>, vector<16xf32>,
      tpu.vector_store %run_scoped3A_9[%swap3A_304, %swap3A_305], %div3A_302 {strides = array<i32>} : memref<16x128xf32, #tpu.memory_space<vmem>>, vector<16xf32>,
      %get3A_307 = arith.constant 3 : i32
      %get3A_308 = arith.index_cast %get3A_307 : i32 to index
      %get3A_309 = arith.constant 32 : index
      %get3A_310 = tpu.vector_load %run_scoped3A_9[%get3A_308, %get3A_309] {strides = array<i32>} : memref<16x128xf32, #tpu.memory_space<vmem>>, vector<16xf32>,
      %div3A_311 = arith.constant 1.000000e+00 : f32
      %div3A_312 = vector.broadcast %div3A_311 : f32 to vector<16xf32>
      %div3A_313 = arith.divf %div3A_312, %get3A_310 : vector<16xf32>
      %swap3A_314 = arith.constant 3 : i32
      %swap3A_315 = arith.index_cast %swap3A_314 : i32 to index
      %swap3A_316 = arith.constant 32 : index
      %swap3A_317 = tpu.vector_load %run_scoped3A_9[%swap3A_315, %swap3A_316] {strides = array<i32>} : memref<16x128xf32, #tpu.memory_space<vmem>>, vector<16xf32>,
      tpu.vector_store %run_scoped3A_9[%swap3A_315, %swap3A_316], %div3A_313 {strides = array<i32>} : memref<16x128xf32, #tpu.memory_space<vmem>>, vector<16xf32>,
      %get3A_318 = arith.constant 3 : i32
      %get3A_319 = arith.index_cast %get3A_318 : i32 to index
      %get3A_320 = arith.constant 48 : index
      %get3A_321 = tpu.vector_load %run_scoped3A_9[%get3A_319, %get3A_320] {strides = array<i32>} : memref<16x128xf32, #tpu.memory_space<vmem>>, vector<16xf32>,
      %div3A_322 = arith.constant 1.000000e+00 : f32
      %div3A_323 = vector.broadcast %div3A_322 : f32 to vector<16xf32>
      %div3A_324 = arith.divf %div3A_323, %get3A_321 : vector<16xf32>
      %swap3A_325 = arith.constant 3 : i32
      %swap3A_326 = arith.index_cast %swap3A_325 : i32 to index
      %swap3A_327 = arith.constant 48 : index
      %swap3A_328 = tpu.vector_load %run_scoped3A_9[%swap3A_326, %swap3A_327] {strides = array<i32>} : memref<16x128xf32, #tpu.memory_space<vmem>>, vector<16xf32>,
      tpu.vector_store %run_scoped3A_9[%swap3A_326, %swap3A_327], %div3A_324 {strides = array<i32>} : memref<16x128xf32, #tpu.memory_space<vmem>>, vector<16xf32>,
      %get3A_329 = arith.constant 3 : i32
      %get3A_330 = arith.index_cast %get3A_329 : i32 to index
      %get3A_331 = arith.constant 64 : index
      %get3A_332 = tpu.vector_load %run_scoped3A_9[%get3A_330, %get3A_331] {strides = array<i32>} : memref<16x128xf32, #tpu.memory_space<vmem>>, vector<16xf32>,
      %div3A_333 = arith.constant 1.000000e+00 : f32
      %div3A_334 = vector.broadcast %div3A_333 : f32 to vector<16xf32>
      %div3A_335 = arith.divf %div3A_334, %get3A_332 : vector<16xf32>
      %swap3A_336 = arith.constant 3 : i32
      %swap3A_337 = arith.index_cast %swap3A_336 : i32 to index
      %swap3A_338 = arith.constant 64 : index
      %swap3A_339 = tpu.vector_load %run_scoped3A_9[%swap3A_337, %swap3A_338] {strides = array<i32>} : memref<16x128xf32, #tpu.memory_space<vmem>>, vector<16xf32>,
      tpu.vector_store %run_scoped3A_9[%swap3A_337, %swap3A_338], %div3A_335 {strides = array<i32>} : memref<16x128xf32, #tpu.memory_space<vmem>>, vector<16xf32>,
      %get3A_340 = arith.constant 3 : i32
      %get3A_341 = arith.index_cast %get3A_340 : i32 to index
      %get3A_342 = arith.constant 80 : index
      %get3A_343 = tpu.vector_load %run_scoped3A_9[%get3A_341, %get3A_342] {strides = array<i32>} : memref<16x128xf32, #tpu.memory_space<vmem>>, vector<16xf32>,
      %div3A_344 = arith.constant 1.000000e+00 : f32
      %div3A_345 = vector.broadcast %div3A_344 : f32 to vector<16xf32>
      %div3A_346 = arith.divf %div3A_345, %get3A_343 : vector<16xf32>
      %swap3A_347 = arith.constant 3 : i32
      %swap3A_348 = arith.index_cast %swap3A_347 : i32 to index
      %swap3A_349 = arith.constant 80 : index
      %swap3A_350 = tpu.vector_load %run_scoped3A_9[%swap3A_348, %swap3A_349] {strides = array<i32>} : memref<16x128xf32, #tpu.memory_space<vmem>>, vector<16xf32>,
      tpu.vector_store %run_scoped3A_9[%swap3A_348, %swap3A_349], %div3A_346 {strides = array<i32>} : memref<16x128xf32, #tpu.memory_space<vmem>>, vector<16xf32>,
      %get3A_351 = arith.constant 3 : i32
      %get3A_352 = arith.index_cast %get3A_351 : i32 to index
      %get3A_353 = arith.constant 96 : index
      %get3A_354 = tpu.vector_load %run_scoped3A_9[%get3A_352, %get3A_353] {strides = array<i32>} : memref<16x128xf32, #tpu.memory_space<vmem>>, vector<16xf32>,
      %div3A_355 = arith.constant 1.000000e+00 : f32
      %div3A_356 = vector.broadcast %div3A_355 : f32 to vector<16xf32>
      %div3A_357 = arith.divf %div3A_356, %get3A_354 : vector<16xf32>
      %swap3A_358 = arith.constant 3 : i32
      %swap3A_359 = arith.index_cast %swap3A_358 : i32 to index
      %swap3A_360 = arith.constant 96 : index
      %swap3A_361 = tpu.vector_load %run_scoped3A_9[%swap3A_359, %swap3A_360] {strides = array<i32>} : memref<16x128xf32, #tpu.memory_space<vmem>>, vector<16xf32>,
      tpu.vector_store %run_scoped3A_9[%swap3A_359, %swap3A_360], %div3A_357 {strides = array<i32>} : memref<16x128xf32, #tpu.memory_space<vmem>>, vector<16xf32>,
      %get3A_362 = arith.constant 3 : i32
      %get3A_363 = arith.index_cast %get3A_362 : i32 to index
      %get3A_364 = arith.constant 112 : index
      %get3A_365 = tpu.vector_load %run_scoped3A_9[%get3A_363, %get3A_364] {strides = array<i32>} : memref<16x128xf32, #tpu.memory_space<vmem>>, vector<16xf32>,
      %div3A_366 = arith.constant 1.000000e+00 : f32
      %div3A_367 = vector.broadcast %div3A_366 : f32 to vector<16xf32>
      %div3A_368 = arith.divf %div3A_367, %get3A_365 : vector<16xf32>
      %swap3A_369 = arith.constant 3 : i32
      %swap3A_370 = arith.index_cast %swap3A_369 : i32 to index
      %swap3A_371 = arith.constant 112 : index
      %swap3A_372 = tpu.vector_load %run_scoped3A_9[%swap3A_370, %swap3A_371] {strides = array<i32>} : memref<16x128xf32, #tpu.memory_space<vmem>>, vector<16xf32>,
      tpu.vector_store %run_scoped3A_9[%swap3A_370, %swap3A_371], %div3A_368 {strides = array<i32>} : memref<16x128xf32, #tpu.memory_space<vmem>>, vector<16xf32>,
      %get3A_373 = arith.constant 4 : i32
      %get3A_374 = arith.index_cast %get3A_373 : i32 to index
      %get3A_375 = arith.constant 0 : index
      %get3A_376 = tpu.vector_load %run_scoped3A_9[%get3A_374, %get3A_375] {strides = array<i32>} : memref<16x128xf32, #tpu.memory_space<vmem>>, vector<16xf32>,
      %div3A_377 = arith.constant 1.000000e+00 : f32
      %div3A_378 = vector.broadcast %div3A_377 : f32 to vector<16xf32>
      %div3A_379 = arith.divf %div3A_378, %get3A_376 : vector<16xf32>
      %swap3A_380 = arith.constant 4 : i32
      %swap3A_381 = arith.index_cast %swap3A_380 : i32 to index
      %swap3A_382 = arith.constant 0 : index
      %swap3A_383 = tpu.vector_load %run_scoped3A_9[%swap3A_381, %swap3A_382] {strides = array<i32>} : memref<16x128xf32, #tpu.memory_space<vmem>>, vector<16xf32>,
      tpu.vector_store %run_scoped3A_9[%swap3A_381, %swap3A_382], %div3A_379 {strides = array<i32>} : memref<16x128xf32, #tpu.memory_space<vmem>>, vector<16xf32>,
      %get3A_384 = arith.constant 4 : i32
      %get3A_385 = arith.index_cast %get3A_384 : i32 to index
      %get3A_386 = arith.constant 16 : index
      %get3A_387 = tpu.vector_load %run_scoped3A_9[%get3A_385, %get3A_386] {strides = array<i32>} : memref<16x128xf32, #tpu.memory_space<vmem>>, vector<16xf32>,
      %div3A_388 = arith.constant 1.000000e+00 : f32
      %div3A_389 = vector.broadcast %div3A_388 : f32 to vector<16xf32>
      %div3A_390 = arith.divf %div3A_389, %get3A_387 : vector<16xf32>
      %swap3A_391 = arith.constant 4 : i32
      %swap3A_392 = arith.index_cast %swap3A_391 : i32 to index
      %swap3A_393 = arith.constant 16 : index
      %swap3A_394 = tpu.vector_load %run_scoped3A_9[%swap3A_392, %swap3A_393] {strides = array<i32>} : memref<16x128xf32, #tpu.memory_space<vmem>>, vector<16xf32>,
      tpu.vector_store %run_scoped3A_9[%swap3A_392, %swap3A_393], %div3A_390 {strides = array<i32>} : memref<16x128xf32, #tpu.memory_space<vmem>>, vector<16xf32>,
      %get3A_395 = arith.constant 4 : i32
      %get3A_396 = arith.index_cast %get3A_395 : i32 to index
      %get3A_397 = arith.constant 32 : index
      %get3A_398 = tpu.vector_load %run_scoped3A_9[%get3A_396, %get3A_397] {strides = array<i32>} : memref<16x128xf32, #tpu.memory_space<vmem>>, vector<16xf32>,
      %div3A_399 = arith.constant 1.000000e+00 : f32
      %div3A_400 = vector.broadcast %div3A_399 : f32 to vector<16xf32>
      %div3A_401 = arith.divf %div3A_400, %get3A_398 : vector<16xf32>
      %swap3A_402 = arith.constant 4 : i32
      %swap3A_403 = arith.index_cast %swap3A_402 : i32 to index
      %swap3A_404 = arith.constant 32 : index
      %swap3A_405 = tpu.vector_load %run_scoped3A_9[%swap3A_403, %swap3A_404] {strides = array<i32>} : memref<16x128xf32, #tpu.memory_space<vmem>>, vector<16xf32>,
      tpu.vector_store %run_scoped3A_9[%swap3A_403, %swap3A_404], %div3A_401 {strides = array<i32>} : memref<16x128xf32, #tpu.memory_space<vmem>>, vector<16xf32>,
      %get3A_406 = arith.constant 4 : i32
      %get3A_407 = arith.index_cast %get3A_406 : i32 to index
      %get3A_408 = arith.constant 48 : index
      %get3A_409 = tpu.vector_load %run_scoped3A_9[%get3A_407, %get3A_408] {strides = array<i32>} : memref<16x128xf32, #tpu.memory_space<vmem>>, vector<16xf32>,
      %div3A_410 = arith.constant 1.000000e+00 : f32
      %div3A_411 = vector.broadcast %div3A_410 : f32 to vector<16xf32>
      %div3A_412 = arith.divf %div3A_411, %get3A_409 : vector<16xf32>
      %swap3A_413 = arith.constant 4 : i32
      %swap3A_414 = arith.index_cast %swap3A_413 : i32 to index
      %swap3A_415 = arith.constant 48 : index
      %swap3A_416 = tpu.vector_load %run_scoped3A_9[%swap3A_414, %swap3A_415] {strides = array<i32>} : memref<16x128xf32, #tpu.memory_space<vmem>>, vector<16xf32>,
      tpu.vector_store %run_scoped3A_9[%swap3A_414, %swap3A_415], %div3A_412 {strides = array<i32>} : memref<16x128xf32, #tpu.memory_space<vmem>>, vector<16xf32>,
      %get3A_417 = arith.constant 4 : i32
      %get3A_418 = arith.index_cast %get3A_417 : i32 to index
      %get3A_419 = arith.constant 64 : index
      %get3A_420 = tpu.vector_load %run_scoped3A_9[%get3A_418, %get3A_419] {strides = array<i32>} : memref<16x128xf32, #tpu.memory_space<vmem>>, vector<16xf32>,
      %div3A_421 = arith.constant 1.000000e+00 : f32
      %div3A_422 = vector.broadcast %div3A_421 : f32 to vector<16xf32>
      %div3A_423 = arith.divf %div3A_422, %get3A_420 : vector<16xf32>
      %swap3A_424 = arith.constant 4 : i32
      %swap3A_425 = arith.index_cast %swap3A_424 : i32 to index
      %swap3A_426 = arith.constant 64 : index
      %swap3A_427 = tpu.vector_load %run_scoped3A_9[%swap3A_425, %swap3A_426] {strides = array<i32>} : memref<16x128xf32, #tpu.memory_space<vmem>>, vector<16xf32>,
      tpu.vector_store %run_scoped3A_9[%swap3A_425, %swap3A_426], %div3A_423 {strides = array<i32>} : memref<16x128xf32, #tpu.memory_space<vmem>>, vector<16xf32>,
      %get3A_428 = arith.constant 4 : i32
      %get3A_429 = arith.index_cast %get3A_428 : i32 to index
      %get3A_430 = arith.constant 80 : index
      %get3A_431 = tpu.vector_load %run_scoped3A_9[%get3A_429, %get3A_430] {strides = array<i32>} : memref<16x128xf32, #tpu.memory_space<vmem>>, vector<16xf32>,
      %div3A_432 = arith.constant 1.000000e+00 : f32
      %div3A_433 = vector.broadcast %div3A_432 : f32 to vector<16xf32>
      %div3A_434 = arith.divf %div3A_433, %get3A_431 : vector<16xf32>
      %swap3A_435 = arith.constant 4 : i32
      %swap3A_436 = arith.index_cast %swap3A_435 : i32 to index
      %swap3A_437 = arith.constant 80 : index
      %swap3A_438 = tpu.vector_load %run_scoped3A_9[%swap3A_436, %swap3A_437] {strides = array<i32>} : memref<16x128xf32, #tpu.memory_space<vmem>>, vector<16xf32>,
      tpu.vector_store %run_scoped3A_9[%swap3A_436, %swap3A_437], %div3A_434 {strides = array<i32>} : memref<16x128xf32, #tpu.memory_space<vmem>>, vector<16xf32>,
      %get3A_439 = arith.constant 4 : i32
      %get3A_440 = arith.index_cast %get3A_439 : i32 to index
      %get3A_441 = arith.constant 96 : index
      %get3A_442 = tpu.vector_load %run_scoped3A_9[%get3A_440, %get3A_441] {strides = array<i32>} : memref<16x128xf32, #tpu.memory_space<vmem>>, vector<16xf32>,
      %div3A_443 = arith.constant 1.000000e+00 : f32
      %div3A_444 = vector.broadcast %div3A_443 : f32 to vector<16xf32>
      %div3A_445 = arith.divf %div3A_444, %get3A_442 : vector<16xf32>
      %swap3A_446 = arith.constant 4 : i32
      %swap3A_447 = arith.index_cast %swap3A_446 : i32 to index
      %swap3A_448 = arith.constant 96 : index
      %swap3A_449 = tpu.vector_load %run_scoped3A_9[%swap3A_447, %swap3A_448] {strides = array<i32>} : memref<16x128xf32, #tpu.memory_space<vmem>>, vector<16xf32>,
      tpu.vector_store %run_scoped3A_9[%swap3A_447, %swap3A_448], %div3A_445 {strides = array<i32>} : memref<16x128xf32, #tpu.memory_space<vmem>>, vector<16xf32>,
      %get3A_450 = arith.constant 4 : i32
      %get3A_451 = arith.index_cast %get3A_450 : i32 to index
      %get3A_452 = arith.constant 112 : index
      %get3A_453 = tpu.vector_load %run_scoped3A_9[%get3A_451, %get3A_452] {strides = array<i32>} : memref<16x128xf32, #tpu.memory_space<vmem>>, vector<16xf32>,
      %div3A_454 = arith.constant 1.000000e+00 : f32
      %div3A_455 = vector.broadcast %div3A_454 : f32 to vector<16xf32>
      %div3A_456 = arith.divf %div3A_455, %get3A_453 : vector<16xf32>
      %swap3A_457 = arith.constant 4 : i32
      %swap3A_458 = arith.index_cast %swap3A_457 : i32 to index
      %swap3A_459 = arith.constant 112 : index
      %swap3A_460 = tpu.vector_load %run_scoped3A_9[%swap3A_458, %swap3A_459] {strides = array<i32>} : memref<16x128xf32, #tpu.memory_space<vmem>>, vector<16xf32>,
      tpu.vector_store %run_scoped3A_9[%swap3A_458, %swap3A_459], %div3A_456 {strides = array<i32>} : memref<16x128xf32, #tpu.memory_space<vmem>>, vector<16xf32>,
      %get3A_461 = arith.constant 5 : i32
      %get3A_462 = arith.index_cast %get3A_461 : i32 to index
      %get3A_463 = arith.constant 0 : index
      %get3A_464 = tpu.vector_load %run_scoped3A_9[%get3A_462, %get3A_463] {strides = array<i32>} : memref<16x128xf32, #tpu.memory_space<vmem>>, vector<16xf32>,
      %div3A_465 = arith.constant 1.000000e+00 : f32
      %div3A_466 = vector.broadcast %div3A_465 : f32 to vector<16xf32>
      %div3A_467 = arith.divf %div3A_466, %get3A_464 : vector<16xf32>
      %swap3A_468 = arith.constant 5 : i32
      %swap3A_469 = arith.index_cast %swap3A_468 : i32 to index
      %swap3A_470 = arith.constant 0 : index
      %swap3A_471 = tpu.vector_load %run_scoped3A_9[%swap3A_469, %swap3A_470] {strides = array<i32>} : memref<16x128xf32, #tpu.memory_space<vmem>>, vector<16xf32>,
      tpu.vector_store %run_scoped3A_9[%swap3A_469, %swap3A_470], %div3A_467 {strides = array<i32>} : memref<16x128xf32, #tpu.memory_space<vmem>>, vector<16xf32>,
      %get3A_472 = arith.constant 5 : i32
      %get3A_473 = arith.index_cast %get3A_472 : i32 to index
      %get3A_474 = arith.constant 16 : index
      %get3A_475 = tpu.vector_load %run_scoped3A_9[%get3A_473, %get3A_474] {strides = array<i32>} : memref<16x128xf32, #tpu.memory_space<vmem>>, vector<16xf32>,
      %div3A_476 = arith.constant 1.000000e+00 : f32
      %div3A_477 = vector.broadcast %div3A_476 : f32 to vector<16xf32>
      %div3A_478 = arith.divf %div3A_477, %get3A_475 : vector<16xf32>
      %swap3A_479 = arith.constant 5 : i32
      %swap3A_480 = arith.index_cast %swap3A_479 : i32 to index
      %swap3A_481 = arith.constant 16 : index
      %swap3A_482 = tpu.vector_load %run_scoped3A_9[%swap3A_480, %swap3A_481] {strides = array<i32>} : memref<16x128xf32, #tpu.memory_space<vmem>>, vector<16xf32>,
      tpu.vector_store %run_scoped3A_9[%swap3A_480, %swap3A_481], %div3A_478 {strides = array<i32>} : memref<16x128xf32, #tpu.memory_space<vmem>>, vector<16xf32>,
      %get3A_483 = arith.constant 5 : i32
      %get3A_484 = arith.index_cast %get3A_483 : i32 to index
      %get3A_485 = arith.constant 32 : index
      %get3A_486 = tpu.vector_load %run_scoped3A_9[%get3A_484, %get3A_485] {strides = array<i32>} : memref<16x128xf32, #tpu.memory_space<vmem>>, vector<16xf32>,
      %div3A_487 = arith.constant 1.000000e+00 : f32
      %div3A_488 = vector.broadcast %div3A_487 : f32 to vector<16xf32>
      %div3A_489 = arith.divf %div3A_488, %get3A_486 : vector<16xf32>
      %swap3A_490 = arith.constant 5 : i32
      %swap3A_491 = arith.index_cast %swap3A_490 : i32 to index
      %swap3A_492 = arith.constant 32 : index
      %swap3A_493 = tpu.vector_load %run_scoped3A_9[%swap3A_491, %swap3A_492] {strides = array<i32>} : memref<16x128xf32, #tpu.memory_space<vmem>>, vector<16xf32>,
      tpu.vector_store %run_scoped3A_9[%swap3A_491, %swap3A_492], %div3A_489 {strides = array<i32>} : memref<16x128xf32, #tpu.memory_space<vmem>>, vector<16xf32>,
      %get3A_494 = arith.constant 5 : i32
      %get3A_495 = arith.index_cast %get3A_494 : i32 to index
      %get3A_496 = arith.constant 48 : index
      %get3A_497 = tpu.vector_load %run_scoped3A_9[%get3A_495, %get3A_496] {strides = array<i32>} : memref<16x128xf32, #tpu.memory_space<vmem>>, vector<16xf32>,
      %div3A_498 = arith.constant 1.000000e+00 : f32
      %div3A_499 = vector.broadcast %div3A_498 : f32 to vector<16xf32>
      %div3A_500 = arith.divf %div3A_499, %get3A_497 : vector<16xf32>
      %swap3A_501 = arith.constant 5 : i32
      %swap3A_502 = arith.index_cast %swap3A_501 : i32 to index
      %swap3A_503 = arith.constant 48 : index
      %swap3A_504 = tpu.vector_load %run_scoped3A_9[%swap3A_502, %swap3A_503] {strides = array<i32>} : memref<16x128xf32, #tpu.memory_space<vmem>>, vector<16xf32>,
      tpu.vector_store %run_scoped3A_9[%swap3A_502, %swap3A_503], %div3A_500 {strides = array<i32>} : memref<16x128xf32, #tpu.memory_space<vmem>>, vector<16xf32>,
      %get3A_505 = arith.constant 5 : i32
      %get3A_506 = arith.index_cast %get3A_505 : i32 to index
      %get3A_507 = arith.constant 64 : index
      %get3A_508 = tpu.vector_load %run_scoped3A_9[%get3A_506, %get3A_507] {strides = array<i32>} : memref<16x128xf32, #tpu.memory_space<vmem>>, vector<16xf32>,
      %div3A_509 = arith.constant 1.000000e+00 : f32
      %div3A_510 = vector.broadcast %div3A_509 : f32 to vector<16xf32>
      %div3A_511 = arith.divf %div3A_510, %get3A_508 : vector<16xf32>
      %swap3A_512 = arith.constant 5 : i32
      %swap3A_513 = arith.index_cast %swap3A_512 : i32 to index
      %swap3A_514 = arith.constant 64 : index
      %swap3A_515 = tpu.vector_load %run_scoped3A_9[%swap3A_513, %swap3A_514] {strides = array<i32>} : memref<16x128xf32, #tpu.memory_space<vmem>>, vector<16xf32>,
      tpu.vector_store %run_scoped3A_9[%swap3A_513, %swap3A_514], %div3A_511 {strides = array<i32>} : memref<16x128xf32, #tpu.memory_space<vmem>>, vector<16xf32>,
      %get3A_516 = arith.constant 5 : i32
      %get3A_517 = arith.index_cast %get3A_516 : i32 to index
      %get3A_518 = arith.constant 80 : index
      %get3A_519 = tpu.vector_load %run_scoped3A_9[%get3A_517, %get3A_518] {strides = array<i32>} : memref<16x128xf32, #tpu.memory_space<vmem>>, vector<16xf32>,
      %div3A_520 = arith.constant 1.000000e+00 : f32
      %div3A_521 = vector.broadcast %div3A_520 : f32 to vector<16xf32>
      %div3A_522 = arith.divf %div3A_521, %get3A_519 : vector<16xf32>
      %swap3A_523 = arith.constant 5 : i32
      %swap3A_524 = arith.index_cast %swap3A_523 : i32 to index
      %swap3A_525 = arith.constant 80 : index
      %swap3A_526 = tpu.vector_load %run_scoped3A_9[%swap3A_524, %swap3A_525] {strides = array<i32>} : memref<16x128xf32, #tpu.memory_space<vmem>>, vector<16xf32>,
      tpu.vector_store %run_scoped3A_9[%swap3A_524, %swap3A_525], %div3A_522 {strides = array<i32>} : memref<16x128xf32, #tpu.memory_space<vmem>>, vector<16xf32>,
      %get3A_527 = arith.constant 5 : i32
      %get3A_528 = arith.index_cast %get3A_527 : i32 to index
      %get3A_529 = arith.constant 96 : index
      %get3A_530 = tpu.vector_load %run_scoped3A_9[%get3A_528, %get3A_529] {strides = array<i32>} : memref<16x128xf32, #tpu.memory_space<vmem>>, vector<16xf32>,
      %div3A_531 = arith.constant 1.000000e+00 : f32
      %div3A_532 = vector.broadcast %div3A_531 : f32 to vector<16xf32>
      %div3A_533 = arith.divf %div3A_532, %get3A_530 : vector<16xf32>
      %swap3A_534 = arith.constant 5 : i32
      %swap3A_535 = arith.index_cast %swap3A_534 : i32 to index
      %swap3A_536 = arith.constant 96 : index
      %swap3A_537 = tpu.vector_load %run_scoped3A_9[%swap3A_535, %swap3A_536] {strides = array<i32>} : memref<16x128xf32, #tpu.memory_space<vmem>>, vector<16xf32>,
      tpu.vector_store %run_scoped3A_9[%swap3A_535, %swap3A_536], %div3A_533 {strides = array<i32>} : memref<16x128xf32, #tpu.memory_space<vmem>>, vector<16xf32>,
      %get3A_538 = arith.constant 5 : i32
      %get3A_539 = arith.index_cast %get3A_538 : i32 to index
      %get3A_540 = arith.constant 112 : index
      %get3A_541 = tpu.vector_load %run_scoped3A_9[%get3A_539, %get3A_540] {strides = array<i32>} : memref<16x128xf32, #tpu.memory_space<vmem>>, vector<16xf32>,
      %div3A_542 = arith.constant 1.000000e+00 : f32
      %div3A_543 = vector.broadcast %div3A_542 : f32 to vector<16xf32>
      %div3A_544 = arith.divf %div3A_543, %get3A_541 : vector<16xf32>
      %swap3A_545 = arith.constant 5 : i32
      %swap3A_546 = arith.index_cast %swap3A_545 : i32 to index
      %swap3A_547 = arith.constant 112 : index
      %swap3A_548 = tpu.vector_load %run_scoped3A_9[%swap3A_546, %swap3A_547] {strides = array<i32>} : memref<16x128xf32, #tpu.memory_space<vmem>>, vector<16xf32>,
      tpu.vector_store %run_scoped3A_9[%swap3A_546, %swap3A_547], %div3A_544 {strides = array<i32>} : memref<16x128xf32, #tpu.memory_space<vmem>>, vector<16xf32>,
      %get3A_549 = arith.constant 6 : i32
      %get3A_550 = arith.index_cast %get3A_549 : i32 to index
      %get3A_551 = arith.constant 0 : index
      %get3A_552 = tpu.vector_load %run_scoped3A_9[%get3A_550, %get3A_551] {strides = array<i32>} : memref<16x128xf32, #tpu.memory_space<vmem>>, vector<16xf32>,
      %div3A_553 = arith.constant 1.000000e+00 : f32
      %div3A_554 = vector.broadcast %div3A_553 : f32 to vector<16xf32>
      %div3A_555 = arith.divf %div3A_554, %get3A_552 : vector<16xf32>
      %swap3A_556 = arith.constant 6 : i32
      %swap3A_557 = arith.index_cast %swap3A_556 : i32 to index
      %swap3A_558 = arith.constant 0 : index
      %swap3A_559 = tpu.vector_load %run_scoped3A_9[%swap3A_557, %swap3A_558] {strides = array<i32>} : memref<16x128xf32, #tpu.memory_space<vmem>>, vector<16xf32>,
      tpu.vector_store %run_scoped3A_9[%swap3A_557, %swap3A_558], %div3A_555 {strides = array<i32>} : memref<16x128xf32, #tpu.memory_space<vmem>>, vector<16xf32>,
      %get3A_560 = arith.constant 6 : i32
      %get3A_561 = arith.index_cast %get3A_560 : i32 to index
      %get3A_562 = arith.constant 16 : index
      %get3A_563 = tpu.vector_load %run_scoped3A_9[%get3A_561, %get3A_562] {strides = array<i32>} : memref<16x128xf32, #tpu.memory_space<vmem>>, vector<16xf32>,
      %div3A_564 = arith.constant 1.000000e+00 : f32
      %div3A_565 = vector.broadcast %div3A_564 : f32 to vector<16xf32>
      %div3A_566 = arith.divf %div3A_565, %get3A_563 : vector<16xf32>
      %swap3A_567 = arith.constant 6 : i32
      %swap3A_568 = arith.index_cast %swap3A_567 : i32 to index
      %swap3A_569 = arith.constant 16 : index
      %swap3A_570 = tpu.vector_load %run_scoped3A_9[%swap3A_568, %swap3A_569] {strides = array<i32>} : memref<16x128xf32, #tpu.memory_space<vmem>>, vector<16xf32>,
      tpu.vector_store %run_scoped3A_9[%swap3A_568, %swap3A_569], %div3A_566 {strides = array<i32>} : memref<16x128xf32, #tpu.memory_space<vmem>>, vector<16xf32>,
      %get3A_571 = arith.constant 6 : i32
      %get3A_572 = arith.index_cast %get3A_571 : i32 to index
      %get3A_573 = arith.constant 32 : index
      %get3A_574 = tpu.vector_load %run_scoped3A_9[%get3A_572, %get3A_573] {strides = array<i32>} : memref<16x128xf32, #tpu.memory_space<vmem>>, vector<16xf32>,
      %div3A_575 = arith.constant 1.000000e+00 : f32
      %div3A_576 = vector.broadcast %div3A_575 : f32 to vector<16xf32>
      %div3A_577 = arith.divf %div3A_576, %get3A_574 : vector<16xf32>
      %swap3A_578 = arith.constant 6 : i32
      %swap3A_579 = arith.index_cast %swap3A_578 : i32 to index
      %swap3A_580 = arith.constant 32 : index
      %swap3A_581 = tpu.vector_load %run_scoped3A_9[%swap3A_579, %swap3A_580] {strides = array<i32>} : memref<16x128xf32, #tpu.memory_space<vmem>>, vector<16xf32>,
      tpu.vector_store %run_scoped3A_9[%swap3A_579, %swap3A_580], %div3A_577 {strides = array<i32>} : memref<16x128xf32, #tpu.memory_space<vmem>>, vector<16xf32>,
      %get3A_582 = arith.constant 6 : i32
      %get3A_583 = arith.index_cast %get3A_582 : i32 to index
      %get3A_584 = arith.constant 48 : index
      %get3A_585 = tpu.vector_load %run_scoped3A_9[%get3A_583, %get3A_584] {strides = array<i32>} : memref<16x128xf32, #tpu.memory_space<vmem>>, vector<16xf32>,
      %div3A_586 = arith.constant 1.000000e+00 : f32
      %div3A_587 = vector.broadcast %div3A_586 : f32 to vector<16xf32>
      %div3A_588 = arith.divf %div3A_587, %get3A_585 : vector<16xf32>
      %swap3A_589 = arith.constant 6 : i32
      %swap3A_590 = arith.index_cast %swap3A_589 : i32 to index
      %swap3A_591 = arith.constant 48 : index
      %swap3A_592 = tpu.vector_load %run_scoped3A_9[%swap3A_590, %swap3A_591] {strides = array<i32>} : memref<16x128xf32, #tpu.memory_space<vmem>>, vector<16xf32>,
      tpu.vector_store %run_scoped3A_9[%swap3A_590, %swap3A_591], %div3A_588 {strides = array<i32>} : memref<16x128xf32, #tpu.memory_space<vmem>>, vector<16xf32>,
      %get3A_593 = arith.constant 6 : i32
      %get3A_594 = arith.index_cast %get3A_593 : i32 to index
      %get3A_595 = arith.constant 64 : index
      %get3A_596 = tpu.vector_load %run_scoped3A_9[%get3A_594, %get3A_595] {strides = array<i32>} : memref<16x128xf32, #tpu.memory_space<vmem>>, vector<16xf32>,
      %div3A_597 = arith.constant 1.000000e+00 : f32
      %div3A_598 = vector.broadcast %div3A_597 : f32 to vector<16xf32>
      %div3A_599 = arith.divf %div3A_598, %get3A_596 : vector<16xf32>
      %swap3A_600 = arith.constant 6 : i32
      %swap3A_601 = arith.index_cast %swap3A_600 : i32 to index
      %swap3A_602 = arith.constant 64 : index
      %swap3A_603 = tpu.vector_load %run_scoped3A_9[%swap3A_601, %swap3A_602] {strides = array<i32>} : memref<16x128xf32, #tpu.memory_space<vmem>>, vector<16xf32>,
      tpu.vector_store %run_scoped3A_9[%swap3A_601, %swap3A_602], %div3A_599 {strides = array<i32>} : memref<16x128xf32, #tpu.memory_space<vmem>>, vector<16xf32>,
      %get3A_604 = arith.constant 6 : i32
      %get3A_605 = arith.index_cast %get3A_604 : i32 to index
      %get3A_606 = arith.constant 80 : index
      %get3A_607 = tpu.vector_load %run_scoped3A_9[%get3A_605, %get3A_606] {strides = array<i32>} : memref<16x128xf32, #tpu.memory_space<vmem>>, vector<16xf32>,
      %div3A_608 = arith.constant 1.000000e+00 : f32
      %div3A_609 = vector.broadcast %div3A_608 : f32 to vector<16xf32>
      %div3A_610 = arith.divf %div3A_609, %get3A_607 : vector<16xf32>
      %swap3A_611 = arith.constant 6 : i32
      %swap3A_612 = arith.index_cast %swap3A_611 : i32 to index
      %swap3A_613 = arith.constant 80 : index
      %swap3A_614 = tpu.vector_load %run_scoped3A_9[%swap3A_612, %swap3A_613] {strides = array<i32>} : memref<16x128xf32, #tpu.memory_space<vmem>>, vector<16xf32>,
      tpu.vector_store %run_scoped3A_9[%swap3A_612, %swap3A_613], %div3A_610 {strides = array<i32>} : memref<16x128xf32, #tpu.memory_space<vmem>>, vector<16xf32>,
      %get3A_615 = arith.constant 6 : i32
      %get3A_616 = arith.index_cast %get3A_615 : i32 to index
      %get3A_617 = arith.constant 96 : index
      %get3A_618 = tpu.vector_load %run_scoped3A_9[%get3A_616, %get3A_617] {strides = array<i32>} : memref<16x128xf32, #tpu.memory_space<vmem>>, vector<16xf32>,
      %div3A_619 = arith.constant 1.000000e+00 : f32
      %div3A_620 = vector.broadcast %div3A_619 : f32 to vector<16xf32>
      %div3A_621 = arith.divf %div3A_620, %get3A_618 : vector<16xf32>
      %swap3A_622 = arith.constant 6 : i32
      %swap3A_623 = arith.index_cast %swap3A_622 : i32 to index
      %swap3A_624 = arith.constant 96 : index
      %swap3A_625 = tpu.vector_load %run_scoped3A_9[%swap3A_623, %swap3A_624] {strides = array<i32>} : memref<16x128xf32, #tpu.memory_space<vmem>>, vector<16xf32>,
      tpu.vector_store %run_scoped3A_9[%swap3A_623, %swap3A_624], %div3A_621 {strides = array<i32>} : memref<16x128xf32, #tpu.memory_space<vmem>>, vector<16xf32>,
      %get3A_626 = arith.constant 6 : i32
      %get3A_627 = arith.index_cast %get3A_626 : i32 to index
      %get3A_628 = arith.constant 112 : index
      %get3A_629 = tpu.vector_load %run_scoped3A_9[%get3A_627, %get3A_628] {strides = array<i32>} : memref<16x128xf32, #tpu.memory_space<vmem>>, vector<16xf32>,
      %div3A_630 = arith.constant 1.000000e+00 : f32
      %div3A_631 = vector.broadcast %div3A_630 : f32 to vector<16xf32>
      %div3A_632 = arith.divf %div3A_631, %get3A_629 : vector<16xf32>
      %swap3A_633 = arith.constant 6 : i32
      %swap3A_634 = arith.index_cast %swap3A_633 : i32 to index
      %swap3A_635 = arith.constant 112 : index
      %swap3A_636 = tpu.vector_load %run_scoped3A_9[%swap3A_634, %swap3A_635] {strides = array<i32>} : memref<16x128xf32, #tpu.memory_space<vmem>>, vector<16xf32>,
      tpu.vector_store %run_scoped3A_9[%swap3A_634, %swap3A_635], %div3A_632 {strides = array<i32>} : memref<16x128xf32, #tpu.memory_space<vmem>>, vector<16xf32>,
      %get3A_637 = arith.constant 7 : i32
      %get3A_638 = arith.index_cast %get3A_637 : i32 to index
      %get3A_639 = arith.constant 0 : index
      %get3A_640 = tpu.vector_load %run_scoped3A_9[%get3A_638, %get3A_639] {strides = array<i32>} : memref<16x128xf32, #tpu.memory_space<vmem>>, vector<16xf32>,
      %div3A_641 = arith.constant 1.000000e+00 : f32
      %div3A_642 = vector.broadcast %div3A_641 : f32 to vector<16xf32>
      %div3A_643 = arith.divf %div3A_642, %get3A_640 : vector<16xf32>
      %swap3A_644 = arith.constant 7 : i32
      %swap3A_645 = arith.index_cast %swap3A_644 : i32 to index
      %swap3A_646 = arith.constant 0 : index
      %swap3A_647 = tpu.vector_load %run_scoped3A_9[%swap3A_645, %swap3A_646] {strides = array<i32>} : memref<16x128xf32, #tpu.memory_space<vmem>>, vector<16xf32>,
      tpu.vector_store %run_scoped3A_9[%swap3A_645, %swap3A_646], %div3A_643 {strides = array<i32>} : memref<16x128xf32, #tpu.memory_space<vmem>>, vector<16xf32>,
      %get3A_648 = arith.constant 7 : i32
      %get3A_649 = arith.index_cast %get3A_648 : i32 to index
      %get3A_650 = arith.constant 16 : index
      %get3A_651 = tpu.vector_load %run_scoped3A_9[%get3A_649, %get3A_650] {strides = array<i32>} : memref<16x128xf32, #tpu.memory_space<vmem>>, vector<16xf32>,
      %div3A_652 = arith.constant 1.000000e+00 : f32
      %div3A_653 = vector.broadcast %div3A_652 : f32 to vector<16xf32>
      %div3A_654 = arith.divf %div3A_653, %get3A_651 : vector<16xf32>
      %swap3A_655 = arith.constant 7 : i32
      %swap3A_656 = arith.index_cast %swap3A_655 : i32 to index
      %swap3A_657 = arith.constant 16 : index
      %swap3A_658 = tpu.vector_load %run_scoped3A_9[%swap3A_656, %swap3A_657] {strides = array<i32>} : memref<16x128xf32, #tpu.memory_space<vmem>>, vector<16xf32>,
      tpu.vector_store %run_scoped3A_9[%swap3A_656, %swap3A_657], %div3A_654 {strides = array<i32>} : memref<16x128xf32, #tpu.memory_space<vmem>>, vector<16xf32>,
      %get3A_659 = arith.constant 7 : i32
      %get3A_660 = arith.index_cast %get3A_659 : i32 to index
      %get3A_661 = arith.constant 32 : index
      %get3A_662 = tpu.vector_load %run_scoped3A_9[%get3A_660, %get3A_661] {strides = array<i32>} : memref<16x128xf32, #tpu.memory_space<vmem>>, vector<16xf32>,
      %div3A_663 = arith.constant 1.000000e+00 : f32
      %div3A_664 = vector.broadcast %div3A_663 : f32 to vector<16xf32>
      %div3A_665 = arith.divf %div3A_664, %get3A_662 : vector<16xf32>
      %swap3A_666 = arith.constant 7 : i32
      %swap3A_667 = arith.index_cast %swap3A_666 : i32 to index
      %swap3A_668 = arith.constant 32 : index
      %swap3A_669 = tpu.vector_load %run_scoped3A_9[%swap3A_667, %swap3A_668] {strides = array<i32>} : memref<16x128xf32, #tpu.memory_space<vmem>>, vector<16xf32>,
      tpu.vector_store %run_scoped3A_9[%swap3A_667, %swap3A_668], %div3A_665 {strides = array<i32>} : memref<16x128xf32, #tpu.memory_space<vmem>>, vector<16xf32>,
      %get3A_670 = arith.constant 7 : i32
      %get3A_671 = arith.index_cast %get3A_670 : i32 to index
      %get3A_672 = arith.constant 48 : index
      %get3A_673 = tpu.vector_load %run_scoped3A_9[%get3A_671, %get3A_672] {strides = array<i32>} : memref<16x128xf32, #tpu.memory_space<vmem>>, vector<16xf32>,
      %div3A_674 = arith.constant 1.000000e+00 : f32
      %div3A_675 = vector.broadcast %div3A_674 : f32 to vector<16xf32>
      %div3A_676 = arith.divf %div3A_675, %get3A_673 : vector<16xf32>
      %swap3A_677 = arith.constant 7 : i32
      %swap3A_678 = arith.index_cast %swap3A_677 : i32 to index
      %swap3A_679 = arith.constant 48 : index
      %swap3A_680 = tpu.vector_load %run_scoped3A_9[%swap3A_678, %swap3A_679] {strides = array<i32>} : memref<16x128xf32, #tpu.memory_space<vmem>>, vector<16xf32>,
      tpu.vector_store %run_scoped3A_9[%swap3A_678, %swap3A_679], %div3A_676 {strides = array<i32>} : memref<16x128xf32, #tpu.memory_space<vmem>>, vector<16xf32>,
      %get3A_681 = arith.constant 7 : i32
      %get3A_682 = arith.index_cast %get3A_681 : i32 to index
      %get3A_683 = arith.constant 64 : index
      %get3A_684 = tpu.vector_load %run_scoped3A_9[%get3A_682, %get3A_683] {strides = array<i32>} : memref<16x128xf32, #tpu.memory_space<vmem>>, vector<16xf32>,
      %div3A_685 = arith.constant 1.000000e+00 : f32
      %div3A_686 = vector.broadcast %div3A_685 : f32 to vector<16xf32>
      %div3A_687 = arith.divf %div3A_686, %get3A_684 : vector<16xf32>
      %swap3A_688 = arith.constant 7 : i32
      %swap3A_689 = arith.index_cast %swap3A_688 : i32 to index
      %swap3A_690 = arith.constant 64 : index
      %swap3A_691 = tpu.vector_load %run_scoped3A_9[%swap3A_689, %swap3A_690] {strides = array<i32>} : memref<16x128xf32, #tpu.memory_space<vmem>>, vector<16xf32>,
      tpu.vector_store %run_scoped3A_9[%swap3A_689, %swap3A_690], %div3A_687 {strides = array<i32>} : memref<16x128xf32, #tpu.memory_space<vmem>>, vector<16xf32>,
      %get3A_692 = arith.constant 7 : i32
      %get3A_693 = arith.index_cast %get3A_692 : i32 to index
      %get3A_694 = arith.constant 80 : index
      %get3A_695 = tpu.vector_load %run_scoped3A_9[%get3A_693, %get3A_694] {strides = array<i32>} : memref<16x128xf32, #tpu.memory_space<vmem>>, vector<16xf32>,
      %div3A_696 = arith.constant 1.000000e+00 : f32
      %div3A_697 = vector.broadcast %div3A_696 : f32 to vector<16xf32>
      %div3A_698 = arith.divf %div3A_697, %get3A_695 : vector<16xf32>
      %swap3A_699 = arith.constant 7 : i32
      %swap3A_700 = arith.index_cast %swap3A_699 : i32 to index
      %swap3A_701 = arith.constant 80 : index
      %swap3A_702 = tpu.vector_load %run_scoped3A_9[%swap3A_700, %swap3A_701] {strides = array<i32>} : memref<16x128xf32, #tpu.memory_space<vmem>>, vector<16xf32>,
      tpu.vector_store %run_scoped3A_9[%swap3A_700, %swap3A_701], %div3A_698 {strides = array<i32>} : memref<16x128xf32, #tpu.memory_space<vmem>>, vector<16xf32>,
      %get3A_703 = arith.constant 7 : i32
      %get3A_704 = arith.index_cast %get3A_703 : i32 to index
      %get3A_705 = arith.constant 96 : index
      %get3A_706 = tpu.vector_load %run_scoped3A_9[%get3A_704, %get3A_705] {strides = array<i32>} : memref<16x128xf32, #tpu.memory_space<vmem>>, vector<16xf32>,
      %div3A_707 = arith.constant 1.000000e+00 : f32
      %div3A_708 = vector.broadcast %div3A_707 : f32 to vector<16xf32>
      %div3A_709 = arith.divf %div3A_708, %get3A_706 : vector<16xf32>
      %swap3A_710 = arith.constant 7 : i32
      %swap3A_711 = arith.index_cast %swap3A_710 : i32 to index
      %swap3A_712 = arith.constant 96 : index
      %swap3A_713 = tpu.vector_load %run_scoped3A_9[%swap3A_711, %swap3A_712] {strides = array<i32>} : memref<16x128xf32, #tpu.memory_space<vmem>>, vector<16xf32>,
      tpu.vector_store %run_scoped3A_9[%swap3A_711, %swap3A_712], %div3A_709 {strides = array<i32>} : memref<16x128xf32, #tpu.memory_space<vmem>>, vector<16xf32>,
      %get3A_714 = arith.constant 7 : i32
      %get3A_715 = arith.index_cast %get3A_714 : i32 to index
      %get3A_716 = arith.constant 112 : index
      %get3A_717 = tpu.vector_load %run_scoped3A_9[%get3A_715, %get3A_716] {strides = array<i32>} : memref<16x128xf32, #tpu.memory_space<vmem>>, vector<16xf32>,
      %div3A_718 = arith.constant 1.000000e+00 : f32
      %div3A_719 = vector.broadcast %div3A_718 : f32 to vector<16xf32>
      %div3A_720 = arith.divf %div3A_719, %get3A_717 : vector<16xf32>
      %swap3A_721 = arith.constant 7 : i32
      %swap3A_722 = arith.index_cast %swap3A_721 : i32 to index
      %swap3A_723 = arith.constant 112 : index
      %swap3A_724 = tpu.vector_load %run_scoped3A_9[%swap3A_722, %swap3A_723] {strides = array<i32>} : memref<16x128xf32, #tpu.memory_space<vmem>>, vector<16xf32>,
      tpu.vector_store %run_scoped3A_9[%swap3A_722, %swap3A_723], %div3A_720 {strides = array<i32>} : memref<16x128xf32, #tpu.memory_space<vmem>>, vector<16xf32>,
      %get3A_725 = arith.constant 8 : i32
      %get3A_726 = arith.index_cast %get3A_725 : i32 to index
      %get3A_727 = arith.constant 0 : index
      %get3A_728 = tpu.vector_load %run_scoped3A_9[%get3A_726, %get3A_727] {strides = array<i32>} : memref<16x128xf32, #tpu.memory_space<vmem>>, vector<16xf32>,
      %div3A_729 = arith.constant 1.000000e+00 : f32
      %div3A_730 = vector.broadcast %div3A_729 : f32 to vector<16xf32>
      %div3A_731 = arith.divf %div3A_730, %get3A_728 : vector<16xf32>
      %swap3A_732 = arith.constant 8 : i32
      %swap3A_733 = arith.index_cast %swap3A_732 : i32 to index
      %swap3A_734 = arith.constant 0 : index
      %swap3A_735 = tpu.vector_load %run_scoped3A_9[%swap3A_733, %swap3A_734] {strides = array<i32>} : memref<16x128xf32, #tpu.memory_space<vmem>>, vector<16xf32>,
      tpu.vector_store %run_scoped3A_9[%swap3A_733, %swap3A_734], %div3A_731 {strides = array<i32>} : memref<16x128xf32, #tpu.memory_space<vmem>>, vector<16xf32>,
      %get3A_736 = arith.constant 8 : i32
      %get3A_737 = arith.index_cast %get3A_736 : i32 to index
      %get3A_738 = arith.constant 16 : index
      %get3A_739 = tpu.vector_load %run_scoped3A_9[%get3A_737, %get3A_738] {strides = array<i32>} : memref<16x128xf32, #tpu.memory_space<vmem>>, vector<16xf32>,
      %div3A_740 = arith.constant 1.000000e+00 : f32
      %div3A_741 = vector.broadcast %div3A_740 : f32 to vector<16xf32>
      %div3A_742 = arith.divf %div3A_741, %get3A_739 : vector<16xf32>
      %swap3A_743 = arith.constant 8 : i32
      %swap3A_744 = arith.index_cast %swap3A_743 : i32 to index
      %swap3A_745 = arith.constant 16 : index
      %swap3A_746 = tpu.vector_load %run_scoped3A_9[%swap3A_744, %swap3A_745] {strides = array<i32>} : memref<16x128xf32, #tpu.memory_space<vmem>>, vector<16xf32>,
      tpu.vector_store %run_scoped3A_9[%swap3A_744, %swap3A_745], %div3A_742 {strides = array<i32>} : memref<16x128xf32, #tpu.memory_space<vmem>>, vector<16xf32>,
      %get3A_747 = arith.constant 8 : i32
      %get3A_748 = arith.index_cast %get3A_747 : i32 to index
      %get3A_749 = arith.constant 32 : index
      %get3A_750 = tpu.vector_load %run_scoped3A_9[%get3A_748, %get3A_749] {strides = array<i32>} : memref<16x128xf32, #tpu.memory_space<vmem>>, vector<16xf32>,
      %div3A_751 = arith.constant 1.000000e+00 : f32
      %div3A_752 = vector.broadcast %div3A_751 : f32 to vector<16xf32>
      %div3A_753 = arith.divf %div3A_752, %get3A_750 : vector<16xf32>
      %swap3A_754 = arith.constant 8 : i32
      %swap3A_755 = arith.index_cast %swap3A_754 : i32 to index
      %swap3A_756 = arith.constant 32 : index
      %swap3A_757 = tpu.vector_load %run_scoped3A_9[%swap3A_755, %swap3A_756] {strides = array<i32>} : memref<16x128xf32, #tpu.memory_space<vmem>>, vector<16xf32>,
      tpu.vector_store %run_scoped3A_9[%swap3A_755, %swap3A_756], %div3A_753 {strides = array<i32>} : memref<16x128xf32, #tpu.memory_space<vmem>>, vector<16xf32>,
      %get3A_758 = arith.constant 8 : i32
      %get3A_759 = arith.index_cast %get3A_758 : i32 to index
      %get3A_760 = arith.constant 48 : index
      %get3A_761 = tpu.vector_load %run_scoped3A_9[%get3A_759, %get3A_760] {strides = array<i32>} : memref<16x128xf32, #tpu.memory_space<vmem>>, vector<16xf32>,
      %div3A_762 = arith.constant 1.000000e+00 : f32
      %div3A_763 = vector.broadcast %div3A_762 : f32 to vector<16xf32>
      %div3A_764 = arith.divf %div3A_763, %get3A_761 : vector<16xf32>
      %swap3A_765 = arith.constant 8 : i32
      %swap3A_766 = arith.index_cast %swap3A_765 : i32 to index
      %swap3A_767 = arith.constant 48 : index
      %swap3A_768 = tpu.vector_load %run_scoped3A_9[%swap3A_766, %swap3A_767] {strides = array<i32>} : memref<16x128xf32, #tpu.memory_space<vmem>>, vector<16xf32>,
      tpu.vector_store %run_scoped3A_9[%swap3A_766, %swap3A_767], %div3A_764 {strides = array<i32>} : memref<16x128xf32, #tpu.memory_space<vmem>>, vector<16xf32>,
      %get3A_769 = arith.constant 8 : i32
      %get3A_770 = arith.index_cast %get3A_769 : i32 to index
      %get3A_771 = arith.constant 64 : index
      %get3A_772 = tpu.vector_load %run_scoped3A_9[%get3A_770, %get3A_771] {strides = array<i32>} : memref<16x128xf32, #tpu.memory_space<vmem>>, vector<16xf32>,
      %div3A_773 = arith.constant 1.000000e+00 : f32
      %div3A_774 = vector.broadcast %div3A_773 : f32 to vector<16xf32>
      %div3A_775 = arith.divf %div3A_774, %get3A_772 : vector<16xf32>
      %swap3A_776 = arith.constant 8 : i32
      %swap3A_777 = arith.index_cast %swap3A_776 : i32 to index
      %swap3A_778 = arith.constant 64 : index
      %swap3A_779 = tpu.vector_load %run_scoped3A_9[%swap3A_777, %swap3A_778] {strides = array<i32>} : memref<16x128xf32, #tpu.memory_space<vmem>>, vector<16xf32>,
      tpu.vector_store %run_scoped3A_9[%swap3A_777, %swap3A_778], %div3A_775 {strides = array<i32>} : memref<16x128xf32, #tpu.memory_space<vmem>>, vector<16xf32>,
      %get3A_780 = arith.constant 8 : i32
      %get3A_781 = arith.index_cast %get3A_780 : i32 to index
      %get3A_782 = arith.constant 80 : index
      %get3A_783 = tpu.vector_load %run_scoped3A_9[%get3A_781, %get3A_782] {strides = array<i32>} : memref<16x128xf32, #tpu.memory_space<vmem>>, vector<16xf32>,
      %div3A_784 = arith.constant 1.000000e+00 : f32
      %div3A_785 = vector.broadcast %div3A_784 : f32 to vector<16xf32>
      %div3A_786 = arith.divf %div3A_785, %get3A_783 : vector<16xf32>
      %swap3A_787 = arith.constant 8 : i32
      %swap3A_788 = arith.index_cast %swap3A_787 : i32 to index
      %swap3A_789 = arith.constant 80 : index
      %swap3A_790 = tpu.vector_load %run_scoped3A_9[%swap3A_788, %swap3A_789] {strides = array<i32>} : memref<16x128xf32, #tpu.memory_space<vmem>>, vector<16xf32>,
      tpu.vector_store %run_scoped3A_9[%swap3A_788, %swap3A_789], %div3A_786 {strides = array<i32>} : memref<16x128xf32, #tpu.memory_space<vmem>>, vector<16xf32>,
      %get3A_791 = arith.constant 8 : i32
      %get3A_792 = arith.index_cast %get3A_791 : i32 to index
      %get3A_793 = arith.constant 96 : index
      %get3A_794 = tpu.vector_load %run_scoped3A_9[%get3A_792, %get3A_793] {strides = array<i32>} : memref<16x128xf32, #tpu.memory_space<vmem>>, vector<16xf32>,
      %div3A_795 = arith.constant 1.000000e+00 : f32
      %div3A_796 = vector.broadcast %div3A_795 : f32 to vector<16xf32>
      %div3A_797 = arith.divf %div3A_796, %get3A_794 : vector<16xf32>
      %swap3A_798 = arith.constant 8 : i32
      %swap3A_799 = arith.index_cast %swap3A_798 : i32 to index
      %swap3A_800 = arith.constant 96 : index
      %swap3A_801 = tpu.vector_load %run_scoped3A_9[%swap3A_799, %swap3A_800] {strides = array<i32>} : memref<16x128xf32, #tpu.memory_space<vmem>>, vector<16xf32>,
      tpu.vector_store %run_scoped3A_9[%swap3A_799, %swap3A_800], %div3A_797 {strides = array<i32>} : memref<16x128xf32, #tpu.memory_space<vmem>>, vector<16xf32>,
      %get3A_802 = arith.constant 8 : i32
      %get3A_803 = arith.index_cast %get3A_802 : i32 to index
      %get3A_804 = arith.constant 112 : index
      %get3A_805 = tpu.vector_load %run_scoped3A_9[%get3A_803, %get3A_804] {strides = array<i32>} : memref<16x128xf32, #tpu.memory_space<vmem>>, vector<16xf32>,
      %div3A_806 = arith.constant 1.000000e+00 : f32
      %div3A_807 = vector.broadcast %div3A_806 : f32 to vector<16xf32>
      %div3A_808 = arith.divf %div3A_807, %get3A_805 : vector<16xf32>
      %swap3A_809 = arith.constant 8 : i32
      %swap3A_810 = arith.index_cast %swap3A_809 : i32 to index
      %swap3A_811 = arith.constant 112 : index
      %swap3A_812 = tpu.vector_load %run_scoped3A_9[%swap3A_810, %swap3A_811] {strides = array<i32>} : memref<16x128xf32, #tpu.memory_space<vmem>>, vector<16xf32>,
      tpu.vector_store %run_scoped3A_9[%swap3A_810, %swap3A_811], %div3A_808 {strides = array<i32>} : memref<16x128xf32, #tpu.memory_space<vmem>>, vector<16xf32>,
      %get3A_813 = arith.constant 9 : i32
      %get3A_814 = arith.index_cast %get3A_813 : i32 to index
      %get3A_815 = arith.constant 0 : index
      %get3A_816 = tpu.vector_load %run_scoped3A_9[%get3A_814, %get3A_815] {strides = array<i32>} : memref<16x128xf32, #tpu.memory_space<vmem>>, vector<16xf32>,
      %div3A_817 = arith.constant 1.000000e+00 : f32
      %div3A_818 = vector.broadcast %div3A_817 : f32 to vector<16xf32>
      %div3A_819 = arith.divf %div3A_818, %get3A_816 : vector<16xf32>
      %swap3A_820 = arith.constant 9 : i32
      %swap3A_821 = arith.index_cast %swap3A_820 : i32 to index
      %swap3A_822 = arith.constant 0 : index
      %swap3A_823 = tpu.vector_load %run_scoped3A_9[%swap3A_821, %swap3A_822] {strides = array<i32>} : memref<16x128xf32, #tpu.memory_space<vmem>>, vector<16xf32>,
      tpu.vector_store %run_scoped3A_9[%swap3A_821, %swap3A_822], %div3A_819 {strides = array<i32>} : memref<16x128xf32, #tpu.memory_space<vmem>>, vector<16xf32>,
      %get3A_824 = arith.constant 9 : i32
      %get3A_825 = arith.index_cast %get3A_824 : i32 to index
      %get3A_826 = arith.constant 16 : index
      %get3A_827 = tpu.vector_load %run_scoped3A_9[%get3A_825, %get3A_826] {strides = array<i32>} : memref<16x128xf32, #tpu.memory_space<vmem>>, vector<16xf32>,
      %div3A_828 = arith.constant 1.000000e+00 : f32
      %div3A_829 = vector.broadcast %div3A_828 : f32 to vector<16xf32>
      %div3A_830 = arith.divf %div3A_829, %get3A_827 : vector<16xf32>
      %swap3A_831 = arith.constant 9 : i32
      %swap3A_832 = arith.index_cast %swap3A_831 : i32 to index
      %swap3A_833 = arith.constant 16 : index
      %swap3A_834 = tpu.vector_load %run_scoped3A_9[%swap3A_832, %swap3A_833] {strides = array<i32>} : memref<16x128xf32, #tpu.memory_space<vmem>>, vector<16xf32>,
      tpu.vector_store %run_scoped3A_9[%swap3A_832, %swap3A_833], %div3A_830 {strides = array<i32>} : memref<16x128xf32, #tpu.memory_space<vmem>>, vector<16xf32>,
      %get3A_835 = arith.constant 9 : i32
      %get3A_836 = arith.index_cast %get3A_835 : i32 to index
      %get3A_837 = arith.constant 32 : index
      %get3A_838 = tpu.vector_load %run_scoped3A_9[%get3A_836, %get3A_837] {strides = array<i32>} : memref<16x128xf32, #tpu.memory_space<vmem>>, vector<16xf32>,
      %div3A_839 = arith.constant 1.000000e+00 : f32
      %div3A_840 = vector.broadcast %div3A_839 : f32 to vector<16xf32>
      %div3A_841 = arith.divf %div3A_840, %get3A_838 : vector<16xf32>
      %swap3A_842 = arith.constant 9 : i32
      %swap3A_843 = arith.index_cast %swap3A_842 : i32 to index
      %swap3A_844 = arith.constant 32 : index
      %swap3A_845 = tpu.vector_load %run_scoped3A_9[%swap3A_843, %swap3A_844] {strides = array<i32>} : memref<16x128xf32, #tpu.memory_space<vmem>>, vector<16xf32>,
      tpu.vector_store %run_scoped3A_9[%swap3A_843, %swap3A_844], %div3A_841 {strides = array<i32>} : memref<16x128xf32, #tpu.memory_space<vmem>>, vector<16xf32>,
      %get3A_846 = arith.constant 9 : i32
      %get3A_847 = arith.index_cast %get3A_846 : i32 to index
      %get3A_848 = arith.constant 48 : index
      %get3A_849 = tpu.vector_load %run_scoped3A_9[%get3A_847, %get3A_848] {strides = array<i32>} : memref<16x128xf32, #tpu.memory_space<vmem>>, vector<16xf32>,
      %div3A_850 = arith.constant 1.000000e+00 : f32
      %div3A_851 = vector.broadcast %div3A_850 : f32 to vector<16xf32>
      %div3A_852 = arith.divf %div3A_851, %get3A_849 : vector<16xf32>
      %swap3A_853 = arith.constant 9 : i32
      %swap3A_854 = arith.index_cast %swap3A_853 : i32 to index
      %swap3A_855 = arith.constant 48 : index
      %swap3A_856 = tpu.vector_load %run_scoped3A_9[%swap3A_854, %swap3A_855] {strides = array<i32>} : memref<16x128xf32, #tpu.memory_space<vmem>>, vector<16xf32>,
      tpu.vector_store %run_scoped3A_9[%swap3A_854, %swap3A_855], %div3A_852 {strides = array<i32>} : memref<16x128xf32, #tpu.memory_space<vmem>>, vector<16xf32>,
      %get3A_857 = arith.constant 9 : i32
      %get3A_858 = arith.index_cast %get3A_857 : i32 to index
      %get3A_859 = arith.constant 64 : index
      %get3A_860 = tpu.vector_load %run_scoped3A_9[%get3A_858, %get3A_859] {strides = array<i32>} : memref<16x128xf32, #tpu.memory_space<vmem>>, vector<16xf32>,
      %div3A_861 = arith.constant 1.000000e+00 : f32
      %div3A_862 = vector.broadcast %div3A_861 : f32 to vector<16xf32>
      %div3A_863 = arith.divf %div3A_862, %get3A_860 : vector<16xf32>
      %swap3A_864 = arith.constant 9 : i32
      %swap3A_865 = arith.index_cast %swap3A_864 : i32 to index
      %swap3A_866 = arith.constant 64 : index
      %swap3A_867 = tpu.vector_load %run_scoped3A_9[%swap3A_865, %swap3A_866] {strides = array<i32>} : memref<16x128xf32, #tpu.memory_space<vmem>>, vector<16xf32>,
      tpu.vector_store %run_scoped3A_9[%swap3A_865, %swap3A_866], %div3A_863 {strides = array<i32>} : memref<16x128xf32, #tpu.memory_space<vmem>>, vector<16xf32>,
      %get3A_868 = arith.constant 9 : i32
      %get3A_869 = arith.index_cast %get3A_868 : i32 to index
      %get3A_870 = arith.constant 80 : index
      %get3A_871 = tpu.vector_load %run_scoped3A_9[%get3A_869, %get3A_870] {strides = array<i32>} : memref<16x128xf32, #tpu.memory_space<vmem>>, vector<16xf32>,
      %div3A_872 = arith.constant 1.000000e+00 : f32
      %div3A_873 = vector.broadcast %div3A_872 : f32 to vector<16xf32>
      %div3A_874 = arith.divf %div3A_873, %get3A_871 : vector<16xf32>
      %swap3A_875 = arith.constant 9 : i32
      %swap3A_876 = arith.index_cast %swap3A_875 : i32 to index
      %swap3A_877 = arith.constant 80 : index
      %swap3A_878 = tpu.vector_load %run_scoped3A_9[%swap3A_876, %swap3A_877] {strides = array<i32>} : memref<16x128xf32, #tpu.memory_space<vmem>>, vector<16xf32>,
      tpu.vector_store %run_scoped3A_9[%swap3A_876, %swap3A_877], %div3A_874 {strides = array<i32>} : memref<16x128xf32, #tpu.memory_space<vmem>>, vector<16xf32>,
      %get3A_879 = arith.constant 9 : i32
      %get3A_880 = arith.index_cast %get3A_879 : i32 to index
      %get3A_881 = arith.constant 96 : index
      %get3A_882 = tpu.vector_load %run_scoped3A_9[%get3A_880, %get3A_881] {strides = array<i32>} : memref<16x128xf32, #tpu.memory_space<vmem>>, vector<16xf32>,
      %div3A_883 = arith.constant 1.000000e+00 : f32
      %div3A_884 = vector.broadcast %div3A_883 : f32 to vector<16xf32>
      %div3A_885 = arith.divf %div3A_884, %get3A_882 : vector<16xf32>
      %swap3A_886 = arith.constant 9 : i32
      %swap3A_887 = arith.index_cast %swap3A_886 : i32 to index
      %swap3A_888 = arith.constant 96 : index
      %swap3A_889 = tpu.vector_load %run_scoped3A_9[%swap3A_887, %swap3A_888] {strides = array<i32>} : memref<16x128xf32, #tpu.memory_space<vmem>>, vector<16xf32>,
      tpu.vector_store %run_scoped3A_9[%swap3A_887, %swap3A_888], %div3A_885 {strides = array<i32>} : memref<16x128xf32, #tpu.memory_space<vmem>>, vector<16xf32>,
      %get3A_890 = arith.constant 9 : i32
      %get3A_891 = arith.index_cast %get3A_890 : i32 to index
      %get3A_892 = arith.constant 112 : index
      %get3A_893 = tpu.vector_load %run_scoped3A_9[%get3A_891, %get3A_892] {strides = array<i32>} : memref<16x128xf32, #tpu.memory_space<vmem>>, vector<16xf32>,
      %div3A_894 = arith.constant 1.000000e+00 : f32
      %div3A_895 = vector.broadcast %div3A_894 : f32 to vector<16xf32>
      %div3A_896 = arith.divf %div3A_895, %get3A_893 : vector<16xf32>
      %swap3A_897 = arith.constant 9 : i32
      %swap3A_898 = arith.index_cast %swap3A_897 : i32 to index
      %swap3A_899 = arith.constant 112 : index
      %swap3A_900 = tpu.vector_load %run_scoped3A_9[%swap3A_898, %swap3A_899] {strides = array<i32>} : memref<16x128xf32, #tpu.memory_space<vmem>>, vector<16xf32>,
      tpu.vector_store %run_scoped3A_9[%swap3A_898, %swap3A_899], %div3A_896 {strides = array<i32>} : memref<16x128xf32, #tpu.memory_space<vmem>>, vector<16xf32>,
      %get3A_901 = arith.constant 10 : i32
      %get3A_902 = arith.index_cast %get3A_901 : i32 to index
      %get3A_903 = arith.constant 0 : index
      %get3A_904 = tpu.vector_load %run_scoped3A_9[%get3A_902, %get3A_903] {strides = array<i32>} : memref<16x128xf32, #tpu.memory_space<vmem>>, vector<16xf32>,
      %div3A_905 = arith.constant 1.000000e+00 : f32
      %div3A_906 = vector.broadcast %div3A_905 : f32 to vector<16xf32>
      %div3A_907 = arith.divf %div3A_906, %get3A_904 : vector<16xf32>
      %swap3A_908 = arith.constant 10 : i32
      %swap3A_909 = arith.index_cast %swap3A_908 : i32 to index
      %swap3A_910 = arith.constant 0 : index
      %swap3A_911 = tpu.vector_load %run_scoped3A_9[%swap3A_909, %swap3A_910] {strides = array<i32>} : memref<16x128xf32, #tpu.memory_space<vmem>>, vector<16xf32>,
      tpu.vector_store %run_scoped3A_9[%swap3A_909, %swap3A_910], %div3A_907 {strides = array<i32>} : memref<16x128xf32, #tpu.memory_space<vmem>>, vector<16xf32>,
      %get3A_912 = arith.constant 10 : i32
      %get3A_913 = arith.index_cast %get3A_912 : i32 to index
      %get3A_914 = arith.constant 16 : index
      %get3A_915 = tpu.vector_load %run_scoped3A_9[%get3A_913, %get3A_914] {strides = array<i32>} : memref<16x128xf32, #tpu.memory_space<vmem>>, vector<16xf32>,
      %div3A_916 = arith.constant 1.000000e+00 : f32
      %div3A_917 = vector.broadcast %div3A_916 : f32 to vector<16xf32>
      %div3A_918 = arith.divf %div3A_917, %get3A_915 : vector<16xf32>
      %swap3A_919 = arith.constant 10 : i32
      %swap3A_920 = arith.index_cast %swap3A_919 : i32 to index
      %swap3A_921 = arith.constant 16 : index
      %swap3A_922 = tpu.vector_load %run_scoped3A_9[%swap3A_920, %swap3A_921] {strides = array<i32>} : memref<16x128xf32, #tpu.memory_space<vmem>>, vector<16xf32>,
      tpu.vector_store %run_scoped3A_9[%swap3A_920, %swap3A_921], %div3A_918 {strides = array<i32>} : memref<16x128xf32, #tpu.memory_space<vmem>>, vector<16xf32>,
      %get3A_923 = arith.constant 10 : i32
      %get3A_924 = arith.index_cast %get3A_923 : i32 to index
      %get3A_925 = arith.constant 32 : index
      %get3A_926 = tpu.vector_load %run_scoped3A_9[%get3A_924, %get3A_925] {strides = array<i32>} : memref<16x128xf32, #tpu.memory_space<vmem>>, vector<16xf32>,
      %div3A_927 = arith.constant 1.000000e+00 : f32
      %div3A_928 = vector.broadcast %div3A_927 : f32 to vector<16xf32>
      %div3A_929 = arith.divf %div3A_928, %get3A_926 : vector<16xf32>
      %swap3A_930 = arith.constant 10 : i32
      %swap3A_931 = arith.index_cast %swap3A_930 : i32 to index
      %swap3A_932 = arith.constant 32 : index
      %swap3A_933 = tpu.vector_load %run_scoped3A_9[%swap3A_931, %swap3A_932] {strides = array<i32>} : memref<16x128xf32, #tpu.memory_space<vmem>>, vector<16xf32>,
      tpu.vector_store %run_scoped3A_9[%swap3A_931, %swap3A_932], %div3A_929 {strides = array<i32>} : memref<16x128xf32, #tpu.memory_space<vmem>>, vector<16xf32>,
      %get3A_934 = arith.constant 10 : i32
      %get3A_935 = arith.index_cast %get3A_934 : i32 to index
      %get3A_936 = arith.constant 48 : index
      %get3A_937 = tpu.vector_load %run_scoped3A_9[%get3A_935, %get3A_936] {strides = array<i32>} : memref<16x128xf32, #tpu.memory_space<vmem>>, vector<16xf32>,
      %div3A_938 = arith.constant 1.000000e+00 : f32
      %div3A_939 = vector.broadcast %div3A_938 : f32 to vector<16xf32>
      %div3A_940 = arith.divf %div3A_939, %get3A_937 : vector<16xf32>
      %swap3A_941 = arith.constant 10 : i32
      %swap3A_942 = arith.index_cast %swap3A_941 : i32 to index
      %swap3A_943 = arith.constant 48 : index
      %swap3A_944 = tpu.vector_load %run_scoped3A_9[%swap3A_942, %swap3A_943] {strides = array<i32>} : memref<16x128xf32, #tpu.memory_space<vmem>>, vector<16xf32>,
      tpu.vector_store %run_scoped3A_9[%swap3A_942, %swap3A_943], %div3A_940 {strides = array<i32>} : memref<16x128xf32, #tpu.memory_space<vmem>>, vector<16xf32>,
      %get3A_945 = arith.constant 10 : i32
      %get3A_946 = arith.index_cast %get3A_945 : i32 to index
      %get3A_947 = arith.constant 64 : index
      %get3A_948 = tpu.vector_load %run_scoped3A_9[%get3A_946, %get3A_947] {strides = array<i32>} : memref<16x128xf32, #tpu.memory_space<vmem>>, vector<16xf32>,
      %div3A_949 = arith.constant 1.000000e+00 : f32
      %div3A_950 = vector.broadcast %div3A_949 : f32 to vector<16xf32>
      %div3A_951 = arith.divf %div3A_950, %get3A_948 : vector<16xf32>
      %swap3A_952 = arith.constant 10 : i32
      %swap3A_953 = arith.index_cast %swap3A_952 : i32 to index
      %swap3A_954 = arith.constant 64 : index
      %swap3A_955 = tpu.vector_load %run_scoped3A_9[%swap3A_953, %swap3A_954] {strides = array<i32>} : memref<16x128xf32, #tpu.memory_space<vmem>>, vector<16xf32>,
      tpu.vector_store %run_scoped3A_9[%swap3A_953, %swap3A_954], %div3A_951 {strides = array<i32>} : memref<16x128xf32, #tpu.memory_space<vmem>>, vector<16xf32>,
      %get3A_956 = arith.constant 10 : i32
      %get3A_957 = arith.index_cast %get3A_956 : i32 to index
      %get3A_958 = arith.constant 80 : index
      %get3A_959 = tpu.vector_load %run_scoped3A_9[%get3A_957, %get3A_958] {strides = array<i32>} : memref<16x128xf32, #tpu.memory_space<vmem>>, vector<16xf32>,
      %div3A_960 = arith.constant 1.000000e+00 : f32
      %div3A_961 = vector.broadcast %div3A_960 : f32 to vector<16xf32>
      %div3A_962 = arith.divf %div3A_961, %get3A_959 : vector<16xf32>
      %swap3A_963 = arith.constant 10 : i32
      %swap3A_964 = arith.index_cast %swap3A_963 : i32 to index
      %swap3A_965 = arith.constant 80 : index
      %swap3A_966 = tpu.vector_load %run_scoped3A_9[%swap3A_964, %swap3A_965] {strides = array<i32>} : memref<16x128xf32, #tpu.memory_space<vmem>>, vector<16xf32>,
      tpu.vector_store %run_scoped3A_9[%swap3A_964, %swap3A_965], %div3A_962 {strides = array<i32>} : memref<16x128xf32, #tpu.memory_space<vmem>>, vector<16xf32>,
      %get3A_967 = arith.constant 10 : i32
      %get3A_968 = arith.index_cast %get3A_967 : i32 to index
      %get3A_969 = arith.constant 96 : index
      %get3A_970 = tpu.vector_load %run_scoped3A_9[%get3A_968, %get3A_969] {strides = array<i32>} : memref<16x128xf32, #tpu.memory_space<vmem>>, vector<16xf32>,
      %div3A_971 = arith.constant 1.000000e+00 : f32
      %div3A_972 = vector.broadcast %div3A_971 : f32 to vector<16xf32>
      %div3A_973 = arith.divf %div3A_972, %get3A_970 : vector<16xf32>
      %swap3A_974 = arith.constant 10 : i32
      %swap3A_975 = arith.index_cast %swap3A_974 : i32 to index
      %swap3A_976 = arith.constant 96 : index
      %swap3A_977 = tpu.vector_load %run_scoped3A_9[%swap3A_975, %swap3A_976] {strides = array<i32>} : memref<16x128xf32, #tpu.memory_space<vmem>>, vector<16xf32>,
      tpu.vector_store %run_scoped3A_9[%swap3A_975, %swap3A_976], %div3A_973 {strides = array<i32>} : memref<16x128xf32, #tpu.memory_space<vmem>>, vector<16xf32>,
      %get3A_978 = arith.constant 10 : i32
      %get3A_979 = arith.index_cast %get3A_978 : i32 to index
      %get3A_980 = arith.constant 112 : index
      %get3A_981 = tpu.vector_load %run_scoped3A_9[%get3A_979, %get3A_980] {strides = array<i32>} : memref<16x128xf32, #tpu.memory_space<vmem>>, vector<16xf32>,
      %div3A_982 = arith.constant 1.000000e+00 : f32
      %div3A_983 = vector.broadcast %div3A_982 : f32 to vector<16xf32>
      %div3A_984 = arith.divf %div3A_983, %get3A_981 : vector<16xf32>
      %swap3A_985 = arith.constant 10 : i32
      %swap3A_986 = arith.index_cast %swap3A_985 : i32 to index
      %swap3A_987 = arith.constant 112 : index
      %swap3A_988 = tpu.vector_load %run_scoped3A_9[%swap3A_986, %swap3A_987] {strides = array<i32>} : memref<16x128xf32, #tpu.memory_space<vmem>>, vector<16xf32>,
      tpu.vector_store %run_scoped3A_9[%swap3A_986, %swap3A_987], %div3A_984 {strides = array<i32>} : memref<16x128xf32, #tpu.memory_space<vmem>>, vector<16xf32>,
      %get3A_989 = arith.constant 11 : i32
      %get3A_990 = arith.index_cast %get3A_989 : i32 to index
      %get3A_991 = arith.constant 0 : index
      %get3A_992 = tpu.vector_load %run_scoped3A_9[%get3A_990, %get3A_991] {strides = array<i32>} : memref<16x128xf32, #tpu.memory_space<vmem>>, vector<16xf32>,
      %div3A_993 = arith.constant 1.000000e+00 : f32
      %div3A_994 = vector.broadcast %div3A_993 : f32 to vector<16xf32>
      %div3A_995 = arith.divf %div3A_994, %get3A_992 : vector<16xf32>
      %swap3A_996 = arith.constant 11 : i32
      %swap3A_997 = arith.index_cast %swap3A_996 : i32 to index
      %swap3A_998 = arith.constant 0 : index
      %swap3A_999 = tpu.vector_load %run_scoped3A_9[%swap3A_997, %swap3A_998] {strides = array<i32>} : memref<16x128xf32, #tpu.memory_space<vmem>>, vector<16xf32>,
      tpu.vector_store %run_scoped3A_9[%swap3A_997, %swap3A_998], %div3A_995 {strides = array<i32>} : memref<16x128xf32, #tpu.memory_space<vmem>>, vector<16xf32>,
      %get3A_1000 = arith.constant 11 : i32
      %get3A_1001 = arith.index_cast %get3A_1000 : i32 to index
      %get3A_1002 = arith.constant 16 : index
      %get3A_1003 = tpu.vector_load %run_scoped3A_9[%get3A_1001, %get3A_1002] {strides = array<i32>} : memref<16x128xf32, #tpu.memory_space<vmem>>, vector<16xf32>,
      %div3A_1004 = arith.constant 1.000000e+00 : f32
      %div3A_1005 = vector.broadcast %div3A_1004 : f32 to vector<16xf32>
      %div3A_1006 = arith.divf %div3A_1005, %get3A_1003 : vector<16xf32>
      %swap3A_1007 = arith.constant 11 : i32
      %swap3A_1008 = arith.index_cast %swap3A_1007 : i32 to index
      %swap3A_1009 = arith.constant 16 : index
      %swap3A_1010 = tpu.vector_load %run_scoped3A_9[%swap3A_1008, %swap3A_1009] {strides = array<i32>} : memref<16x128xf32, #tpu.memory_space<vmem>>, vector<16xf32>,
      tpu.vector_store %run_scoped3A_9[%swap3A_1008, %swap3A_1009], %div3A_1006 {strides = array<i32>} : memref<16x128xf32, #tpu.memory_space<vmem>>, vector<16xf32>,
      %get3A_1011 = arith.constant 11 : i32
      %get3A_1012 = arith.index_cast %get3A_1011 : i32 to index
      %get3A_1013 = arith.constant 32 : index
      %get3A_1014 = tpu.vector_load %run_scoped3A_9[%get3A_1012, %get3A_1013] {strides = array<i32>} : memref<16x128xf32, #tpu.memory_space<vmem>>, vector<16xf32>,
      %div3A_1015 = arith.constant 1.000000e+00 : f32
      %div3A_1016 = vector.broadcast %div3A_1015 : f32 to vector<16xf32>
      %div3A_1017 = arith.divf %div3A_1016, %get3A_1014 : vector<16xf32>
      %swap3A_1018 = arith.constant 11 : i32
      %swap3A_1019 = arith.index_cast %swap3A_1018 : i32 to index
      %swap3A_1020 = arith.constant 32 : index
      %swap3A_1021 = tpu.vector_load %run_scoped3A_9[%swap3A_1019, %swap3A_1020] {strides = array<i32>} : memref<16x128xf32, #tpu.memory_space<vmem>>, vector<16xf32>,
      tpu.vector_store %run_scoped3A_9[%swap3A_1019, %swap3A_1020], %div3A_1017 {strides = array<i32>} : memref<16x128xf32, #tpu.memory_space<vmem>>, vector<16xf32>,
      %get3A_1022 = arith.constant 11 : i32
      %get3A_1023 = arith.index_cast %get3A_1022 : i32 to index
      %get3A_1024 = arith.constant 48 : index
      %get3A_1025 = tpu.vector_load %run_scoped3A_9[%get3A_1023, %get3A_1024] {strides = array<i32>} : memref<16x128xf32, #tpu.memory_space<vmem>>, vector<16xf32>,
      %div3A_1026 = arith.constant 1.000000e+00 : f32
      %div3A_1027 = vector.broadcast %div3A_1026 : f32 to vector<16xf32>
      %div3A_1028 = arith.divf %div3A_1027, %get3A_1025 : vector<16xf32>
      %swap3A_1029 = arith.constant 11 : i32
      %swap3A_1030 = arith.index_cast %swap3A_1029 : i32 to index
      %swap3A_1031 = arith.constant 48 : index
      %swap3A_1032 = tpu.vector_load %run_scoped3A_9[%swap3A_1030, %swap3A_1031] {strides = array<i32>} : memref<16x128xf32, #tpu.memory_space<vmem>>, vector<16xf32>,
      tpu.vector_store %run_scoped3A_9[%swap3A_1030, %swap3A_1031], %div3A_1028 {strides = array<i32>} : memref<16x128xf32, #tpu.memory_space<vmem>>, vector<16xf32>,
      %get3A_1033 = arith.constant 11 : i32
      %get3A_1034 = arith.index_cast %get3A_1033 : i32 to index
      %get3A_1035 = arith.constant 64 : index
      %get3A_1036 = tpu.vector_load %run_scoped3A_9[%get3A_1034, %get3A_1035] {strides = array<i32>} : memref<16x128xf32, #tpu.memory_space<vmem>>, vector<16xf32>,
      %div3A_1037 = arith.constant 1.000000e+00 : f32
      %div3A_1038 = vector.broadcast %div3A_1037 : f32 to vector<16xf32>
      %div3A_1039 = arith.divf %div3A_1038, %get3A_1036 : vector<16xf32>
      %swap3A_1040 = arith.constant 11 : i32
      %swap3A_1041 = arith.index_cast %swap3A_1040 : i32 to index
      %swap3A_1042 = arith.constant 64 : index
      %swap3A_1043 = tpu.vector_load %run_scoped3A_9[%swap3A_1041, %swap3A_1042] {strides = array<i32>} : memref<16x128xf32, #tpu.memory_space<vmem>>, vector<16xf32>,
      tpu.vector_store %run_scoped3A_9[%swap3A_1041, %swap3A_1042], %div3A_1039 {strides = array<i32>} : memref<16x128xf32, #tpu.memory_space<vmem>>, vector<16xf32>,
      %get3A_1044 = arith.constant 11 : i32
      %get3A_1045 = arith.index_cast %get3A_1044 : i32 to index
      %get3A_1046 = arith.constant 80 : index
      %get3A_1047 = tpu.vector_load %run_scoped3A_9[%get3A_1045, %get3A_1046] {strides = array<i32>} : memref<16x128xf32, #tpu.memory_space<vmem>>, vector<16xf32>,
      %div3A_1048 = arith.constant 1.000000e+00 : f32
      %div3A_1049 = vector.broadcast %div3A_1048 : f32 to vector<16xf32>
      %div3A_1050 = arith.divf %div3A_1049, %get3A_1047 : vector<16xf32>
      %swap3A_1051 = arith.constant 11 : i32
      %swap3A_1052 = arith.index_cast %swap3A_1051 : i32 to index
      %swap3A_1053 = arith.constant 80 : index
      %swap3A_1054 = tpu.vector_load %run_scoped3A_9[%swap3A_1052, %swap3A_1053] {strides = array<i32>} : memref<16x128xf32, #tpu.memory_space<vmem>>, vector<16xf32>,
      tpu.vector_store %run_scoped3A_9[%swap3A_1052, %swap3A_1053], %div3A_1050 {strides = array<i32>} : memref<16x128xf32, #tpu.memory_space<vmem>>, vector<16xf32>,
      %get3A_1055 = arith.constant 11 : i32
      %get3A_1056 = arith.index_cast %get3A_1055 : i32 to index
      %get3A_1057 = arith.constant 96 : index
      %get3A_1058 = tpu.vector_load %run_scoped3A_9[%get3A_1056, %get3A_1057] {strides = array<i32>} : memref<16x128xf32, #tpu.memory_space<vmem>>, vector<16xf32>,
      %div3A_1059 = arith.constant 1.000000e+00 : f32
      %div3A_1060 = vector.broadcast %div3A_1059 : f32 to vector<16xf32>
      %div3A_1061 = arith.divf %div3A_1060, %get3A_1058 : vector<16xf32>
      %swap3A_1062 = arith.constant 11 : i32
      %swap3A_1063 = arith.index_cast %swap3A_1062 : i32 to index
      %swap3A_1064 = arith.constant 96 : index
      %swap3A_1065 = tpu.vector_load %run_scoped3A_9[%swap3A_1063, %swap3A_1064] {strides = array<i32>} : memref<16x128xf32, #tpu.memory_space<vmem>>, vector<16xf32>,
      tpu.vector_store %run_scoped3A_9[%swap3A_1063, %swap3A_1064], %div3A_1061 {strides = array<i32>} : memref<16x128xf32, #tpu.memory_space<vmem>>, vector<16xf32>,
      %get3A_1066 = arith.constant 11 : i32
      %get3A_1067 = arith.index_cast %get3A_1066 : i32 to index
      %get3A_1068 = arith.constant 112 : index
      %get3A_1069 = tpu.vector_load %run_scoped3A_9[%get3A_1067, %get3A_1068] {strides = array<i32>} : memref<16x128xf32, #tpu.memory_space<vmem>>, vector<16xf32>,
      %div3A_1070 = arith.constant 1.000000e+00 : f32
      %div3A_1071 = vector.broadcast %div3A_1070 : f32 to vector<16xf32>
      %div3A_1072 = arith.divf %div3A_1071, %get3A_1069 : vector<16xf32>
      %swap3A_1073 = arith.constant 11 : i32
      %swap3A_1074 = arith.index_cast %swap3A_1073 : i32 to index
      %swap3A_1075 = arith.constant 112 : index
      %swap3A_1076 = tpu.vector_load %run_scoped3A_9[%swap3A_1074, %swap3A_1075] {strides = array<i32>} : memref<16x128xf32, #tpu.memory_space<vmem>>, vector<16xf32>,
      tpu.vector_store %run_scoped3A_9[%swap3A_1074, %swap3A_1075], %div3A_1072 {strides = array<i32>} : memref<16x128xf32, #tpu.memory_space<vmem>>, vector<16xf32>,
      %get3A_1077 = arith.constant 12 : i32
      %get3A_1078 = arith.index_cast %get3A_1077 : i32 to index
      %get3A_1079 = arith.constant 0 : index
      %get3A_1080 = tpu.vector_load %run_scoped3A_9[%get3A_1078, %get3A_1079] {strides = array<i32>} : memref<16x128xf32, #tpu.memory_space<vmem>>, vector<16xf32>,
      %div3A_1081 = arith.constant 1.000000e+00 : f32
      %div3A_1082 = vector.broadcast %div3A_1081 : f32 to vector<16xf32>
      %div3A_1083 = arith.divf %div3A_1082, %get3A_1080 : vector<16xf32>
      %swap3A_1084 = arith.constant 12 : i32
      %swap3A_1085 = arith.index_cast %swap3A_1084 : i32 to index
      %swap3A_1086 = arith.constant 0 : index
      %swap3A_1087 = tpu.vector_load %run_scoped3A_9[%swap3A_1085, %swap3A_1086] {strides = array<i32>} : memref<16x128xf32, #tpu.memory_space<vmem>>, vector<16xf32>,
      tpu.vector_store %run_scoped3A_9[%swap3A_1085, %swap3A_1086], %div3A_1083 {strides = array<i32>} : memref<16x128xf32, #tpu.memory_space<vmem>>, vector<16xf32>,
      %get3A_1088 = arith.constant 12 : i32
      %get3A_1089 = arith.index_cast %get3A_1088 : i32 to index
      %get3A_1090 = arith.constant 16 : index
      %get3A_1091 = tpu.vector_load %run_scoped3A_9[%get3A_1089, %get3A_1090] {strides = array<i32>} : memref<16x128xf32, #tpu.memory_space<vmem>>, vector<16xf32>,
      %div3A_1092 = arith.constant 1.000000e+00 : f32
      %div3A_1093 = vector.broadcast %div3A_1092 : f32 to vector<16xf32>
      %div3A_1094 = arith.divf %div3A_1093, %get3A_1091 : vector<16xf32>
      %swap3A_1095 = arith.constant 12 : i32
      %swap3A_1096 = arith.index_cast %swap3A_1095 : i32 to index
      %swap3A_1097 = arith.constant 16 : index
      %swap3A_1098 = tpu.vector_load %run_scoped3A_9[%swap3A_1096, %swap3A_1097] {strides = array<i32>} : memref<16x128xf32, #tpu.memory_space<vmem>>, vector<16xf32>,
      tpu.vector_store %run_scoped3A_9[%swap3A_1096, %swap3A_1097], %div3A_1094 {strides = array<i32>} : memref<16x128xf32, #tpu.memory_space<vmem>>, vector<16xf32>,
      %get3A_1099 = arith.constant 12 : i32
      %get3A_1100 = arith.index_cast %get3A_1099 : i32 to index
      %get3A_1101 = arith.constant 32 : index
      %get3A_1102 = tpu.vector_load %run_scoped3A_9[%get3A_1100, %get3A_1101] {strides = array<i32>} : memref<16x128xf32, #tpu.memory_space<vmem>>, vector<16xf32>,
      %div3A_1103 = arith.constant 1.000000e+00 : f32
      %div3A_1104 = vector.broadcast %div3A_1103 : f32 to vector<16xf32>
      %div3A_1105 = arith.divf %div3A_1104, %get3A_1102 : vector<16xf32>
      %swap3A_1106 = arith.constant 12 : i32
      %swap3A_1107 = arith.index_cast %swap3A_1106 : i32 to index
      %swap3A_1108 = arith.constant 32 : index
      %swap3A_1109 = tpu.vector_load %run_scoped3A_9[%swap3A_1107, %swap3A_1108] {strides = array<i32>} : memref<16x128xf32, #tpu.memory_space<vmem>>, vector<16xf32>,
      tpu.vector_store %run_scoped3A_9[%swap3A_1107, %swap3A_1108], %div3A_1105 {strides = array<i32>} : memref<16x128xf32, #tpu.memory_space<vmem>>, vector<16xf32>,
      %get3A_1110 = arith.constant 12 : i32
      %get3A_1111 = arith.index_cast %get3A_1110 : i32 to index
      %get3A_1112 = arith.constant 48 : index
      %get3A_1113 = tpu.vector_load %run_scoped3A_9[%get3A_1111, %get3A_1112] {strides = array<i32>} : memref<16x128xf32, #tpu.memory_space<vmem>>, vector<16xf32>,
      %div3A_1114 = arith.constant 1.000000e+00 : f32
      %div3A_1115 = vector.broadcast %div3A_1114 : f32 to vector<16xf32>
      %div3A_1116 = arith.divf %div3A_1115, %get3A_1113 : vector<16xf32>
      %swap3A_1117 = arith.constant 12 : i32
      %swap3A_1118 = arith.index_cast %swap3A_1117 : i32 to index
      %swap3A_1119 = arith.constant 48 : index
      %swap3A_1120 = tpu.vector_load %run_scoped3A_9[%swap3A_1118, %swap3A_1119] {strides = array<i32>} : memref<16x128xf32, #tpu.memory_space<vmem>>, vector<16xf32>,
      tpu.vector_store %run_scoped3A_9[%swap3A_1118, %swap3A_1119], %div3A_1116 {strides = array<i32>} : memref<16x128xf32, #tpu.memory_space<vmem>>, vector<16xf32>,
      %get3A_1121 = arith.constant 12 : i32
      %get3A_1122 = arith.index_cast %get3A_1121 : i32 to index
      %get3A_1123 = arith.constant 64 : index
      %get3A_1124 = tpu.vector_load %run_scoped3A_9[%get3A_1122, %get3A_1123] {strides = array<i32>} : memref<16x128xf32, #tpu.memory_space<vmem>>, vector<16xf32>,
      %div3A_1125 = arith.constant 1.000000e+00 : f32
      %div3A_1126 = vector.broadcast %div3A_1125 : f32 to vector<16xf32>
      %div3A_1127 = arith.divf %div3A_1126, %get3A_1124 : vector<16xf32>
      %swap3A_1128 = arith.constant 12 : i32
      %swap3A_1129 = arith.index_cast %swap3A_1128 : i32 to index
      %swap3A_1130 = arith.constant 64 : index
      %swap3A_1131 = tpu.vector_load %run_scoped3A_9[%swap3A_1129, %swap3A_1130] {strides = array<i32>} : memref<16x128xf32, #tpu.memory_space<vmem>>, vector<16xf32>,
      tpu.vector_store %run_scoped3A_9[%swap3A_1129, %swap3A_1130], %div3A_1127 {strides = array<i32>} : memref<16x128xf32, #tpu.memory_space<vmem>>, vector<16xf32>,
      %get3A_1132 = arith.constant 12 : i32
      %get3A_1133 = arith.index_cast %get3A_1132 : i32 to index
      %get3A_1134 = arith.constant 80 : index
      %get3A_1135 = tpu.vector_load %run_scoped3A_9[%get3A_1133, %get3A_1134] {strides = array<i32>} : memref<16x128xf32, #tpu.memory_space<vmem>>, vector<16xf32>,
      %div3A_1136 = arith.constant 1.000000e+00 : f32
      %div3A_1137 = vector.broadcast %div3A_1136 : f32 to vector<16xf32>
      %div3A_1138 = arith.divf %div3A_1137, %get3A_1135 : vector<16xf32>
      %swap3A_1139 = arith.constant 12 : i32
      %swap3A_1140 = arith.index_cast %swap3A_1139 : i32 to index
      %swap3A_1141 = arith.constant 80 : index
      %swap3A_1142 = tpu.vector_load %run_scoped3A_9[%swap3A_1140, %swap3A_1141] {strides = array<i32>} : memref<16x128xf32, #tpu.memory_space<vmem>>, vector<16xf32>,
      tpu.vector_store %run_scoped3A_9[%swap3A_1140, %swap3A_1141], %div3A_1138 {strides = array<i32>} : memref<16x128xf32, #tpu.memory_space<vmem>>, vector<16xf32>,
      %get3A_1143 = arith.constant 12 : i32
      %get3A_1144 = arith.index_cast %get3A_1143 : i32 to index
      %get3A_1145 = arith.constant 96 : index
      %get3A_1146 = tpu.vector_load %run_scoped3A_9[%get3A_1144, %get3A_1145] {strides = array<i32>} : memref<16x128xf32, #tpu.memory_space<vmem>>, vector<16xf32>,
      %div3A_1147 = arith.constant 1.000000e+00 : f32
      %div3A_1148 = vector.broadcast %div3A_1147 : f32 to vector<16xf32>
      %div3A_1149 = arith.divf %div3A_1148, %get3A_1146 : vector<16xf32>
      %swap3A_1150 = arith.constant 12 : i32
      %swap3A_1151 = arith.index_cast %swap3A_1150 : i32 to index
      %swap3A_1152 = arith.constant 96 : index
      %swap3A_1153 = tpu.vector_load %run_scoped3A_9[%swap3A_1151, %swap3A_1152] {strides = array<i32>} : memref<16x128xf32, #tpu.memory_space<vmem>>, vector<16xf32>,
      tpu.vector_store %run_scoped3A_9[%swap3A_1151, %swap3A_1152], %div3A_1149 {strides = array<i32>} : memref<16x128xf32, #tpu.memory_space<vmem>>, vector<16xf32>,
      %get3A_1154 = arith.constant 12 : i32
      %get3A_1155 = arith.index_cast %get3A_1154 : i32 to index
      %get3A_1156 = arith.constant 112 : index
      %get3A_1157 = tpu.vector_load %run_scoped3A_9[%get3A_1155, %get3A_1156] {strides = array<i32>} : memref<16x128xf32, #tpu.memory_space<vmem>>, vector<16xf32>,
      %div3A_1158 = arith.constant 1.000000e+00 : f32
      %div3A_1159 = vector.broadcast %div3A_1158 : f32 to vector<16xf32>
      %div3A_1160 = arith.divf %div3A_1159, %get3A_1157 : vector<16xf32>
      %swap3A_1161 = arith.constant 12 : i32
      %swap3A_1162 = arith.index_cast %swap3A_1161 : i32 to index
      %swap3A_1163 = arith.constant 112 : index
      %swap3A_1164 = tpu.vector_load %run_scoped3A_9[%swap3A_1162, %swap3A_1163] {strides = array<i32>} : memref<16x128xf32, #tpu.memory_space<vmem>>, vector<16xf32>,
      tpu.vector_store %run_scoped3A_9[%swap3A_1162, %swap3A_1163], %div3A_1160 {strides = array<i32>} : memref<16x128xf32, #tpu.memory_space<vmem>>, vector<16xf32>,
      %get3A_1165 = arith.constant 13 : i32
      %get3A_1166 = arith.index_cast %get3A_1165 : i32 to index
      %get3A_1167 = arith.constant 0 : index
      %get3A_1168 = tpu.vector_load %run_scoped3A_9[%get3A_1166, %get3A_1167] {strides = array<i32>} : memref<16x128xf32, #tpu.memory_space<vmem>>, vector<16xf32>,
      %div3A_1169 = arith.constant 1.000000e+00 : f32
      %div3A_1170 = vector.broadcast %div3A_1169 : f32 to vector<16xf32>
      %div3A_1171 = arith.divf %div3A_1170, %get3A_1168 : vector<16xf32>
      %swap3A_1172 = arith.constant 13 : i32
      %swap3A_1173 = arith.index_cast %swap3A_1172 : i32 to index
      %swap3A_1174 = arith.constant 0 : index
      %swap3A_1175 = tpu.vector_load %run_scoped3A_9[%swap3A_1173, %swap3A_1174] {strides = array<i32>} : memref<16x128xf32, #tpu.memory_space<vmem>>, vector<16xf32>,
      tpu.vector_store %run_scoped3A_9[%swap3A_1173, %swap3A_1174], %div3A_1171 {strides = array<i32>} : memref<16x128xf32, #tpu.memory_space<vmem>>, vector<16xf32>,
      %get3A_1176 = arith.constant 13 : i32
      %get3A_1177 = arith.index_cast %get3A_1176 : i32 to index
      %get3A_1178 = arith.constant 16 : index
      %get3A_1179 = tpu.vector_load %run_scoped3A_9[%get3A_1177, %get3A_1178] {strides = array<i32>} : memref<16x128xf32, #tpu.memory_space<vmem>>, vector<16xf32>,
      %div3A_1180 = arith.constant 1.000000e+00 : f32
      %div3A_1181 = vector.broadcast %div3A_1180 : f32 to vector<16xf32>
      %div3A_1182 = arith.divf %div3A_1181, %get3A_1179 : vector<16xf32>
      %swap3A_1183 = arith.constant 13 : i32
      %swap3A_1184 = arith.index_cast %swap3A_1183 : i32 to index
      %swap3A_1185 = arith.constant 16 : index
      %swap3A_1186 = tpu.vector_load %run_scoped3A_9[%swap3A_1184, %swap3A_1185] {strides = array<i32>} : memref<16x128xf32, #tpu.memory_space<vmem>>, vector<16xf32>,
      tpu.vector_store %run_scoped3A_9[%swap3A_1184, %swap3A_1185], %div3A_1182 {strides = array<i32>} : memref<16x128xf32, #tpu.memory_space<vmem>>, vector<16xf32>,
      %get3A_1187 = arith.constant 13 : i32
      %get3A_1188 = arith.index_cast %get3A_1187 : i32 to index
      %get3A_1189 = arith.constant 32 : index
      %get3A_1190 = tpu.vector_load %run_scoped3A_9[%get3A_1188, %get3A_1189] {strides = array<i32>} : memref<16x128xf32, #tpu.memory_space<vmem>>, vector<16xf32>,
      %div3A_1191 = arith.constant 1.000000e+00 : f32
      %div3A_1192 = vector.broadcast %div3A_1191 : f32 to vector<16xf32>
      %div3A_1193 = arith.divf %div3A_1192, %get3A_1190 : vector<16xf32>
      %swap3A_1194 = arith.constant 13 : i32
      %swap3A_1195 = arith.index_cast %swap3A_1194 : i32 to index
      %swap3A_1196 = arith.constant 32 : index
      %swap3A_1197 = tpu.vector_load %run_scoped3A_9[%swap3A_1195, %swap3A_1196] {strides = array<i32>} : memref<16x128xf32, #tpu.memory_space<vmem>>, vector<16xf32>,
      tpu.vector_store %run_scoped3A_9[%swap3A_1195, %swap3A_1196], %div3A_1193 {strides = array<i32>} : memref<16x128xf32, #tpu.memory_space<vmem>>, vector<16xf32>,
      %get3A_1198 = arith.constant 13 : i32
      %get3A_1199 = arith.index_cast %get3A_1198 : i32 to index
      %get3A_1200 = arith.constant 48 : index
      %get3A_1201 = tpu.vector_load %run_scoped3A_9[%get3A_1199, %get3A_1200] {strides = array<i32>} : memref<16x128xf32, #tpu.memory_space<vmem>>, vector<16xf32>,
      %div3A_1202 = arith.constant 1.000000e+00 : f32
      %div3A_1203 = vector.broadcast %div3A_1202 : f32 to vector<16xf32>
      %div3A_1204 = arith.divf %div3A_1203, %get3A_1201 : vector<16xf32>
      %swap3A_1205 = arith.constant 13 : i32
      %swap3A_1206 = arith.index_cast %swap3A_1205 : i32 to index
      %swap3A_1207 = arith.constant 48 : index
      %swap3A_1208 = tpu.vector_load %run_scoped3A_9[%swap3A_1206, %swap3A_1207] {strides = array<i32>} : memref<16x128xf32, #tpu.memory_space<vmem>>, vector<16xf32>,
      tpu.vector_store %run_scoped3A_9[%swap3A_1206, %swap3A_1207], %div3A_1204 {strides = array<i32>} : memref<16x128xf32, #tpu.memory_space<vmem>>, vector<16xf32>,
      %get3A_1209 = arith.constant 13 : i32
      %get3A_1210 = arith.index_cast %get3A_1209 : i32 to index
      %get3A_1211 = arith.constant 64 : index
      %get3A_1212 = tpu.vector_load %run_scoped3A_9[%get3A_1210, %get3A_1211] {strides = array<i32>} : memref<16x128xf32, #tpu.memory_space<vmem>>, vector<16xf32>,
      %div3A_1213 = arith.constant 1.000000e+00 : f32
      %div3A_1214 = vector.broadcast %div3A_1213 : f32 to vector<16xf32>
      %div3A_1215 = arith.divf %div3A_1214, %get3A_1212 : vector<16xf32>
      %swap3A_1216 = arith.constant 13 : i32
      %swap3A_1217 = arith.index_cast %swap3A_1216 : i32 to index
      %swap3A_1218 = arith.constant 64 : index
      %swap3A_1219 = tpu.vector_load %run_scoped3A_9[%swap3A_1217, %swap3A_1218] {strides = array<i32>} : memref<16x128xf32, #tpu.memory_space<vmem>>, vector<16xf32>,
      tpu.vector_store %run_scoped3A_9[%swap3A_1217, %swap3A_1218], %div3A_1215 {strides = array<i32>} : memref<16x128xf32, #tpu.memory_space<vmem>>, vector<16xf32>,
      %get3A_1220 = arith.constant 13 : i32
      %get3A_1221 = arith.index_cast %get3A_1220 : i32 to index
      %get3A_1222 = arith.constant 80 : index
      %get3A_1223 = tpu.vector_load %run_scoped3A_9[%get3A_1221, %get3A_1222] {strides = array<i32>} : memref<16x128xf32, #tpu.memory_space<vmem>>, vector<16xf32>,
      %div3A_1224 = arith.constant 1.000000e+00 : f32
      %div3A_1225 = vector.broadcast %div3A_1224 : f32 to vector<16xf32>
      %div3A_1226 = arith.divf %div3A_1225, %get3A_1223 : vector<16xf32>
      %swap3A_1227 = arith.constant 13 : i32
      %swap3A_1228 = arith.index_cast %swap3A_1227 : i32 to index
      %swap3A_1229 = arith.constant 80 : index
      %swap3A_1230 = tpu.vector_load %run_scoped3A_9[%swap3A_1228, %swap3A_1229] {strides = array<i32>} : memref<16x128xf32, #tpu.memory_space<vmem>>, vector<16xf32>,
      tpu.vector_store %run_scoped3A_9[%swap3A_1228, %swap3A_1229], %div3A_1226 {strides = array<i32>} : memref<16x128xf32, #tpu.memory_space<vmem>>, vector<16xf32>,
      %get3A_1231 = arith.constant 13 : i32
      %get3A_1232 = arith.index_cast %get3A_1231 : i32 to index
      %get3A_1233 = arith.constant 96 : index
      %get3A_1234 = tpu.vector_load %run_scoped3A_9[%get3A_1232, %get3A_1233] {strides = array<i32>} : memref<16x128xf32, #tpu.memory_space<vmem>>, vector<16xf32>,
      %div3A_1235 = arith.constant 1.000000e+00 : f32
      %div3A_1236 = vector.broadcast %div3A_1235 : f32 to vector<16xf32>
      %div3A_1237 = arith.divf %div3A_1236, %get3A_1234 : vector<16xf32>
      %swap3A_1238 = arith.constant 13 : i32
      %swap3A_1239 = arith.index_cast %swap3A_1238 : i32 to index
      %swap3A_1240 = arith.constant 96 : index
      %swap3A_1241 = tpu.vector_load %run_scoped3A_9[%swap3A_1239, %swap3A_1240] {strides = array<i32>} : memref<16x128xf32, #tpu.memory_space<vmem>>, vector<16xf32>,
      tpu.vector_store %run_scoped3A_9[%swap3A_1239, %swap3A_1240], %div3A_1237 {strides = array<i32>} : memref<16x128xf32, #tpu.memory_space<vmem>>, vector<16xf32>,
      %get3A_1242 = arith.constant 13 : i32
      %get3A_1243 = arith.index_cast %get3A_1242 : i32 to index
      %get3A_1244 = arith.constant 112 : index
      %get3A_1245 = tpu.vector_load %run_scoped3A_9[%get3A_1243, %get3A_1244] {strides = array<i32>} : memref<16x128xf32, #tpu.memory_space<vmem>>, vector<16xf32>,
      %div3A_1246 = arith.constant 1.000000e+00 : f32
      %div3A_1247 = vector.broadcast %div3A_1246 : f32 to vector<16xf32>
      %div3A_1248 = arith.divf %div3A_1247, %get3A_1245 : vector<16xf32>
      %swap3A_1249 = arith.constant 13 : i32
      %swap3A_1250 = arith.index_cast %swap3A_1249 : i32 to index
      %swap3A_1251 = arith.constant 112 : index
      %swap3A_1252 = tpu.vector_load %run_scoped3A_9[%swap3A_1250, %swap3A_1251] {strides = array<i32>} : memref<16x128xf32, #tpu.memory_space<vmem>>, vector<16xf32>,
      tpu.vector_store %run_scoped3A_9[%swap3A_1250, %swap3A_1251], %div3A_1248 {strides = array<i32>} : memref<16x128xf32, #tpu.memory_space<vmem>>, vector<16xf32>,
      %get3A_1253 = arith.constant 14 : i32
      %get3A_1254 = arith.index_cast %get3A_1253 : i32 to index
      %get3A_1255 = arith.constant 0 : index
      %get3A_1256 = tpu.vector_load %run_scoped3A_9[%get3A_1254, %get3A_1255] {strides = array<i32>} : memref<16x128xf32, #tpu.memory_space<vmem>>, vector<16xf32>,
      %div3A_1257 = arith.constant 1.000000e+00 : f32
      %div3A_1258 = vector.broadcast %div3A_1257 : f32 to vector<16xf32>
      %div3A_1259 = arith.divf %div3A_1258, %get3A_1256 : vector<16xf32>
      %swap3A_1260 = arith.constant 14 : i32
      %swap3A_1261 = arith.index_cast %swap3A_1260 : i32 to index
      %swap3A_1262 = arith.constant 0 : index
      %swap3A_1263 = tpu.vector_load %run_scoped3A_9[%swap3A_1261, %swap3A_1262] {strides = array<i32>} : memref<16x128xf32, #tpu.memory_space<vmem>>, vector<16xf32>,
      tpu.vector_store %run_scoped3A_9[%swap3A_1261, %swap3A_1262], %div3A_1259 {strides = array<i32>} : memref<16x128xf32, #tpu.memory_space<vmem>>, vector<16xf32>,
      %get3A_1264 = arith.constant 14 : i32
      %get3A_1265 = arith.index_cast %get3A_1264 : i32 to index
      %get3A_1266 = arith.constant 16 : index
      %get3A_1267 = tpu.vector_load %run_scoped3A_9[%get3A_1265, %get3A_1266] {strides = array<i32>} : memref<16x128xf32, #tpu.memory_space<vmem>>, vector<16xf32>,
      %div3A_1268 = arith.constant 1.000000e+00 : f32
      %div3A_1269 = vector.broadcast %div3A_1268 : f32 to vector<16xf32>
      %div3A_1270 = arith.divf %div3A_1269, %get3A_1267 : vector<16xf32>
      %swap3A_1271 = arith.constant 14 : i32
      %swap3A_1272 = arith.index_cast %swap3A_1271 : i32 to index
      %swap3A_1273 = arith.constant 16 : index
      %swap3A_1274 = tpu.vector_load %run_scoped3A_9[%swap3A_1272, %swap3A_1273] {strides = array<i32>} : memref<16x128xf32, #tpu.memory_space<vmem>>, vector<16xf32>,
      tpu.vector_store %run_scoped3A_9[%swap3A_1272, %swap3A_1273], %div3A_1270 {strides = array<i32>} : memref<16x128xf32, #tpu.memory_space<vmem>>, vector<16xf32>,
      %get3A_1275 = arith.constant 14 : i32
      %get3A_1276 = arith.index_cast %get3A_1275 : i32 to index
      %get3A_1277 = arith.constant 32 : index
      %get3A_1278 = tpu.vector_load %run_scoped3A_9[%get3A_1276, %get3A_1277] {strides = array<i32>} : memref<16x128xf32, #tpu.memory_space<vmem>>, vector<16xf32>,
      %div3A_1279 = arith.constant 1.000000e+00 : f32
      %div3A_1280 = vector.broadcast %div3A_1279 : f32 to vector<16xf32>
      %div3A_1281 = arith.divf %div3A_1280, %get3A_1278 : vector<16xf32>
      %swap3A_1282 = arith.constant 14 : i32
      %swap3A_1283 = arith.index_cast %swap3A_1282 : i32 to index
      %swap3A_1284 = arith.constant 32 : index
      %swap3A_1285 = tpu.vector_load %run_scoped3A_9[%swap3A_1283, %swap3A_1284] {strides = array<i32>} : memref<16x128xf32, #tpu.memory_space<vmem>>, vector<16xf32>,
      tpu.vector_store %run_scoped3A_9[%swap3A_1283, %swap3A_1284], %div3A_1281 {strides = array<i32>} : memref<16x128xf32, #tpu.memory_space<vmem>>, vector<16xf32>,
      %get3A_1286 = arith.constant 14 : i32
      %get3A_1287 = arith.index_cast %get3A_1286 : i32 to index
      %get3A_1288 = arith.constant 48 : index
      %get3A_1289 = tpu.vector_load %run_scoped3A_9[%get3A_1287, %get3A_1288] {strides = array<i32>} : memref<16x128xf32, #tpu.memory_space<vmem>>, vector<16xf32>,
      %div3A_1290 = arith.constant 1.000000e+00 : f32
      %div3A_1291 = vector.broadcast %div3A_1290 : f32 to vector<16xf32>
      %div3A_1292 = arith.divf %div3A_1291, %get3A_1289 : vector<16xf32>
      %swap3A_1293 = arith.constant 14 : i32
      %swap3A_1294 = arith.index_cast %swap3A_1293 : i32 to index
      %swap3A_1295 = arith.constant 48 : index
      %swap3A_1296 = tpu.vector_load %run_scoped3A_9[%swap3A_1294, %swap3A_1295] {strides = array<i32>} : memref<16x128xf32, #tpu.memory_space<vmem>>, vector<16xf32>,
      tpu.vector_store %run_scoped3A_9[%swap3A_1294, %swap3A_1295], %div3A_1292 {strides = array<i32>} : memref<16x128xf32, #tpu.memory_space<vmem>>, vector<16xf32>,
      %get3A_1297 = arith.constant 14 : i32
      %get3A_1298 = arith.index_cast %get3A_1297 : i32 to index
      %get3A_1299 = arith.constant 64 : index
      %get3A_1300 = tpu.vector_load %run_scoped3A_9[%get3A_1298, %get3A_1299] {strides = array<i32>} : memref<16x128xf32, #tpu.memory_space<vmem>>, vector<16xf32>,
      %div3A_1301 = arith.constant 1.000000e+00 : f32
      %div3A_1302 = vector.broadcast %div3A_1301 : f32 to vector<16xf32>
      %div3A_1303 = arith.divf %div3A_1302, %get3A_1300 : vector<16xf32>
      %swap3A_1304 = arith.constant 14 : i32
      %swap3A_1305 = arith.index_cast %swap3A_1304 : i32 to index
      %swap3A_1306 = arith.constant 64 : index
      %swap3A_1307 = tpu.vector_load %run_scoped3A_9[%swap3A_1305, %swap3A_1306] {strides = array<i32>} : memref<16x128xf32, #tpu.memory_space<vmem>>, vector<16xf32>,
      tpu.vector_store %run_scoped3A_9[%swap3A_1305, %swap3A_1306], %div3A_1303 {strides = array<i32>} : memref<16x128xf32, #tpu.memory_space<vmem>>, vector<16xf32>,
      %get3A_1308 = arith.constant 14 : i32
      %get3A_1309 = arith.index_cast %get3A_1308 : i32 to index
      %get3A_1310 = arith.constant 80 : index
      %get3A_1311 = tpu.vector_load %run_scoped3A_9[%get3A_1309, %get3A_1310] {strides = array<i32>} : memref<16x128xf32, #tpu.memory_space<vmem>>, vector<16xf32>,
      %div3A_1312 = arith.constant 1.000000e+00 : f32
      %div3A_1313 = vector.broadcast %div3A_1312 : f32 to vector<16xf32>
      %div3A_1314 = arith.divf %div3A_1313, %get3A_1311 : vector<16xf32>
      %swap3A_1315 = arith.constant 14 : i32
      %swap3A_1316 = arith.index_cast %swap3A_1315 : i32 to index
      %swap3A_1317 = arith.constant 80 : index
      %swap3A_1318 = tpu.vector_load %run_scoped3A_9[%swap3A_1316, %swap3A_1317] {strides = array<i32>} : memref<16x128xf32, #tpu.memory_space<vmem>>, vector<16xf32>,
      tpu.vector_store %run_scoped3A_9[%swap3A_1316, %swap3A_1317], %div3A_1314 {strides = array<i32>} : memref<16x128xf32, #tpu.memory_space<vmem>>, vector<16xf32>,
      %get3A_1319 = arith.constant 14 : i32
      %get3A_1320 = arith.index_cast %get3A_1319 : i32 to index
      %get3A_1321 = arith.constant 96 : index
      %get3A_1322 = tpu.vector_load %run_scoped3A_9[%get3A_1320, %get3A_1321] {strides = array<i32>} : memref<16x128xf32, #tpu.memory_space<vmem>>, vector<16xf32>,
      %div3A_1323 = arith.constant 1.000000e+00 : f32
      %div3A_1324 = vector.broadcast %div3A_1323 : f32 to vector<16xf32>
      %div3A_1325 = arith.divf %div3A_1324, %get3A_1322 : vector<16xf32>
      %swap3A_1326 = arith.constant 14 : i32
      %swap3A_1327 = arith.index_cast %swap3A_1326 : i32 to index
      %swap3A_1328 = arith.constant 96 : index
      %swap3A_1329 = tpu.vector_load %run_scoped3A_9[%swap3A_1327, %swap3A_1328] {strides = array<i32>} : memref<16x128xf32, #tpu.memory_space<vmem>>, vector<16xf32>,
      tpu.vector_store %run_scoped3A_9[%swap3A_1327, %swap3A_1328], %div3A_1325 {strides = array<i32>} : memref<16x128xf32, #tpu.memory_space<vmem>>, vector<16xf32>,
      %get3A_1330 = arith.constant 14 : i32
      %get3A_1331 = arith.index_cast %get3A_1330 : i32 to index
      %get3A_1332 = arith.constant 112 : index
      %get3A_1333 = tpu.vector_load %run_scoped3A_9[%get3A_1331, %get3A_1332] {strides = array<i32>} : memref<16x128xf32, #tpu.memory_space<vmem>>, vector<16xf32>,
      %div3A_1334 = arith.constant 1.000000e+00 : f32
      %div3A_1335 = vector.broadcast %div3A_1334 : f32 to vector<16xf32>
      %div3A_1336 = arith.divf %div3A_1335, %get3A_1333 : vector<16xf32>
      %swap3A_1337 = arith.constant 14 : i32
      %swap3A_1338 = arith.index_cast %swap3A_1337 : i32 to index
      %swap3A_1339 = arith.constant 112 : index
      %swap3A_1340 = tpu.vector_load %run_scoped3A_9[%swap3A_1338, %swap3A_1339] {strides = array<i32>} : memref<16x128xf32, #tpu.memory_space<vmem>>, vector<16xf32>,
      tpu.vector_store %run_scoped3A_9[%swap3A_1338, %swap3A_1339], %div3A_1336 {strides = array<i32>} : memref<16x128xf32, #tpu.memory_space<vmem>>, vector<16xf32>,
      %get3A_1341 = arith.constant 15 : i32
      %get3A_1342 = arith.index_cast %get3A_1341 : i32 to index
      %get3A_1343 = arith.constant 0 : index
      %get3A_1344 = tpu.vector_load %run_scoped3A_9[%get3A_1342, %get3A_1343] {strides = array<i32>} : memref<16x128xf32, #tpu.memory_space<vmem>>, vector<16xf32>,
      %div3A_1345 = arith.constant 1.000000e+00 : f32
      %div3A_1346 = vector.broadcast %div3A_1345 : f32 to vector<16xf32>
      %div3A_1347 = arith.divf %div3A_1346, %get3A_1344 : vector<16xf32>
      %swap3A_1348 = arith.constant 15 : i32
      %swap3A_1349 = arith.index_cast %swap3A_1348 : i32 to index
      %swap3A_1350 = arith.constant 0 : index
      %swap3A_1351 = tpu.vector_load %run_scoped3A_9[%swap3A_1349, %swap3A_1350] {strides = array<i32>} : memref<16x128xf32, #tpu.memory_space<vmem>>, vector<16xf32>,
      tpu.vector_store %run_scoped3A_9[%swap3A_1349, %swap3A_1350], %div3A_1347 {strides = array<i32>} : memref<16x128xf32, #tpu.memory_space<vmem>>, vector<16xf32>,
      %get3A_1352 = arith.constant 15 : i32
      %get3A_1353 = arith.index_cast %get3A_1352 : i32 to index
      %get3A_1354 = arith.constant 16 : index
      %get3A_1355 = tpu.vector_load %run_scoped3A_9[%get3A_1353, %get3A_1354] {strides = array<i32>} : memref<16x128xf32, #tpu.memory_space<vmem>>, vector<16xf32>,
      %div3A_1356 = arith.constant 1.000000e+00 : f32
      %div3A_1357 = vector.broadcast %div3A_1356 : f32 to vector<16xf32>
      %div3A_1358 = arith.divf %div3A_1357, %get3A_1355 : vector<16xf32>
      %swap3A_1359 = arith.constant 15 : i32
      %swap3A_1360 = arith.index_cast %swap3A_1359 : i32 to index
      %swap3A_1361 = arith.constant 16 : index
      %swap3A_1362 = tpu.vector_load %run_scoped3A_9[%swap3A_1360, %swap3A_1361] {strides = array<i32>} : memref<16x128xf32, #tpu.memory_space<vmem>>, vector<16xf32>,
      tpu.vector_store %run_scoped3A_9[%swap3A_1360, %swap3A_1361], %div3A_1358 {strides = array<i32>} : memref<16x128xf32, #tpu.memory_space<vmem>>, vector<16xf32>,
      %get3A_1363 = arith.constant 15 : i32
      %get3A_1364 = arith.index_cast %get3A_1363 : i32 to index
      %get3A_1365 = arith.constant 32 : index
      %get3A_1366 = tpu.vector_load %run_scoped3A_9[%get3A_1364, %get3A_1365] {strides = array<i32>} : memref<16x128xf32, #tpu.memory_space<vmem>>, vector<16xf32>,
      %div3A_1367 = arith.constant 1.000000e+00 : f32
      %div3A_1368 = vector.broadcast %div3A_1367 : f32 to vector<16xf32>
      %div3A_1369 = arith.divf %div3A_1368, %get3A_1366 : vector<16xf32>
      %swap3A_1370 = arith.constant 15 : i32
      %swap3A_1371 = arith.index_cast %swap3A_1370 : i32 to index
      %swap3A_1372 = arith.constant 32 : index
      %swap3A_1373 = tpu.vector_load %run_scoped3A_9[%swap3A_1371, %swap3A_1372] {strides = array<i32>} : memref<16x128xf32, #tpu.memory_space<vmem>>, vector<16xf32>,
      tpu.vector_store %run_scoped3A_9[%swap3A_1371, %swap3A_1372], %div3A_1369 {strides = array<i32>} : memref<16x128xf32, #tpu.memory_space<vmem>>, vector<16xf32>,
      %get3A_1374 = arith.constant 15 : i32
      %get3A_1375 = arith.index_cast %get3A_1374 : i32 to index
      %get3A_1376 = arith.constant 48 : index
      %get3A_1377 = tpu.vector_load %run_scoped3A_9[%get3A_1375, %get3A_1376] {strides = array<i32>} : memref<16x128xf32, #tpu.memory_space<vmem>>, vector<16xf32>,
      %div3A_1378 = arith.constant 1.000000e+00 : f32
      %div3A_1379 = vector.broadcast %div3A_1378 : f32 to vector<16xf32>
      %div3A_1380 = arith.divf %div3A_1379, %get3A_1377 : vector<16xf32>
      %swap3A_1381 = arith.constant 15 : i32
      %swap3A_1382 = arith.index_cast %swap3A_1381 : i32 to index
      %swap3A_1383 = arith.constant 48 : index
      %swap3A_1384 = tpu.vector_load %run_scoped3A_9[%swap3A_1382, %swap3A_1383] {strides = array<i32>} : memref<16x128xf32, #tpu.memory_space<vmem>>, vector<16xf32>,
      tpu.vector_store %run_scoped3A_9[%swap3A_1382, %swap3A_1383], %div3A_1380 {strides = array<i32>} : memref<16x128xf32, #tpu.memory_space<vmem>>, vector<16xf32>,
      %get3A_1385 = arith.constant 15 : i32
      %get3A_1386 = arith.index_cast %get3A_1385 : i32 to index
      %get3A_1387 = arith.constant 64 : index
      %get3A_1388 = tpu.vector_load %run_scoped3A_9[%get3A_1386, %get3A_1387] {strides = array<i32>} : memref<16x128xf32, #tpu.memory_space<vmem>>, vector<16xf32>,
      %div3A_1389 = arith.constant 1.000000e+00 : f32
      %div3A_1390 = vector.broadcast %div3A_1389 : f32 to vector<16xf32>
      %div3A_1391 = arith.divf %div3A_1390, %get3A_1388 : vector<16xf32>
      %swap3A_1392 = arith.constant 15 : i32
      %swap3A_1393 = arith.index_cast %swap3A_1392 : i32 to index
      %swap3A_1394 = arith.constant 64 : index
      %swap3A_1395 = tpu.vector_load %run_scoped3A_9[%swap3A_1393, %swap3A_1394] {strides = array<i32>} : memref<16x128xf32, #tpu.memory_space<vmem>>, vector<16xf32>,
      tpu.vector_store %run_scoped3A_9[%swap3A_1393, %swap3A_1394], %div3A_1391 {strides = array<i32>} : memref<16x128xf32, #tpu.memory_space<vmem>>, vector<16xf32>,
      %get3A_1396 = arith.constant 15 : i32
      %get3A_1397 = arith.index_cast %get3A_1396 : i32 to index
      %get3A_1398 = arith.constant 80 : index
      %get3A_1399 = tpu.vector_load %run_scoped3A_9[%get3A_1397, %get3A_1398] {strides = array<i32>} : memref<16x128xf32, #tpu.memory_space<vmem>>, vector<16xf32>,
      %div3A_1400 = arith.constant 1.000000e+00 : f32
      %div3A_1401 = vector.broadcast %div3A_1400 : f32 to vector<16xf32>
      %div3A_1402 = arith.divf %div3A_1401, %get3A_1399 : vector<16xf32>
      %swap3A_1403 = arith.constant 15 : i32
      %swap3A_1404 = arith.index_cast %swap3A_1403 : i32 to index
      %swap3A_1405 = arith.constant 80 : index
      %swap3A_1406 = tpu.vector_load %run_scoped3A_9[%swap3A_1404, %swap3A_1405] {strides = array<i32>} : memref<16x128xf32, #tpu.memory_space<vmem>>, vector<16xf32>,
      tpu.vector_store %run_scoped3A_9[%swap3A_1404, %swap3A_1405], %div3A_1402 {strides = array<i32>} : memref<16x128xf32, #tpu.memory_space<vmem>>, vector<16xf32>,
      %get3A_1407 = arith.constant 15 : i32
      %get3A_1408 = arith.index_cast %get3A_1407 : i32 to index
      %get3A_1409 = arith.constant 96 : index
      %get3A_1410 = tpu.vector_load %run_scoped3A_9[%get3A_1408, %get3A_1409] {strides = array<i32>} : memref<16x128xf32, #tpu.memory_space<vmem>>, vector<16xf32>,
      %div3A_1411 = arith.constant 1.000000e+00 : f32
      %div3A_1412 = vector.broadcast %div3A_1411 : f32 to vector<16xf32>
      %div3A_1413 = arith.divf %div3A_1412, %get3A_1410 : vector<16xf32>
      %swap3A_1414 = arith.constant 15 : i32
      %swap3A_1415 = arith.index_cast %swap3A_1414 : i32 to index
      %swap3A_1416 = arith.constant 96 : index
      %swap3A_1417 = tpu.vector_load %run_scoped3A_9[%swap3A_1415, %swap3A_1416] {strides = array<i32>} : memref<16x128xf32, #tpu.memory_space<vmem>>, vector<16xf32>,
      tpu.vector_store %run_scoped3A_9[%swap3A_1415, %swap3A_1416], %div3A_1413 {strides = array<i32>} : memref<16x128xf32, #tpu.memory_space<vmem>>, vector<16xf32>,
      %get3A_1418 = arith.constant 15 : i32
      %get3A_1419 = arith.index_cast %get3A_1418 : i32 to index
      %get3A_1420 = arith.constant 112 : index
      %get3A_1421 = tpu.vector_load %run_scoped3A_9[%get3A_1419, %get3A_1420] {strides = array<i32>} : memref<16x128xf32, #tpu.memory_space<vmem>>, vector<16xf32>,
      %div3A_1422 = arith.constant 1.000000e+00 : f32
      %div3A_1423 = vector.broadcast %div3A_1422 : f32 to vector<16xf32>
      %div3A_1424 = arith.divf %div3A_1423, %get3A_1421 : vector<16xf32>
      %swap3A_1425 = arith.constant 15 : i32
      %swap3A_1426 = arith.index_cast %swap3A_1425 : i32 to index
      %swap3A_1427 = arith.constant 112 : index
      %swap3A_1428 = tpu.vector_load %run_scoped3A_9[%swap3A_1426, %swap3A_1427] {strides = array<i32>} : memref<16x128xf32, #tpu.memory_space<vmem>>, vector<16xf32>,
      tpu.vector_store %run_scoped3A_9[%swap3A_1426, %swap3A_1427], %div3A_1424 {strides = array<i32>} : memref<16x128xf32, #tpu.memory_space<vmem>>, vector<16xf32>,
      %scan3A = arith.constant 0 : i32
      %scan3A_1429 = arith.constant 0 : i32
      %scan3A_1430 = arith.constant 328 : i32
      %scan3A_1431 = arith.addi %scan3A_1429, %scan3A_1430 : i32
      %scan3A_1432 = arith.constant 1 : i32
      scf.for %scan3A_1481 = %scan3A_1429 to %scan3A_1431 step %scan3A_1432  : i32 {
        %broadcast_in_dim3A = arith.constant 0.000000e+00 : f32
        %broadcast_in_dim3A_1482 = vector.broadcast %broadcast_in_dim3A : f32 to vector<16xf32>
        %swap3A_1483 = arith.index_cast %scan3A_1481 : i32 to index
        %swap3A_1484 = arith.constant 0 : index
        %swap3A_1485 = tpu.vector_load %run_scoped3A[%swap3A_1483, %swap3A_1484] {strides = array<i32>} : memref<328x256xf32, #tpu.memory_space<vmem>>, vector<16xf32>,
        tpu.vector_store %run_scoped3A[%swap3A_1483, %swap3A_1484], %broadcast_in_dim3A_1482 {strides = array<i32>} : memref<328x256xf32, #tpu.memory_space<vmem>>, vector<16xf32>,
        %broadcast_in_dim3A_1486 = arith.constant 0.000000e+00 : f32
        %broadcast_in_dim3A_1487 = vector.broadcast %broadcast_in_dim3A_1486 : f32 to vector<16xf32>
        %swap3A_1488 = arith.index_cast %scan3A_1481 : i32 to index
        %swap3A_1489 = arith.constant 16 : index
        %swap3A_1490 = tpu.vector_load %run_scoped3A[%swap3A_1488, %swap3A_1489] {strides = array<i32>} : memref<328x256xf32, #tpu.memory_space<vmem>>, vector<16xf32>,
        tpu.vector_store %run_scoped3A[%swap3A_1488, %swap3A_1489], %broadcast_in_dim3A_1487 {strides = array<i32>} : memref<328x256xf32, #tpu.memory_space<vmem>>, vector<16xf32>,
        %broadcast_in_dim3A_1491 = arith.constant 0.000000e+00 : f32
        %broadcast_in_dim3A_1492 = vector.broadcast %broadcast_in_dim3A_1491 : f32 to vector<16xf32>
        %swap3A_1493 = arith.index_cast %scan3A_1481 : i32 to index
        %swap3A_1494 = arith.constant 32 : index
        %swap3A_1495 = tpu.vector_load %run_scoped3A[%swap3A_1493, %swap3A_1494] {strides = array<i32>} : memref<328x256xf32, #tpu.memory_space<vmem>>, vector<16xf32>,
        tpu.vector_store %run_scoped3A[%swap3A_1493, %swap3A_1494], %broadcast_in_dim3A_1492 {strides = array<i32>} : memref<328x256xf32, #tpu.memory_space<vmem>>, vector<16xf32>,
        %broadcast_in_dim3A_1496 = arith.constant 0.000000e+00 : f32
        %broadcast_in_dim3A_1497 = vector.broadcast %broadcast_in_dim3A_1496 : f32 to vector<16xf32>
        %swap3A_1498 = arith.index_cast %scan3A_1481 : i32 to index
        %swap3A_1499 = arith.constant 48 : index
        %swap3A_1500 = tpu.vector_load %run_scoped3A[%swap3A_1498, %swap3A_1499] {strides = array<i32>} : memref<328x256xf32, #tpu.memory_space<vmem>>, vector<16xf32>,
        tpu.vector_store %run_scoped3A[%swap3A_1498, %swap3A_1499], %broadcast_in_dim3A_1497 {strides = array<i32>} : memref<328x256xf32, #tpu.memory_space<vmem>>, vector<16xf32>,
        %broadcast_in_dim3A_1501 = arith.constant 0.000000e+00 : f32
        %broadcast_in_dim3A_1502 = vector.broadcast %broadcast_in_dim3A_1501 : f32 to vector<16xf32>
        %swap3A_1503 = arith.index_cast %scan3A_1481 : i32 to index
        %swap3A_1504 = arith.constant 64 : index
        %swap3A_1505 = tpu.vector_load %run_scoped3A[%swap3A_1503, %swap3A_1504] {strides = array<i32>} : memref<328x256xf32, #tpu.memory_space<vmem>>, vector<16xf32>,
        tpu.vector_store %run_scoped3A[%swap3A_1503, %swap3A_1504], %broadcast_in_dim3A_1502 {strides = array<i32>} : memref<328x256xf32, #tpu.memory_space<vmem>>, vector<16xf32>,
        %broadcast_in_dim3A_1506 = arith.constant 0.000000e+00 : f32
        %broadcast_in_dim3A_1507 = vector.broadcast %broadcast_in_dim3A_1506 : f32 to vector<16xf32>
        %swap3A_1508 = arith.index_cast %scan3A_1481 : i32 to index
        %swap3A_1509 = arith.constant 80 : index
        %swap3A_1510 = tpu.vector_load %run_scoped3A[%swap3A_1508, %swap3A_1509] {strides = array<i32>} : memref<328x256xf32, #tpu.memory_space<vmem>>, vector<16xf32>,
        tpu.vector_store %run_scoped3A[%swap3A_1508, %swap3A_1509], %broadcast_in_dim3A_1507 {strides = array<i32>} : memref<328x256xf32, #tpu.memory_space<vmem>>, vector<16xf32>,
        %broadcast_in_dim3A_1511 = arith.constant 0.000000e+00 : f32
        %broadcast_in_dim3A_1512 = vector.broadcast %broadcast_in_dim3A_1511 : f32 to vector<16xf32>
        %swap3A_1513 = arith.index_cast %scan3A_1481 : i32 to index
        %swap3A_1514 = arith.constant 96 : index
        %swap3A_1515 = tpu.vector_load %run_scoped3A[%swap3A_1513, %swap3A_1514] {strides = array<i32>} : memref<328x256xf32, #tpu.memory_space<vmem>>, vector<16xf32>,
        tpu.vector_store %run_scoped3A[%swap3A_1513, %swap3A_1514], %broadcast_in_dim3A_1512 {strides = array<i32>} : memref<328x256xf32, #tpu.memory_space<vmem>>, vector<16xf32>,
        %broadcast_in_dim3A_1516 = arith.constant 0.000000e+00 : f32
        %broadcast_in_dim3A_1517 = vector.broadcast %broadcast_in_dim3A_1516 : f32 to vector<16xf32>
        %swap3A_1518 = arith.index_cast %scan3A_1481 : i32 to index
        %swap3A_1519 = arith.constant 112 : index
        %swap3A_1520 = tpu.vector_load %run_scoped3A[%swap3A_1518, %swap3A_1519] {strides = array<i32>} : memref<328x256xf32, #tpu.memory_space<vmem>>, vector<16xf32>,
        tpu.vector_store %run_scoped3A[%swap3A_1518, %swap3A_1519], %broadcast_in_dim3A_1517 {strides = array<i32>} : memref<328x256xf32, #tpu.memory_space<vmem>>, vector<16xf32>,
        %broadcast_in_dim3A_1521 = arith.constant 0.000000e+00 : f32
        %broadcast_in_dim3A_1522 = vector.broadcast %broadcast_in_dim3A_1521 : f32 to vector<16xf32>
        %swap3A_1523 = arith.index_cast %scan3A_1481 : i32 to index
        %swap3A_1524 = arith.constant 128 : index
        %swap3A_1525 = tpu.vector_load %run_scoped3A[%swap3A_1523, %swap3A_1524] {strides = array<i32>} : memref<328x256xf32, #tpu.memory_space<vmem>>, vector<16xf32>,
        tpu.vector_store %run_scoped3A[%swap3A_1523, %swap3A_1524], %broadcast_in_dim3A_1522 {strides = array<i32>} : memref<328x256xf32, #tpu.memory_space<vmem>>, vector<16xf32>,
        %broadcast_in_dim3A_1526 = arith.constant 0.000000e+00 : f32
        %broadcast_in_dim3A_1527 = vector.broadcast %broadcast_in_dim3A_1526 : f32 to vector<16xf32>
        %swap3A_1528 = arith.index_cast %scan3A_1481 : i32 to index
        %swap3A_1529 = arith.constant 144 : index
        %swap3A_1530 = tpu.vector_load %run_scoped3A[%swap3A_1528, %swap3A_1529] {strides = array<i32>} : memref<328x256xf32, #tpu.memory_space<vmem>>, vector<16xf32>,
        tpu.vector_store %run_scoped3A[%swap3A_1528, %swap3A_1529], %broadcast_in_dim3A_1527 {strides = array<i32>} : memref<328x256xf32, #tpu.memory_space<vmem>>, vector<16xf32>,
        %broadcast_in_dim3A_1531 = arith.constant 0.000000e+00 : f32
        %broadcast_in_dim3A_1532 = vector.broadcast %broadcast_in_dim3A_1531 : f32 to vector<16xf32>
        %swap3A_1533 = arith.index_cast %scan3A_1481 : i32 to index
        %swap3A_1534 = arith.constant 160 : index
        %swap3A_1535 = tpu.vector_load %run_scoped3A[%swap3A_1533, %swap3A_1534] {strides = array<i32>} : memref<328x256xf32, #tpu.memory_space<vmem>>, vector<16xf32>,
        tpu.vector_store %run_scoped3A[%swap3A_1533, %swap3A_1534], %broadcast_in_dim3A_1532 {strides = array<i32>} : memref<328x256xf32, #tpu.memory_space<vmem>>, vector<16xf32>,
        %broadcast_in_dim3A_1536 = arith.constant 0.000000e+00 : f32
        %broadcast_in_dim3A_1537 = vector.broadcast %broadcast_in_dim3A_1536 : f32 to vector<16xf32>
        %swap3A_1538 = arith.index_cast %scan3A_1481 : i32 to index
        %swap3A_1539 = arith.constant 176 : index
        %swap3A_1540 = tpu.vector_load %run_scoped3A[%swap3A_1538, %swap3A_1539] {strides = array<i32>} : memref<328x256xf32, #tpu.memory_space<vmem>>, vector<16xf32>,
        tpu.vector_store %run_scoped3A[%swap3A_1538, %swap3A_1539], %broadcast_in_dim3A_1537 {strides = array<i32>} : memref<328x256xf32, #tpu.memory_space<vmem>>, vector<16xf32>,
        %broadcast_in_dim3A_1541 = arith.constant 0.000000e+00 : f32
        %broadcast_in_dim3A_1542 = vector.broadcast %broadcast_in_dim3A_1541 : f32 to vector<16xf32>
        %swap3A_1543 = arith.index_cast %scan3A_1481 : i32 to index
        %swap3A_1544 = arith.constant 192 : index
        %swap3A_1545 = tpu.vector_load %run_scoped3A[%swap3A_1543, %swap3A_1544] {strides = array<i32>} : memref<328x256xf32, #tpu.memory_space<vmem>>, vector<16xf32>,
        tpu.vector_store %run_scoped3A[%swap3A_1543, %swap3A_1544], %broadcast_in_dim3A_1542 {strides = array<i32>} : memref<328x256xf32, #tpu.memory_space<vmem>>, vector<16xf32>,
        %broadcast_in_dim3A_1546 = arith.constant 0.000000e+00 : f32
        %broadcast_in_dim3A_1547 = vector.broadcast %broadcast_in_dim3A_1546 : f32 to vector<16xf32>
        %swap3A_1548 = arith.index_cast %scan3A_1481 : i32 to index
        %swap3A_1549 = arith.constant 208 : index
        %swap3A_1550 = tpu.vector_load %run_scoped3A[%swap3A_1548, %swap3A_1549] {strides = array<i32>} : memref<328x256xf32, #tpu.memory_space<vmem>>, vector<16xf32>,
        tpu.vector_store %run_scoped3A[%swap3A_1548, %swap3A_1549], %broadcast_in_dim3A_1547 {strides = array<i32>} : memref<328x256xf32, #tpu.memory_space<vmem>>, vector<16xf32>,
        %broadcast_in_dim3A_1551 = arith.constant 0.000000e+00 : f32
        %broadcast_in_dim3A_1552 = vector.broadcast %broadcast_in_dim3A_1551 : f32 to vector<16xf32>
        %swap3A_1553 = arith.index_cast %scan3A_1481 : i32 to index
        %swap3A_1554 = arith.constant 224 : index
        %swap3A_1555 = tpu.vector_load %run_scoped3A[%swap3A_1553, %swap3A_1554] {strides = array<i32>} : memref<328x256xf32, #tpu.memory_space<vmem>>, vector<16xf32>,
        tpu.vector_store %run_scoped3A[%swap3A_1553, %swap3A_1554], %broadcast_in_dim3A_1552 {strides = array<i32>} : memref<328x256xf32, #tpu.memory_space<vmem>>, vector<16xf32>,
        %broadcast_in_dim3A_1556 = arith.constant 0.000000e+00 : f32
        %broadcast_in_dim3A_1557 = vector.broadcast %broadcast_in_dim3A_1556 : f32 to vector<16xf32>
        %swap3A_1558 = arith.index_cast %scan3A_1481 : i32 to index
        %swap3A_1559 = arith.constant 240 : index
        %swap3A_1560 = tpu.vector_load %run_scoped3A[%swap3A_1558, %swap3A_1559] {strides = array<i32>} : memref<328x256xf32, #tpu.memory_space<vmem>>, vector<16xf32>,
        tpu.vector_store %run_scoped3A[%swap3A_1558, %swap3A_1559], %broadcast_in_dim3A_1557 {strides = array<i32>} : memref<328x256xf32, #tpu.memory_space<vmem>>, vector<16xf32>,
      }
      %scan3A_1433 = arith.constant 328 : i32
      %scan3A_1434 = arith.constant 0 : i32
      %scan3A_1435 = arith.constant 0 : i32
      %scan3A_1436 = arith.constant 80 : i32
      %scan3A_1437 = arith.addi %scan3A_1435, %scan3A_1436 : i32
      %scan3A_1438 = arith.constant 1 : i32
      scf.for %scan3A_1481 = %scan3A_1435 to %scan3A_1437 step %scan3A_1438  : i32 {
        %iota3A_1482 = tpu.iota {dimensions = array<i32: 0>} : vector<16xi32>
        %mul3A_1483 = arith.constant 0 : i32
        %mul3A_1484 = vector.broadcast %mul3A_1483 : i32 to vector<16xi32>
        %mul3A_1485 = arith.muli %iota3A_1482, %mul3A_1484 : vector<16xi32>
        %mul3A_1486 = arith.constant 16 : i32
        %mul3A_1487 = arith.muli %scan3A_1481, %mul3A_1486 : i32
        %swap3A_1488 = arith.index_cast %mul3A_1487 : i32 to index
        %swap3A_1489 = tpu.vector_load %run_scoped3A_5[%swap3A_1488] {strides = array<i32>} : memref<1280xi32, #tpu.memory_space<vmem>>, vector<16xi32>,
        tpu.vector_store %run_scoped3A_5[%swap3A_1488], %mul3A_1485 {strides = array<i32>} : memref<1280xi32, #tpu.memory_space<vmem>>, vector<16xi32>,
        %iota3A_1490 = tpu.iota {dimensions = array<i32: 0>} : vector<16xi32>
        %mul3A_1491 = arith.constant 0 : i32
        %mul3A_1492 = vector.broadcast %mul3A_1491 : i32 to vector<16xi32>
        %mul3A_1493 = arith.muli %iota3A_1490, %mul3A_1492 : vector<16xi32>
        %mul3A_1494 = arith.constant 16 : i32
        %mul3A_1495 = arith.muli %scan3A_1481, %mul3A_1494 : i32
        %swap3A_1496 = arith.index_cast %mul3A_1495 : i32 to index
        %swap3A_1497 = tpu.vector_load %run_scoped3A_6[%swap3A_1496] {strides = array<i32>} : memref<1280xi32, #tpu.memory_space<vmem>>, vector<16xi32>,
        tpu.vector_store %run_scoped3A_6[%swap3A_1496], %mul3A_1493 {strides = array<i32>} : memref<1280xi32, #tpu.memory_space<vmem>>, vector<16xi32>,
      }
      %scan3A_1439 = arith.constant 80 : i32
      %dma_start3A = arith.constant 0 : i32
      %dma_start3A_1440 = arith.constant 0 : i32
      %dma_start3A_1441 = tpu.memref_slice %run_scoped3A_2[%dma_start3A, %dma_start3A_1440] : memref<2x1280xi32, #tpu.memory_space<vmem>> -> memref<1x1280xi32, #tpu.memory_space<vmem>>
      %dma_start3A_1442 = tpu.memref_squeeze %dma_start3A_1441 : memref<1x1280xi32, #tpu.memory_space<vmem>> -> memref<1280xi32, #tpu.memory_space<vmem>>
      %dma_start3A_1443 = arith.constant 0 : i32
      %dma_start3A_1444 = tpu.memref_slice %arg6[%dma_start3A_1443] : memref<160000xi32, #tpu.memory_space<hbm>> -> memref<1280xi32, #tpu.memory_space<hbm>>
      %dma_start3A_1445 = arith.constant 0 : i32
      %dma_start3A_1446 = tpu.memref_slice %run_scoped3A_2[%dma_start3A, %dma_start3A_1445] : memref<2x1280xi32, #tpu.memory_space<vmem>> -> memref<1x1280xi32, #tpu.memory_space<vmem>>
      %dma_start3A_1447 = tpu.memref_squeeze %dma_start3A_1446 : memref<1x1280xi32, #tpu.memory_space<vmem>> -> memref<1280xi32, #tpu.memory_space<vmem>>
      %dma_start3A_1448 = arith.constant 0 : i32
      %dma_start3A_1449 = tpu.memref_slice %arg6[%dma_start3A_1448] : memref<160000xi32, #tpu.memory_space<hbm>> -> memref<1280xi32, #tpu.memory_space<hbm>>
      tpu.enqueue_dma source(%dma_start3A_1449 : memref<1280xi32, #tpu.memory_space<hbm>>) target(%dma_start3A_1447 : memref<1280xi32, #tpu.memory_space<vmem>>) target_semaphore(%arg13 : memref<!tpu.dma_semaphore, #tpu.memory_space<semaphore_mem>>)
      %dma_start3A_1450 = arith.constant 0 : i32
      %dma_start3A_1451 = arith.constant 0 : i32
      %dma_start3A_1452 = tpu.memref_slice %run_scoped3A_3[%dma_start3A_1450, %dma_start3A_1451] : memref<2x1280xi32, #tpu.memory_space<vmem>> -> memref<1x1280xi32, #tpu.memory_space<vmem>>
      %dma_start3A_1453 = tpu.memref_squeeze %dma_start3A_1452 : memref<1x1280xi32, #tpu.memory_space<vmem>> -> memref<1280xi32, #tpu.memory_space<vmem>>
      %dma_start3A_1454 = arith.constant 0 : i32
      %dma_start3A_1455 = tpu.memref_slice %arg5[%dma_start3A_1454] : memref<160000xi32, #tpu.memory_space<hbm>> -> memref<1280xi32, #tpu.memory_space<hbm>>
      %dma_start3A_1456 = arith.constant 0 : i32
      %dma_start3A_1457 = tpu.memref_slice %run_scoped3A_3[%dma_start3A_1450, %dma_start3A_1456] : memref<2x1280xi32, #tpu.memory_space<vmem>> -> memref<1x1280xi32, #tpu.memory_space<vmem>>
      %dma_start3A_1458 = tpu.memref_squeeze %dma_start3A_1457 : memref<1x1280xi32, #tpu.memory_space<vmem>> -> memref<1280xi32, #tpu.memory_space<vmem>>
      %dma_start3A_1459 = arith.constant 0 : i32
      %dma_start3A_1460 = tpu.memref_slice %arg5[%dma_start3A_1459] : memref<160000xi32, #tpu.memory_space<hbm>> -> memref<1280xi32, #tpu.memory_space<hbm>>
      tpu.enqueue_dma source(%dma_start3A_1460 : memref<1280xi32, #tpu.memory_space<hbm>>) target(%dma_start3A_1458 : memref<1280xi32, #tpu.memory_space<vmem>>) target_semaphore(%arg13 : memref<!tpu.dma_semaphore, #tpu.memory_space<semaphore_mem>>)
      %dma_start3A_1461 = arith.constant 0 : i32
      %dma_start3A_1462 = arith.constant 0 : i32
      %dma_start3A_1463 = tpu.memref_slice %run_scoped3A_4[%dma_start3A_1461, %dma_start3A_1462] : memref<2x1280xf32, #tpu.memory_space<vmem>> -> memref<1x1280xf32, #tpu.memory_space<vmem>>
      %dma_start3A_1464 = tpu.memref_squeeze %dma_start3A_1463 : memref<1x1280xf32, #tpu.memory_space<vmem>> -> memref<1280xf32, #tpu.memory_space<vmem>>
      %dma_start3A_1465 = arith.constant 0 : i32
      %dma_start3A_1466 = tpu.memref_slice %arg12[%dma_start3A_1465] : memref<160000xf32, #tpu.memory_space<vmem_shared>> -> memref<1280xf32, #tpu.memory_space<vmem_shared>>
      %dma_start3A_1467 = arith.constant 0 : i32
      %dma_start3A_1468 = tpu.memref_slice %run_scoped3A_4[%dma_start3A_1461, %dma_start3A_1467] : memref<2x1280xf32, #tpu.memory_space<vmem>> -> memref<1x1280xf32, #tpu.memory_space<vmem>>
      %dma_start3A_1469 = tpu.memref_squeeze %dma_start3A_1468 : memref<1x1280xf32, #tpu.memory_space<vmem>> -> memref<1280xf32, #tpu.memory_space<vmem>>
      %dma_start3A_1470 = arith.constant 0 : i32
      %dma_start3A_1471 = tpu.memref_slice %arg12[%dma_start3A_1470] : memref<160000xf32, #tpu.memory_space<vmem_shared>> -> memref<1280xf32, #tpu.memory_space<vmem_shared>>
      tpu.enqueue_dma source(%dma_start3A_1471 : memref<1280xf32, #tpu.memory_space<vmem_shared>>) target(%dma_start3A_1469 : memref<1280xf32, #tpu.memory_space<vmem>>) target_semaphore(%arg14 : memref<!tpu.dma_semaphore, #tpu.memory_space<semaphore_mem>>)
      %scan3A_1472 = arith.constant 0 : i32
      %scan3A_1473 = arith.constant 0 : i32
      %scan3A_1474 = arith.constant 125 : i32
      %scan3A_1475 = arith.addi %scan3A_1473, %scan3A_1474 : i32
      %scan3A_1476 = arith.constant 1 : i32
      scf.for %scan3A_1481 = %scan3A_1473 to %scan3A_1475 step %scan3A_1476  : i32 {
        %rem3A = arith.constant 2 : i32
        %rem3A_1482 = arith.remsi %scan3A_1481, %rem3A : i32
        %lt3A = arith.constant 124 : i32
        %lt3A_1483 = arith.cmpi slt, %scan3A_1481, %lt3A : i32
        %convert_element_type3A_1484 = arith.extui %lt3A_1483 : i1 to i32
        %cond3A_1485 = arith.constant 0 : i32
        %cond3A_1486 = arith.cmpi ne, %convert_element_type3A_1484, %cond3A_1485 : i32
        scf.if %cond3A_1486 {
          %add3A_1593 = arith.constant 1 : i32
          %add3A_1594 = arith.addi %scan3A_1481, %add3A_1593 : i32
          %sub3A_1595 = arith.constant 1 : i32
          %sub3A_1596 = arith.subi %sub3A_1595, %rem3A_1482 : i32
          %mul3A_1597 = arith.constant 1280 : i32
          %mul3A_1598 = arith.muli %add3A_1594, %mul3A_1597 : i32
          %dma_start3A_1599 = arith.constant 0 : i32
          %dma_start3A_1600 = tpu.memref_slice %run_scoped3A_2[%sub3A_1596, %dma_start3A_1599] : memref<2x1280xi32, #tpu.memory_space<vmem>> -> memref<1x1280xi32, #tpu.memory_space<vmem>>
          %dma_start3A_1601 = tpu.memref_squeeze %dma_start3A_1600 : memref<1x1280xi32, #tpu.memory_space<vmem>> -> memref<1280xi32, #tpu.memory_space<vmem>>
          %dma_start3A_1602 = tpu.memref_slice %arg6[%mul3A_1598] : memref<160000xi32, #tpu.memory_space<hbm>> -> memref<1280xi32, #tpu.memory_space<hbm>>
          %dma_start3A_1603 = arith.constant 0 : i32
          %dma_start3A_1604 = tpu.memref_slice %run_scoped3A_2[%sub3A_1596, %dma_start3A_1603] : memref<2x1280xi32, #tpu.memory_space<vmem>> -> memref<1x1280xi32, #tpu.memory_space<vmem>>
          %dma_start3A_1605 = tpu.memref_squeeze %dma_start3A_1604 : memref<1x1280xi32, #tpu.memory_space<vmem>> -> memref<1280xi32, #tpu.memory_space<vmem>>
          %dma_start3A_1606 = tpu.memref_slice %arg6[%mul3A_1598] : memref<160000xi32, #tpu.memory_space<hbm>> -> memref<1280xi32, #tpu.memory_space<hbm>>
          tpu.enqueue_dma source(%dma_start3A_1606 : memref<1280xi32, #tpu.memory_space<hbm>>) target(%dma_start3A_1605 : memref<1280xi32, #tpu.memory_space<vmem>>) target_semaphore(%arg13 : memref<!tpu.dma_semaphore, #tpu.memory_space<semaphore_mem>>)
          %dma_start3A_1607 = arith.constant 0 : i32
          %dma_start3A_1608 = tpu.memref_slice %run_scoped3A_3[%sub3A_1596, %dma_start3A_1607] : memref<2x1280xi32, #tpu.memory_space<vmem>> -> memref<1x1280xi32, #tpu.memory_space<vmem>>
          %dma_start3A_1609 = tpu.memref_squeeze %dma_start3A_1608 : memref<1x1280xi32, #tpu.memory_space<vmem>> -> memref<1280xi32, #tpu.memory_space<vmem>>
          %dma_start3A_1610 = tpu.memref_slice %arg5[%mul3A_1598] : memref<160000xi32, #tpu.memory_space<hbm>> -> memref<1280xi32, #tpu.memory_space<hbm>>
          %dma_start3A_1611 = arith.constant 0 : i32
          %dma_start3A_1612 = tpu.memref_slice %run_scoped3A_3[%sub3A_1596, %dma_start3A_1611] : memref<2x1280xi32, #tpu.memory_space<vmem>> -> memref<1x1280xi32, #tpu.memory_space<vmem>>
          %dma_start3A_1613 = tpu.memref_squeeze %dma_start3A_1612 : memref<1x1280xi32, #tpu.memory_space<vmem>> -> memref<1280xi32, #tpu.memory_space<vmem>>
          %dma_start3A_1614 = tpu.memref_slice %arg5[%mul3A_1598] : memref<160000xi32, #tpu.memory_space<hbm>> -> memref<1280xi32, #tpu.memory_space<hbm>>
          tpu.enqueue_dma source(%dma_start3A_1614 : memref<1280xi32, #tpu.memory_space<hbm>>) target(%dma_start3A_1613 : memref<1280xi32, #tpu.memory_space<vmem>>) target_semaphore(%arg13 : memref<!tpu.dma_semaphore, #tpu.memory_space<semaphore_mem>>)
          %dma_start3A_1615 = arith.constant 0 : i32
          %dma_start3A_1616 = tpu.memref_slice %run_scoped3A_4[%sub3A_1596, %dma_start3A_1615] : memref<2x1280xf32, #tpu.memory_space<vmem>> -> memref<1x1280xf32, #tpu.memory_space<vmem>>
          %dma_start3A_1617 = tpu.memref_squeeze %dma_start3A_1616 : memref<1x1280xf32, #tpu.memory_space<vmem>> -> memref<1280xf32, #tpu.memory_space<vmem>>
          %dma_start3A_1618 = tpu.memref_slice %arg12[%mul3A_1598] : memref<160000xf32, #tpu.memory_space<vmem_shared>> -> memref<1280xf32, #tpu.memory_space<vmem_shared>>
          %dma_start3A_1619 = arith.constant 0 : i32
          %dma_start3A_1620 = tpu.memref_slice %run_scoped3A_4[%sub3A_1596, %dma_start3A_1619] : memref<2x1280xf32, #tpu.memory_space<vmem>> -> memref<1x1280xf32, #tpu.memory_space<vmem>>
          %dma_start3A_1621 = tpu.memref_squeeze %dma_start3A_1620 : memref<1x1280xf32, #tpu.memory_space<vmem>> -> memref<1280xf32, #tpu.memory_space<vmem>>
          %dma_start3A_1622 = tpu.memref_slice %arg12[%mul3A_1598] : memref<160000xf32, #tpu.memory_space<vmem_shared>> -> memref<1280xf32, #tpu.memory_space<vmem_shared>>
          tpu.enqueue_dma source(%dma_start3A_1622 : memref<1280xf32, #tpu.memory_space<vmem_shared>>) target(%dma_start3A_1621 : memref<1280xf32, #tpu.memory_space<vmem>>) target_semaphore(%arg14 : memref<!tpu.dma_semaphore, #tpu.memory_space<semaphore_mem>>)
        } else {
        }
        %dma_wait3A = arith.constant 0 : i32
        %dma_wait3A_1487 = tpu.memref_slice %run_scoped3A_2[%rem3A_1482, %dma_wait3A] : memref<2x1280xi32, #tpu.memory_space<vmem>> -> memref<1x1280xi32, #tpu.memory_space<vmem>>
        %dma_wait3A_1488 = tpu.memref_squeeze %dma_wait3A_1487 : memref<1x1280xi32, #tpu.memory_space<vmem>> -> memref<1280xi32, #tpu.memory_space<vmem>>
        %dma_wait3A_1489 = arith.constant 0 : i32
        %dma_wait3A_1490 = tpu.memref_slice %arg6[%dma_wait3A_1489] : memref<160000xi32, #tpu.memory_space<hbm>> -> memref<1280xi32, #tpu.memory_space<hbm>>
        %dma_wait3A_1491 = arith.constant 0 : i32
        %dma_wait3A_1492 = tpu.memref_slice %run_scoped3A_2[%rem3A_1482, %dma_wait3A_1491] : memref<2x1280xi32, #tpu.memory_space<vmem>> -> memref<1x1280xi32, #tpu.memory_space<vmem>>
        %dma_wait3A_1493 = tpu.memref_squeeze %dma_wait3A_1492 : memref<1x1280xi32, #tpu.memory_space<vmem>> -> memref<1280xi32, #tpu.memory_space<vmem>>
        %dma_wait3A_1494 = arith.constant 0 : i32
        %dma_wait3A_1495 = tpu.memref_slice %arg6[%dma_wait3A_1494] : memref<160000xi32, #tpu.memory_space<hbm>> -> memref<1280xi32, #tpu.memory_space<hbm>>
        tpu.wait_dma2 semaphore(%arg13 : memref<!tpu.dma_semaphore, #tpu.memory_space<semaphore_mem>>) src(%dma_wait3A_1495 : memref<1280xi32, #tpu.memory_space<hbm>>) dst(%dma_wait3A_1493 : memref<1280xi32, #tpu.memory_space<vmem>>)
        %dma_wait3A_1496 = arith.constant 0 : i32
        %dma_wait3A_1497 = tpu.memref_slice %run_scoped3A_3[%rem3A_1482, %dma_wait3A_1496] : memref<2x1280xi32, #tpu.memory_space<vmem>> -> memref<1x1280xi32, #tpu.memory_space<vmem>>
        %dma_wait3A_1498 = tpu.memref_squeeze %dma_wait3A_1497 : memref<1x1280xi32, #tpu.memory_space<vmem>> -> memref<1280xi32, #tpu.memory_space<vmem>>
        %dma_wait3A_1499 = arith.constant 0 : i32
        %dma_wait3A_1500 = tpu.memref_slice %arg5[%dma_wait3A_1499] : memref<160000xi32, #tpu.memory_space<hbm>> -> memref<1280xi32, #tpu.memory_space<hbm>>
        %dma_wait3A_1501 = arith.constant 0 : i32
        %dma_wait3A_1502 = tpu.memref_slice %run_scoped3A_3[%rem3A_1482, %dma_wait3A_1501] : memref<2x1280xi32, #tpu.memory_space<vmem>> -> memref<1x1280xi32, #tpu.memory_space<vmem>>
        %dma_wait3A_1503 = tpu.memref_squeeze %dma_wait3A_1502 : memref<1x1280xi32, #tpu.memory_space<vmem>> -> memref<1280xi32, #tpu.memory_space<vmem>>
        %dma_wait3A_1504 = arith.constant 0 : i32
        %dma_wait3A_1505 = tpu.memref_slice %arg5[%dma_wait3A_1504] : memref<160000xi32, #tpu.memory_space<hbm>> -> memref<1280xi32, #tpu.memory_space<hbm>>
        tpu.wait_dma2 semaphore(%arg13 : memref<!tpu.dma_semaphore, #tpu.memory_space<semaphore_mem>>) src(%dma_wait3A_1505 : memref<1280xi32, #tpu.memory_space<hbm>>) dst(%dma_wait3A_1503 : memref<1280xi32, #tpu.memory_space<vmem>>)
        %dma_wait3A_1506 = arith.constant 0 : i32
        %dma_wait3A_1507 = tpu.memref_slice %run_scoped3A_4[%rem3A_1482, %dma_wait3A_1506] : memref<2x1280xf32, #tpu.memory_space<vmem>> -> memref<1x1280xf32, #tpu.memory_space<vmem>>
        %dma_wait3A_1508 = tpu.memref_squeeze %dma_wait3A_1507 : memref<1x1280xf32, #tpu.memory_space<vmem>> -> memref<1280xf32, #tpu.memory_space<vmem>>
        %dma_wait3A_1509 = arith.constant 0 : i32
        %dma_wait3A_1510 = tpu.memref_slice %arg12[%dma_wait3A_1509] : memref<160000xf32, #tpu.memory_space<vmem_shared>> -> memref<1280xf32, #tpu.memory_space<vmem_shared>>
        %dma_wait3A_1511 = arith.constant 0 : i32
        %dma_wait3A_1512 = tpu.memref_slice %run_scoped3A_4[%rem3A_1482, %dma_wait3A_1511] : memref<2x1280xf32, #tpu.memory_space<vmem>> -> memref<1x1280xf32, #tpu.memory_space<vmem>>
        %dma_wait3A_1513 = tpu.memref_squeeze %dma_wait3A_1512 : memref<1x1280xf32, #tpu.memory_space<vmem>> -> memref<1280xf32, #tpu.memory_space<vmem>>
        %dma_wait3A_1514 = arith.constant 0 : i32
        %dma_wait3A_1515 = tpu.memref_slice %arg12[%dma_wait3A_1514] : memref<160000xf32, #tpu.memory_space<vmem_shared>> -> memref<1280xf32, #tpu.memory_space<vmem_shared>>
        tpu.wait_dma2 semaphore(%arg14 : memref<!tpu.dma_semaphore, #tpu.memory_space<semaphore_mem>>) src(%dma_wait3A_1515 : memref<1280xf32, #tpu.memory_space<vmem_shared>>) dst(%dma_wait3A_1513 : memref<1280xf32, #tpu.memory_space<vmem>>)
        %scan3A_1516 = arith.constant 0 : i32
        %scan3A_1517 = arith.constant 0 : i32
        %scan3A_1518 = arith.constant 80 : i32
        %scan3A_1519 = arith.addi %scan3A_1517, %scan3A_1518 : i32
        %scan3A_1520 = arith.constant 1 : i32
        %scan3A_1521 = scf.for %scan3A_1593 = %scan3A_1517 to %scan3A_1519 step %scan3A_1520 iter_args(%scan3A_1594 = %scan3A_1516) -> (i32)  : i32 {
          %mul3A_1595 = arith.constant 16 : i32
          %mul3A_1596 = arith.muli %scan3A_1593, %mul3A_1595 : i32
          %get3A_1597 = arith.index_cast %rem3A_1482 : i32 to index
          %get3A_1598 = arith.index_cast %mul3A_1596 : i32 to index
          %get3A_1599 = tpu.vector_load %run_scoped3A_2[%get3A_1597, %get3A_1598] {strides = array<i32>} : memref<2x1280xi32, #tpu.memory_space<vmem>>, vector<16xi32>,
          %ge3A = vector.broadcast %mul3A_14 : i32 to vector<16xi32>
          %ge3A_1600 = arith.cmpi sge, %get3A_1599, %ge3A : vector<16xi32>
          %lt3A_1601 = vector.broadcast %add3A_17 : i32 to vector<16xi32>
          %lt3A_1602 = arith.cmpi slt, %get3A_1599, %lt3A_1601 : vector<16xi32>
          %and3A_1603 = arith.andi %ge3A_1600, %lt3A_1602 : vector<16xi1>
          %sub3A_1604 = vector.broadcast %mul3A_14 : i32 to vector<16xi32>
          %sub3A_1605 = arith.subi %get3A_1599, %sub3A_1604 : vector<16xi32>
          %swap3A_1606 = arith.index_cast %scan3A_1594 : i32 to index
          %swap3A_1607 = tpu.vector_load %run_scoped3A_5[%swap3A_1606] masked %and3A_1603 {strides = array<i32>} : memref<1280xi32, #tpu.memory_space<vmem>>, vector<16xi32>, vector<16xi1>
          tpu.vector_store %run_scoped3A_5[%swap3A_1606], %sub3A_1605 masked %and3A_1603 {strides = array<i32>} : memref<1280xi32, #tpu.memory_space<vmem>>, vector<16xi32>, vector<16xi1>
          %mul3A_1608 = arith.constant 16 : i32
          %mul3A_1609 = arith.muli %scan3A_1593, %mul3A_1608 : i32
          %get3A_1610 = arith.index_cast %rem3A_1482 : i32 to index
          %get3A_1611 = arith.index_cast %mul3A_1609 : i32 to index
          %get3A_1612 = tpu.vector_load %run_scoped3A_3[%get3A_1610, %get3A_1611] {strides = array<i32>} : memref<2x1280xi32, #tpu.memory_space<vmem>>, vector<16xi32>,
          %swap3A_1613 = arith.index_cast %scan3A_1594 : i32 to index
          %swap3A_1614 = tpu.vector_load %run_scoped3A_6[%swap3A_1613] masked %and3A_1603 {strides = array<i32>} : memref<1280xi32, #tpu.memory_space<vmem>>, vector<16xi32>, vector<16xi1>
          tpu.vector_store %run_scoped3A_6[%swap3A_1613], %get3A_1612 masked %and3A_1603 {strides = array<i32>} : memref<1280xi32, #tpu.memory_space<vmem>>, vector<16xi32>, vector<16xi1>
          %mul3A_1615 = arith.constant 16 : i32
          %mul3A_1616 = arith.muli %scan3A_1593, %mul3A_1615 : i32
          %get3A_1617 = arith.index_cast %rem3A_1482 : i32 to index
          %get3A_1618 = arith.index_cast %mul3A_1616 : i32 to index
          %get3A_1619 = tpu.vector_load %run_scoped3A_4[%get3A_1617, %get3A_1618] {strides = array<i32>} : memref<2x1280xf32, #tpu.memory_space<vmem>>, vector<16xf32>,
          %swap3A_1620 = arith.index_cast %scan3A_1594 : i32 to index
          %swap3A_1621 = tpu.vector_load %run_scoped3A_7[%swap3A_1620] masked %and3A_1603 {strides = array<i32>} : memref<1280xf32, #tpu.memory_space<vmem>>, vector<16xf32>, vector<16xi1>
          tpu.vector_store %run_scoped3A_7[%swap3A_1620], %get3A_1619 masked %and3A_1603 {strides = array<i32>} : memref<1280xf32, #tpu.memory_space<vmem>>, vector<16xf32>, vector<16xi1>
          %all_reduce_population_count3A = tpu.all_reduce %and3A_1603 {dim = 0 : i64, kind = #tpu.reduction_kind<sum>} : vector<16xi1> -> vector<16xi32>
          %slice3A = vector.extract_strided_slice %all_reduce_population_count3A {offsets = [0], sizes = [1], strides = [1]} : vector<16xi32> to vector<1xi32>
          %squeeze3A = vector.extract %slice3A[0] : i32 from vector<1xi32>
          %add3A_1622 = arith.addi %scan3A_1594, %squeeze3A : i32
          scf.yield %add3A_1622 : i32
        }
        %scan3A_1522 = arith.constant 80 : i32
        %add3A_1523 = arith.constant 15 : i32
        %add3A_1524 = arith.addi %scan3A_1521, %add3A_1523 : i32
        %jit3A_1525 = arith.constant 16 : i32
        %div3A_1526 = arith.divsi %add3A_1524, %jit3A_1525 : i32
        %sign3A = arith.constant 0 : i32
        %sign3A_1527 = arith.cmpi sgt, %add3A_1524, %sign3A : i32
        %sign3A_1528 = arith.extui %sign3A_1527 : i1 to i32
        %sign3A_1529 = arith.constant 0 : i32
        %sign3A_1530 = arith.cmpi slt, %add3A_1524, %sign3A_1529 : i32
        %sign3A_1531 = arith.extui %sign3A_1530 : i1 to i32
        %sign3A_1532 = arith.subi %sign3A_1528, %sign3A_1531 : i32
        %sign3A_1533 = arith.constant 0 : i32
        %sign3A_1534 = arith.cmpi sgt, %jit3A_1525, %sign3A_1533 : i32
        %sign3A_1535 = arith.extui %sign3A_1534 : i1 to i32
        %sign3A_1536 = arith.constant 0 : i32
        %sign3A_1537 = arith.cmpi slt, %jit3A_1525, %sign3A_1536 : i32
        %sign3A_1538 = arith.extui %sign3A_1537 : i1 to i32
        %sign3A_1539 = arith.subi %sign3A_1535, %sign3A_1538 : i32
        %ne3A = arith.cmpi ne, %sign3A_1532, %sign3A_1539 : i32
        %rem3A_1540 = arith.remsi %add3A_1524, %jit3A_1525 : i32
        %ne3A_1541 = arith.constant 0 : i32
        %ne3A_1542 = arith.cmpi ne, %rem3A_1540, %ne3A_1541 : i32
        %and3A_1543 = arith.andi %ne3A, %ne3A_1542 : i1
        %sub3A = arith.constant 1 : i32
        %sub3A_1544 = arith.subi %div3A_1526, %sub3A : i32
        %select_n3A_1545 = arith.select %and3A_1543, %sub3A_1544, %div3A_1526 : i32
        %while3A = arith.constant 0 : i32
        %while3A_1546 = arith.constant 0 : i32
        %while3A_1547 = arith.subi %select_n3A_1545, %while3A_1546 : i32
        %while3A_1548 = arith.addi %while3A_1546, %while3A_1547 : i32
        %while3A_1549 = arith.constant 1 : i32
        %while3A_1550 = arith.divsi %while3A_1547, %while3A_1549 : i32
        %while3A_1551 = arith.muli %while3A_1550, %while3A_1549 : i32
        %while3A_1552 = arith.addi %while3A_1546, %while3A_1551 : i32
        %while3A_1553 = arith.constant 1 : i32
        scf.for %while3A_1593 = %while3A_1546 to %while3A_1552 step %while3A_1553  : i32 {
          %mul3A_1594 = arith.constant 16 : i32
          %mul3A_1595 = arith.muli %while3A_1593, %mul3A_1594 : i32
          %get3A_1596 = arith.index_cast %mul3A_1595 : i32 to index
          %get3A_1597 = tpu.vector_load %run_scoped3A_5[%get3A_1596] {strides = array<i32>} : memref<1280xi32, #tpu.memory_space<vmem>>, vector<16xi32>,
          %add3A_1598 = vector.broadcast %and3A_19 : i32 to vector<16xi32>
          %add3A_1599 = arith.addi %get3A_1597, %add3A_1598 : vector<16xi32>
          %shift_right_logical3A_1600 = arith.constant 7 : i32
          %shift_right_logical3A_1601 = vector.broadcast %shift_right_logical3A_1600 : i32 to vector<16xi32>
          %shift_right_logical3A_1602 = arith.shrui %add3A_1599, %shift_right_logical3A_1601 : vector<16xi32>
          %and3A_1603 = arith.constant 127 : i32
          %and3A_1604 = vector.broadcast %and3A_1603 : i32 to vector<16xi32>
          %and3A_1605 = arith.andi %add3A_1599, %and3A_1604 : vector<16xi32>
          %gather3A = tpu.vector_load_idx %run_scoped3A_9[%shift_right_logical3A_1602, %and3A_1605] : memref<16x128xf32, #tpu.memory_space<vmem>>[vector<16xi32>, vector<16xi32>], vector<16xf32>,
          %mul3A_1606 = arith.constant 16 : i32
          %mul3A_1607 = arith.muli %while3A_1593, %mul3A_1606 : i32
          %get3A_1608 = arith.index_cast %mul3A_1607 : i32 to index
          %get3A_1609 = tpu.vector_load %run_scoped3A_7[%get3A_1608] {strides = array<i32>} : memref<1280xf32, #tpu.memory_space<vmem>>, vector<16xf32>,
          %mul3A_1610 = arith.mulf %get3A_1609, %gather3A : vector<16xf32>
          %mul3A_1611 = arith.constant 16 : i32
          %mul3A_1612 = arith.muli %while3A_1593, %mul3A_1611 : i32
          %swap3A_1613 = arith.index_cast %mul3A_1612 : i32 to index
          %swap3A_1614 = tpu.vector_load %run_scoped3A_8[%swap3A_1613] {strides = array<i32>} : memref<1280xf32, #tpu.memory_space<vmem>>, vector<16xf32>,
          tpu.vector_store %run_scoped3A_8[%swap3A_1613], %mul3A_1610 {strides = array<i32>} : memref<1280xf32, #tpu.memory_space<vmem>>, vector<16xf32>,
        }
        %while3A_1554 = arith.constant 1 : i32
        scf.for %while3A_1593 = %while3A_1552 to %while3A_1548 step %while3A_1554  : i32 {
          %mul3A_1594 = arith.constant 16 : i32
          %mul3A_1595 = arith.muli %while3A_1593, %mul3A_1594 : i32
          %get3A_1596 = arith.index_cast %mul3A_1595 : i32 to index
          %get3A_1597 = tpu.vector_load %run_scoped3A_5[%get3A_1596] {strides = array<i32>} : memref<1280xi32, #tpu.memory_space<vmem>>, vector<16xi32>,
          %add3A_1598 = vector.broadcast %and3A_19 : i32 to vector<16xi32>
          %add3A_1599 = arith.addi %get3A_1597, %add3A_1598 : vector<16xi32>
          %shift_right_logical3A_1600 = arith.constant 7 : i32
          %shift_right_logical3A_1601 = vector.broadcast %shift_right_logical3A_1600 : i32 to vector<16xi32>
          %shift_right_logical3A_1602 = arith.shrui %add3A_1599, %shift_right_logical3A_1601 : vector<16xi32>
          %and3A_1603 = arith.constant 127 : i32
          %and3A_1604 = vector.broadcast %and3A_1603 : i32 to vector<16xi32>
          %and3A_1605 = arith.andi %add3A_1599, %and3A_1604 : vector<16xi32>
          %gather3A = tpu.vector_load_idx %run_scoped3A_9[%shift_right_logical3A_1602, %and3A_1605] : memref<16x128xf32, #tpu.memory_space<vmem>>[vector<16xi32>, vector<16xi32>], vector<16xf32>,
          %mul3A_1606 = arith.constant 16 : i32
          %mul3A_1607 = arith.muli %while3A_1593, %mul3A_1606 : i32
          %get3A_1608 = arith.index_cast %mul3A_1607 : i32 to index
          %get3A_1609 = tpu.vector_load %run_scoped3A_7[%get3A_1608] {strides = array<i32>} : memref<1280xf32, #tpu.memory_space<vmem>>, vector<16xf32>,
          %mul3A_1610 = arith.mulf %get3A_1609, %gather3A : vector<16xf32>
          %mul3A_1611 = arith.constant 16 : i32
          %mul3A_1612 = arith.muli %while3A_1593, %mul3A_1611 : i32
          %swap3A_1613 = arith.index_cast %mul3A_1612 : i32 to index
          %swap3A_1614 = tpu.vector_load %run_scoped3A_8[%swap3A_1613] {strides = array<i32>} : memref<1280xf32, #tpu.memory_space<vmem>>, vector<16xf32>,
          tpu.vector_store %run_scoped3A_8[%swap3A_1613], %mul3A_1610 {strides = array<i32>} : memref<1280xf32, #tpu.memory_space<vmem>>, vector<16xf32>,
        }
        %add3A_1555 = arith.constant 64 : i32
        %add3A_1556 = arith.addi %scan3A_1521, %add3A_1555 : i32
        %sub3A_1557 = arith.constant 1 : i32
        %sub3A_1558 = arith.subi %add3A_1556, %sub3A_1557 : i32
        %jit3A_1559 = arith.constant 64 : i32
        %div3A_1560 = arith.divsi %sub3A_1558, %jit3A_1559 : i32
        %sign3A_1561 = arith.constant 0 : i32
        %sign3A_1562 = arith.cmpi sgt, %sub3A_1558, %sign3A_1561 : i32
        %sign3A_1563 = arith.extui %sign3A_1562 : i1 to i32
        %sign3A_1564 = arith.constant 0 : i32
        %sign3A_1565 = arith.cmpi slt, %sub3A_1558, %sign3A_1564 : i32
        %sign3A_1566 = arith.extui %sign3A_1565 : i1 to i32
        %sign3A_1567 = arith.subi %sign3A_1563, %sign3A_1566 : i32
        %sign3A_1568 = arith.constant 0 : i32
        %sign3A_1569 = arith.cmpi sgt, %jit3A_1559, %sign3A_1568 : i32
        %sign3A_1570 = arith.extui %sign3A_1569 : i1 to i32
        %sign3A_1571 = arith.constant 0 : i32
        %sign3A_1572 = arith.cmpi slt, %jit3A_1559, %sign3A_1571 : i32
        %sign3A_1573 = arith.extui %sign3A_1572 : i1 to i32
        %sign3A_1574 = arith.subi %sign3A_1570, %sign3A_1573 : i32
        %ne3A_1575 = arith.cmpi ne, %sign3A_1567, %sign3A_1574 : i32
        %rem3A_1576 = arith.remsi %sub3A_1558, %jit3A_1559 : i32
        %ne3A_1577 = arith.constant 0 : i32
        %ne3A_1578 = arith.cmpi ne, %rem3A_1576, %ne3A_1577 : i32
        %and3A_1579 = arith.andi %ne3A_1575, %ne3A_1578 : i1
        %sub3A_1580 = arith.constant 1 : i32
        %sub3A_1581 = arith.subi %div3A_1560, %sub3A_1580 : i32
        %select_n3A_1582 = arith.select %and3A_1579, %sub3A_1581, %div3A_1560 : i32
        %while3A_1583 = arith.constant 0 : i32
        %while3A_1584 = arith.constant 0 : i32
        %while3A_1585 = arith.subi %select_n3A_1582, %while3A_1584 : i32
        %while3A_1586 = arith.addi %while3A_1584, %while3A_1585 : i32
        %while3A_1587 = arith.constant 1 : i32
        %while3A_1588 = arith.divsi %while3A_1585, %while3A_1587 : i32
        %while3A_1589 = arith.muli %while3A_1588, %while3A_1587 : i32
        %while3A_1590 = arith.addi %while3A_1584, %while3A_1589 : i32
        %while3A_1591 = arith.constant 1 : i32
        scf.for %while3A_1593 = %while3A_1584 to %while3A_1590 step %while3A_1591  : i32 {
          %mul3A_1594 = arith.constant 64 : i32
          %mul3A_1595 = arith.muli %while3A_1593, %mul3A_1594 : i32
          %dma_start3A_1596 = tpu.memref_slice %run_scoped3A_6[%mul3A_1595] : memref<1280xi32, #tpu.memory_space<vmem>> -> memref<64xi32, #tpu.memory_space<vmem>>
          %dma_start3A_1597 = arith.constant 0 : i32
          %dma_start3A_1598 = arith.constant 0 : i32
          %dma_start3A_1599 = tpu.memref_slice %arg2[%dma_start3A_1597, %dma_start3A_1598] : memref<10000x256xf32, #tpu.memory_space<hbm>> -> memref<10000x256xf32, #tpu.memory_space<hbm>>
          tpu.enqueue_indirect_dma source(%dma_start3A_1599 : memref<10000x256xf32, #tpu.memory_space<hbm>>) target(%run_scoped3A_1 : memref<64x256xf32, #tpu.memory_space<vmem>>) offsets(%dma_start3A_1596 : memref<64xi32, #tpu.memory_space<vmem>>) semaphore(%arg15 : memref<!tpu.dma_semaphore, #tpu.memory_space<semaphore_mem>>)
          %dma_wait3A_1600 = tpu.memref_slice %run_scoped3A_6[%mul3A_1595] : memref<1280xi32, #tpu.memory_space<vmem>> -> memref<64xi32, #tpu.memory_space<vmem>>
          %dma_wait3A_1601 = arith.constant 0 : i32
          %dma_wait3A_1602 = arith.constant 0 : i32
          %dma_wait3A_1603 = tpu.memref_slice %arg2[%dma_wait3A_1601, %dma_wait3A_1602] : memref<10000x256xf32, #tpu.memory_space<hbm>> -> memref<10000x256xf32, #tpu.memory_space<hbm>>
          tpu.wait_indirect_dma semaphore(%arg15 : memref<!tpu.dma_semaphore, #tpu.memory_space<semaphore_mem>>) src(%dma_wait3A_1603 : memref<10000x256xf32, #tpu.memory_space<hbm>>) dst(%run_scoped3A_1 : memref<64x256xf32, #tpu.memory_space<vmem>>)
          %mul3A_1604 = arith.constant 64 : i32
          %mul3A_1605 = arith.muli %while3A_1593, %mul3A_1604 : i32
          %sub3A_1606 = arith.subi %scan3A_1521, %mul3A_1605 : i32
          %min3A = arith.constant 64 : i32
          %min3A_1607 = arith.minsi %min3A, %sub3A_1606 : i32
          %while3A_1608 = arith.constant 0 : i32
          %while3A_1609 = arith.constant 0 : i32
          %while3A_1610 = arith.subi %min3A_1607, %while3A_1609 : i32
          %while3A_1611 = arith.addi %while3A_1609, %while3A_1610 : i32
          %while3A_1612 = arith.constant 1 : i32
          %while3A_1613 = arith.divsi %while3A_1610, %while3A_1612 : i32
          %while3A_1614 = arith.muli %while3A_1613, %while3A_1612 : i32
          %while3A_1615 = arith.addi %while3A_1609, %while3A_1614 : i32
          %while3A_1616 = arith.constant 1 : i32
          scf.for %while3A_1618 = %while3A_1609 to %while3A_1615 step %while3A_1616  : i32 {
            %mul3A_1619 = arith.constant 64 : i32
            %mul3A_1620 = arith.muli %while3A_1593, %mul3A_1619 : i32
            %add3A_1621 = arith.addi %mul3A_1620, %while3A_1618 : i32
            %broadcast_in_dim3A = arith.constant 1 : i32
            %broadcast_in_dim3A_1622 = vector.broadcast %broadcast_in_dim3A : i32 to vector<16xi32>
            %mul3A_1623 = vector.broadcast %add3A_1621 : i32 to vector<16xi32>
            %mul3A_1624 = arith.muli %broadcast_in_dim3A_1622, %mul3A_1623 : vector<16xi32>
            %gather3A = tpu.vector_load_idx %run_scoped3A_5[%mul3A_1624] : memref<1280xi32, #tpu.memory_space<vmem>>[vector<16xi32>], vector<16xi32>,
            %slice3A = vector.extract_strided_slice %gather3A {offsets = [0], sizes = [1], strides = [1]} : vector<16xi32> to vector<1xi32>
            %squeeze3A = vector.extract %slice3A[0] : i32 from vector<1xi32>
            %gather3A_1625 = tpu.vector_load_idx %run_scoped3A_8[%mul3A_1624] : memref<1280xf32, #tpu.memory_space<vmem>>[vector<16xi32>], vector<16xf32>,
            %get3A_1626 = arith.index_cast %while3A_1618 : i32 to index
            %get3A_1627 = arith.constant 0 : index
            %get3A_1628 = tpu.vector_load %run_scoped3A_1[%get3A_1626, %get3A_1627] {strides = array<i32>} : memref<64x256xf32, #tpu.memory_space<vmem>>, vector<16xf32>,
            %mul3A_1629 = arith.mulf %gather3A_1625, %get3A_1628 : vector<16xf32>
            %swap3A_1630 = arith.index_cast %squeeze3A : i32 to index
            %swap3A_1631 = arith.constant 0 : index
            %swap3A_1632 = tpu.vector_load %run_scoped3A[%swap3A_1630, %swap3A_1631] {strides = array<i32>} : memref<328x256xf32, #tpu.memory_space<vmem>>, vector<16xf32>,
            tpu.vector_store %run_scoped3A[%swap3A_1630, %swap3A_1631], %mul3A_1629 {add = true, strides = array<i32>} : memref<328x256xf32, #tpu.memory_space<vmem>>, vector<16xf32>,
            %get3A_1633 = arith.index_cast %while3A_1618 : i32 to index
            %get3A_1634 = arith.constant 16 : index
            %get3A_1635 = tpu.vector_load %run_scoped3A_1[%get3A_1633, %get3A_1634] {strides = array<i32>} : memref<64x256xf32, #tpu.memory_space<vmem>>, vector<16xf32>,
            %mul3A_1636 = arith.mulf %gather3A_1625, %get3A_1635 : vector<16xf32>
            %swap3A_1637 = arith.index_cast %squeeze3A : i32 to index
            %swap3A_1638 = arith.constant 16 : index
            %swap3A_1639 = tpu.vector_load %run_scoped3A[%swap3A_1637, %swap3A_1638] {strides = array<i32>} : memref<328x256xf32, #tpu.memory_space<vmem>>, vector<16xf32>,
            tpu.vector_store %run_scoped3A[%swap3A_1637, %swap3A_1638], %mul3A_1636 {add = true, strides = array<i32>} : memref<328x256xf32, #tpu.memory_space<vmem>>, vector<16xf32>,
            %get3A_1640 = arith.index_cast %while3A_1618 : i32 to index
            %get3A_1641 = arith.constant 32 : index
            %get3A_1642 = tpu.vector_load %run_scoped3A_1[%get3A_1640, %get3A_1641] {strides = array<i32>} : memref<64x256xf32, #tpu.memory_space<vmem>>, vector<16xf32>,
            %mul3A_1643 = arith.mulf %gather3A_1625, %get3A_1642 : vector<16xf32>
            %swap3A_1644 = arith.index_cast %squeeze3A : i32 to index
            %swap3A_1645 = arith.constant 32 : index
            %swap3A_1646 = tpu.vector_load %run_scoped3A[%swap3A_1644, %swap3A_1645] {strides = array<i32>} : memref<328x256xf32, #tpu.memory_space<vmem>>, vector<16xf32>,
            tpu.vector_store %run_scoped3A[%swap3A_1644, %swap3A_1645], %mul3A_1643 {add = true, strides = array<i32>} : memref<328x256xf32, #tpu.memory_space<vmem>>, vector<16xf32>,
            %get3A_1647 = arith.index_cast %while3A_1618 : i32 to index
            %get3A_1648 = arith.constant 48 : index
            %get3A_1649 = tpu.vector_load %run_scoped3A_1[%get3A_1647, %get3A_1648] {strides = array<i32>} : memref<64x256xf32, #tpu.memory_space<vmem>>, vector<16xf32>,
            %mul3A_1650 = arith.mulf %gather3A_1625, %get3A_1649 : vector<16xf32>
            %swap3A_1651 = arith.index_cast %squeeze3A : i32 to index
            %swap3A_1652 = arith.constant 48 : index
            %swap3A_1653 = tpu.vector_load %run_scoped3A[%swap3A_1651, %swap3A_1652] {strides = array<i32>} : memref<328x256xf32, #tpu.memory_space<vmem>>, vector<16xf32>,
            tpu.vector_store %run_scoped3A[%swap3A_1651, %swap3A_1652], %mul3A_1650 {add = true, strides = array<i32>} : memref<328x256xf32, #tpu.memory_space<vmem>>, vector<16xf32>,
            %get3A_1654 = arith.index_cast %while3A_1618 : i32 to index
            %get3A_1655 = arith.constant 64 : index
            %get3A_1656 = tpu.vector_load %run_scoped3A_1[%get3A_1654, %get3A_1655] {strides = array<i32>} : memref<64x256xf32, #tpu.memory_space<vmem>>, vector<16xf32>,
            %mul3A_1657 = arith.mulf %gather3A_1625, %get3A_1656 : vector<16xf32>
            %swap3A_1658 = arith.index_cast %squeeze3A : i32 to index
            %swap3A_1659 = arith.constant 64 : index
            %swap3A_1660 = tpu.vector_load %run_scoped3A[%swap3A_1658, %swap3A_1659] {strides = array<i32>} : memref<328x256xf32, #tpu.memory_space<vmem>>, vector<16xf32>,
            tpu.vector_store %run_scoped3A[%swap3A_1658, %swap3A_1659], %mul3A_1657 {add = true, strides = array<i32>} : memref<328x256xf32, #tpu.memory_space<vmem>>, vector<16xf32>,
            %get3A_1661 = arith.index_cast %while3A_1618 : i32 to index
            %get3A_1662 = arith.constant 80 : index
            %get3A_1663 = tpu.vector_load %run_scoped3A_1[%get3A_1661, %get3A_1662] {strides = array<i32>} : memref<64x256xf32, #tpu.memory_space<vmem>>, vector<16xf32>,
            %mul3A_1664 = arith.mulf %gather3A_1625, %get3A_1663 : vector<16xf32>
            %swap3A_1665 = arith.index_cast %squeeze3A : i32 to index
            %swap3A_1666 = arith.constant 80 : index
            %swap3A_1667 = tpu.vector_load %run_scoped3A[%swap3A_1665, %swap3A_1666] {strides = array<i32>} : memref<328x256xf32, #tpu.memory_space<vmem>>, vector<16xf32>,
            tpu.vector_store %run_scoped3A[%swap3A_1665, %swap3A_1666], %mul3A_1664 {add = true, strides = array<i32>} : memref<328x256xf32, #tpu.memory_space<vmem>>, vector<16xf32>,
            %get3A_1668 = arith.index_cast %while3A_1618 : i32 to index
            %get3A_1669 = arith.constant 96 : index
            %get3A_1670 = tpu.vector_load %run_scoped3A_1[%get3A_1668, %get3A_1669] {strides = array<i32>} : memref<64x256xf32, #tpu.memory_space<vmem>>, vector<16xf32>,
            %mul3A_1671 = arith.mulf %gather3A_1625, %get3A_1670 : vector<16xf32>
            %swap3A_1672 = arith.index_cast %squeeze3A : i32 to index
            %swap3A_1673 = arith.constant 96 : index
            %swap3A_1674 = tpu.vector_load %run_scoped3A[%swap3A_1672, %swap3A_1673] {strides = array<i32>} : memref<328x256xf32, #tpu.memory_space<vmem>>, vector<16xf32>,
            tpu.vector_store %run_scoped3A[%swap3A_1672, %swap3A_1673], %mul3A_1671 {add = true, strides = array<i32>} : memref<328x256xf32, #tpu.memory_space<vmem>>, vector<16xf32>,
            %get3A_1675 = arith.index_cast %while3A_1618 : i32 to index
            %get3A_1676 = arith.constant 112 : index
            %get3A_1677 = tpu.vector_load %run_scoped3A_1[%get3A_1675, %get3A_1676] {strides = array<i32>} : memref<64x256xf32, #tpu.memory_space<vmem>>, vector<16xf32>,
            %mul3A_1678 = arith.mulf %gather3A_1625, %get3A_1677 : vector<16xf32>
            %swap3A_1679 = arith.index_cast %squeeze3A : i32 to index
            %swap3A_1680 = arith.constant 112 : index
            %swap3A_1681 = tpu.vector_load %run_scoped3A[%swap3A_1679, %swap3A_1680] {strides = array<i32>} : memref<328x256xf32, #tpu.memory_space<vmem>>, vector<16xf32>,
            tpu.vector_store %run_scoped3A[%swap3A_1679, %swap3A_1680], %mul3A_1678 {add = true, strides = array<i32>} : memref<328x256xf32, #tpu.memory_space<vmem>>, vector<16xf32>,
            %get3A_1682 = arith.index_cast %while3A_1618 : i32 to index
            %get3A_1683 = arith.constant 128 : index
            %get3A_1684 = tpu.vector_load %run_scoped3A_1[%get3A_1682, %get3A_1683] {strides = array<i32>} : memref<64x256xf32, #tpu.memory_space<vmem>>, vector<16xf32>,
            %mul3A_1685 = arith.mulf %gather3A_1625, %get3A_1684 : vector<16xf32>
            %swap3A_1686 = arith.index_cast %squeeze3A : i32 to index
            %swap3A_1687 = arith.constant 128 : index
            %swap3A_1688 = tpu.vector_load %run_scoped3A[%swap3A_1686, %swap3A_1687] {strides = array<i32>} : memref<328x256xf32, #tpu.memory_space<vmem>>, vector<16xf32>,
            tpu.vector_store %run_scoped3A[%swap3A_1686, %swap3A_1687], %mul3A_1685 {add = true, strides = array<i32>} : memref<328x256xf32, #tpu.memory_space<vmem>>, vector<16xf32>,
            %get3A_1689 = arith.index_cast %while3A_1618 : i32 to index
            %get3A_1690 = arith.constant 144 : index
            %get3A_1691 = tpu.vector_load %run_scoped3A_1[%get3A_1689, %get3A_1690] {strides = array<i32>} : memref<64x256xf32, #tpu.memory_space<vmem>>, vector<16xf32>,
            %mul3A_1692 = arith.mulf %gather3A_1625, %get3A_1691 : vector<16xf32>
            %swap3A_1693 = arith.index_cast %squeeze3A : i32 to index
            %swap3A_1694 = arith.constant 144 : index
            %swap3A_1695 = tpu.vector_load %run_scoped3A[%swap3A_1693, %swap3A_1694] {strides = array<i32>} : memref<328x256xf32, #tpu.memory_space<vmem>>, vector<16xf32>,
            tpu.vector_store %run_scoped3A[%swap3A_1693, %swap3A_1694], %mul3A_1692 {add = true, strides = array<i32>} : memref<328x256xf32, #tpu.memory_space<vmem>>, vector<16xf32>,
            %get3A_1696 = arith.index_cast %while3A_1618 : i32 to index
            %get3A_1697 = arith.constant 160 : index
            %get3A_1698 = tpu.vector_load %run_scoped3A_1[%get3A_1696, %get3A_1697] {strides = array<i32>} : memref<64x256xf32, #tpu.memory_space<vmem>>, vector<16xf32>,
            %mul3A_1699 = arith.mulf %gather3A_1625, %get3A_1698 : vector<16xf32>
            %swap3A_1700 = arith.index_cast %squeeze3A : i32 to index
            %swap3A_1701 = arith.constant 160 : index
            %swap3A_1702 = tpu.vector_load %run_scoped3A[%swap3A_1700, %swap3A_1701] {strides = array<i32>} : memref<328x256xf32, #tpu.memory_space<vmem>>, vector<16xf32>,
            tpu.vector_store %run_scoped3A[%swap3A_1700, %swap3A_1701], %mul3A_1699 {add = true, strides = array<i32>} : memref<328x256xf32, #tpu.memory_space<vmem>>, vector<16xf32>,
            %get3A_1703 = arith.index_cast %while3A_1618 : i32 to index
            %get3A_1704 = arith.constant 176 : index
            %get3A_1705 = tpu.vector_load %run_scoped3A_1[%get3A_1703, %get3A_1704] {strides = array<i32>} : memref<64x256xf32, #tpu.memory_space<vmem>>, vector<16xf32>,
            %mul3A_1706 = arith.mulf %gather3A_1625, %get3A_1705 : vector<16xf32>
            %swap3A_1707 = arith.index_cast %squeeze3A : i32 to index
            %swap3A_1708 = arith.constant 176 : index
            %swap3A_1709 = tpu.vector_load %run_scoped3A[%swap3A_1707, %swap3A_1708] {strides = array<i32>} : memref<328x256xf32, #tpu.memory_space<vmem>>, vector<16xf32>,
            tpu.vector_store %run_scoped3A[%swap3A_1707, %swap3A_1708], %mul3A_1706 {add = true, strides = array<i32>} : memref<328x256xf32, #tpu.memory_space<vmem>>, vector<16xf32>,
            %get3A_1710 = arith.index_cast %while3A_1618 : i32 to index
            %get3A_1711 = arith.constant 192 : index
            %get3A_1712 = tpu.vector_load %run_scoped3A_1[%get3A_1710, %get3A_1711] {strides = array<i32>} : memref<64x256xf32, #tpu.memory_space<vmem>>, vector<16xf32>,
            %mul3A_1713 = arith.mulf %gather3A_1625, %get3A_1712 : vector<16xf32>
            %swap3A_1714 = arith.index_cast %squeeze3A : i32 to index
            %swap3A_1715 = arith.constant 192 : index
            %swap3A_1716 = tpu.vector_load %run_scoped3A[%swap3A_1714, %swap3A_1715] {strides = array<i32>} : memref<328x256xf32, #tpu.memory_space<vmem>>, vector<16xf32>,
            tpu.vector_store %run_scoped3A[%swap3A_1714, %swap3A_1715], %mul3A_1713 {add = true, strides = array<i32>} : memref<328x256xf32, #tpu.memory_space<vmem>>, vector<16xf32>,
            %get3A_1717 = arith.index_cast %while3A_1618 : i32 to index
            %get3A_1718 = arith.constant 208 : index
            %get3A_1719 = tpu.vector_load %run_scoped3A_1[%get3A_1717, %get3A_1718] {strides = array<i32>} : memref<64x256xf32, #tpu.memory_space<vmem>>, vector<16xf32>,
            %mul3A_1720 = arith.mulf %gather3A_1625, %get3A_1719 : vector<16xf32>
            %swap3A_1721 = arith.index_cast %squeeze3A : i32 to index
            %swap3A_1722 = arith.constant 208 : index
            %swap3A_1723 = tpu.vector_load %run_scoped3A[%swap3A_1721, %swap3A_1722] {strides = array<i32>} : memref<328x256xf32, #tpu.memory_space<vmem>>, vector<16xf32>,
            tpu.vector_store %run_scoped3A[%swap3A_1721, %swap3A_1722], %mul3A_1720 {add = true, strides = array<i32>} : memref<328x256xf32, #tpu.memory_space<vmem>>, vector<16xf32>,
            %get3A_1724 = arith.index_cast %while3A_1618 : i32 to index
            %get3A_1725 = arith.constant 224 : index
            %get3A_1726 = tpu.vector_load %run_scoped3A_1[%get3A_1724, %get3A_1725] {strides = array<i32>} : memref<64x256xf32, #tpu.memory_space<vmem>>, vector<16xf32>,
            %mul3A_1727 = arith.mulf %gather3A_1625, %get3A_1726 : vector<16xf32>
            %swap3A_1728 = arith.index_cast %squeeze3A : i32 to index
            %swap3A_1729 = arith.constant 224 : index
            %swap3A_1730 = tpu.vector_load %run_scoped3A[%swap3A_1728, %swap3A_1729] {strides = array<i32>} : memref<328x256xf32, #tpu.memory_space<vmem>>, vector<16xf32>,
            tpu.vector_store %run_scoped3A[%swap3A_1728, %swap3A_1729], %mul3A_1727 {add = true, strides = array<i32>} : memref<328x256xf32, #tpu.memory_space<vmem>>, vector<16xf32>,
            %get3A_1731 = arith.index_cast %while3A_1618 : i32 to index
            %get3A_1732 = arith.constant 240 : index
            %get3A_1733 = tpu.vector_load %run_scoped3A_1[%get3A_1731, %get3A_1732] {strides = array<i32>} : memref<64x256xf32, #tpu.memory_space<vmem>>, vector<16xf32>,
            %mul3A_1734 = arith.mulf %gather3A_1625, %get3A_1733 : vector<16xf32>
            %swap3A_1735 = arith.index_cast %squeeze3A : i32 to index
            %swap3A_1736 = arith.constant 240 : index
            %swap3A_1737 = tpu.vector_load %run_scoped3A[%swap3A_1735, %swap3A_1736] {strides = array<i32>} : memref<328x256xf32, #tpu.memory_space<vmem>>, vector<16xf32>,
            tpu.vector_store %run_scoped3A[%swap3A_1735, %swap3A_1736], %mul3A_1734 {add = true, strides = array<i32>} : memref<328x256xf32, #tpu.memory_space<vmem>>, vector<16xf32>,
          }
          %while3A_1617 = arith.constant 1 : i32
          scf.for %while3A_1618 = %while3A_1615 to %while3A_1611 step %while3A_1617  : i32 {
            %mul3A_1619 = arith.constant 64 : i32
            %mul3A_1620 = arith.muli %while3A_1593, %mul3A_1619 : i32
            %add3A_1621 = arith.addi %mul3A_1620, %while3A_1618 : i32
            %broadcast_in_dim3A = arith.constant 1 : i32
            %broadcast_in_dim3A_1622 = vector.broadcast %broadcast_in_dim3A : i32 to vector<16xi32>
            %mul3A_1623 = vector.broadcast %add3A_1621 : i32 to vector<16xi32>
            %mul3A_1624 = arith.muli %broadcast_in_dim3A_1622, %mul3A_1623 : vector<16xi32>
            %gather3A = tpu.vector_load_idx %run_scoped3A_5[%mul3A_1624] : memref<1280xi32, #tpu.memory_space<vmem>>[vector<16xi32>], vector<16xi32>,
            %slice3A = vector.extract_strided_slice %gather3A {offsets = [0], sizes = [1], strides = [1]} : vector<16xi32> to vector<1xi32>
            %squeeze3A = vector.extract %slice3A[0] : i32 from vector<1xi32>
            %gather3A_1625 = tpu.vector_load_idx %run_scoped3A_8[%mul3A_1624] : memref<1280xf32, #tpu.memory_space<vmem>>[vector<16xi32>], vector<16xf32>,
            %get3A_1626 = arith.index_cast %while3A_1618 : i32 to index
            %get3A_1627 = arith.constant 0 : index
            %get3A_1628 = tpu.vector_load %run_scoped3A_1[%get3A_1626, %get3A_1627] {strides = array<i32>} : memref<64x256xf32, #tpu.memory_space<vmem>>, vector<16xf32>,
            %mul3A_1629 = arith.mulf %gather3A_1625, %get3A_1628 : vector<16xf32>
            %swap3A_1630 = arith.index_cast %squeeze3A : i32 to index
            %swap3A_1631 = arith.constant 0 : index
            %swap3A_1632 = tpu.vector_load %run_scoped3A[%swap3A_1630, %swap3A_1631] {strides = array<i32>} : memref<328x256xf32, #tpu.memory_space<vmem>>, vector<16xf32>,
            tpu.vector_store %run_scoped3A[%swap3A_1630, %swap3A_1631], %mul3A_1629 {add = true, strides = array<i32>} : memref<328x256xf32, #tpu.memory_space<vmem>>, vector<16xf32>,
            %get3A_1633 = arith.index_cast %while3A_1618 : i32 to index
            %get3A_1634 = arith.constant 16 : index
            %get3A_1635 = tpu.vector_load %run_scoped3A_1[%get3A_1633, %get3A_1634] {strides = array<i32>} : memref<64x256xf32, #tpu.memory_space<vmem>>, vector<16xf32>,
            %mul3A_1636 = arith.mulf %gather3A_1625, %get3A_1635 : vector<16xf32>
            %swap3A_1637 = arith.index_cast %squeeze3A : i32 to index
            %swap3A_1638 = arith.constant 16 : index
            %swap3A_1639 = tpu.vector_load %run_scoped3A[%swap3A_1637, %swap3A_1638] {strides = array<i32>} : memref<328x256xf32, #tpu.memory_space<vmem>>, vector<16xf32>,
            tpu.vector_store %run_scoped3A[%swap3A_1637, %swap3A_1638], %mul3A_1636 {add = true, strides = array<i32>} : memref<328x256xf32, #tpu.memory_space<vmem>>, vector<16xf32>,
            %get3A_1640 = arith.index_cast %while3A_1618 : i32 to index
            %get3A_1641 = arith.constant 32 : index
            %get3A_1642 = tpu.vector_load %run_scoped3A_1[%get3A_1640, %get3A_1641] {strides = array<i32>} : memref<64x256xf32, #tpu.memory_space<vmem>>, vector<16xf32>,
            %mul3A_1643 = arith.mulf %gather3A_1625, %get3A_1642 : vector<16xf32>
            %swap3A_1644 = arith.index_cast %squeeze3A : i32 to index
            %swap3A_1645 = arith.constant 32 : index
            %swap3A_1646 = tpu.vector_load %run_scoped3A[%swap3A_1644, %swap3A_1645] {strides = array<i32>} : memref<328x256xf32, #tpu.memory_space<vmem>>, vector<16xf32>,
            tpu.vector_store %run_scoped3A[%swap3A_1644, %swap3A_1645], %mul3A_1643 {add = true, strides = array<i32>} : memref<328x256xf32, #tpu.memory_space<vmem>>, vector<16xf32>,
            %get3A_1647 = arith.index_cast %while3A_1618 : i32 to index
            %get3A_1648 = arith.constant 48 : index
            %get3A_1649 = tpu.vector_load %run_scoped3A_1[%get3A_1647, %get3A_1648] {strides = array<i32>} : memref<64x256xf32, #tpu.memory_space<vmem>>, vector<16xf32>,
            %mul3A_1650 = arith.mulf %gather3A_1625, %get3A_1649 : vector<16xf32>
            %swap3A_1651 = arith.index_cast %squeeze3A : i32 to index
            %swap3A_1652 = arith.constant 48 : index
            %swap3A_1653 = tpu.vector_load %run_scoped3A[%swap3A_1651, %swap3A_1652] {strides = array<i32>} : memref<328x256xf32, #tpu.memory_space<vmem>>, vector<16xf32>,
            tpu.vector_store %run_scoped3A[%swap3A_1651, %swap3A_1652], %mul3A_1650 {add = true, strides = array<i32>} : memref<328x256xf32, #tpu.memory_space<vmem>>, vector<16xf32>,
            %get3A_1654 = arith.index_cast %while3A_1618 : i32 to index
            %get3A_1655 = arith.constant 64 : index
            %get3A_1656 = tpu.vector_load %run_scoped3A_1[%get3A_1654, %get3A_1655] {strides = array<i32>} : memref<64x256xf32, #tpu.memory_space<vmem>>, vector<16xf32>,
            %mul3A_1657 = arith.mulf %gather3A_1625, %get3A_1656 : vector<16xf32>
            %swap3A_1658 = arith.index_cast %squeeze3A : i32 to index
            %swap3A_1659 = arith.constant 64 : index
            %swap3A_1660 = tpu.vector_load %run_scoped3A[%swap3A_1658, %swap3A_1659] {strides = array<i32>} : memref<328x256xf32, #tpu.memory_space<vmem>>, vector<16xf32>,
            tpu.vector_store %run_scoped3A[%swap3A_1658, %swap3A_1659], %mul3A_1657 {add = true, strides = array<i32>} : memref<328x256xf32, #tpu.memory_space<vmem>>, vector<16xf32>,
            %get3A_1661 = arith.index_cast %while3A_1618 : i32 to index
            %get3A_1662 = arith.constant 80 : index
            %get3A_1663 = tpu.vector_load %run_scoped3A_1[%get3A_1661, %get3A_1662] {strides = array<i32>} : memref<64x256xf32, #tpu.memory_space<vmem>>, vector<16xf32>,
            %mul3A_1664 = arith.mulf %gather3A_1625, %get3A_1663 : vector<16xf32>
            %swap3A_1665 = arith.index_cast %squeeze3A : i32 to index
            %swap3A_1666 = arith.constant 80 : index
            %swap3A_1667 = tpu.vector_load %run_scoped3A[%swap3A_1665, %swap3A_1666] {strides = array<i32>} : memref<328x256xf32, #tpu.memory_space<vmem>>, vector<16xf32>,
            tpu.vector_store %run_scoped3A[%swap3A_1665, %swap3A_1666], %mul3A_1664 {add = true, strides = array<i32>} : memref<328x256xf32, #tpu.memory_space<vmem>>, vector<16xf32>,
            %get3A_1668 = arith.index_cast %while3A_1618 : i32 to index
            %get3A_1669 = arith.constant 96 : index
            %get3A_1670 = tpu.vector_load %run_scoped3A_1[%get3A_1668, %get3A_1669] {strides = array<i32>} : memref<64x256xf32, #tpu.memory_space<vmem>>, vector<16xf32>,
            %mul3A_1671 = arith.mulf %gather3A_1625, %get3A_1670 : vector<16xf32>
            %swap3A_1672 = arith.index_cast %squeeze3A : i32 to index
            %swap3A_1673 = arith.constant 96 : index
            %swap3A_1674 = tpu.vector_load %run_scoped3A[%swap3A_1672, %swap3A_1673] {strides = array<i32>} : memref<328x256xf32, #tpu.memory_space<vmem>>, vector<16xf32>,
            tpu.vector_store %run_scoped3A[%swap3A_1672, %swap3A_1673], %mul3A_1671 {add = true, strides = array<i32>} : memref<328x256xf32, #tpu.memory_space<vmem>>, vector<16xf32>,
            %get3A_1675 = arith.index_cast %while3A_1618 : i32 to index
            %get3A_1676 = arith.constant 112 : index
            %get3A_1677 = tpu.vector_load %run_scoped3A_1[%get3A_1675, %get3A_1676] {strides = array<i32>} : memref<64x256xf32, #tpu.memory_space<vmem>>, vector<16xf32>,
            %mul3A_1678 = arith.mulf %gather3A_1625, %get3A_1677 : vector<16xf32>
            %swap3A_1679 = arith.index_cast %squeeze3A : i32 to index
            %swap3A_1680 = arith.constant 112 : index
            %swap3A_1681 = tpu.vector_load %run_scoped3A[%swap3A_1679, %swap3A_1680] {strides = array<i32>} : memref<328x256xf32, #tpu.memory_space<vmem>>, vector<16xf32>,
            tpu.vector_store %run_scoped3A[%swap3A_1679, %swap3A_1680], %mul3A_1678 {add = true, strides = array<i32>} : memref<328x256xf32, #tpu.memory_space<vmem>>, vector<16xf32>,
            %get3A_1682 = arith.index_cast %while3A_1618 : i32 to index
            %get3A_1683 = arith.constant 128 : index
            %get3A_1684 = tpu.vector_load %run_scoped3A_1[%get3A_1682, %get3A_1683] {strides = array<i32>} : memref<64x256xf32, #tpu.memory_space<vmem>>, vector<16xf32>,
            %mul3A_1685 = arith.mulf %gather3A_1625, %get3A_1684 : vector<16xf32>
            %swap3A_1686 = arith.index_cast %squeeze3A : i32 to index
            %swap3A_1687 = arith.constant 128 : index
            %swap3A_1688 = tpu.vector_load %run_scoped3A[%swap3A_1686, %swap3A_1687] {strides = array<i32>} : memref<328x256xf32, #tpu.memory_space<vmem>>, vector<16xf32>,
            tpu.vector_store %run_scoped3A[%swap3A_1686, %swap3A_1687], %mul3A_1685 {add = true, strides = array<i32>} : memref<328x256xf32, #tpu.memory_space<vmem>>, vector<16xf32>,
            %get3A_1689 = arith.index_cast %while3A_1618 : i32 to index
            %get3A_1690 = arith.constant 144 : index
            %get3A_1691 = tpu.vector_load %run_scoped3A_1[%get3A_1689, %get3A_1690] {strides = array<i32>} : memref<64x256xf32, #tpu.memory_space<vmem>>, vector<16xf32>,
            %mul3A_1692 = arith.mulf %gather3A_1625, %get3A_1691 : vector<16xf32>
            %swap3A_1693 = arith.index_cast %squeeze3A : i32 to index
            %swap3A_1694 = arith.constant 144 : index
            %swap3A_1695 = tpu.vector_load %run_scoped3A[%swap3A_1693, %swap3A_1694] {strides = array<i32>} : memref<328x256xf32, #tpu.memory_space<vmem>>, vector<16xf32>,
            tpu.vector_store %run_scoped3A[%swap3A_1693, %swap3A_1694], %mul3A_1692 {add = true, strides = array<i32>} : memref<328x256xf32, #tpu.memory_space<vmem>>, vector<16xf32>,
            %get3A_1696 = arith.index_cast %while3A_1618 : i32 to index
            %get3A_1697 = arith.constant 160 : index
            %get3A_1698 = tpu.vector_load %run_scoped3A_1[%get3A_1696, %get3A_1697] {strides = array<i32>} : memref<64x256xf32, #tpu.memory_space<vmem>>, vector<16xf32>,
            %mul3A_1699 = arith.mulf %gather3A_1625, %get3A_1698 : vector<16xf32>
            %swap3A_1700 = arith.index_cast %squeeze3A : i32 to index
            %swap3A_1701 = arith.constant 160 : index
            %swap3A_1702 = tpu.vector_load %run_scoped3A[%swap3A_1700, %swap3A_1701] {strides = array<i32>} : memref<328x256xf32, #tpu.memory_space<vmem>>, vector<16xf32>,
            tpu.vector_store %run_scoped3A[%swap3A_1700, %swap3A_1701], %mul3A_1699 {add = true, strides = array<i32>} : memref<328x256xf32, #tpu.memory_space<vmem>>, vector<16xf32>,
            %get3A_1703 = arith.index_cast %while3A_1618 : i32 to index
            %get3A_1704 = arith.constant 176 : index
            %get3A_1705 = tpu.vector_load %run_scoped3A_1[%get3A_1703, %get3A_1704] {strides = array<i32>} : memref<64x256xf32, #tpu.memory_space<vmem>>, vector<16xf32>,
            %mul3A_1706 = arith.mulf %gather3A_1625, %get3A_1705 : vector<16xf32>
            %swap3A_1707 = arith.index_cast %squeeze3A : i32 to index
            %swap3A_1708 = arith.constant 176 : index
            %swap3A_1709 = tpu.vector_load %run_scoped3A[%swap3A_1707, %swap3A_1708] {strides = array<i32>} : memref<328x256xf32, #tpu.memory_space<vmem>>, vector<16xf32>,
            tpu.vector_store %run_scoped3A[%swap3A_1707, %swap3A_1708], %mul3A_1706 {add = true, strides = array<i32>} : memref<328x256xf32, #tpu.memory_space<vmem>>, vector<16xf32>,
            %get3A_1710 = arith.index_cast %while3A_1618 : i32 to index
            %get3A_1711 = arith.constant 192 : index
            %get3A_1712 = tpu.vector_load %run_scoped3A_1[%get3A_1710, %get3A_1711] {strides = array<i32>} : memref<64x256xf32, #tpu.memory_space<vmem>>, vector<16xf32>,
            %mul3A_1713 = arith.mulf %gather3A_1625, %get3A_1712 : vector<16xf32>
            %swap3A_1714 = arith.index_cast %squeeze3A : i32 to index
            %swap3A_1715 = arith.constant 192 : index
            %swap3A_1716 = tpu.vector_load %run_scoped3A[%swap3A_1714, %swap3A_1715] {strides = array<i32>} : memref<328x256xf32, #tpu.memory_space<vmem>>, vector<16xf32>,
            tpu.vector_store %run_scoped3A[%swap3A_1714, %swap3A_1715], %mul3A_1713 {add = true, strides = array<i32>} : memref<328x256xf32, #tpu.memory_space<vmem>>, vector<16xf32>,
            %get3A_1717 = arith.index_cast %while3A_1618 : i32 to index
            %get3A_1718 = arith.constant 208 : index
            %get3A_1719 = tpu.vector_load %run_scoped3A_1[%get3A_1717, %get3A_1718] {strides = array<i32>} : memref<64x256xf32, #tpu.memory_space<vmem>>, vector<16xf32>,
            %mul3A_1720 = arith.mulf %gather3A_1625, %get3A_1719 : vector<16xf32>
            %swap3A_1721 = arith.index_cast %squeeze3A : i32 to index
            %swap3A_1722 = arith.constant 208 : index
            %swap3A_1723 = tpu.vector_load %run_scoped3A[%swap3A_1721, %swap3A_1722] {strides = array<i32>} : memref<328x256xf32, #tpu.memory_space<vmem>>, vector<16xf32>,
            tpu.vector_store %run_scoped3A[%swap3A_1721, %swap3A_1722], %mul3A_1720 {add = true, strides = array<i32>} : memref<328x256xf32, #tpu.memory_space<vmem>>, vector<16xf32>,
            %get3A_1724 = arith.index_cast %while3A_1618 : i32 to index
            %get3A_1725 = arith.constant 224 : index
            %get3A_1726 = tpu.vector_load %run_scoped3A_1[%get3A_1724, %get3A_1725] {strides = array<i32>} : memref<64x256xf32, #tpu.memory_space<vmem>>, vector<16xf32>,
            %mul3A_1727 = arith.mulf %gather3A_1625, %get3A_1726 : vector<16xf32>
            %swap3A_1728 = arith.index_cast %squeeze3A : i32 to index
            %swap3A_1729 = arith.constant 224 : index
            %swap3A_1730 = tpu.vector_load %run_scoped3A[%swap3A_1728, %swap3A_1729] {strides = array<i32>} : memref<328x256xf32, #tpu.memory_space<vmem>>, vector<16xf32>,
            tpu.vector_store %run_scoped3A[%swap3A_1728, %swap3A_1729], %mul3A_1727 {add = true, strides = array<i32>} : memref<328x256xf32, #tpu.memory_space<vmem>>, vector<16xf32>,
            %get3A_1731 = arith.index_cast %while3A_1618 : i32 to index
            %get3A_1732 = arith.constant 240 : index
            %get3A_1733 = tpu.vector_load %run_scoped3A_1[%get3A_1731, %get3A_1732] {strides = array<i32>} : memref<64x256xf32, #tpu.memory_space<vmem>>, vector<16xf32>,
            %mul3A_1734 = arith.mulf %gather3A_1625, %get3A_1733 : vector<16xf32>
            %swap3A_1735 = arith.index_cast %squeeze3A : i32 to index
            %swap3A_1736 = arith.constant 240 : index
            %swap3A_1737 = tpu.vector_load %run_scoped3A[%swap3A_1735, %swap3A_1736] {strides = array<i32>} : memref<328x256xf32, #tpu.memory_space<vmem>>, vector<16xf32>,
            tpu.vector_store %run_scoped3A[%swap3A_1735, %swap3A_1736], %mul3A_1734 {add = true, strides = array<i32>} : memref<328x256xf32, #tpu.memory_space<vmem>>, vector<16xf32>,
          }
        }
        %while3A_1592 = arith.constant 1 : i32
        scf.for %while3A_1593 = %while3A_1590 to %while3A_1586 step %while3A_1592  : i32 {
          %mul3A_1594 = arith.constant 64 : i32
          %mul3A_1595 = arith.muli %while3A_1593, %mul3A_1594 : i32
          %dma_start3A_1596 = tpu.memref_slice %run_scoped3A_6[%mul3A_1595] : memref<1280xi32, #tpu.memory_space<vmem>> -> memref<64xi32, #tpu.memory_space<vmem>>
          %dma_start3A_1597 = arith.constant 0 : i32
          %dma_start3A_1598 = arith.constant 0 : i32
          %dma_start3A_1599 = tpu.memref_slice %arg2[%dma_start3A_1597, %dma_start3A_1598] : memref<10000x256xf32, #tpu.memory_space<hbm>> -> memref<10000x256xf32, #tpu.memory_space<hbm>>
          tpu.enqueue_indirect_dma source(%dma_start3A_1599 : memref<10000x256xf32, #tpu.memory_space<hbm>>) target(%run_scoped3A_1 : memref<64x256xf32, #tpu.memory_space<vmem>>) offsets(%dma_start3A_1596 : memref<64xi32, #tpu.memory_space<vmem>>) semaphore(%arg15 : memref<!tpu.dma_semaphore, #tpu.memory_space<semaphore_mem>>)
          %dma_wait3A_1600 = tpu.memref_slice %run_scoped3A_6[%mul3A_1595] : memref<1280xi32, #tpu.memory_space<vmem>> -> memref<64xi32, #tpu.memory_space<vmem>>
          %dma_wait3A_1601 = arith.constant 0 : i32
          %dma_wait3A_1602 = arith.constant 0 : i32
          %dma_wait3A_1603 = tpu.memref_slice %arg2[%dma_wait3A_1601, %dma_wait3A_1602] : memref<10000x256xf32, #tpu.memory_space<hbm>> -> memref<10000x256xf32, #tpu.memory_space<hbm>>
          tpu.wait_indirect_dma semaphore(%arg15 : memref<!tpu.dma_semaphore, #tpu.memory_space<semaphore_mem>>) src(%dma_wait3A_1603 : memref<10000x256xf32, #tpu.memory_space<hbm>>) dst(%run_scoped3A_1 : memref<64x256xf32, #tpu.memory_space<vmem>>)
          %mul3A_1604 = arith.constant 64 : i32
          %mul3A_1605 = arith.muli %while3A_1593, %mul3A_1604 : i32
          %sub3A_1606 = arith.subi %scan3A_1521, %mul3A_1605 : i32
          %min3A = arith.constant 64 : i32
          %min3A_1607 = arith.minsi %min3A, %sub3A_1606 : i32
          %while3A_1608 = arith.constant 0 : i32
          %while3A_1609 = arith.constant 0 : i32
          %while3A_1610 = arith.subi %min3A_1607, %while3A_1609 : i32
          %while3A_1611 = arith.addi %while3A_1609, %while3A_1610 : i32
          %while3A_1612 = arith.constant 1 : i32
          %while3A_1613 = arith.divsi %while3A_1610, %while3A_1612 : i32
          %while3A_1614 = arith.muli %while3A_1613, %while3A_1612 : i32
          %while3A_1615 = arith.addi %while3A_1609, %while3A_1614 : i32
          %while3A_1616 = arith.constant 1 : i32
          scf.for %while3A_1618 = %while3A_1609 to %while3A_1615 step %while3A_1616  : i32 {
            %mul3A_1619 = arith.constant 64 : i32
            %mul3A_1620 = arith.muli %while3A_1593, %mul3A_1619 : i32
            %add3A_1621 = arith.addi %mul3A_1620, %while3A_1618 : i32
            %broadcast_in_dim3A = arith.constant 1 : i32
            %broadcast_in_dim3A_1622 = vector.broadcast %broadcast_in_dim3A : i32 to vector<16xi32>
            %mul3A_1623 = vector.broadcast %add3A_1621 : i32 to vector<16xi32>
            %mul3A_1624 = arith.muli %broadcast_in_dim3A_1622, %mul3A_1623 : vector<16xi32>
            %gather3A = tpu.vector_load_idx %run_scoped3A_5[%mul3A_1624] : memref<1280xi32, #tpu.memory_space<vmem>>[vector<16xi32>], vector<16xi32>,
            %slice3A = vector.extract_strided_slice %gather3A {offsets = [0], sizes = [1], strides = [1]} : vector<16xi32> to vector<1xi32>
            %squeeze3A = vector.extract %slice3A[0] : i32 from vector<1xi32>
            %gather3A_1625 = tpu.vector_load_idx %run_scoped3A_8[%mul3A_1624] : memref<1280xf32, #tpu.memory_space<vmem>>[vector<16xi32>], vector<16xf32>,
            %get3A_1626 = arith.index_cast %while3A_1618 : i32 to index
            %get3A_1627 = arith.constant 0 : index
            %get3A_1628 = tpu.vector_load %run_scoped3A_1[%get3A_1626, %get3A_1627] {strides = array<i32>} : memref<64x256xf32, #tpu.memory_space<vmem>>, vector<16xf32>,
            %mul3A_1629 = arith.mulf %gather3A_1625, %get3A_1628 : vector<16xf32>
            %swap3A_1630 = arith.index_cast %squeeze3A : i32 to index
            %swap3A_1631 = arith.constant 0 : index
            %swap3A_1632 = tpu.vector_load %run_scoped3A[%swap3A_1630, %swap3A_1631] {strides = array<i32>} : memref<328x256xf32, #tpu.memory_space<vmem>>, vector<16xf32>,
            tpu.vector_store %run_scoped3A[%swap3A_1630, %swap3A_1631], %mul3A_1629 {add = true, strides = array<i32>} : memref<328x256xf32, #tpu.memory_space<vmem>>, vector<16xf32>,
            %get3A_1633 = arith.index_cast %while3A_1618 : i32 to index
            %get3A_1634 = arith.constant 16 : index
            %get3A_1635 = tpu.vector_load %run_scoped3A_1[%get3A_1633, %get3A_1634] {strides = array<i32>} : memref<64x256xf32, #tpu.memory_space<vmem>>, vector<16xf32>,
            %mul3A_1636 = arith.mulf %gather3A_1625, %get3A_1635 : vector<16xf32>
            %swap3A_1637 = arith.index_cast %squeeze3A : i32 to index
            %swap3A_1638 = arith.constant 16 : index
            %swap3A_1639 = tpu.vector_load %run_scoped3A[%swap3A_1637, %swap3A_1638] {strides = array<i32>} : memref<328x256xf32, #tpu.memory_space<vmem>>, vector<16xf32>,
            tpu.vector_store %run_scoped3A[%swap3A_1637, %swap3A_1638], %mul3A_1636 {add = true, strides = array<i32>} : memref<328x256xf32, #tpu.memory_space<vmem>>, vector<16xf32>,
            %get3A_1640 = arith.index_cast %while3A_1618 : i32 to index
            %get3A_1641 = arith.constant 32 : index
            %get3A_1642 = tpu.vector_load %run_scoped3A_1[%get3A_1640, %get3A_1641] {strides = array<i32>} : memref<64x256xf32, #tpu.memory_space<vmem>>, vector<16xf32>,
            %mul3A_1643 = arith.mulf %gather3A_1625, %get3A_1642 : vector<16xf32>
            %swap3A_1644 = arith.index_cast %squeeze3A : i32 to index
            %swap3A_1645 = arith.constant 32 : index
            %swap3A_1646 = tpu.vector_load %run_scoped3A[%swap3A_1644, %swap3A_1645] {strides = array<i32>} : memref<328x256xf32, #tpu.memory_space<vmem>>, vector<16xf32>,
            tpu.vector_store %run_scoped3A[%swap3A_1644, %swap3A_1645], %mul3A_1643 {add = true, strides = array<i32>} : memref<328x256xf32, #tpu.memory_space<vmem>>, vector<16xf32>,
            %get3A_1647 = arith.index_cast %while3A_1618 : i32 to index
            %get3A_1648 = arith.constant 48 : index
            %get3A_1649 = tpu.vector_load %run_scoped3A_1[%get3A_1647, %get3A_1648] {strides = array<i32>} : memref<64x256xf32, #tpu.memory_space<vmem>>, vector<16xf32>,
            %mul3A_1650 = arith.mulf %gather3A_1625, %get3A_1649 : vector<16xf32>
            %swap3A_1651 = arith.index_cast %squeeze3A : i32 to index
            %swap3A_1652 = arith.constant 48 : index
            %swap3A_1653 = tpu.vector_load %run_scoped3A[%swap3A_1651, %swap3A_1652] {strides = array<i32>} : memref<328x256xf32, #tpu.memory_space<vmem>>, vector<16xf32>,
            tpu.vector_store %run_scoped3A[%swap3A_1651, %swap3A_1652], %mul3A_1650 {add = true, strides = array<i32>} : memref<328x256xf32, #tpu.memory_space<vmem>>, vector<16xf32>,
            %get3A_1654 = arith.index_cast %while3A_1618 : i32 to index
            %get3A_1655 = arith.constant 64 : index
            %get3A_1656 = tpu.vector_load %run_scoped3A_1[%get3A_1654, %get3A_1655] {strides = array<i32>} : memref<64x256xf32, #tpu.memory_space<vmem>>, vector<16xf32>,
            %mul3A_1657 = arith.mulf %gather3A_1625, %get3A_1656 : vector<16xf32>
            %swap3A_1658 = arith.index_cast %squeeze3A : i32 to index
            %swap3A_1659 = arith.constant 64 : index
            %swap3A_1660 = tpu.vector_load %run_scoped3A[%swap3A_1658, %swap3A_1659] {strides = array<i32>} : memref<328x256xf32, #tpu.memory_space<vmem>>, vector<16xf32>,
            tpu.vector_store %run_scoped3A[%swap3A_1658, %swap3A_1659], %mul3A_1657 {add = true, strides = array<i32>} : memref<328x256xf32, #tpu.memory_space<vmem>>, vector<16xf32>,
            %get3A_1661 = arith.index_cast %while3A_1618 : i32 to index
            %get3A_1662 = arith.constant 80 : index
            %get3A_1663 = tpu.vector_load %run_scoped3A_1[%get3A_1661, %get3A_1662] {strides = array<i32>} : memref<64x256xf32, #tpu.memory_space<vmem>>, vector<16xf32>,
            %mul3A_1664 = arith.mulf %gather3A_1625, %get3A_1663 : vector<16xf32>
            %swap3A_1665 = arith.index_cast %squeeze3A : i32 to index
            %swap3A_1666 = arith.constant 80 : index
            %swap3A_1667 = tpu.vector_load %run_scoped3A[%swap3A_1665, %swap3A_1666] {strides = array<i32>} : memref<328x256xf32, #tpu.memory_space<vmem>>, vector<16xf32>,
            tpu.vector_store %run_scoped3A[%swap3A_1665, %swap3A_1666], %mul3A_1664 {add = true, strides = array<i32>} : memref<328x256xf32, #tpu.memory_space<vmem>>, vector<16xf32>,
            %get3A_1668 = arith.index_cast %while3A_1618 : i32 to index
            %get3A_1669 = arith.constant 96 : index
            %get3A_1670 = tpu.vector_load %run_scoped3A_1[%get3A_1668, %get3A_1669] {strides = array<i32>} : memref<64x256xf32, #tpu.memory_space<vmem>>, vector<16xf32>,
            %mul3A_1671 = arith.mulf %gather3A_1625, %get3A_1670 : vector<16xf32>
            %swap3A_1672 = arith.index_cast %squeeze3A : i32 to index
            %swap3A_1673 = arith.constant 96 : index
            %swap3A_1674 = tpu.vector_load %run_scoped3A[%swap3A_1672, %swap3A_1673] {strides = array<i32>} : memref<328x256xf32, #tpu.memory_space<vmem>>, vector<16xf32>,
            tpu.vector_store %run_scoped3A[%swap3A_1672, %swap3A_1673], %mul3A_1671 {add = true, strides = array<i32>} : memref<328x256xf32, #tpu.memory_space<vmem>>, vector<16xf32>,
            %get3A_1675 = arith.index_cast %while3A_1618 : i32 to index
            %get3A_1676 = arith.constant 112 : index
            %get3A_1677 = tpu.vector_load %run_scoped3A_1[%get3A_1675, %get3A_1676] {strides = array<i32>} : memref<64x256xf32, #tpu.memory_space<vmem>>, vector<16xf32>,
            %mul3A_1678 = arith.mulf %gather3A_1625, %get3A_1677 : vector<16xf32>
            %swap3A_1679 = arith.index_cast %squeeze3A : i32 to index
            %swap3A_1680 = arith.constant 112 : index
            %swap3A_1681 = tpu.vector_load %run_scoped3A[%swap3A_1679, %swap3A_1680] {strides = array<i32>} : memref<328x256xf32, #tpu.memory_space<vmem>>, vector<16xf32>,
            tpu.vector_store %run_scoped3A[%swap3A_1679, %swap3A_1680], %mul3A_1678 {add = true, strides = array<i32>} : memref<328x256xf32, #tpu.memory_space<vmem>>, vector<16xf32>,
            %get3A_1682 = arith.index_cast %while3A_1618 : i32 to index
            %get3A_1683 = arith.constant 128 : index
            %get3A_1684 = tpu.vector_load %run_scoped3A_1[%get3A_1682, %get3A_1683] {strides = array<i32>} : memref<64x256xf32, #tpu.memory_space<vmem>>, vector<16xf32>,
            %mul3A_1685 = arith.mulf %gather3A_1625, %get3A_1684 : vector<16xf32>
            %swap3A_1686 = arith.index_cast %squeeze3A : i32 to index
            %swap3A_1687 = arith.constant 128 : index
            %swap3A_1688 = tpu.vector_load %run_scoped3A[%swap3A_1686, %swap3A_1687] {strides = array<i32>} : memref<328x256xf32, #tpu.memory_space<vmem>>, vector<16xf32>,
            tpu.vector_store %run_scoped3A[%swap3A_1686, %swap3A_1687], %mul3A_1685 {add = true, strides = array<i32>} : memref<328x256xf32, #tpu.memory_space<vmem>>, vector<16xf32>,
            %get3A_1689 = arith.index_cast %while3A_1618 : i32 to index
            %get3A_1690 = arith.constant 144 : index
            %get3A_1691 = tpu.vector_load %run_scoped3A_1[%get3A_1689, %get3A_1690] {strides = array<i32>} : memref<64x256xf32, #tpu.memory_space<vmem>>, vector<16xf32>,
            %mul3A_1692 = arith.mulf %gather3A_1625, %get3A_1691 : vector<16xf32>
            %swap3A_1693 = arith.index_cast %squeeze3A : i32 to index
            %swap3A_1694 = arith.constant 144 : index
            %swap3A_1695 = tpu.vector_load %run_scoped3A[%swap3A_1693, %swap3A_1694] {strides = array<i32>} : memref<328x256xf32, #tpu.memory_space<vmem>>, vector<16xf32>,
            tpu.vector_store %run_scoped3A[%swap3A_1693, %swap3A_1694], %mul3A_1692 {add = true, strides = array<i32>} : memref<328x256xf32, #tpu.memory_space<vmem>>, vector<16xf32>,
            %get3A_1696 = arith.index_cast %while3A_1618 : i32 to index
            %get3A_1697 = arith.constant 160 : index
            %get3A_1698 = tpu.vector_load %run_scoped3A_1[%get3A_1696, %get3A_1697] {strides = array<i32>} : memref<64x256xf32, #tpu.memory_space<vmem>>, vector<16xf32>,
            %mul3A_1699 = arith.mulf %gather3A_1625, %get3A_1698 : vector<16xf32>
            %swap3A_1700 = arith.index_cast %squeeze3A : i32 to index
            %swap3A_1701 = arith.constant 160 : index
            %swap3A_1702 = tpu.vector_load %run_scoped3A[%swap3A_1700, %swap3A_1701] {strides = array<i32>} : memref<328x256xf32, #tpu.memory_space<vmem>>, vector<16xf32>,
            tpu.vector_store %run_scoped3A[%swap3A_1700, %swap3A_1701], %mul3A_1699 {add = true, strides = array<i32>} : memref<328x256xf32, #tpu.memory_space<vmem>>, vector<16xf32>,
            %get3A_1703 = arith.index_cast %while3A_1618 : i32 to index
            %get3A_1704 = arith.constant 176 : index
            %get3A_1705 = tpu.vector_load %run_scoped3A_1[%get3A_1703, %get3A_1704] {strides = array<i32>} : memref<64x256xf32, #tpu.memory_space<vmem>>, vector<16xf32>,
            %mul3A_1706 = arith.mulf %gather3A_1625, %get3A_1705 : vector<16xf32>
            %swap3A_1707 = arith.index_cast %squeeze3A : i32 to index
            %swap3A_1708 = arith.constant 176 : index
            %swap3A_1709 = tpu.vector_load %run_scoped3A[%swap3A_1707, %swap3A_1708] {strides = array<i32>} : memref<328x256xf32, #tpu.memory_space<vmem>>, vector<16xf32>,
            tpu.vector_store %run_scoped3A[%swap3A_1707, %swap3A_1708], %mul3A_1706 {add = true, strides = array<i32>} : memref<328x256xf32, #tpu.memory_space<vmem>>, vector<16xf32>,
            %get3A_1710 = arith.index_cast %while3A_1618 : i32 to index
            %get3A_1711 = arith.constant 192 : index
            %get3A_1712 = tpu.vector_load %run_scoped3A_1[%get3A_1710, %get3A_1711] {strides = array<i32>} : memref<64x256xf32, #tpu.memory_space<vmem>>, vector<16xf32>,
            %mul3A_1713 = arith.mulf %gather3A_1625, %get3A_1712 : vector<16xf32>
            %swap3A_1714 = arith.index_cast %squeeze3A : i32 to index
            %swap3A_1715 = arith.constant 192 : index
            %swap3A_1716 = tpu.vector_load %run_scoped3A[%swap3A_1714, %swap3A_1715] {strides = array<i32>} : memref<328x256xf32, #tpu.memory_space<vmem>>, vector<16xf32>,
            tpu.vector_store %run_scoped3A[%swap3A_1714, %swap3A_1715], %mul3A_1713 {add = true, strides = array<i32>} : memref<328x256xf32, #tpu.memory_space<vmem>>, vector<16xf32>,
            %get3A_1717 = arith.index_cast %while3A_1618 : i32 to index
            %get3A_1718 = arith.constant 208 : index
            %get3A_1719 = tpu.vector_load %run_scoped3A_1[%get3A_1717, %get3A_1718] {strides = array<i32>} : memref<64x256xf32, #tpu.memory_space<vmem>>, vector<16xf32>,
            %mul3A_1720 = arith.mulf %gather3A_1625, %get3A_1719 : vector<16xf32>
            %swap3A_1721 = arith.index_cast %squeeze3A : i32 to index
            %swap3A_1722 = arith.constant 208 : index
            %swap3A_1723 = tpu.vector_load %run_scoped3A[%swap3A_1721, %swap3A_1722] {strides = array<i32>} : memref<328x256xf32, #tpu.memory_space<vmem>>, vector<16xf32>,
            tpu.vector_store %run_scoped3A[%swap3A_1721, %swap3A_1722], %mul3A_1720 {add = true, strides = array<i32>} : memref<328x256xf32, #tpu.memory_space<vmem>>, vector<16xf32>,
            %get3A_1724 = arith.index_cast %while3A_1618 : i32 to index
            %get3A_1725 = arith.constant 224 : index
            %get3A_1726 = tpu.vector_load %run_scoped3A_1[%get3A_1724, %get3A_1725] {strides = array<i32>} : memref<64x256xf32, #tpu.memory_space<vmem>>, vector<16xf32>,
            %mul3A_1727 = arith.mulf %gather3A_1625, %get3A_1726 : vector<16xf32>
            %swap3A_1728 = arith.index_cast %squeeze3A : i32 to index
            %swap3A_1729 = arith.constant 224 : index
            %swap3A_1730 = tpu.vector_load %run_scoped3A[%swap3A_1728, %swap3A_1729] {strides = array<i32>} : memref<328x256xf32, #tpu.memory_space<vmem>>, vector<16xf32>,
            tpu.vector_store %run_scoped3A[%swap3A_1728, %swap3A_1729], %mul3A_1727 {add = true, strides = array<i32>} : memref<328x256xf32, #tpu.memory_space<vmem>>, vector<16xf32>,
            %get3A_1731 = arith.index_cast %while3A_1618 : i32 to index
            %get3A_1732 = arith.constant 240 : index
            %get3A_1733 = tpu.vector_load %run_scoped3A_1[%get3A_1731, %get3A_1732] {strides = array<i32>} : memref<64x256xf32, #tpu.memory_space<vmem>>, vector<16xf32>,
            %mul3A_1734 = arith.mulf %gather3A_1625, %get3A_1733 : vector<16xf32>
            %swap3A_1735 = arith.index_cast %squeeze3A : i32 to index
            %swap3A_1736 = arith.constant 240 : index
            %swap3A_1737 = tpu.vector_load %run_scoped3A[%swap3A_1735, %swap3A_1736] {strides = array<i32>} : memref<328x256xf32, #tpu.memory_space<vmem>>, vector<16xf32>,
            tpu.vector_store %run_scoped3A[%swap3A_1735, %swap3A_1736], %mul3A_1734 {add = true, strides = array<i32>} : memref<328x256xf32, #tpu.memory_space<vmem>>, vector<16xf32>,
          }
          %while3A_1617 = arith.constant 1 : i32
          scf.for %while3A_1618 = %while3A_1615 to %while3A_1611 step %while3A_1617  : i32 {
            %mul3A_1619 = arith.constant 64 : i32
            %mul3A_1620 = arith.muli %while3A_1593, %mul3A_1619 : i32
            %add3A_1621 = arith.addi %mul3A_1620, %while3A_1618 : i32
            %broadcast_in_dim3A = arith.constant 1 : i32
            %broadcast_in_dim3A_1622 = vector.broadcast %broadcast_in_dim3A : i32 to vector<16xi32>
            %mul3A_1623 = vector.broadcast %add3A_1621 : i32 to vector<16xi32>
            %mul3A_1624 = arith.muli %broadcast_in_dim3A_1622, %mul3A_1623 : vector<16xi32>
            %gather3A = tpu.vector_load_idx %run_scoped3A_5[%mul3A_1624] : memref<1280xi32, #tpu.memory_space<vmem>>[vector<16xi32>], vector<16xi32>,
            %slice3A = vector.extract_strided_slice %gather3A {offsets = [0], sizes = [1], strides = [1]} : vector<16xi32> to vector<1xi32>
            %squeeze3A = vector.extract %slice3A[0] : i32 from vector<1xi32>
            %gather3A_1625 = tpu.vector_load_idx %run_scoped3A_8[%mul3A_1624] : memref<1280xf32, #tpu.memory_space<vmem>>[vector<16xi32>], vector<16xf32>,
            %get3A_1626 = arith.index_cast %while3A_1618 : i32 to index
            %get3A_1627 = arith.constant 0 : index
            %get3A_1628 = tpu.vector_load %run_scoped3A_1[%get3A_1626, %get3A_1627] {strides = array<i32>} : memref<64x256xf32, #tpu.memory_space<vmem>>, vector<16xf32>,
            %mul3A_1629 = arith.mulf %gather3A_1625, %get3A_1628 : vector<16xf32>
            %swap3A_1630 = arith.index_cast %squeeze3A : i32 to index
            %swap3A_1631 = arith.constant 0 : index
            %swap3A_1632 = tpu.vector_load %run_scoped3A[%swap3A_1630, %swap3A_1631] {strides = array<i32>} : memref<328x256xf32, #tpu.memory_space<vmem>>, vector<16xf32>,
            tpu.vector_store %run_scoped3A[%swap3A_1630, %swap3A_1631], %mul3A_1629 {add = true, strides = array<i32>} : memref<328x256xf32, #tpu.memory_space<vmem>>, vector<16xf32>,
            %get3A_1633 = arith.index_cast %while3A_1618 : i32 to index
            %get3A_1634 = arith.constant 16 : index
            %get3A_1635 = tpu.vector_load %run_scoped3A_1[%get3A_1633, %get3A_1634] {strides = array<i32>} : memref<64x256xf32, #tpu.memory_space<vmem>>, vector<16xf32>,
            %mul3A_1636 = arith.mulf %gather3A_1625, %get3A_1635 : vector<16xf32>
            %swap3A_1637 = arith.index_cast %squeeze3A : i32 to index
            %swap3A_1638 = arith.constant 16 : index
            %swap3A_1639 = tpu.vector_load %run_scoped3A[%swap3A_1637, %swap3A_1638] {strides = array<i32>} : memref<328x256xf32, #tpu.memory_space<vmem>>, vector<16xf32>,
            tpu.vector_store %run_scoped3A[%swap3A_1637, %swap3A_1638], %mul3A_1636 {add = true, strides = array<i32>} : memref<328x256xf32, #tpu.memory_space<vmem>>, vector<16xf32>,
            %get3A_1640 = arith.index_cast %while3A_1618 : i32 to index
            %get3A_1641 = arith.constant 32 : index
            %get3A_1642 = tpu.vector_load %run_scoped3A_1[%get3A_1640, %get3A_1641] {strides = array<i32>} : memref<64x256xf32, #tpu.memory_space<vmem>>, vector<16xf32>,
            %mul3A_1643 = arith.mulf %gather3A_1625, %get3A_1642 : vector<16xf32>
            %swap3A_1644 = arith.index_cast %squeeze3A : i32 to index
            %swap3A_1645 = arith.constant 32 : index
            %swap3A_1646 = tpu.vector_load %run_scoped3A[%swap3A_1644, %swap3A_1645] {strides = array<i32>} : memref<328x256xf32, #tpu.memory_space<vmem>>, vector<16xf32>,
            tpu.vector_store %run_scoped3A[%swap3A_1644, %swap3A_1645], %mul3A_1643 {add = true, strides = array<i32>} : memref<328x256xf32, #tpu.memory_space<vmem>>, vector<16xf32>,
            %get3A_1647 = arith.index_cast %while3A_1618 : i32 to index
            %get3A_1648 = arith.constant 48 : index
            %get3A_1649 = tpu.vector_load %run_scoped3A_1[%get3A_1647, %get3A_1648] {strides = array<i32>} : memref<64x256xf32, #tpu.memory_space<vmem>>, vector<16xf32>,
            %mul3A_1650 = arith.mulf %gather3A_1625, %get3A_1649 : vector<16xf32>
            %swap3A_1651 = arith.index_cast %squeeze3A : i32 to index
            %swap3A_1652 = arith.constant 48 : index
            %swap3A_1653 = tpu.vector_load %run_scoped3A[%swap3A_1651, %swap3A_1652] {strides = array<i32>} : memref<328x256xf32, #tpu.memory_space<vmem>>, vector<16xf32>,
            tpu.vector_store %run_scoped3A[%swap3A_1651, %swap3A_1652], %mul3A_1650 {add = true, strides = array<i32>} : memref<328x256xf32, #tpu.memory_space<vmem>>, vector<16xf32>,
            %get3A_1654 = arith.index_cast %while3A_1618 : i32 to index
            %get3A_1655 = arith.constant 64 : index
            %get3A_1656 = tpu.vector_load %run_scoped3A_1[%get3A_1654, %get3A_1655] {strides = array<i32>} : memref<64x256xf32, #tpu.memory_space<vmem>>, vector<16xf32>,
            %mul3A_1657 = arith.mulf %gather3A_1625, %get3A_1656 : vector<16xf32>
            %swap3A_1658 = arith.index_cast %squeeze3A : i32 to index
            %swap3A_1659 = arith.constant 64 : index
            %swap3A_1660 = tpu.vector_load %run_scoped3A[%swap3A_1658, %swap3A_1659] {strides = array<i32>} : memref<328x256xf32, #tpu.memory_space<vmem>>, vector<16xf32>,
            tpu.vector_store %run_scoped3A[%swap3A_1658, %swap3A_1659], %mul3A_1657 {add = true, strides = array<i32>} : memref<328x256xf32, #tpu.memory_space<vmem>>, vector<16xf32>,
            %get3A_1661 = arith.index_cast %while3A_1618 : i32 to index
            %get3A_1662 = arith.constant 80 : index
            %get3A_1663 = tpu.vector_load %run_scoped3A_1[%get3A_1661, %get3A_1662] {strides = array<i32>} : memref<64x256xf32, #tpu.memory_space<vmem>>, vector<16xf32>,
            %mul3A_1664 = arith.mulf %gather3A_1625, %get3A_1663 : vector<16xf32>
            %swap3A_1665 = arith.index_cast %squeeze3A : i32 to index
            %swap3A_1666 = arith.constant 80 : index
            %swap3A_1667 = tpu.vector_load %run_scoped3A[%swap3A_1665, %swap3A_1666] {strides = array<i32>} : memref<328x256xf32, #tpu.memory_space<vmem>>, vector<16xf32>,
            tpu.vector_store %run_scoped3A[%swap3A_1665, %swap3A_1666], %mul3A_1664 {add = true, strides = array<i32>} : memref<328x256xf32, #tpu.memory_space<vmem>>, vector<16xf32>,
            %get3A_1668 = arith.index_cast %while3A_1618 : i32 to index
            %get3A_1669 = arith.constant 96 : index
            %get3A_1670 = tpu.vector_load %run_scoped3A_1[%get3A_1668, %get3A_1669] {strides = array<i32>} : memref<64x256xf32, #tpu.memory_space<vmem>>, vector<16xf32>,
            %mul3A_1671 = arith.mulf %gather3A_1625, %get3A_1670 : vector<16xf32>
            %swap3A_1672 = arith.index_cast %squeeze3A : i32 to index
            %swap3A_1673 = arith.constant 96 : index
            %swap3A_1674 = tpu.vector_load %run_scoped3A[%swap3A_1672, %swap3A_1673] {strides = array<i32>} : memref<328x256xf32, #tpu.memory_space<vmem>>, vector<16xf32>,
            tpu.vector_store %run_scoped3A[%swap3A_1672, %swap3A_1673], %mul3A_1671 {add = true, strides = array<i32>} : memref<328x256xf32, #tpu.memory_space<vmem>>, vector<16xf32>,
            %get3A_1675 = arith.index_cast %while3A_1618 : i32 to index
            %get3A_1676 = arith.constant 112 : index
            %get3A_1677 = tpu.vector_load %run_scoped3A_1[%get3A_1675, %get3A_1676] {strides = array<i32>} : memref<64x256xf32, #tpu.memory_space<vmem>>, vector<16xf32>,
            %mul3A_1678 = arith.mulf %gather3A_1625, %get3A_1677 : vector<16xf32>
            %swap3A_1679 = arith.index_cast %squeeze3A : i32 to index
            %swap3A_1680 = arith.constant 112 : index
            %swap3A_1681 = tpu.vector_load %run_scoped3A[%swap3A_1679, %swap3A_1680] {strides = array<i32>} : memref<328x256xf32, #tpu.memory_space<vmem>>, vector<16xf32>,
            tpu.vector_store %run_scoped3A[%swap3A_1679, %swap3A_1680], %mul3A_1678 {add = true, strides = array<i32>} : memref<328x256xf32, #tpu.memory_space<vmem>>, vector<16xf32>,
            %get3A_1682 = arith.index_cast %while3A_1618 : i32 to index
            %get3A_1683 = arith.constant 128 : index
            %get3A_1684 = tpu.vector_load %run_scoped3A_1[%get3A_1682, %get3A_1683] {strides = array<i32>} : memref<64x256xf32, #tpu.memory_space<vmem>>, vector<16xf32>,
            %mul3A_1685 = arith.mulf %gather3A_1625, %get3A_1684 : vector<16xf32>
            %swap3A_1686 = arith.index_cast %squeeze3A : i32 to index
            %swap3A_1687 = arith.constant 128 : index
            %swap3A_1688 = tpu.vector_load %run_scoped3A[%swap3A_1686, %swap3A_1687] {strides = array<i32>} : memref<328x256xf32, #tpu.memory_space<vmem>>, vector<16xf32>,
            tpu.vector_store %run_scoped3A[%swap3A_1686, %swap3A_1687], %mul3A_1685 {add = true, strides = array<i32>} : memref<328x256xf32, #tpu.memory_space<vmem>>, vector<16xf32>,
            %get3A_1689 = arith.index_cast %while3A_1618 : i32 to index
            %get3A_1690 = arith.constant 144 : index
            %get3A_1691 = tpu.vector_load %run_scoped3A_1[%get3A_1689, %get3A_1690] {strides = array<i32>} : memref<64x256xf32, #tpu.memory_space<vmem>>, vector<16xf32>,
            %mul3A_1692 = arith.mulf %gather3A_1625, %get3A_1691 : vector<16xf32>
            %swap3A_1693 = arith.index_cast %squeeze3A : i32 to index
            %swap3A_1694 = arith.constant 144 : index
            %swap3A_1695 = tpu.vector_load %run_scoped3A[%swap3A_1693, %swap3A_1694] {strides = array<i32>} : memref<328x256xf32, #tpu.memory_space<vmem>>, vector<16xf32>,
            tpu.vector_store %run_scoped3A[%swap3A_1693, %swap3A_1694], %mul3A_1692 {add = true, strides = array<i32>} : memref<328x256xf32, #tpu.memory_space<vmem>>, vector<16xf32>,
            %get3A_1696 = arith.index_cast %while3A_1618 : i32 to index
            %get3A_1697 = arith.constant 160 : index
            %get3A_1698 = tpu.vector_load %run_scoped3A_1[%get3A_1696, %get3A_1697] {strides = array<i32>} : memref<64x256xf32, #tpu.memory_space<vmem>>, vector<16xf32>,
            %mul3A_1699 = arith.mulf %gather3A_1625, %get3A_1698 : vector<16xf32>
            %swap3A_1700 = arith.index_cast %squeeze3A : i32 to index
            %swap3A_1701 = arith.constant 160 : index
            %swap3A_1702 = tpu.vector_load %run_scoped3A[%swap3A_1700, %swap3A_1701] {strides = array<i32>} : memref<328x256xf32, #tpu.memory_space<vmem>>, vector<16xf32>,
            tpu.vector_store %run_scoped3A[%swap3A_1700, %swap3A_1701], %mul3A_1699 {add = true, strides = array<i32>} : memref<328x256xf32, #tpu.memory_space<vmem>>, vector<16xf32>,
            %get3A_1703 = arith.index_cast %while3A_1618 : i32 to index
            %get3A_1704 = arith.constant 176 : index
            %get3A_1705 = tpu.vector_load %run_scoped3A_1[%get3A_1703, %get3A_1704] {strides = array<i32>} : memref<64x256xf32, #tpu.memory_space<vmem>>, vector<16xf32>,
            %mul3A_1706 = arith.mulf %gather3A_1625, %get3A_1705 : vector<16xf32>
            %swap3A_1707 = arith.index_cast %squeeze3A : i32 to index
            %swap3A_1708 = arith.constant 176 : index
            %swap3A_1709 = tpu.vector_load %run_scoped3A[%swap3A_1707, %swap3A_1708] {strides = array<i32>} : memref<328x256xf32, #tpu.memory_space<vmem>>, vector<16xf32>,
            tpu.vector_store %run_scoped3A[%swap3A_1707, %swap3A_1708], %mul3A_1706 {add = true, strides = array<i32>} : memref<328x256xf32, #tpu.memory_space<vmem>>, vector<16xf32>,
            %get3A_1710 = arith.index_cast %while3A_1618 : i32 to index
            %get3A_1711 = arith.constant 192 : index
            %get3A_1712 = tpu.vector_load %run_scoped3A_1[%get3A_1710, %get3A_1711] {strides = array<i32>} : memref<64x256xf32, #tpu.memory_space<vmem>>, vector<16xf32>,
            %mul3A_1713 = arith.mulf %gather3A_1625, %get3A_1712 : vector<16xf32>
            %swap3A_1714 = arith.index_cast %squeeze3A : i32 to index
            %swap3A_1715 = arith.constant 192 : index
            %swap3A_1716 = tpu.vector_load %run_scoped3A[%swap3A_1714, %swap3A_1715] {strides = array<i32>} : memref<328x256xf32, #tpu.memory_space<vmem>>, vector<16xf32>,
            tpu.vector_store %run_scoped3A[%swap3A_1714, %swap3A_1715], %mul3A_1713 {add = true, strides = array<i32>} : memref<328x256xf32, #tpu.memory_space<vmem>>, vector<16xf32>,
            %get3A_1717 = arith.index_cast %while3A_1618 : i32 to index
            %get3A_1718 = arith.constant 208 : index
            %get3A_1719 = tpu.vector_load %run_scoped3A_1[%get3A_1717, %get3A_1718] {strides = array<i32>} : memref<64x256xf32, #tpu.memory_space<vmem>>, vector<16xf32>,
            %mul3A_1720 = arith.mulf %gather3A_1625, %get3A_1719 : vector<16xf32>
            %swap3A_1721 = arith.index_cast %squeeze3A : i32 to index
            %swap3A_1722 = arith.constant 208 : index
            %swap3A_1723 = tpu.vector_load %run_scoped3A[%swap3A_1721, %swap3A_1722] {strides = array<i32>} : memref<328x256xf32, #tpu.memory_space<vmem>>, vector<16xf32>,
            tpu.vector_store %run_scoped3A[%swap3A_1721, %swap3A_1722], %mul3A_1720 {add = true, strides = array<i32>} : memref<328x256xf32, #tpu.memory_space<vmem>>, vector<16xf32>,
            %get3A_1724 = arith.index_cast %while3A_1618 : i32 to index
            %get3A_1725 = arith.constant 224 : index
            %get3A_1726 = tpu.vector_load %run_scoped3A_1[%get3A_1724, %get3A_1725] {strides = array<i32>} : memref<64x256xf32, #tpu.memory_space<vmem>>, vector<16xf32>,
            %mul3A_1727 = arith.mulf %gather3A_1625, %get3A_1726 : vector<16xf32>
            %swap3A_1728 = arith.index_cast %squeeze3A : i32 to index
            %swap3A_1729 = arith.constant 224 : index
            %swap3A_1730 = tpu.vector_load %run_scoped3A[%swap3A_1728, %swap3A_1729] {strides = array<i32>} : memref<328x256xf32, #tpu.memory_space<vmem>>, vector<16xf32>,
            tpu.vector_store %run_scoped3A[%swap3A_1728, %swap3A_1729], %mul3A_1727 {add = true, strides = array<i32>} : memref<328x256xf32, #tpu.memory_space<vmem>>, vector<16xf32>,
            %get3A_1731 = arith.index_cast %while3A_1618 : i32 to index
            %get3A_1732 = arith.constant 240 : index
            %get3A_1733 = tpu.vector_load %run_scoped3A_1[%get3A_1731, %get3A_1732] {strides = array<i32>} : memref<64x256xf32, #tpu.memory_space<vmem>>, vector<16xf32>,
            %mul3A_1734 = arith.mulf %gather3A_1625, %get3A_1733 : vector<16xf32>
            %swap3A_1735 = arith.index_cast %squeeze3A : i32 to index
            %swap3A_1736 = arith.constant 240 : index
            %swap3A_1737 = tpu.vector_load %run_scoped3A[%swap3A_1735, %swap3A_1736] {strides = array<i32>} : memref<328x256xf32, #tpu.memory_space<vmem>>, vector<16xf32>,
            tpu.vector_store %run_scoped3A[%swap3A_1735, %swap3A_1736], %mul3A_1734 {add = true, strides = array<i32>} : memref<328x256xf32, #tpu.memory_space<vmem>>, vector<16xf32>,
          }
        }
      }
      %scan3A_1477 = arith.constant 125 : i32
      "tpu.region"() ({
        %run_scoped3A_1481 = tpu.sem_alloc : memref<!tpu.dma_semaphore, #tpu.memory_space<semaphore_mem>>
        %dma_start3A_1482 = arith.constant 0 : i32
        %dma_start3A_1483 = arith.constant 0 : i32
        %dma_start3A_1484 = tpu.memref_slice %run_scoped3A[%dma_start3A_1482, %dma_start3A_1483] : memref<328x256xf32, #tpu.memory_space<vmem>> -> memref<312x256xf32, #tpu.memory_space<vmem>>
        %dma_start3A_1485 = arith.constant 0 : i32
        %dma_start3A_1486 = tpu.memref_slice %arg7[%mul3A_14, %dma_start3A_1485] : memref<10000x256xf32, #tpu.memory_space<hbm>> -> memref<312x256xf32, #tpu.memory_space<hbm>>
        %dma_start3A_1487 = arith.constant 0 : i32
        %dma_start3A_1488 = tpu.memref_slice %arg7[%mul3A_14, %dma_start3A_1487] : memref<10000x256xf32, #tpu.memory_space<hbm>> -> memref<312x256xf32, #tpu.memory_space<hbm>>
        %dma_start3A_1489 = arith.constant 0 : i32
        %dma_start3A_1490 = arith.constant 0 : i32
        %dma_start3A_1491 = tpu.memref_slice %run_scoped3A[%dma_start3A_1489, %dma_start3A_1490] : memref<328x256xf32, #tpu.memory_space<vmem>> -> memref<312x256xf32, #tpu.memory_space<vmem>>
        tpu.enqueue_dma source(%dma_start3A_1491 : memref<312x256xf32, #tpu.memory_space<vmem>>) target(%dma_start3A_1488 : memref<312x256xf32, #tpu.memory_space<hbm>>) target_semaphore(%run_scoped3A_1481 : memref<!tpu.dma_semaphore, #tpu.memory_space<semaphore_mem>>)
        %dma_wait3A = arith.constant 0 : i32
        %dma_wait3A_1492 = arith.constant 0 : i32
        %dma_wait3A_1493 = tpu.memref_slice %run_scoped3A[%dma_wait3A, %dma_wait3A_1492] : memref<328x256xf32, #tpu.memory_space<vmem>> -> memref<312x256xf32, #tpu.memory_space<vmem>>
        %dma_wait3A_1494 = arith.constant 0 : i32
        %dma_wait3A_1495 = tpu.memref_slice %arg7[%mul3A_14, %dma_wait3A_1494] : memref<10000x256xf32, #tpu.memory_space<hbm>> -> memref<312x256xf32, #tpu.memory_space<hbm>>
        %dma_wait3A_1496 = arith.constant 0 : i32
        %dma_wait3A_1497 = tpu.memref_slice %arg7[%mul3A_14, %dma_wait3A_1496] : memref<10000x256xf32, #tpu.memory_space<hbm>> -> memref<312x256xf32, #tpu.memory_space<hbm>>
        %dma_wait3A_1498 = arith.constant 0 : i32
        %dma_wait3A_1499 = arith.constant 0 : i32
        %dma_wait3A_1500 = tpu.memref_slice %run_scoped3A[%dma_wait3A_1498, %dma_wait3A_1499] : memref<328x256xf32, #tpu.memory_space<vmem>> -> memref<312x256xf32, #tpu.memory_space<vmem>>
        tpu.wait_dma2 semaphore(%run_scoped3A_1481 : memref<!tpu.dma_semaphore, #tpu.memory_space<semaphore_mem>>) src(%dma_wait3A_1500 : memref<312x256xf32, #tpu.memory_space<vmem>>) dst(%dma_wait3A_1497 : memref<312x256xf32, #tpu.memory_space<hbm>>)
        tpu.yield
      }) : () -> ()
      %eq3A_1478 = arith.constant 31 : i32
      %eq3A_1479 = arith.cmpi eq, %add3A, %eq3A_1478 : i32
      %convert_element_type3A = arith.extui %eq3A_1479 : i1 to i32
      %cond3A = arith.constant 0 : i32
      %cond3A_1480 = arith.cmpi ne, %convert_element_type3A, %cond3A : i32
      scf.if %cond3A_1480 {
        "tpu.region"() ({
          %run_scoped3A_1481 = tpu.sem_alloc : memref<!tpu.dma_semaphore, #tpu.memory_space<semaphore_mem>>
          %dma_start3A_1482 = arith.constant 312 : i32
          %dma_start3A_1483 = arith.constant 0 : i32
          %dma_start3A_1484 = tpu.memref_slice %run_scoped3A[%dma_start3A_1482, %dma_start3A_1483] : memref<328x256xf32, #tpu.memory_space<vmem>> -> memref<16x256xf32, #tpu.memory_space<vmem>>
          %dma_start3A_1485 = arith.constant 9984 : i32
          %dma_start3A_1486 = arith.constant 0 : i32
          %dma_start3A_1487 = tpu.memref_slice %arg7[%dma_start3A_1485, %dma_start3A_1486] : memref<10000x256xf32, #tpu.memory_space<hbm>> -> memref<16x256xf32, #tpu.memory_space<hbm>>
          %dma_start3A_1488 = arith.constant 9984 : i32
          %dma_start3A_1489 = arith.constant 0 : i32
          %dma_start3A_1490 = tpu.memref_slice %arg7[%dma_start3A_1488, %dma_start3A_1489] : memref<10000x256xf32, #tpu.memory_space<hbm>> -> memref<16x256xf32, #tpu.memory_space<hbm>>
          %dma_start3A_1491 = arith.constant 312 : i32
          %dma_start3A_1492 = arith.constant 0 : i32
          %dma_start3A_1493 = tpu.memref_slice %run_scoped3A[%dma_start3A_1491, %dma_start3A_1492] : memref<328x256xf32, #tpu.memory_space<vmem>> -> memref<16x256xf32, #tpu.memory_space<vmem>>
          tpu.enqueue_dma source(%dma_start3A_1493 : memref<16x256xf32, #tpu.memory_space<vmem>>) target(%dma_start3A_1490 : memref<16x256xf32, #tpu.memory_space<hbm>>) target_semaphore(%run_scoped3A_1481 : memref<!tpu.dma_semaphore, #tpu.memory_space<semaphore_mem>>)
          %dma_wait3A = arith.constant 312 : i32
          %dma_wait3A_1494 = arith.constant 0 : i32
          %dma_wait3A_1495 = tpu.memref_slice %run_scoped3A[%dma_wait3A, %dma_wait3A_1494] : memref<328x256xf32, #tpu.memory_space<vmem>> -> memref<16x256xf32, #tpu.memory_space<vmem>>
          %dma_wait3A_1496 = arith.constant 9984 : i32
          %dma_wait3A_1497 = arith.constant 0 : i32
          %dma_wait3A_1498 = tpu.memref_slice %arg7[%dma_wait3A_1496, %dma_wait3A_1497] : memref<10000x256xf32, #tpu.memory_space<hbm>> -> memref<16x256xf32, #tpu.memory_space<hbm>>
          %dma_wait3A_1499 = arith.constant 9984 : i32
          %dma_wait3A_1500 = arith.constant 0 : i32
          %dma_wait3A_1501 = tpu.memref_slice %arg7[%dma_wait3A_1499, %dma_wait3A_1500] : memref<10000x256xf32, #tpu.memory_space<hbm>> -> memref<16x256xf32, #tpu.memory_space<hbm>>
          %dma_wait3A_1502 = arith.constant 312 : i32
          %dma_wait3A_1503 = arith.constant 0 : i32
          %dma_wait3A_1504 = tpu.memref_slice %run_scoped3A[%dma_wait3A_1502, %dma_wait3A_1503] : memref<328x256xf32, #tpu.memory_space<vmem>> -> memref<16x256xf32, #tpu.memory_space<vmem>>
          tpu.wait_dma2 semaphore(%run_scoped3A_1481 : memref<!tpu.dma_semaphore, #tpu.memory_space<semaphore_mem>>) src(%dma_wait3A_1504 : memref<16x256xf32, #tpu.memory_space<vmem>>) dst(%dma_wait3A_1501 : memref<16x256xf32, #tpu.memory_space<hbm>>)
          tpu.yield
        }) : () -> ()
      } else {
      }
      tpu.yield
    }) : () -> ()
    return
  }
}

module attributes {stable_mosaic.version = 14 : i64} {
  func.func @_mm_body(%arg0: i32, %arg1: memref<1000x256xf32, #tpu.memory_space<vmem>>, %arg2: memref<256x256xf32, #tpu.memory_space<vmem>>, %arg3: memref<256x128xf32, #tpu.memory_space<vmem>>, %arg4: memref<1000x256xf32, #tpu.memory_space<vmem>>, %arg5: memref<1000x128xf32, #tpu.memory_space<vmem>>) attributes {dimension_semantics = [#tpu.dimension_semantics<arbitrary>], iteration_bounds = array<i64: 10>, scalar_prefetch = 0 : i64, scratch_operands = 0 : i64, tpu.core_type = #tpu.core_type<tc>, window_params = [{transform_indices = @transform_0, window_bounds = array<i64: 1000, 256>}, {pipeline_mode = #tpu.pipeline_mode<synchronous>, transform_indices = @transform_1, window_bounds = array<i64: 256, 256>}, {pipeline_mode = #tpu.pipeline_mode<synchronous>, transform_indices = @transform_2, window_bounds = array<i64: 256, 128>}, {transform_indices = @transform_3, window_bounds = array<i64: 1000, 256>}, {transform_indices = @transform_4, window_bounds = array<i64: 1000, 128>}]} {
    %get3A = arith.constant 0 : index
    %get3A_0 = arith.constant 0 : index
    %get3A_1 = vector.load %arg1[%get3A, %get3A_0] : memref<1000x256xf32, #tpu.memory_space<vmem>>, vector<1000x256xf32>
    %get3A_2 = arith.constant 0 : index
    %get3A_3 = arith.constant 0 : index
    %get3A_4 = vector.load %arg2[%get3A_2, %get3A_3] : memref<256x256xf32, #tpu.memory_space<vmem>>, vector<256x256xf32>
    %dot_general3A = arith.constant dense<0.000000e+00> : vector<1000x256xf32>
    %dot_general3A_5 = tpu.matmul %get3A_1, %get3A_4, %dot_general3A {dimension_numbers = #tpu.dot_dimension_numbers<[1], [0], [0], [1], [0, 0, 1, 1], [], []>, transpose_lhs_hint = false} : vector<1000x256xf32>, vector<256x256xf32>, vector<1000x256xf32> -> vector<1000x256xf32>
    %swap3A = arith.constant 0 : index
    %swap3A_6 = arith.constant 0 : index
    %swap3A_7 = vector.load %arg4[%swap3A, %swap3A_6] : memref<1000x256xf32, #tpu.memory_space<vmem>>, vector<1000x256xf32>
    tpu.vector_store %arg4[%swap3A, %swap3A_6], %dot_general3A_5 {strides = array<i32>} : memref<1000x256xf32, #tpu.memory_space<vmem>>, vector<1000x256xf32>,
    %get3A_8 = arith.constant 0 : index
    %get3A_9 = arith.constant 0 : index
    %get3A_10 = vector.load %arg3[%get3A_8, %get3A_9] : memref<256x128xf32, #tpu.memory_space<vmem>>, vector<256x128xf32>
    %dot_general3A_11 = arith.constant dense<0.000000e+00> : vector<1000x128xf32>
    %dot_general3A_12 = tpu.matmul %dot_general3A_5, %get3A_10, %dot_general3A_11 {dimension_numbers = #tpu.dot_dimension_numbers<[1], [0], [0], [1], [0, 0, 1, 1], [], []>, transpose_lhs_hint = false} : vector<1000x256xf32>, vector<256x128xf32>, vector<1000x128xf32> -> vector<1000x128xf32>
    %swap3A_13 = arith.constant 0 : index
    %swap3A_14 = arith.constant 0 : index
    %swap3A_15 = vector.load %arg5[%swap3A_13, %swap3A_14] : memref<1000x128xf32, #tpu.memory_space<vmem>>, vector<1000x128xf32>
    tpu.vector_store %arg5[%swap3A_13, %swap3A_14], %dot_general3A_12 {strides = array<i32>} : memref<1000x128xf32, #tpu.memory_space<vmem>>, vector<1000x128xf32>,
    return
  }
  func.func @transform_0(%arg0: i32) -> (i32, i32) {
    %c0_i32 = arith.constant 0 : i32
    %c0_i32_0 = arith.constant 0 : i32
    return %arg0, %c0_i32 : i32, i32
  }
  func.func @transform_1(%arg0: i32) -> (i32, i32) {
    %c0_i32 = arith.constant 0 : i32
    %c0_i32_0 = arith.constant 0 : i32
    %c0_i32_1 = arith.constant 0 : i32
    return %c0_i32, %c0_i32_0 : i32, i32
  }
  func.func @transform_2(%arg0: i32) -> (i32, i32) {
    %c0_i32 = arith.constant 0 : i32
    %c0_i32_0 = arith.constant 0 : i32
    %c0_i32_1 = arith.constant 0 : i32
    return %c0_i32, %c0_i32_0 : i32, i32
  }
  func.func @transform_3(%arg0: i32) -> (i32, i32) {
    %c0_i32 = arith.constant 0 : i32
    %c0_i32_0 = arith.constant 0 : i32
    return %arg0, %c0_i32 : i32, i32
  }
  func.func @transform_4(%arg0: i32) -> (i32, i32) {
    %c0_i32 = arith.constant 0 : i32
    %c0_i32_0 = arith.constant 0 : i32
    return %arg0, %c0_i32 : i32, i32
  }
}

</mosaic_0001>

<sc_bundles>
// kernel: kernel.4.cloned.1.call-start
scs
__scs_entry_jumppad:
0x0: {  	(pc) =	sbr.rel $0x88, $3  }
0x1: {  	(tag) =	ssettag $0x0;
	lr =	simm.s32 $0x1  }
0x2: {  	[smem:$0x3F9D] =	sst lr;
	_ =	strace $0xD0000000  }
0x3: {  	_ = 	snop  }
0x4: {  	_ = 	snop  }
0x5: {  	_ = 	snop  }
0x6: {  	_ = 	snop  }
0x7: {  	_ = 	snop  }
__scs_overlays_trampoline_lowered:
0x8: {  	[smem:$0x3FAC] =	sst s0  }
0x9: {  	[smem:$0x3FAD] =	sst s1  }
0xa: {  	[smem:$0x3FAE] =	sst s2  }
0xb: {  	[smem:$0x3FAF] =	sst s3  }
0xc: {  	[smem:$0x3FB0] =	sst s4  }
0xd: {  	[smem:$0x3FB1] =	sst s5  }
0xe: {  	[smem:$0x3FB2] =	sst s6  }
0xf: {  	[smem:$0x3FB3] =	sst s7  }
0x10: {  	[smem:$0x3FB4] =	sst s8  }
0x11: {  	[smem:$0x3FB5] =	sst s9;
	s0 =	simm.s32 @!p0 $0x0  }
0x12: {  	s1 =	sld [smem:$0x3F9B];
	s0 =	simm.s32 @p0 $0x1  }
0x13: {  	[smem:$0x3FB6] =	sst s0;
	s0 =	simm.s32 @!p1 $0x0  }
0x14: {  	s2 =	sld [smem:$0x3F9A];
	s0 =	simm.s32 @p1 $0x1  }
0x15: {  	[smem:$0x3FB7] =	sst s0;
	s0 =	simm.s32 @!p2 $0x0  }
0x16: {  	s3 =	sld [smem:$0x3FDB];
	s0 =	simm.s32 @p2 $0x1  }
0x17: {  	s4 =	simm.s32 $0x1BF5;
	[smem:$0x3FB9] =	sst s0  }
0x18: {  	s0 =	sld [smem:$0x3F9C];
	_ =	swait.ge [sflag:s4], $0x0  }
0x19: {  	s7 =	sld [smem:$0x3F9D]  }
0x1a: {  	s8 =	sadd.s32 $0xFFFFE003, lr  }
0x1b: {  	s9 =	sadd.s32 $0xFFFFFEF7, lr;
	s5 =	simm.s32 $0xFFFFFFFF;
	p2 =	slt.u32 s8, $0xFFFFF086  }
0x1c: {  	p1 =	slt.u32 s9, $0xF7A;
	s5 =	simm.s32 @!p2 $0x0  }
0x1d: {  	s5 =	simm.s32 @p1 $0x1;
	p0 =	seq.s32 s7, s2  }
0x1e: {  	s7 =	smul.u32 @!p0 $0xF7A, s2;
	p2 =	seq.s32 @!p0 s5, $0x0  }
0x1f: {  	s9 =	smul.u32 $0xF7A, s1;
	s8 =	simm.s32 @!p0 $0x1BF5;
	p2 =	por !p2, p0  }
0x20: {  	[sflag:s8] =	ssyncset.s32 @!p0 $0xFFFFF086;
	s6 =	sadd.s32 @!p0 s3, s7;
	s7 =	simm.s32 @!p0 $0x108  }
0x21: {  	s3 =	sadd.s32 s3, s9;
	s6 =	sadd.s32 @!p0 $0x88, s6;
	s7 =	simm.s32 @p2 $0x1082  }
0x22: {  	[simem:s7], [sflag:s8] =	dma.local @!p0 [hbm:s6], $0xF7A  }
0x23: {  	s9 =	sor.u32 $0xD0000000, s2;
	s6 =	simm.s32 $0x108;
	_ =	swait.ge @!p0 [sflag:s8], $0x0  }
0x24: {  	s3 =	sadd.s32 $0x88, s3;
	s6 =	simm.s32 @!p1 $0x1082;
	[sflag:s4] =	ssyncset.s32 $0xFFFFF086  }
0x25: {  	[simem:s6], [sflag:s4] =	dma.local [hbm:s3], $0xF7A  }
0x26: {  	[smem:$0x3F9D] =	sst s1;
	(tag) =	ssettag s2;
	_ =	strace s9  }
0x27: {  	s1 =	sld [smem:$0x3FAD]  }
0x28: {  	s2 =	sld [smem:$0x3FAE]  }
0x29: {  	s4 =	sld [smem:$0x3FB0]  }
0x2a: {  	p0 =	seq.s32 s5, $0x0;
	s5 =	sld [smem:$0x3FB1]  }
0x2b: {  	s6 =	sld [smem:$0x3FB2]  }
0x2c: {  	s7 =	sld [smem:$0x3FB3]  }
0x2d: {  	s3 =	simm.s32 $0x108;
	s8 =	sld [smem:$0x3FB4]  }
0x2e: {  	s3 =	simm.s32 @!p0 $0x1082;
	s9 =	sld [smem:$0x3FB5]  }
0x2f: {  	lr =	sadd.s32 s0, s3;
	s0 =	sld [smem:$0x3FAC]  }
0x30: {  	s3 =	sld [smem:$0x3FAF]  }
0x31: {  	[smem:$0x3FB8] =	sst s10  }
0x32: {  	s10 =	sld [smem:$0x3FB6];
	_ =	sdelay $0x3  }
0x33: {  	p0 =	seq.s32 s10, $0x1;
	s10 =	sld [smem:$0x3FB8];
	_ =	sdelay $0x3  }
0x34: {  	[smem:$0x3FB8] =	sst s10  }
0x35: {  	s10 =	sld [smem:$0x3FB7];
	_ =	sdelay $0x3  }
0x36: {  	p1 =	seq.s32 s10, $0x1;
	s10 =	sld [smem:$0x3FB8];
	_ =	sdelay $0x3  }
0x37: {  	[smem:$0x3FB8] =	sst s10  }
0x38: {  	s10 =	sld [smem:$0x3FB9]  }
0x39: {  	_ = 	snop;
	(pc) =	sbr.ind lr, $3  }
0x3a: {  	_ = 	snop  }
0x3b: {  	_ = 	snop  }
0x3c: {  	p2 =	seq.s32 s10, $0x1;
	s10 =	sld [smem:$0x3FB8]  }
0x3d: {  	_ =	shalt  }
0x3e: {  	_ =	shalt  }
0x3f: {  	_ =	shalt  }
0x40: {  	_ =	shalt  }
0x41: {  	_ =	shalt  }
0x42: {  	_ =	shalt  }
0x43: {  	_ =	shalt  }
0x44: {  	_ =	shalt  }
0x45: {  	_ =	shalt  }
0x46: {  	_ =	shalt  }
0x47: {  	_ =	shalt  }
0x48: {  	_ =	shalt  }
0x49: {  	_ =	shalt  }
0x4a: {  	_ =	shalt  }
0x4b: {  	_ =	shalt  }
0x4c: {  	_ =	shalt  }
0x4d: {  	_ =	shalt  }
0x4e: {  	_ =	shalt  }
0x4f: {  	_ =	shalt  }
0x50: {  	_ =	shalt  }
0x51: {  	_ =	shalt  }
0x52: {  	_ =	shalt  }
0x53: {  	_ =	shalt  }
0x54: {  	_ =	shalt  }
0x55: {  	_ =	shalt  }
0x56: {  	_ =	shalt  }
0x57: {  	_ =	shalt  }
0x58: {  	_ =	shalt  }
0x59: {  	_ =	shalt  }
0x5a: {  	_ =	shalt  }
0x5b: {  	_ =	shalt  }
0x5c: {  	_ =	shalt  }
0x5d: {  	_ =	shalt  }
0x5e: {  	_ =	shalt  }
0x5f: {  	_ =	shalt  }
0x60: {  	_ =	shalt  }
0x61: {  	_ =	shalt  }
0x62: {  	_ =	shalt  }
0x63: {  	_ =	shalt  }
0x64: {  	_ =	shalt  }
0x65: {  	_ =	shalt  }
0x66: {  	_ =	shalt  }
0x67: {  	_ =	shalt  }
0x68: {  	_ =	shalt  }
0x69: {  	_ =	shalt  }
0x6a: {  	_ =	shalt  }
0x6b: {  	_ =	shalt  }
0x6c: {  	_ =	shalt  }
0x6d: {  	_ =	shalt  }
0x6e: {  	_ =	shalt  }
0x6f: {  	_ =	shalt  }
0x70: {  	_ =	shalt  }
0x71: {  	_ =	shalt  }
0x72: {  	_ =	shalt  }
0x73: {  	_ =	shalt  }
0x74: {  	_ =	shalt  }
0x75: {  	_ =	shalt  }
0x76: {  	_ =	shalt  }
0x77: {  	_ =	shalt  }
0x78: {  	_ =	shalt  }
0x79: {  	_ =	shalt  }
0x7a: {  	_ =	shalt  }
0x7b: {  	_ =	shalt  }
0x7c: {  	_ =	shalt  }
0x7d: {  	_ =	shalt  }
0x7e: {  	_ =	shalt  }
0x7f: {  	_ =	shalt  }
0x80: {  	_ =	shalt  }
0x81: {  	_ =	shalt  }
0x82: {  	_ =	shalt  }
0x83: {  	_ =	shalt  }
0x84: {  	_ =	shalt  }
0x85: {  	_ =	shalt  }
0x86: {  	_ =	shalt  }
0x87: {  	_ =	shalt  }
.Lfunc_end0:
.L_simem_size_0:
called_computation_lowered:
.L_overlay_start_0:
0x88: {  	s2 =	sld [smem:$0x3FD9]  }
0x89: {  	s3 =	sld [smem:$0x3FFE];
	_ =	sdelay $0x1  }
0x8a: {  	s1 =	srdreg.scid  }
0x8b: {  	s0 =	sand.u32 $0x1, s1  }
0x8c: {  	s17 =	sshll.u32 s0, $0xA;
	s2 =	sadd.s32 s3, s2  }
0x8d: {  	s2 =	sadd.s32 s2, s17  }
0x8e: {  	[smem:$0x3FC4] =	sst s2  }
0x8f: {  	_ = 	snop  }
0x90: {  	s2 =	sld [smem:$0x3FD0];
	(tm) =	ssettm $0x1  }
0x91: {  	s18 =	sld [smem:$0x3FFB];
	_ =	sdelay $0x3  }
0x92: {  	_ =	strace s18  }
0x93: {  	s3 =	sld [smem:$0x3FFC];
	_ =	sdelay $0x3  }
0x94: {  	_ =	strace s3  }
0x95: {  	s3 =	sld [smem:$0x3FFD];
	_ =	sdelay $0x3  }
0x96: {  	_ =	strace s3  }
0x97: {  	_ =	strace $0x8FFFFFFF  }
0x98: {  	s19 =	sld [smem:$0x3FDB];
	_ =	sdelay $0x1  }
0x99: {  	s4 =	simm.s32 $_scs_section_size  }
0x9a: {  	s5 =	simm.s32 $_size__tile_overlayer_lowered;
	s6 =	simm.s32 $_tile_overlayer_lowered  }
0x9b: {  	s22 =	simm.s32 $0x1BFF;
	s21 =	sshll.u32 s6, $0x1;
	s3 =	sadd.s32 s4, s19  }
0x9c: {  	s7 =	simm.s32 $0x0;
	s20 =	sshll.u32 s5, $0x1;
	s5 =	sadd.s32 s21, s3  }
0x9d: {  	[timem:s7], [sflag:s22] =	dma.local [hbm:s5], s20  }
0x9e: {  	_ =	swait.ge [sflag:s22], s20  }
0x9f: {  	s4 =	ssub.s32 $0x0, s20;
	[sflag:s22] =	ssyncset.done $0x0  }
0xa0: {  	[sflag:s22] =	ssyncadd.s32 s4;
	_ =	sdelay $0x1  }
0xa1: {  	s23 =	simm.s32 $0x1B8B  }
0xa2: {  	_ =	swait.ge [sflag:s23], $0x1  }
0xa3: {  	[sflag:s23] =	ssyncset.done $0x0  }
0xa4: {  	s25 =	simm.s32 $0x1B8E;
	s24 =	sld [smem:$0x3FFE];
	[sflag:s23] =	ssyncadd.s32 $0xFFFFFFFF  }
0xa5: {  	s26 =	simm.s32 $execute0_lowered;
	[smem:$0x3FD2] =	sst s25  }
0xa6: {  	s5 =	sshll.u32 s26, $0x1;
	_ =	strace $0x80000046;
	[dreg:$0x1] =	wrdreg $0xFFFFFFFF  }
0xa7: {  	s28 =	simm.s32 $_size_execute0_lowered;
	s3 =	sadd.s32 s3, s5;
	[dreg:$0x0] =	wrdreg $0x0  }
0xa8: {  	s5 =	sshll.u32 s28, $0x1;
	[dreg:$0x2] =	wrdreg s3  }
0xa9: {  	[dreg:$0x3] =	wrdreg s5  }
0xaa: {  	[dreg:$0x4] =	wrdreg $0xC0  }
0xab: {  	_ =	task [dreg:s7], $0x5FFFF  }
0xac: {  	[dreg:$0x1] =	wrdreg $0xFFFFFFFF  }
0xad: {  	[dreg:$0x0] =	wrdreg $0x60  }
0xae: {  	[dreg:$0x2] =	wrdreg s24  }
0xaf: {  	[dreg:$0x3] =	wrdreg s2  }
0xb0: {  	[dreg:$0x4] =	wrdreg $0x0  }
0xb1: {  	[dreg:$0x5] =	wrdreg $0x3000  }
0xb2: {  	[dreg:$0x6] =	wrdreg $0x6000  }
0xb3: {  	[dreg:$0x7] =	wrdreg $0x9000  }
0xb4: {  	[dreg:$0x8] =	wrdreg $0x9100  }
0xb5: {  	[dreg:$0x9] =	wrdreg $0x9  }
0xb6: {  	_ =	task.clear_ibuf [dreg:s7], $0xAFFFF;
	_ =	strace $0x90000046  }
0xb7: {  	s29 =	simm.s32 $0x9;
	_ =	strace $0x80000048  }
0xb8: {  	_ =	swait.ge [sflag:s29], $0x1  }
0xb9: {  	[sflag:s29] =	ssyncadd.s32 $0xFFFFFFFF  }
0xba: {  	_ =	strace $0x90000048  }
0xbb: {  	_ =	sfence  }
0xbc: {  	s30 =	sld [smem:$0x0];
	_ =	sdelay $0x2  }
0xbd: {  	s31 =	sshll.u32 s1, $0xD;
	s1 =	sshrl.u32 s1, $0x2  }
0xbe: {  	s3 =	sand.u32 $0x4000, s31;
	s1 =	sadd.s32 s1, s30  }
0xbf: {  	s0 =	sor.u32 s3, s0;
	s1 =	sshll.u32 s1, $0x11  }
0xc0: {  	s0 =	sor.u32 s1, s0  }
0xc1: {  	s0 =	sadd.s32 $0x8F2B, s0  }
0xc2: {  	[sflag:s0] =	ssyncadd.remote.s32 $0x1  }
0xc3: {  	_ =	sfence.sel $0xFFFF  }
0xc4: {  	[dreg:$0x0] =	wrdreg $0xFFFFFFFF;
	(pc) =	sbr.abs _section_cstart, $3  }
0xc5: {  	[dreg:$0x1] =	wrdreg $0xFFFFFFFF  }
0xc6: {  	_ =	task.clear_ibuf [dreg:s7], $0x2FFFF;
	_ =	strace $0x9FFFFFFF  }
0xc7: {  	(tm) =	ssettm $0x7FFFFFFF  }
tec
execute0_lowered:
.L_overlay_start_1:
0x0: {  	(tag) =	ssettag $0x1  }
0x1: {  	s10 =	rddreg [dreg:$0x0]  }
0x2: {  	s4 =	rddreg [dreg:$0x1]  }
0x3: {  	s9 =	rddreg [dreg:$0x5]  }
0x4: {  	s11 =	rddreg [dreg:$0x6];
	s0 =	simm.s32 $0x0  }
0x5: {  	s12 =	srdreg.scid;
	[smem:$0x7FF] =	sst s0;
	s2 =	sadd.s32 $0x58800, s10  }
0x6: {  	s13 =	sadd.s32 $0x58200, s10;
	_ =	strace $0x80000047;
	[dreg:$0x8] =	wrdreg s2  }
0x7: {  	s0 =	sand.u32 $0x1, s12;
	s12 =	sadd.s32 $0x5000, s10;
	[dreg:$0x9] =	wrdreg s13  }
0x8: {  	s21 =	sadd.s32 $0x10, s10;
	[dreg:$0xa] =	wrdreg s12  }
0x9: {  	s22 =	sadd.s32 $0x20, s10;
	[dreg:$0x12] =	wrdreg s21  }
0xa: {  	s23 =	sadd.s32 $0x30, s10;
	[dreg:$0x13] =	wrdreg s22  }
0xb: {  	s24 =	sadd.s32 $0x40, s10;
	[dreg:$0x14] =	wrdreg s23  }
0xc: {  	s25 =	sadd.s32 $0x50, s10;
	[dreg:$0x15] =	wrdreg s24  }
0xd: {  	s5 =	stileid.u32;
	s26 =	sadd.s32 $0x60, s10;
	[dreg:$0x16] =	wrdreg s25  }
0xe: {  	s17 =	sshll.u32 s5, $0x7;
	s30 =	sadd.s32 $0x70, s10;
	[dreg:$0x17] =	wrdreg s26  }
0xf: {  	s28 =	simm.s32 $0x125A0;
	s2 =	sadd.s32 s17, s9;
	[dreg:$0x18] =	wrdreg s30  }
0x10: {  	s31 =	simm.s32 $0x1EA20;
	s13 =	sadd.s32 $0x5040, s10;
	[dreg:$0xd] =	wrdreg s2  }
0x11: {  	s29 =	simm.s32 $0x0;
	s17 =	sadd.s32 $0x5080, s10;
	[dreg:$0x1e] =	wrdreg s13  }
0x12: {  	s8 =	sadd.s32 $0xA000, s10;
	s21 =	sadd.s32 $0x180, s11;
	[smem:$0x7F3] =	sst s17  }
0x13: {  	s1 =	smul.u32 $0x2710, s5;
	s22 =	sadd.s32 $0x200, s11;
	[smem:$0x7F7] =	sst s21  }
0x14: {  	s14 =	ssub.s32 $0x2, s0;
	s23 =	sadd.s32 $0x280, s11;
	[smem:$0x7F8] =	sst s22  }
0x15: {  	s0 =	sshll.u32 s0, $0x4;
	s24 =	sadd.s32 $0x300, s11;
	[smem:$0x7F9] =	sst s23  }
0x16: {  	s25 =	sadd.s32 $0x380, s11;
	s26 =	sadd.s32 $0x400, s11;
	[smem:$0x7FA] =	sst s24  }
0x17: {  	s30 =	sadd.s32 $0x480, s11;
	s3 =	sshrl.u32 s14, $0x1;
	[smem:$0x7FB] =	sst s25  }
0x18: {  	s6 =	sshrl.u32 s1, $0x3;
	s18 =	sor.u32 s5, s0;
	[smem:$0x7FC] =	sst s26  }
0x19: {  	s1 =	sadd.s32 s1, s11;
	[smem:$0x7FD] =	sst s30;
	s23 =	simm.s32 $0x3020  }
0x1a: {  	s25 =	simm.s32 $0x57A0;
	s26 =	simm.s32 $0xF5A0;
	s13 =	simm.s32 $0x18820  }
0x1b: {  	s17 =	simm.s32 $0x1A820;
	s21 =	simm.s32 $0x1E520;
	s7 =	ssub.s32 s14, s3  }
0x1c: {  	s15 =	sadd.s32 s12, s6;
	s16 =	sadd.s32 s10, s6;
	[dreg:$0xe] =	wrdreg s1  }
0x1d: {  	s0 =	smul.u32 $0x138, s18;
	p0 =	seq.s32 s18, $0x1F;
	[dreg:$0xb] =	wrdreg s15  }
0x1e: {  	s3 =	simm.s32 $0x148;
	s6 =	sadd.s32 $0x90, s10;
	[dreg:$0xc] =	wrdreg s16  }
0x1f: {  	s19 =	smul.u32 $0x2700, s18;
	s12 =	sadd.s32 $0x5030, s10;
	[dreg:$0x1a] =	wrdreg s6  }
0x20: {  	p1 =	sne.s32 s18, $0x1F;
	s14 =	sadd.s32 $0x5050, s10;
	[dreg:$0x1d] =	wrdreg s12  }
0x21: {  	s18 =	sadd.s32 $0x5090, s10;
	s3 =	simm.s32 @!p0 $0x138;
	[dreg:$0x1f] =	wrdreg s14  }
0x22: {  	s20 =	smax.u32 s7, $0x1;
	p0 =	sne.s32 s5, $0x0;
	[smem:$0x7F4] =	sst s18  }
0x23: {  	s5 =	sadd.s32 $0x80, s10;
	s7 =	sadd.s32 $0x5010, s10;
	[dreg:$0x11] =	wrdreg s20  }
0x24: {  	s15 =	sadd.s32 $0x5060, s10;
	s16 =	sadd.s32 $0x5070, s10;
	[dreg:$0x19] =	wrdreg s5  }
0x25: {  	s12 =	simm.s32 $0x18020;
	s14 =	simm.s32 $0x19020;
	[dreg:$0x1b] =	wrdreg s7  }
0x26: {  	s18 =	simm.s32 $0x1B020;
	s1 =	sadd.s32 s0, s3;
	[smem:$0x7F1] =	sst s15  }
0x27: {  	s3 =	sshrl.u32 s0, $0x7;
	s9 =	sadd.s32 s4, s19;
	[smem:$0x7F2] =	sst s16  }
0x28: {  	v0 =	vlaneseq.u32;
	v5 =	vimm.f32 $0.0e+00;
	v11 =	vimm.f32 $1.000000000e+00;
	s2 =	sand.u32 $0x78, s0;
	s4 =	sadd.s32 $0x4E000, s4;
	[dreg:$0xf] =	wrdreg s9  }
.Ltmp0:
0x29: {  	v12 =	vimm.s32 $0x0;
	vm0 =	vmmov $0xffff;
	v6 =	vor.u32 $0x10, v0;
	s19 =	sadd.s32 $0x80, s11;
	[dreg:$0x10] =	wrdreg s4;
	(pc) =	sbr.rel .LBB2_1-.Ltmp0, $4  }
0x2a: {  	v7 =	vor.u32 $0x20, v0;
	v8 =	vor.u32 $0x30, v0;
	v9 =	vor.u32 $0x40, v0;
	s20 =	sadd.s32 $0x100, s11;
	s15 =	simm.s32 $0x19820;
	[smem:$0x7F5] =	sst s19  }
0x2b: {  	v10 =	vor.u32 $0x50, v0;
	v13 =	vand.u32 $0x7, v0;
	v14 =	vshrl.u32 v0, $0x3;
	s16 =	simm.s32 $0x1A020;
	s9 =	sadd.s32 $0x5020, s10;
	[smem:$0x7F6] =	sst s20  }
0x2c: {  	v15 =	vor.u32 $0x8, v0;
	v14 =	vmul.u32 $0x8, v14;
	s4 =	simm.s32 $0x4;
	v4 =	vmov s2;
	s2 =	simm.s32 $0x0;
	s19 =	simm.s32 $0x3  }
0x2d: {  	v2 =	vmov s0;
	v1 =	vadd.s32 s3, v0;
	v3 =	vmov s1;
	s20 =	simm.s32 $0x1D620;
	s3 =	simm.s32 $0x0;
	[dreg:$0x1c] =	wrdreg s9  }
.LBB2_39:
0x2e: {  	s2 =	simm.s32 $0x0;
	s0 =	rddreg [dreg:$0xf];
	s22 =	simm.s32 $0x5  }
0x2f: {  	[hbm4b:s0+s2] =	stream.linear.scatter [tilespmem:s23], [sflag:$0x5], $0x13800, $0x38;
	[tilespmem:$0x1F2A0] =	vst v63  }
0x30: {  	_ =	swait.ge [sflag:s22], $0x13800  }
0x31: {  	s1 =	simm.s32 @!p1 $0x16820;
	[sflag:s22] =	ssyncset.done $0x0  }
0x32: {  	s0 =	simm.s32 @!p1 $0x0;
	s3 =	rddreg [dreg:$0x10];
	[sflag:s22] =	ssyncadd.s32 $0xFFFEC800  }
0x33: {  	[hbm4b:s3+s0] =	stream.linear.scatter @!p1 [tilespmem:s1], [sflag:$0x4], $0x1000, $0x38;
	[tilespmem:$0x1F2A0] =	vst v63  }
0x34: {  	s0 =	simm.s32 @!p1 $0x4  }
0x35: {  	_ =	swait.ge @!p1 [sflag:s0], $0x1000  }
0x36: {  	s24 =	sld [smem:$0x7F0];
	_ =	sdelay $0x2  }
0x37: {  	s30 =	rddreg [dreg:$0x11];
	s3 =	sadd.s32 $0x1, s24  }
0x38: {  	p2 =	sne.s32 s3, s30  }
.Ltmp1:
0x39: {  	_ = 	snop;
	(pc) =	sbr.rel @!p2 .LBB2_40-.Ltmp1, $3  }
0x3a: {  	_ =	sdelay $0x1  }
0x3b: {  	[sflag:s0] =	ssyncset.done @!p1 $0x0  }
0x3c: {  	s4 =	simm.s32 $0x4;
	[sflag:s0] =	ssyncadd.s32 @!p1 $0xFFFFF000  }
.LBB2_1:
0x3d: {  	s0 =	rddreg [dreg:$0x8]  }
0x3e: {  	[tilespmem:s23], [sflag:$0x4] =	stream.linear.gather [hbm4b:s0+s2], $0x2780, $0x38;
	[tilespmem:$0x1F2A0] =	vst v63  }
0x3f: {  	_ =	swait.ge [sflag:s4], $0x2780  }
0x40: {  	[sflag:s4] =	ssyncset.done $0x0  }
0x41: {  	s11 =	rddreg [dreg:$0x9];
	[sflag:s4] =	ssyncadd.s32 $0xFFFFD880  }
0x42: {  	[tilespmem:s25], [sflag:$0x4] =	stream.linear.gather [hbm4b:s11+s2], $0x2780, $0x38;
	[tilespmem:$0x1F2A0] =	vst v63  }
0x43: {  	_ =	swait.ge [sflag:s4], $0x2780  }
0x44: {  	[sflag:s4] =	ssyncset.done $0x0  }
0x45: {  	s1 =	simm.s32 $0x7F20;
	s22 =	rddreg [dreg:$0xb];
	[sflag:s4] =	ssyncadd.s32 $0xFFFFD880  }
0x46: {  	[tilespmem:s1], [sflag:$0x4] =	stream.linear.gather [hbm4b:s22+s2], $0x2710, $0x38;
	[tilespmem:$0x1F2A0] =	vst v63  }
0x47: {  	_ =	swait.ge [sflag:s4], $0x2710  }
0x48: {  	[sflag:s4] =	ssyncset.done $0x0  }
0x49: {  	s30 =	simm.s32 $0xA6A0;
	s24 =	rddreg [dreg:$0xc];
	[sflag:s4] =	ssyncadd.s32 $0xFFFFD8F0  }
0x4a: {  	[tilespmem:s30], [sflag:$0x4] =	stream.linear.gather [hbm4b:s24+s2], $0x2710, $0x38;
	[tilespmem:$0x1F2A0] =	vst v63  }
0x4b: {  	_ =	swait.ge [sflag:s4], $0x2710  }
0x4c: {  	[sflag:s4] =	ssyncset.done $0x0  }
0x4d: {  	s0 =	simm.s32 $0x0;
	s1 =	simm.s32 $0x200;
	[sflag:s4] =	ssyncadd.s32 $0xFFFFD8F0  }
.LBB2_2:
0x4e: {  	p2 =	sne.s32 s1, $0xBE00;
	[tilespmem:s0+$0xF610] =	vst v5  }
0x4f: {  	[tilespmem:s0+$0xF5A0] =	vst v5  }
0x50: {  	[tilespmem:s0+$0xF5B0] =	vst v5  }
.Ltmp2:
0x51: {  	[tilespmem:s0+$0xF5C0] =	vst v5;
	(pc) =	sbr.rel @p2 .LBB2_2-.Ltmp2, $4  }
0x52: {  	[tilespmem:s0+$0xF5D0] =	vst v5  }
0x53: {  	[tilespmem:s0+$0xF5E0] =	vst v5  }
0x54: {  	[tilespmem:s0+$0xF5F0] =	vst v5  }
0x55: {  	[tilespmem:s0+$0xF600] =	vst v5;
	s0 =	sshra.s32 s1, $0x2;
	s1 =	sadd.s32 $0x200, s1  }
0x56: {  	[tilespmem:s0+$0xF610] =	vst v5  }
0x57: {  	[tilespmem:s0+$0xF5A0] =	vst v5  }
0x58: {  	[tilespmem:s0+$0xF5B0] =	vst v5  }
0x59: {  	[tilespmem:s0+$0xF5C0] =	vst v5  }
0x5a: {  	[tilespmem:s0+$0xF5D0] =	vst v5  }
0x5b: {  	[tilespmem:s0+$0xF5E0] =	vst v5  }
0x5c: {  	[tilespmem:s0+$0xF5F0] =	vst v5  }
0x5d: {  	[smem:$0x7F0] =	sst s3;
	[tilespmem:s0+$0xF600] =	vst v5;
	s0 =	simm.s32 $0x0;
	s1 =	simm.s32 $0x200  }
.LBB2_4:
0x5e: {  	p2 =	sne.s32 s1, $0xBE00;
	[tilespmem:s0+$0x12610] =	vst v5  }
0x5f: {  	[tilespmem:s0+$0x125A0] =	vst v5  }
0x60: {  	[tilespmem:s0+$0x125B0] =	vst v5  }
.Ltmp3:
0x61: {  	[tilespmem:s0+$0x125C0] =	vst v5;
	(pc) =	sbr.rel @p2 .LBB2_4-.Ltmp3, $4  }
0x62: {  	[tilespmem:s0+$0x125D0] =	vst v5  }
0x63: {  	[tilespmem:s0+$0x125E0] =	vst v5  }
0x64: {  	[tilespmem:s0+$0x125F0] =	vst v5  }
0x65: {  	[tilespmem:s0+$0x12600] =	vst v5;
	s0 =	sshra.s32 s1, $0x2;
	s1 =	sadd.s32 $0x200, s1  }
0x66: {  	[tilespmem:s0+$0x12610] =	vst v5  }
0x67: {  	[tilespmem:s0+$0x125A0] =	vst v5  }
0x68: {  	[tilespmem:s0+$0x125B0] =	vst v5  }
0x69: {  	[tilespmem:s0+$0x125C0] =	vst v5  }
0x6a: {  	[tilespmem:s0+$0x125D0] =	vst v5  }
0x6b: {  	[tilespmem:s0+$0x125E0] =	vst v5  }
0x6c: {  	[tilespmem:s0+$0x125F0] =	vst v5  }
0x6d: {  	[tilespmem:s0+$0x12600] =	vst v5;
	s0 =	simm.s32 @!p0 $0xF5A0;
	s1 =	rddreg [dreg:$0x2]  }
0x6e: {  	[spmem:s1] =	stream.linear.scatter @!p0 [tilespmem:s0], [sflag:$0x4], $0x3000, $0x38;
	[tilespmem:$0x1F2A0] =	vst v63  }
0x6f: {  	s1 =	simm.s32 @!p0 $0x4  }
0x70: {  	_ =	swait.ge @!p0 [sflag:s1], $0x3000  }
0x71: {  	[sflag:s1] =	ssyncset.done @!p0 $0x0  }
0x72: {  	[sflag:s1] =	ssyncadd.s32 @!p0 $0xFFFFD000  }
0x73: {  	s2 =	rddreg [dreg:$0x3]  }
0x74: {  	[spmem:s2] =	stream.linear.scatter @!p0 [tilespmem:s0], [sflag:$0x4], $0x3000, $0x38;
	[tilespmem:$0x1F2A0] =	vst v63  }
0x75: {  	_ =	swait.ge @!p0 [sflag:s1], $0x3000  }
0x76: {  	[sflag:s1] =	ssyncset.done @!p0 $0x0  }
0x77: {  	[sflag:s1] =	ssyncadd.s32 @!p0 $0xFFFFD000  }
0x78: {  	s2 =	rddreg [dreg:$0x4]  }
0x79: {  	[spmem:s2] =	stream.linear.scatter @!p0 [tilespmem:s0], [sflag:$0x4], $0x3000, $0x38;
	[tilespmem:$0x1F2A0] =	vst v63  }
0x7a: {  	_ =	swait.ge @!p0 [sflag:s1], $0x3000  }
0x7b: {  	[sflag:s1] =	ssyncset.done @!p0 $0x0  }
0x7c: {  	[sflag:s1] =	ssyncadd.s32 @!p0 $0xFFFFD000  }
0x7d: {  	[tilespmem:$0x155A0] =	vst v0  }
0x7e: {  	[tilespmem:$0x155B0] =	vst v6  }
0x7f: {  	[tilespmem:$0x155C0] =	vst v7  }
0x80: {  	[tilespmem:$0x155D0] =	vst v8  }
0x81: {  	[tilespmem:$0x155E0] =	vst v9  }
0x82: {  	[tilespmem:$0x155F0] =	vst v10  }
0x83: {  	s2 =	simm.s32 $0x0;
	[bflag:$0x0] =	sbarrier.arrive $0xFFFF  }
0x84: {  	v16 =	vld [tilespmem:s2+$0x7F20]  }
0x85: {  	v17 =	vld [tilespmem:s2+$0xA6A0];
	_ =	sdelay $0x3  }
0x86: {  	s0 =	simm.s32 $0x10  }
0x87: {  	v19 =	vld [tilespmem:s0+$0x7F20]  }
0x88: {  	v21 =	vld [tilespmem:s0+$0xA6A0]  }
0x89: {  	v20 =	vld.idx.msk [tilespmem:v16+s23+$0x0], $0xffff  }
0x8a: {  	v23 =	vld.idx.msk [tilespmem:v17+s25+$0x0], $0xffff;
	_ =	sdelay $0x4  }
0x8b: {  	s1 =	simm.s32 $0x20;
	v23 =	vadd.f32 v23, v20;
	v20 =	vld.idx.msk [tilespmem:v19+s23+$0x0], $0xffff;
	v19 =	vmov v21  }
0x8c: {  	v22 =	vld [tilespmem:s1+$0x7F20]  }
0x8d: {  	v16 =	vld [tilespmem:s1+$0xA6A0]  }
0x8e: {  	v18 =	vimm.f32 $-1.000000020e+30;
	s3 =	simm.s32 $0xC0;
	[tilespmem:v17+s26+$0x0] =	vst.idx.add.f32.msk $0xffff, v11  }
.LBB2_6:
0x8f: {  	p2 =	sne.s32 s3, $0x9C00;
	v24 =	vld.idx.msk [tilespmem:v21+s25+$0x0], $0xffff;
	v26 =	vmul.f32 $9.999999770e-03, v23  }
0x90: {  	vm1 =	vge.f32 v23, $0.0e+00;
	[tilespmem:v19+s26+$0x0] =	vst.idx.add.f32.msk $0xffff, v11  }
0x91: {  	v23 =	vsel vm1, v23, v26;
	v25 =	vmov v22  }
.Ltmp4:
0x92: {  	[tilespmem:s2+$0xCE20] =	vst v23;
	v18 =	vmax.f32 v18, v23;
	v21 =	vmov v16;
	s2 =	smov.u32 s0;
	s0 =	smov.u32 s1;
	(pc) =	sbr.rel @p2 .LBB2_6-.Ltmp4, $4  }
0x93: {  	s1 =	sshra.s32 s3, $0x2;
	[tilespmem:v17+s28+$0x0] =	vst.idx.add.f32.msk $0xffff, v23;
	v17 =	vmov v19;
	v19 =	vmov v16  }
0x94: {  	v22 =	vld [tilespmem:s1+$0x7F20]  }
0x95: {  	v23 =	vadd.f32 v24, v20;
	v16 =	vld [tilespmem:s1+$0xA6A0]  }
0x96: {  	s3 =	sadd.s32 $0x40, s3;
	v20 =	vld.idx.msk [tilespmem:v25+s23+$0x0], $0xffff  }
0x97: {  	_ =	sdelay $0x4  }
0x98: {  	v21 =	vld.idx.msk [tilespmem:v21+s25+$0x0], $0xffff  }
0x99: {  	v22 =	vld.idx.msk [tilespmem:v22+s23+$0x0], $0xffff  }
0x9a: {  	v24 =	vld.idx.msk [tilespmem:v16+s25+$0x0], $0xffff;
	_ =	sdelay $0x2  }
0x9b: {  	v25 =	vmul.f32 $9.999999770e-03, v23;
	v20 =	vadd.f32 v21, v20  }
0x9c: {  	vm1 =	vge.f32 v23, $0.0e+00;
	[tilespmem:v19+s26+$0x0] =	vst.idx.add.f32.msk $0xffff, v11  }
0x9d: {  	[tilespmem:v16+s26+$0x0] =	vst.idx.add.f32.msk $0xffff, v11;
	v21 =	vsel vm1, v23, v25;
	v23 =	vmul.f32 $9.999999770e-03, v20;
	v22 =	vadd.f32 v24, v22  }
0x9e: {  	[tilespmem:s2+$0xCE20] =	vst v21;
	vm1 =	vge.f32 v20, $0.0e+00  }
0x9f: {  	[tilespmem:v17+s28+$0x0] =	vst.idx.add.f32.msk $0xffff, v21;
	v17 =	vsel vm1, v20, v23;
	v20 =	vmul.f32 $9.999999770e-03, v22  }
0xa0: {  	[tilespmem:s0+$0xCE20] =	vst v17;
	vm1 =	vge.f32 v22, $0.0e+00  }
0xa1: {  	v18 =	vmax.f32 v18, v21;
	[tilespmem:v19+s28+$0x0] =	vst.idx.add.f32.msk $0xffff, v17;
	v19 =	vsel vm1, v22, v20  }
0xa2: {  	v17 =	vmax.f32 v18, v17;
	[tilespmem:s1+$0xCE20] =	vst v19  }
0xa3: {  	v17 =	vmax.f32 v17, v19;
	[tilespmem:v16+s28+$0x0] =	vst.idx.add.f32.msk $0xffff, v19  }
0xa4: {  	s10 =	rddreg [dreg:$0xd];
	s11 =	simm.s32 $0x15620;
	[tilespmem:$0x15620] =	vst v17  }
0xa5: {  	[spmem:s10] =	stream.linear.scatter [tilespmem:s11], [sflag:$0x4], $0x80, $0x38;
	[tilespmem:$0x1F2A0] =	vst v63  }
0xa6: {  	_ =	swait.ge [sflag:s4], $0x80  }
0xa7: {  	[sflag:s4] =	ssyncset.done $0x0  }
0xa8: {  	[sflag:s4] =	ssyncadd.s32 $0xFFFFFF80  }
0xa9: {  	s24 =	simm.s32 $0x60;
	s3 =	simm.s32 $0x155A0;
	s22 =	rddreg [dreg:$0x2]  }
0xaa: {  	[spmem:s22] =	stream.indirect.scatter.add.f32 [tilespmem:s26], [sflag:$0x4], $0x80, s3, s24, $0xb8;
	[tilespmem:$0x1F2A0] =	vst v63  }
0xab: {  	_ =	swait.ge [sflag:s4], $0x3000  }
0xac: {  	[sflag:s4] =	ssyncset.done $0x0  }
0xad: {  	[sflag:s4] =	ssyncadd.s32 $0xFFFFD000  }
0xae: {  	s30 =	rddreg [dreg:$0x3]  }
0xaf: {  	[spmem:s30] =	stream.indirect.scatter.add.f32 [tilespmem:s28], [sflag:$0x4], $0x80, s3, s24, $0xb8;
	[tilespmem:$0x1F2A0] =	vst v63  }
0xb0: {  	_ =	swait.ge [sflag:s4], $0x3000  }
0xb1: {  	[sflag:s4] =	ssyncset.done $0x0  }
0xb2: {  	[sflag:s4] =	ssyncadd.s32 $0xFFFFD000  }
0xb3: {  	[bflag:$0x0] =	sbarrier.arrive $0xFFFF  }
0xb4: {  	[tilespmem:s26], [sflag:$0x4] =	stream.linear.gather [spmem:s22], $0x3000, $0x38;
	[tilespmem:$0x1F2A0] =	vst v63  }
0xb5: {  	_ =	swait.ge [sflag:s4], $0x3000  }
0xb6: {  	[sflag:s4] =	ssyncset.done $0x0  }
0xb7: {  	[sflag:s4] =	ssyncadd.s32 $0xFFFFD000  }
0xb8: {  	[tilespmem:s28], [sflag:$0x4] =	stream.linear.gather [spmem:s30], $0x3000, $0x38;
	[tilespmem:$0x1F2A0] =	vst v63  }
0xb9: {  	_ =	swait.ge [sflag:s4], $0x3000  }
0xba: {  	[sflag:s4] =	ssyncset.done $0x0  }
0xbb: {  	s1 =	simm.s32 $0x0;
	[sflag:s4] =	ssyncadd.s32 $0xFFFFD000  }
0xbc: {  	v19 =	vld [tilespmem:s1+$0xF5A0]  }
0xbd: {  	v21 =	vld [tilespmem:s1+$0xF5B0]  }
0xbe: {  	v17 =	vld [tilespmem:s1+$0xF5C0]  }
0xbf: {  	v16 =	vld [tilespmem:s1+$0xF5D0]  }
0xc0: {  	v18 =	vld [tilespmem:s1+$0xF5E0]  }
0xc1: {  	s5 =	simm.s32 $0x60;
	v20 =	vld [tilespmem:s1+$0xF5F0];
	v22 =	vmax.f32 v19, $1.000000000e+00  }
0xc2: {  	s6 =	simm.s32 $0x155A0;
	s2 =	simm.s32 $0x0;
	s0 =	simm.s32 $0x200;
	v21 =	vmax.f32 v21, $1.000000000e+00;
	v19 =	vld [tilespmem:s1+$0xF600];
	(erf) = vrcp.f32 v22  }
.LBB2_8:
0xc3: {  	p2 =	sne.s32 s0, $0xBE00;
	v17 =	vmax.f32 v17, $1.000000000e+00;
	v22 =	vld [tilespmem:s2+$0xF610];
	(erf) = vrcp.f32 v21  }
0xc4: {  	v16 =	vmax.f32 v16, $1.000000000e+00;
	(erf) = vrcp.f32 v17  }
0xc5: {  	v17 =	vmax.f32 v18, $1.000000000e+00;
	(erf) = vrcp.f32 v16  }
0xc6: {  	v16 =	vmax.f32 v20, $1.000000000e+00;
	(erf) = vrcp.f32 v17  }
0xc7: {  	v17 =	vld [tilespmem:s2+$0x125A0];
	v18 =	vmax.f32 v19, $1.000000000e+00;
	(erf) = vrcp.f32 v16  }
0xc8: {  	v16 =	vld [tilespmem:s2+$0x125B0];
	v19 =	vmax.f32 v22, $1.000000000e+00;
	(erf) = vrcp.f32 v18  }
0xc9: {  	v18 =	vld [tilespmem:s2+$0x125C0];
	(erf) = vrcp.f32 v19  }
0xca: {  	v19 =	vld [tilespmem:s2+$0x125D0]  }
0xcb: {  	v20 =	vld [tilespmem:s2+$0x125E0];
	v21 =	vpop (erf)  }
0xcc: {  	v17 =	vmul.f32 v21, v17;
	v21 =	vld [tilespmem:s2+$0x125F0];
	v22 =	vpop (erf)  }
0xcd: {  	v16 =	vmul.f32 v22, v16;
	v22 =	vld [tilespmem:s2+$0x12600];
	v23 =	vpop (erf)  }
0xce: {  	s3 =	sshra.s32 s0, $0x2;
	[tilespmem:s2+$0xF5A0] =	vst v17;
	v17 =	vmul.f32 v23, v18;
	v23 =	vld [tilespmem:s2+$0x12610];
	v18 =	vpop (erf)  }
0xcf: {  	v24 =	vld [tilespmem:s3+$0xF5A0];
	[tilespmem:s2+$0xF5B0] =	vst v16;
	v16 =	vmul.f32 v18, v19;
	v18 =	vpop (erf)  }
0xd0: {  	v19 =	vld [tilespmem:s3+$0xF5B0];
	[tilespmem:s2+$0xF5C0] =	vst v17;
	v18 =	vmul.f32 v18, v20;
	v20 =	vpop (erf)  }
.Ltmp5:
0xd1: {  	v17 =	vld [tilespmem:s3+$0xF5C0];
	[tilespmem:s2+$0xF5D0] =	vst v16;
	v20 =	vmul.f32 v20, v21;
	v21 =	vpop (erf);
	(pc) =	sbr.rel @p2 .LBB2_8-.Ltmp5, $4  }
0xd2: {  	v16 =	vld [tilespmem:s3+$0xF5D0];
	[tilespmem:s2+$0xF5E0] =	vst v18;
	v21 =	vmul.f32 v21, v22;
	v22 =	vpop (erf)  }
0xd3: {  	v18 =	vld [tilespmem:s3+$0xF5E0];
	[tilespmem:s2+$0xF5F0] =	vst v20;
	v22 =	vmul.f32 v22, v23  }
0xd4: {  	v23 =	vmax.f32 v24, $1.000000000e+00;
	v20 =	vld [tilespmem:s3+$0xF5F0];
	[tilespmem:s2+$0xF600] =	vst v21  }
0xd5: {  	s0 =	sadd.s32 $0x200, s0;
	v21 =	vmax.f32 v19, $1.000000000e+00;
	v19 =	vld [tilespmem:s3+$0xF600];
	(erf) = vrcp.f32 v23;
	[tilespmem:s2+$0xF610] =	vst v22;
	s2 =	smov.u32 s3  }
0xd6: {  	v17 =	vmax.f32 v17, $1.000000000e+00;
	v22 =	vld [tilespmem:s2+$0xF610];
	(erf) = vrcp.f32 v21  }
0xd7: {  	v16 =	vmax.f32 v16, $1.000000000e+00;
	(erf) = vrcp.f32 v17  }
0xd8: {  	v17 =	vmax.f32 v18, $1.000000000e+00;
	(erf) = vrcp.f32 v16  }
0xd9: {  	v16 =	vmax.f32 v20, $1.000000000e+00;
	(erf) = vrcp.f32 v17  }
0xda: {  	v17 =	vld [tilespmem:s2+$0x125A0];
	v49 =	vmax.f32 v19, $1.000000000e+00;
	(erf) = vrcp.f32 v16  }
0xdb: {  	v16 =	vld [tilespmem:s2+$0x125B0];
	v50 =	vmax.f32 v22, $1.000000000e+00;
	(erf) = vrcp.f32 v49  }
0xdc: {  	v51 =	vld [tilespmem:s2+$0x125C0];
	(erf) = vrcp.f32 v50  }
0xdd: {  	v52 =	vld [tilespmem:s2+$0x125D0]  }
0xde: {  	v53 =	vld [tilespmem:s2+$0x125E0];
	v54 =	vpop (erf)  }
0xdf: {  	v55 =	vld [tilespmem:s2+$0x125F0];
	v17 =	vmul.f32 v54, v17;
	v56 =	vpop (erf)  }
0xe0: {  	v57 =	vld [tilespmem:s2+$0x12600];
	v16 =	vmul.f32 v56, v16;
	v23 =	vpop (erf)  }
0xe1: {  	v58 =	vld [tilespmem:s2+$0x12610];
	[tilespmem:s2+$0xF5A0] =	vst v17;
	v17 =	vmul.f32 v23, v51;
	v59 =	vpop (erf)  }
0xe2: {  	[tilespmem:s2+$0xF5B0] =	vst v16;
	v16 =	vmul.f32 v59, v52;
	v60 =	vpop (erf)  }
0xe3: {  	[tilespmem:s2+$0xF5C0] =	vst v17;
	v17 =	vmul.f32 v60, v53;
	v61 =	vpop (erf)  }
0xe4: {  	[tilespmem:s2+$0xF5D0] =	vst v16;
	v16 =	vmul.f32 v61, v55;
	v62 =	vpop (erf)  }
0xe5: {  	[tilespmem:s2+$0xF5E0] =	vst v17;
	v17 =	vmul.f32 v62, v57;
	v63 =	vpop (erf)  }
0xe6: {  	[tilespmem:s2+$0xF5F0] =	vst v16;
	v16 =	vmul.f32 v63, v58  }
0xe7: {  	[tilespmem:s2+$0xF600] =	vst v17  }
0xe8: {  	s0 =	simm.s32 $0x200;
	[tilespmem:s2+$0xF610] =	vst v16  }
.LBB2_10:
0xe9: {  	p2 =	sne.s32 s0, $0xBE00;
	[tilespmem:s1+$0x12610] =	vst v5  }
0xea: {  	[tilespmem:s1+$0x125A0] =	vst v5  }
0xeb: {  	[tilespmem:s1+$0x125B0] =	vst v5  }
.Ltmp6:
0xec: {  	[tilespmem:s1+$0x125C0] =	vst v5;
	(pc) =	sbr.rel @p2 .LBB2_10-.Ltmp6, $4  }
0xed: {  	[tilespmem:s1+$0x125D0] =	vst v5  }
0xee: {  	[tilespmem:s1+$0x125E0] =	vst v5  }
0xef: {  	[tilespmem:s1+$0x125F0] =	vst v5  }
0xf0: {  	[tilespmem:s1+$0x12600] =	vst v5;
	s1 =	sshra.s32 s0, $0x2;
	s0 =	sadd.s32 $0x200, s0  }
0xf1: {  	[tilespmem:s1+$0x12610] =	vst v5  }
0xf2: {  	[tilespmem:s1+$0x125A0] =	vst v5  }
0xf3: {  	[tilespmem:s1+$0x125B0] =	vst v5  }
0xf4: {  	[tilespmem:s1+$0x125C0] =	vst v5  }
0xf5: {  	[tilespmem:s1+$0x125D0] =	vst v5  }
0xf6: {  	[tilespmem:s1+$0x125E0] =	vst v5  }
0xf7: {  	[tilespmem:s1+$0x125F0] =	vst v5  }
0xf8: {  	[tilespmem:s1+$0x12600] =	vst v5;
	s0 =	rddreg [dreg:$0x5];
	s30 =	simm.s32 $0x156A0  }
0xf9: {  	[tilespmem:s30], [sflag:$0x4] =	stream.linear.gather [spmem:s0], $0x800, $0x38;
	[tilespmem:$0x1F2A0] =	vst v63  }
0xfa: {  	_ =	swait.ge [sflag:s4], $0x800  }
0xfb: {  	[sflag:s4] =	ssyncset.done $0x0  }
0xfc: {  	[sflag:s4] =	ssyncadd.s32 $0xFFFFF800  }
0xfd: {  	v16 =	vld [tilespmem:$0x156A0]  }
0xfe: {  	v17 =	vld [tilespmem:$0x15720]  }
0xff: {  	v18 =	vld [tilespmem:$0x157A0]  }
0x100: {  	v19 =	vld [tilespmem:$0x15820]  }
0x101: {  	v20 =	vld [tilespmem:$0x158A0]  }
0x102: {  	v21 =	vld [tilespmem:$0x15920]  }
0x103: {  	v22 =	vld [tilespmem:$0x159A0];
	v16 =	vmax.f32 v16, $0.0e+00  }
0x104: {  	v60 =	vld [tilespmem:$0x15BA0];
	v16 =	vmax.f32 v16, v17  }
0x105: {  	v17 =	vld [tilespmem:$0x15A20];
	v16 =	vmax.f32 v16, v18  }
0x106: {  	v18 =	vld [tilespmem:$0x15AA0];
	v16 =	vmax.f32 v16, v19  }
0x107: {  	v19 =	vld [tilespmem:$0x15B20];
	v16 =	vmax.f32 v16, v20  }
0x108: {  	v61 =	vld [tilespmem:$0x15C20];
	v16 =	vmax.f32 v16, v21  }
0x109: {  	v62 =	vld [tilespmem:$0x15CA0];
	v16 =	vmax.f32 v16, v22  }
0x10a: {  	v63 =	vld [tilespmem:$0x15E20];
	v16 =	vmax.f32 v16, v17  }
0x10b: {  	v17 =	vld [tilespmem:$0x15D20];
	v16 =	vmax.f32 v16, v18  }
0x10c: {  	s0 =	simm.s32 $0x0;
	v18 =	vld [tilespmem:$0x15DA0];
	v19 =	vmax.f32 v16, v19  }
0x10d: {  	v16 =	vld [tilespmem:s0+$0xA6A0];
	v19 =	vmax.f32 v19, v60  }
0x10e: {  	v19 =	vmax.f32 v19, v61  }
0x10f: {  	v19 =	vmax.f32 v19, v62  }
0x110: {  	v17 =	vmax.f32 v19, v17  }
0x111: {  	v17 =	vmax.f32 v17, v18  }
0x112: {  	v17 =	vmax.f32 v17, v63  }
0x113: {  	(xrf0) =	vmax.scan.msk.f32 $0xffff, v17  }
0x114: {  	v19 =	vld [tilespmem:s0+$0xCE20]  }
0x115: {  	v18 =	vld.idx.msk [tilespmem:v16+s26+$0x0], $0xffff;
	_ =	sdelay $0x3  }
0x116: {  	v17, _, _ =	vpop (xrf0)  }
0x117: {  	vm1 =	vlt.f32 v19, v18;
	v17 =	vbroadcast v17, $0xF  }
0x118: {  	v18 =	vsel vm1, $0x0, v19  }
0x119: {  	v18 =	vsub.f32 v18, v17;
	_ =	sdelay $0x1  }
0x11a: {  	v18 =	vmul.f32 $1.442695020e+00, v18;
	_ =	sdelay $0x1  }
0x11b: {  	(erf) = vpow2.f32 v18  }
0x11c: {  	s2 =	simm.s32 $0x10;
	s1 =	simm.s32 $0x80  }
.LBB2_12:
0x11d: {  	p2 =	sne.s32 s1, $0x9C00;
	v18 =	vld [tilespmem:s2+$0xA6A0];
	_ =	sdelay $0x6  }
0x11e: {  	v19 =	vpop (erf)  }
0x11f: {  	v20 =	vld.idx.msk [tilespmem:v18+s26+$0x0], $0xffff;
	[tilespmem:s0+$0xCE20] =	vst v19;
	s0 =	smov.u32 s2  }
0x120: {  	v21 =	vld [tilespmem:s0+$0xCE20]  }
0x121: {  	[tilespmem:v16+s28+$0x0] =	vst.idx.add.f32.msk $0xffff, v19;
	v16 =	vmov v18;
	_ =	sdelay $0x3  }
0x122: {  	vm1 =	vlt.f32 v21, v20  }
0x123: {  	v18 =	vsel vm1, $0x0, v21  }
0x124: {  	v18 =	vsub.f32 v18, v17  }
.Ltmp7:
0x125: {  	(pc) =	sbr.rel @p2 .LBB2_12-.Ltmp7, $3  }
0x126: {  	v18 =	vmul.f32 $1.442695020e+00, v18;
	_ =	sdelay $0x1  }
0x127: {  	(erf) = vpow2.f32 v18  }
0x128: {  	s2 =	sshra.s32 s1, $0x2;
	s1 =	sadd.s32 $0x40, s1  }
0x129: {  	v18 =	vld [tilespmem:s2+$0xA6A0];
	_ =	sdelay $0x6  }
0x12a: {  	v19 =	vpop (erf)  }
0x12b: {  	v20 =	vld.idx.msk [tilespmem:v18+s26+$0x0], $0xffff;
	[tilespmem:s0+$0xCE20] =	vst v19  }
0x12c: {  	v21 =	vld [tilespmem:s2+$0xCE20];
	_ =	sdelay $0x4  }
0x12d: {  	vm1 =	vlt.f32 v21, v20  }
0x12e: {  	v20 =	vsel vm1, $0x0, v21  }
0x12f: {  	v17 =	vsub.f32 v20, v17;
	_ =	sdelay $0x1  }
0x130: {  	v17 =	vmul.f32 $1.442695020e+00, v17;
	_ =	sdelay $0x1  }
0x131: {  	(erf) = vpow2.f32 v17;
	_ =	sdelay $0x8  }
0x132: {  	[tilespmem:v16+s28+$0x0] =	vst.idx.add.f32.msk $0xffff, v19;
	v16 =	vpop (erf)  }
0x133: {  	[tilespmem:s2+$0xCE20] =	vst v16  }
0x134: {  	s3 =	rddreg [dreg:$0x4];
	[tilespmem:v18+s28+$0x0] =	vst.idx.add.f32.msk $0xffff, v16  }
0x135: {  	[spmem:s3] =	stream.indirect.scatter.add.f32 [tilespmem:s28], [sflag:$0x4], $0x80, s6, s5, $0xb8;
	[tilespmem:$0x1F2A0] =	vst v63  }
0x136: {  	_ =	swait.ge [sflag:s4], $0x3000  }
0x137: {  	[sflag:s4] =	ssyncset.done $0x0  }
0x138: {  	s7 =	simm.s32 $0xCE20;
	s1 =	rddreg [dreg:$0xe];
	[sflag:s4] =	ssyncadd.s32 $0xFFFFD000  }
0x139: {  	[spmem:s1] =	stream.linear.scatter [tilespmem:s7], [sflag:$0x4], $0x2710, $0x38;
	[tilespmem:$0x1F2A0] =	vst v63  }
0x13a: {  	_ =	swait.ge [sflag:s4], $0x2710  }
0x13b: {  	[sflag:s4] =	ssyncset.done $0x0  }
0x13c: {  	[sflag:s4] =	ssyncadd.s32 $0xFFFFD8F0  }
0x13d: {  	[bflag:$0x0] =	sbarrier.arrive $0xFFFF  }
0x13e: {  	s9 =	simm.s32 $0x10;
	s10 =	simm.s32 $0x1F220;
	s11 =	simm.s32 $0x5;
	[tilespmem:$0x1F220] =	vst v1  }
0x13f: {  	[tilespmem:s31], [sflag:$0x5] =	stream.indirect.gather [spmem:s3], $0x80, s10, s9, $0xb8;
	[tilespmem:$0x1F2A0] =	vst v63  }
0x140: {  	_ =	swait.ge [sflag:s11], $0x800  }
0x141: {  	[sflag:s11] =	ssyncset.done $0x0  }
0x142: {  	[sflag:s11] =	ssyncadd.s32 $0xFFFFF800  }
0x143: {  	v16 =	vld [tilespmem:$0x1EA20]  }
0x144: {  	v17 =	vld [tilespmem:$0x1EA30]  }
0x145: {  	v41 =	vld [tilespmem:$0x1EA40]  }
0x146: {  	v42 =	vld [tilespmem:$0x1EA50]  }
0x147: {  	v43 =	vld [tilespmem:$0x1EA60]  }
0x148: {  	(erf) = vrcp.f32 v16;
	v16 =	vld [tilespmem:$0x1EA70]  }
0x149: {  	(erf) = vrcp.f32 v17;
	v17 =	vld [tilespmem:$0x1EA80]  }
0x14a: {  	(erf) = vrcp.f32 v41  }
0x14b: {  	(erf) = vrcp.f32 v42  }
0x14c: {  	(erf) = vrcp.f32 v43  }
0x14d: {  	(erf) = vrcp.f32 v16  }
0x14e: {  	(erf) = vrcp.f32 v17;
	_ =	sdelay $0x2  }
0x14f: {  	v16 =	vpop (erf)  }
0x150: {  	[tilespmem:$0x1EA20] =	vst v16;
	v16 =	vpop (erf)  }
0x151: {  	[tilespmem:$0x1EA30] =	vst v16;
	v16 =	vpop (erf)  }
0x152: {  	[tilespmem:$0x1EA40] =	vst v16;
	v16 =	vpop (erf)  }
0x153: {  	[tilespmem:$0x1EA50] =	vst v16;
	v16 =	vpop (erf)  }
0x154: {  	s22 =	simm.s32 $0x0;
	[tilespmem:$0x1EA60] =	vst v16;
	v16 =	vpop (erf)  }
0x155: {  	s24 =	sand.u32 $0x1F800, s22;
	s0 =	sand.u32 $0x380, s22;
	[tilespmem:$0x1EA70] =	vst v16;
	v16 =	vpop (erf)  }
0x156: {  	s0 =	sor.u32 s0, s24;
	[tilespmem:$0x1EA80] =	vst v16  }
0x157: {  	[tilespmem:s0+$0x3490] =	vst v5;
	v16 =	vld [tilespmem:$0x1EA90]  }
0x158: {  	[tilespmem:s0+$0x3020] =	vst v5;
	v17 =	vld [tilespmem:$0x1EAA0]  }
0x159: {  	[tilespmem:s0+$0x3030] =	vst v5;
	v44 =	vld [tilespmem:$0x1EAB0]  }
0x15a: {  	[tilespmem:s0+$0x3040] =	vst v5;
	v45 =	vld [tilespmem:$0x1EAC0]  }
0x15b: {  	[tilespmem:s0+$0x3050] =	vst v5;
	v46 =	vld [tilespmem:$0x1EAD0]  }
0x15c: {  	[tilespmem:s0+$0x3060] =	vst v5;
	(erf) = vrcp.f32 v16;
	v16 =	vld [tilespmem:$0x1EAE0]  }
0x15d: {  	[tilespmem:s0+$0x3070] =	vst v5;
	(erf) = vrcp.f32 v17;
	v17 =	vld [tilespmem:$0x1EAF0]  }
0x15e: {  	[tilespmem:s0+$0x3080] =	vst v5;
	v47 =	vld [tilespmem:$0x1EB00];
	(erf) = vrcp.f32 v44  }
0x15f: {  	[tilespmem:s0+$0x3090] =	vst v5;
	v48 =	vld [tilespmem:$0x1EB10];
	(erf) = vrcp.f32 v45  }
0x160: {  	[tilespmem:s0+$0x3420] =	vst v5;
	v49 =	vld [tilespmem:$0x1EB20];
	(erf) = vrcp.f32 v46  }
0x161: {  	[tilespmem:s0+$0x3430] =	vst v5;
	(erf) = vrcp.f32 v16;
	v16 =	vld [tilespmem:$0x1EB30]  }
0x162: {  	[tilespmem:s0+$0x3440] =	vst v5;
	(erf) = vrcp.f32 v17;
	v17 =	vld [tilespmem:$0x1EB40]  }
0x163: {  	[tilespmem:s0+$0x3450] =	vst v5;
	v50 =	vld [tilespmem:$0x1EB50];
	(erf) = vrcp.f32 v47  }
0x164: {  	[tilespmem:s0+$0x3460] =	vst v5;
	v51 =	vld [tilespmem:$0x1EB60];
	(erf) = vrcp.f32 v48  }
0x165: {  	[tilespmem:s0+$0x3470] =	vst v5;
	v53 =	vld [tilespmem:$0x1EB70];
	v52 =	vpop (erf);
	(erf) = vrcp.f32 v49  }
0x166: {  	[tilespmem:$0x1EA90] =	vst v52;
	v54 =	vpop (erf);
	(erf) = vrcp.f32 v16;
	v16 =	vld [tilespmem:$0x1EB80]  }
0x167: {  	[tilespmem:$0x1EAA0] =	vst v54;
	v55 =	vpop (erf);
	(erf) = vrcp.f32 v17;
	v17 =	vld [tilespmem:$0x1EB90]  }
0x168: {  	v57 =	vld [tilespmem:$0x1EBA0];
	[tilespmem:$0x1EAB0] =	vst v55;
	v56 =	vpop (erf);
	(erf) = vrcp.f32 v50  }
0x169: {  	v59 =	vld [tilespmem:$0x1EBB0];
	[tilespmem:$0x1EAC0] =	vst v56;
	v58 =	vpop (erf);
	(erf) = vrcp.f32 v51  }
0x16a: {  	v61 =	vld [tilespmem:$0x1EBC0];
	[tilespmem:$0x1EAD0] =	vst v58;
	v60 =	vpop (erf);
	(erf) = vrcp.f32 v53  }
0x16b: {  	[tilespmem:$0x1EAE0] =	vst v60;
	v62 =	vpop (erf);
	(erf) = vrcp.f32 v16;
	v16 =	vld [tilespmem:$0x1EBD0]  }
0x16c: {  	[tilespmem:$0x1EAF0] =	vst v62;
	v63 =	vpop (erf);
	(erf) = vrcp.f32 v17;
	v17 =	vld [tilespmem:$0x1EBE0]  }
0x16d: {  	v25 =	vld [tilespmem:$0x1EBF0];
	[tilespmem:$0x1EB00] =	vst v63;
	v24 =	vpop (erf);
	(erf) = vrcp.f32 v57  }
0x16e: {  	v27 =	vld [tilespmem:$0x1EC00];
	[tilespmem:$0x1EB10] =	vst v24;
	v26 =	vpop (erf);
	(erf) = vrcp.f32 v59  }
0x16f: {  	v29 =	vld [tilespmem:$0x1EC10];
	[tilespmem:$0x1EB20] =	vst v26;
	v28 =	vpop (erf);
	(erf) = vrcp.f32 v61  }
0x170: {  	[tilespmem:$0x1EB30] =	vst v28;
	v30 =	vpop (erf);
	(erf) = vrcp.f32 v16;
	v16 =	vld [tilespmem:$0x1EC20]  }
0x171: {  	[tilespmem:$0x1EB40] =	vst v30;
	v31 =	vpop (erf);
	(erf) = vrcp.f32 v17;
	v17 =	vld [tilespmem:$0x1EC30]  }
0x172: {  	v33 =	vld [tilespmem:$0x1EC40];
	[tilespmem:$0x1EB50] =	vst v31;
	v32 =	vpop (erf);
	(erf) = vrcp.f32 v25  }
0x173: {  	v35 =	vld [tilespmem:$0x1EC50];
	[tilespmem:$0x1EB60] =	vst v32;
	v34 =	vpop (erf);
	(erf) = vrcp.f32 v27  }
0x174: {  	v37 =	vld [tilespmem:$0x1EC60];
	[tilespmem:$0x1EB70] =	vst v34;
	v36 =	vpop (erf);
	(erf) = vrcp.f32 v29  }
0x175: {  	[tilespmem:$0x1EB80] =	vst v36;
	v38 =	vpop (erf);
	(erf) = vrcp.f32 v16;
	v16 =	vld [tilespmem:$0x1EC70]  }
0x176: {  	[tilespmem:$0x1EB90] =	vst v38;
	v39 =	vpop (erf);
	(erf) = vrcp.f32 v17;
	v17 =	vld [tilespmem:$0x1EC80]  }
0x177: {  	v41 =	vld [tilespmem:$0x1EC90];
	[tilespmem:$0x1EBA0] =	vst v39;
	v40 =	vpop (erf);
	(erf) = vrcp.f32 v33  }
0x178: {  	v43 =	vld [tilespmem:$0x1ECA0];
	[tilespmem:$0x1EBB0] =	vst v40;
	v42 =	vpop (erf);
	(erf) = vrcp.f32 v35  }
0x179: {  	v45 =	vld [tilespmem:$0x1ECB0];
	[tilespmem:$0x1EBC0] =	vst v42;
	v44 =	vpop (erf);
	(erf) = vrcp.f32 v37  }
0x17a: {  	[tilespmem:$0x1EBD0] =	vst v44;
	v46 =	vpop (erf);
	(erf) = vrcp.f32 v16;
	v16 =	vld [tilespmem:$0x1ECC0]  }
0x17b: {  	[tilespmem:$0x1EBE0] =	vst v46;
	v47 =	vpop (erf);
	(erf) = vrcp.f32 v17;
	v17 =	vld [tilespmem:$0x1ECD0]  }
0x17c: {  	v49 =	vld [tilespmem:$0x1ECE0];
	[tilespmem:$0x1EBF0] =	vst v47;
	v48 =	vpop (erf);
	(erf) = vrcp.f32 v41  }
0x17d: {  	v51 =	vld [tilespmem:$0x1ECF0];
	[tilespmem:$0x1EC00] =	vst v48;
	v50 =	vpop (erf);
	(erf) = vrcp.f32 v43  }
0x17e: {  	v53 =	vld [tilespmem:$0x1ED00];
	[tilespmem:$0x1EC10] =	vst v50;
	v52 =	vpop (erf);
	(erf) = vrcp.f32 v45  }
0x17f: {  	[tilespmem:$0x1EC20] =	vst v52;
	v54 =	vpop (erf);
	(erf) = vrcp.f32 v16;
	v16 =	vld [tilespmem:$0x1ED10]  }
0x180: {  	[tilespmem:$0x1EC30] =	vst v54;
	v55 =	vpop (erf);
	(erf) = vrcp.f32 v17;
	v17 =	vld [tilespmem:$0x1ED20]  }
0x181: {  	v57 =	vld [tilespmem:$0x1ED30];
	[tilespmem:$0x1EC40] =	vst v55;
	v56 =	vpop (erf);
	(erf) = vrcp.f32 v49  }
0x182: {  	v59 =	vld [tilespmem:$0x1ED40];
	[tilespmem:$0x1EC50] =	vst v56;
	v58 =	vpop (erf);
	(erf) = vrcp.f32 v51  }
0x183: {  	v61 =	vld [tilespmem:$0x1ED50];
	[tilespmem:$0x1EC60] =	vst v58;
	v60 =	vpop (erf);
	(erf) = vrcp.f32 v53  }
0x184: {  	[tilespmem:$0x1EC70] =	vst v60;
	v62 =	vpop (erf);
	(erf) = vrcp.f32 v16;
	v16 =	vld [tilespmem:$0x1ED60]  }
0x185: {  	[tilespmem:$0x1EC80] =	vst v62;
	v63 =	vpop (erf);
	(erf) = vrcp.f32 v17;
	v17 =	vld [tilespmem:$0x1ED70]  }
0x186: {  	v25 =	vld [tilespmem:$0x1ED80];
	[tilespmem:$0x1EC90] =	vst v63;
	v24 =	vpop (erf);
	(erf) = vrcp.f32 v57  }
0x187: {  	v27 =	vld [tilespmem:$0x1ED90];
	[tilespmem:$0x1ECA0] =	vst v24;
	v26 =	vpop (erf);
	(erf) = vrcp.f32 v59  }
0x188: {  	v29 =	vld [tilespmem:$0x1EDA0];
	[tilespmem:$0x1ECB0] =	vst v26;
	v28 =	vpop (erf);
	(erf) = vrcp.f32 v61  }
0x189: {  	[tilespmem:$0x1ECC0] =	vst v28;
	v30 =	vpop (erf);
	(erf) = vrcp.f32 v16;
	v16 =	vld [tilespmem:$0x1EDB0]  }
0x18a: {  	[tilespmem:$0x1ECD0] =	vst v30;
	v31 =	vpop (erf);
	(erf) = vrcp.f32 v17;
	v17 =	vld [tilespmem:$0x1EDC0]  }
0x18b: {  	v33 =	vld [tilespmem:$0x1EDD0];
	[tilespmem:$0x1ECE0] =	vst v31;
	v32 =	vpop (erf);
	(erf) = vrcp.f32 v25  }
0x18c: {  	v35 =	vld [tilespmem:$0x1EDE0];
	[tilespmem:$0x1ECF0] =	vst v32;
	v34 =	vpop (erf);
	(erf) = vrcp.f32 v27  }
0x18d: {  	v37 =	vld [tilespmem:$0x1EDF0];
	[tilespmem:$0x1ED00] =	vst v34;
	v36 =	vpop (erf);
	(erf) = vrcp.f32 v29  }
0x18e: {  	[tilespmem:$0x1ED10] =	vst v36;
	v38 =	vpop (erf);
	(erf) = vrcp.f32 v16;
	v16 =	vld [tilespmem:$0x1EE00]  }
0x18f: {  	[tilespmem:$0x1ED20] =	vst v38;
	v39 =	vpop (erf);
	(erf) = vrcp.f32 v17;
	v17 =	vld [tilespmem:$0x1EE10]  }
0x190: {  	v41 =	vld [tilespmem:$0x1EE20];
	[tilespmem:$0x1ED30] =	vst v39;
	v40 =	vpop (erf);
	(erf) = vrcp.f32 v33  }
0x191: {  	v43 =	vld [tilespmem:$0x1EE30];
	[tilespmem:$0x1ED40] =	vst v40;
	v42 =	vpop (erf);
	(erf) = vrcp.f32 v35  }
0x192: {  	v45 =	vld [tilespmem:$0x1EE40];
	[tilespmem:$0x1ED50] =	vst v42;
	v44 =	vpop (erf);
	(erf) = vrcp.f32 v37  }
0x193: {  	[tilespmem:$0x1ED60] =	vst v44;
	v46 =	vpop (erf);
	(erf) = vrcp.f32 v16;
	v16 =	vld [tilespmem:$0x1EE50]  }
0x194: {  	[tilespmem:$0x1ED70] =	vst v46;
	v47 =	vpop (erf);
	(erf) = vrcp.f32 v17;
	v17 =	vld [tilespmem:$0x1EE60]  }
0x195: {  	v49 =	vld [tilespmem:$0x1EE70];
	[tilespmem:$0x1ED80] =	vst v47;
	v48 =	vpop (erf);
	(erf) = vrcp.f32 v41  }
0x196: {  	v51 =	vld [tilespmem:$0x1EE80];
	[tilespmem:$0x1ED90] =	vst v48;
	v50 =	vpop (erf);
	(erf) = vrcp.f32 v43  }
0x197: {  	v53 =	vld [tilespmem:$0x1EE90];
	[tilespmem:$0x1EDA0] =	vst v50;
	v52 =	vpop (erf);
	(erf) = vrcp.f32 v45  }
0x198: {  	[tilespmem:$0x1EDB0] =	vst v52;
	v54 =	vpop (erf);
	(erf) = vrcp.f32 v16;
	v16 =	vld [tilespmem:$0x1EEA0]  }
0x199: {  	[tilespmem:$0x1EDC0] =	vst v54;
	v55 =	vpop (erf);
	(erf) = vrcp.f32 v17;
	v17 =	vld [tilespmem:$0x1EEB0]  }
0x19a: {  	v57 =	vld [tilespmem:$0x1EEC0];
	[tilespmem:$0x1EDD0] =	vst v55;
	v56 =	vpop (erf);
	(erf) = vrcp.f32 v49  }
0x19b: {  	v59 =	vld [tilespmem:$0x1EED0];
	[tilespmem:$0x1EDE0] =	vst v56;
	v58 =	vpop (erf);
	(erf) = vrcp.f32 v51  }
0x19c: {  	v61 =	vld [tilespmem:$0x1EEE0];
	[tilespmem:$0x1EDF0] =	vst v58;
	v60 =	vpop (erf);
	(erf) = vrcp.f32 v53  }
0x19d: {  	[tilespmem:$0x1EE00] =	vst v60;
	v62 =	vpop (erf);
	(erf) = vrcp.f32 v16;
	v16 =	vld [tilespmem:$0x1EEF0]  }
0x19e: {  	[tilespmem:$0x1EE10] =	vst v62;
	v63 =	vpop (erf);
	(erf) = vrcp.f32 v17;
	v17 =	vld [tilespmem:$0x1EF00]  }
0x19f: {  	v25 =	vld [tilespmem:$0x1EF10];
	[tilespmem:$0x1EE20] =	vst v63;
	v24 =	vpop (erf);
	(erf) = vrcp.f32 v57  }
0x1a0: {  	v27 =	vld [tilespmem:$0x1EF20];
	[tilespmem:$0x1EE30] =	vst v24;
	v26 =	vpop (erf);
	(erf) = vrcp.f32 v59  }
0x1a1: {  	v29 =	vld [tilespmem:$0x1EF30];
	[tilespmem:$0x1EE40] =	vst v26;
	v28 =	vpop (erf);
	(erf) = vrcp.f32 v61  }
0x1a2: {  	[tilespmem:$0x1EE50] =	vst v28;
	v30 =	vpop (erf);
	(erf) = vrcp.f32 v16;
	v16 =	vld [tilespmem:$0x1EF40]  }
0x1a3: {  	[tilespmem:$0x1EE60] =	vst v30;
	v31 =	vpop (erf);
	(erf) = vrcp.f32 v17;
	v17 =	vld [tilespmem:$0x1EF50]  }
0x1a4: {  	v33 =	vld [tilespmem:$0x1EF60];
	[tilespmem:$0x1EE70] =	vst v31;
	v32 =	vpop (erf);
	(erf) = vrcp.f32 v25  }
0x1a5: {  	v35 =	vld [tilespmem:$0x1EF70];
	[tilespmem:$0x1EE80] =	vst v32;
	v34 =	vpop (erf);
	(erf) = vrcp.f32 v27  }
0x1a6: {  	v37 =	vld [tilespmem:$0x1EF80];
	[tilespmem:$0x1EE90] =	vst v34;
	v36 =	vpop (erf);
	(erf) = vrcp.f32 v29  }
0x1a7: {  	[tilespmem:$0x1EEA0] =	vst v36;
	v38 =	vpop (erf);
	(erf) = vrcp.f32 v16;
	v16 =	vld [tilespmem:$0x1EF90]  }
0x1a8: {  	[tilespmem:$0x1EEB0] =	vst v38;
	v39 =	vpop (erf);
	(erf) = vrcp.f32 v17;
	v17 =	vld [tilespmem:$0x1EFA0]  }
0x1a9: {  	v41 =	vld [tilespmem:$0x1EFB0];
	[tilespmem:$0x1EEC0] =	vst v39;
	v40 =	vpop (erf);
	(erf) = vrcp.f32 v33  }
0x1aa: {  	v43 =	vld [tilespmem:$0x1EFC0];
	[tilespmem:$0x1EED0] =	vst v40;
	v42 =	vpop (erf);
	(erf) = vrcp.f32 v35  }
0x1ab: {  	v45 =	vld [tilespmem:$0x1EFD0];
	[tilespmem:$0x1EEE0] =	vst v42;
	v44 =	vpop (erf);
	(erf) = vrcp.f32 v37  }
0x1ac: {  	[tilespmem:$0x1EEF0] =	vst v44;
	v46 =	vpop (erf);
	(erf) = vrcp.f32 v16;
	v16 =	vld [tilespmem:$0x1EFE0]  }
0x1ad: {  	[tilespmem:$0x1EF00] =	vst v46;
	v47 =	vpop (erf);
	(erf) = vrcp.f32 v17;
	v17 =	vld [tilespmem:$0x1EFF0]  }
0x1ae: {  	v49 =	vld [tilespmem:$0x1F000];
	[tilespmem:$0x1EF10] =	vst v47;
	v48 =	vpop (erf);
	(erf) = vrcp.f32 v41  }
0x1af: {  	v51 =	vld [tilespmem:$0x1F010];
	[tilespmem:$0x1EF20] =	vst v48;
	v50 =	vpop (erf);
	(erf) = vrcp.f32 v43  }
0x1b0: {  	v53 =	vld [tilespmem:$0x1F020];
	[tilespmem:$0x1EF30] =	vst v50;
	v52 =	vpop (erf);
	(erf) = vrcp.f32 v45  }
0x1b1: {  	[tilespmem:$0x1EF40] =	vst v52;
	v54 =	vpop (erf);
	(erf) = vrcp.f32 v16;
	v16 =	vld [tilespmem:$0x1F030]  }
0x1b2: {  	[tilespmem:$0x1EF50] =	vst v54;
	v55 =	vpop (erf);
	(erf) = vrcp.f32 v17;
	v17 =	vld [tilespmem:$0x1F040]  }
0x1b3: {  	v57 =	vld [tilespmem:$0x1F050];
	[tilespmem:$0x1EF60] =	vst v55;
	v56 =	vpop (erf);
	(erf) = vrcp.f32 v49  }
0x1b4: {  	v59 =	vld [tilespmem:$0x1F060];
	[tilespmem:$0x1EF70] =	vst v56;
	v58 =	vpop (erf);
	(erf) = vrcp.f32 v51  }
0x1b5: {  	v61 =	vld [tilespmem:$0x1F070];
	[tilespmem:$0x1EF80] =	vst v58;
	v60 =	vpop (erf);
	(erf) = vrcp.f32 v53  }
0x1b6: {  	[tilespmem:$0x1EF90] =	vst v60;
	v62 =	vpop (erf);
	(erf) = vrcp.f32 v16;
	v16 =	vld [tilespmem:$0x1F080]  }
0x1b7: {  	[tilespmem:$0x1EFA0] =	vst v62;
	v63 =	vpop (erf);
	(erf) = vrcp.f32 v17;
	v17 =	vld [tilespmem:$0x1F090]  }
0x1b8: {  	v25 =	vld [tilespmem:$0x1F0A0];
	[tilespmem:$0x1EFB0] =	vst v63;
	v24 =	vpop (erf);
	(erf) = vrcp.f32 v57  }
0x1b9: {  	v27 =	vld [tilespmem:$0x1F0B0];
	[tilespmem:$0x1EFC0] =	vst v24;
	v26 =	vpop (erf);
	(erf) = vrcp.f32 v59  }
0x1ba: {  	v29 =	vld [tilespmem:$0x1F0C0];
	[tilespmem:$0x1EFD0] =	vst v26;
	v28 =	vpop (erf);
	(erf) = vrcp.f32 v61  }
0x1bb: {  	[tilespmem:$0x1EFE0] =	vst v28;
	v30 =	vpop (erf);
	(erf) = vrcp.f32 v16;
	v16 =	vld [tilespmem:$0x1F0D0]  }
0x1bc: {  	[tilespmem:$0x1EFF0] =	vst v30;
	v31 =	vpop (erf);
	(erf) = vrcp.f32 v17;
	v17 =	vld [tilespmem:$0x1F0E0]  }
0x1bd: {  	v33 =	vld [tilespmem:$0x1F0F0];
	[tilespmem:$0x1F000] =	vst v31;
	v32 =	vpop (erf);
	(erf) = vrcp.f32 v25  }
0x1be: {  	v35 =	vld [tilespmem:$0x1F100];
	[tilespmem:$0x1F010] =	vst v32;
	v34 =	vpop (erf);
	(erf) = vrcp.f32 v27  }
0x1bf: {  	v37 =	vld [tilespmem:$0x1F110];
	[tilespmem:$0x1F020] =	vst v34;
	v36 =	vpop (erf);
	(erf) = vrcp.f32 v29  }
0x1c0: {  	[tilespmem:$0x1F030] =	vst v36;
	v38 =	vpop (erf);
	(erf) = vrcp.f32 v16;
	v16 =	vld [tilespmem:$0x1F120]  }
0x1c1: {  	[tilespmem:$0x1F040] =	vst v38;
	v39 =	vpop (erf);
	(erf) = vrcp.f32 v17;
	v17 =	vld [tilespmem:$0x1F130]  }
0x1c2: {  	v41 =	vld [tilespmem:$0x1F140];
	[tilespmem:$0x1F050] =	vst v39;
	v40 =	vpop (erf);
	(erf) = vrcp.f32 v33  }
0x1c3: {  	v43 =	vld [tilespmem:$0x1F150];
	[tilespmem:$0x1F060] =	vst v40;
	v42 =	vpop (erf);
	(erf) = vrcp.f32 v35  }
0x1c4: {  	v45 =	vld [tilespmem:$0x1F160];
	[tilespmem:$0x1F070] =	vst v42;
	v44 =	vpop (erf);
	(erf) = vrcp.f32 v37  }
0x1c5: {  	[tilespmem:$0x1F080] =	vst v44;
	v46 =	vpop (erf);
	(erf) = vrcp.f32 v16;
	v16 =	vld [tilespmem:$0x1F170]  }
0x1c6: {  	[tilespmem:$0x1F090] =	vst v46;
	v47 =	vpop (erf);
	(erf) = vrcp.f32 v17;
	v17 =	vld [tilespmem:$0x1F180]  }
0x1c7: {  	v49 =	vld [tilespmem:$0x1F190];
	[tilespmem:$0x1F0A0] =	vst v47;
	v48 =	vpop (erf);
	(erf) = vrcp.f32 v41  }
0x1c8: {  	v51 =	vld [tilespmem:$0x1F1A0];
	[tilespmem:$0x1F0B0] =	vst v48;
	v50 =	vpop (erf);
	(erf) = vrcp.f32 v43  }
0x1c9: {  	v53 =	vld [tilespmem:$0x1F1B0];
	[tilespmem:$0x1F0C0] =	vst v50;
	v52 =	vpop (erf);
	(erf) = vrcp.f32 v45  }
0x1ca: {  	[tilespmem:$0x1F0D0] =	vst v52;
	v54 =	vpop (erf);
	(erf) = vrcp.f32 v16;
	v16 =	vld [tilespmem:$0x1F1C0]  }
0x1cb: {  	[tilespmem:$0x1F0E0] =	vst v54;
	v55 =	vpop (erf);
	(erf) = vrcp.f32 v17;
	v17 =	vld [tilespmem:$0x1F1D0]  }
0x1cc: {  	v57 =	vld [tilespmem:$0x1F1E0];
	[tilespmem:$0x1F0F0] =	vst v55;
	v56 =	vpop (erf);
	(erf) = vrcp.f32 v49  }
0x1cd: {  	v59 =	vld [tilespmem:$0x1F1F0];
	[tilespmem:$0x1F100] =	vst v56;
	v58 =	vpop (erf);
	(erf) = vrcp.f32 v51  }
0x1ce: {  	v61 =	vld [tilespmem:$0x1F200];
	[tilespmem:$0x1F110] =	vst v58;
	v60 =	vpop (erf);
	(erf) = vrcp.f32 v53  }
0x1cf: {  	[tilespmem:$0x1F120] =	vst v60;
	v62 =	vpop (erf);
	(erf) = vrcp.f32 v16;
	v16 =	vld [tilespmem:$0x1F210]  }
0x1d0: {  	[tilespmem:$0x1F130] =	vst v62;
	v63 =	vpop (erf);
	(erf) = vrcp.f32 v17  }
0x1d1: {  	[tilespmem:$0x1F140] =	vst v63;
	v17 =	vpop (erf);
	(erf) = vrcp.f32 v57  }
0x1d2: {  	[tilespmem:$0x1F150] =	vst v17;
	v17 =	vpop (erf);
	(erf) = vrcp.f32 v59  }
0x1d3: {  	[tilespmem:$0x1F160] =	vst v17;
	v17 =	vpop (erf);
	(erf) = vrcp.f32 v61  }
0x1d4: {  	[tilespmem:$0x1F170] =	vst v17;
	v17 =	vpop (erf);
	(erf) = vrcp.f32 v16  }
0x1d5: {  	v16 =	vpop (erf);
	[tilespmem:$0x1F180] =	vst v17  }
0x1d6: {  	v17 =	vpop (erf);
	[tilespmem:$0x1F190] =	vst v16  }
0x1d7: {  	v16 =	vpop (erf);
	[tilespmem:$0x1F1A0] =	vst v17  }
0x1d8: {  	v17 =	vpop (erf);
	[tilespmem:$0x1F1B0] =	vst v16  }
0x1d9: {  	v16 =	vpop (erf);
	[tilespmem:$0x1F1C0] =	vst v17  }
0x1da: {  	v17 =	vpop (erf);
	[tilespmem:$0x1F1D0] =	vst v16  }
0x1db: {  	v16 =	vpop (erf);
	[tilespmem:$0x1F1E0] =	vst v17  }
0x1dc: {  	v17 =	vpop (erf);
	[tilespmem:$0x1F1F0] =	vst v16  }
0x1dd: {  	s30 =	simm.s32 $0x100;
	s1 =	simm.s32 $0x80;
	[tilespmem:$0x1F200] =	vst v17;
	v16 =	vpop (erf)  }
0x1de: {  	s2 =	simm.s32 $0x200;
	s4 =	sand.u32 $0x380, s1;
	s3 =	sand.u32 $0x1F800, s30;
	[tilespmem:$0x1F210] =	vst v16  }
.LBB2_14:
0x1df: {  	p2 =	sne.s32 s2, $0x14700;
	[tilespmem:s0+$0x3480] =	vst v5;
	s0 =	sor.u32 s4, s3  }
0x1e0: {  	[tilespmem:s0+$0x3490] =	vst v5  }
0x1e1: {  	[tilespmem:s0+$0x3020] =	vst v5  }
0x1e2: {  	[tilespmem:s0+$0x3030] =	vst v5  }
0x1e3: {  	[tilespmem:s0+$0x3040] =	vst v5  }
0x1e4: {  	[tilespmem:s0+$0x3050] =	vst v5  }
0x1e5: {  	[tilespmem:s0+$0x3060] =	vst v5  }
0x1e6: {  	[tilespmem:s0+$0x3070] =	vst v5  }
0x1e7: {  	[tilespmem:s0+$0x3080] =	vst v5  }
0x1e8: {  	[tilespmem:s0+$0x3090] =	vst v5  }
0x1e9: {  	[tilespmem:s0+$0x3420] =	vst v5  }
.Ltmp8:
0x1ea: {  	[tilespmem:s0+$0x3430] =	vst v5;
	(pc) =	sbr.rel @p2 .LBB2_14-.Ltmp8, $4  }
0x1eb: {  	[tilespmem:s0+$0x3440] =	vst v5  }
0x1ec: {  	[tilespmem:s0+$0x3450] =	vst v5  }
0x1ed: {  	s1 =	sadd.s32 $0x80, s1;
	[tilespmem:s0+$0x3460] =	vst v5  }
0x1ee: {  	s3 =	sand.u32 $0x1F800, s2;
	s2 =	sadd.s32 $0x100, s2;
	s4 =	sand.u32 $0x380, s1;
	[tilespmem:s0+$0x3470] =	vst v5  }
0x1ef: {  	s1 =	sor.u32 s4, s3;
	[tilespmem:s0+$0x3480] =	vst v5  }
0x1f0: {  	[tilespmem:s1+$0x3490] =	vst v5  }
0x1f1: {  	[tilespmem:s1+$0x3020] =	vst v5  }
0x1f2: {  	[tilespmem:s1+$0x3030] =	vst v5  }
0x1f3: {  	[tilespmem:s1+$0x3040] =	vst v5  }
0x1f4: {  	[tilespmem:s1+$0x3050] =	vst v5  }
0x1f5: {  	[tilespmem:s1+$0x3060] =	vst v5  }
0x1f6: {  	[tilespmem:s1+$0x3070] =	vst v5  }
0x1f7: {  	[tilespmem:s1+$0x3080] =	vst v5  }
0x1f8: {  	[tilespmem:s1+$0x3090] =	vst v5  }
0x1f9: {  	[tilespmem:s1+$0x3420] =	vst v5  }
0x1fa: {  	[tilespmem:s1+$0x3430] =	vst v5  }
0x1fb: {  	[tilespmem:s1+$0x3440] =	vst v5  }
0x1fc: {  	[tilespmem:s1+$0x3450] =	vst v5  }
0x1fd: {  	[tilespmem:s1+$0x3460] =	vst v5  }
0x1fe: {  	[tilespmem:s1+$0x3470] =	vst v5  }
0x1ff: {  	s0 =	simm.s32 $0x40;
	[tilespmem:s1+$0x3480] =	vst v5;
	s1 =	simm.s32 $0x0  }
.LBB2_16:
0x200: {  	p2 =	sne.s32 s0, $0x13C0;
	[tilespmem:s1+$0x1D620] =	vst v12;
	s2 =	smov.u32 s0;
	s0 =	sadd.s32 $0x40, s0  }
.Ltmp9:
0x201: {  	[tilespmem:s1+$0x1DB20] =	vst v12;
	(pc) =	sbr.rel @p2 .LBB2_16-.Ltmp9, $2  }
0x202: {  	_ =	sdelay $0x2  }
0x203: {  	s1 =	sshra.s32 s2, $0x2  }
0x204: {  	[tilespmem:s1+$0x1D620] =	vst v12;
	s0 =	rddreg [dreg:$0x0]  }
0x205: {  	[tilespmem:s1+$0x1DB20] =	vst v12;
	s2 =	simm.s32 $0x0;
	s3 =	simm.s32 $0x1B820;
	s4 =	rddreg [dreg:$0x12]  }
0x206: {  	[tilespmem:s3], [sflag:$0x1] =	stream.linear.gather [hbm4b:s0+s2], $0x80, $0x38;
	[tilespmem:$0x1F2A0] =	vst v63  }
0x207: {  	s5 =	simm.s32 $0x1B920;
	s6 =	rddreg [dreg:$0x13]  }
0x208: {  	[tilespmem:s5], [sflag:$0x1] =	stream.linear.gather [hbm4b:s4+s2], $0x80, $0x38;
	[tilespmem:$0x1F2A0] =	vst v63  }
0x209: {  	s7 =	simm.s32 $0x1BA20;
	s9 =	rddreg [dreg:$0x14]  }
0x20a: {  	[tilespmem:s7], [sflag:$0x1] =	stream.linear.gather [hbm4b:s6+s2], $0x80, $0x38;
	[tilespmem:$0x1F2A0] =	vst v63  }
0x20b: {  	s10 =	simm.s32 $0x1BB20;
	s11 =	rddreg [dreg:$0x15]  }
0x20c: {  	[tilespmem:s10], [sflag:$0x1] =	stream.linear.gather [hbm4b:s9+s2], $0x80, $0x38;
	[tilespmem:$0x1F2A0] =	vst v63  }
0x20d: {  	s22 =	simm.s32 $0x1BC20;
	s24 =	rddreg [dreg:$0x16]  }
0x20e: {  	[tilespmem:s22], [sflag:$0x1] =	stream.linear.gather [hbm4b:s11+s2], $0x80, $0x38;
	[tilespmem:$0x1F2A0] =	vst v63  }
0x20f: {  	s30 =	simm.s32 $0x1BD20;
	s1 =	rddreg [dreg:$0x17]  }
0x210: {  	[tilespmem:s30], [sflag:$0x1] =	stream.linear.gather [hbm4b:s24+s2], $0x80, $0x38;
	[tilespmem:$0x1F2A0] =	vst v63  }
0x211: {  	s3 =	simm.s32 $0x1BE20;
	s4 =	rddreg [dreg:$0x18]  }
0x212: {  	[tilespmem:s3], [sflag:$0x1] =	stream.linear.gather [hbm4b:s1+s2], $0x80, $0x38;
	[tilespmem:$0x1F2A0] =	vst v63  }
0x213: {  	s5 =	simm.s32 $0x1BF20;
	s6 =	rddreg [dreg:$0x19]  }
0x214: {  	[tilespmem:s5], [sflag:$0x1] =	stream.linear.gather [hbm4b:s4+s2], $0x80, $0x38;
	[tilespmem:$0x1F2A0] =	vst v63  }
0x215: {  	s7 =	simm.s32 $0x1C020;
	s9 =	rddreg [dreg:$0x1a]  }
0x216: {  	[tilespmem:s7], [sflag:$0x1] =	stream.linear.gather [hbm4b:s6+s2], $0x80, $0x38;
	[tilespmem:$0x1F2A0] =	vst v63  }
0x217: {  	s10 =	simm.s32 $0x1C120;
	s11 =	rddreg [dreg:$0xa]  }
0x218: {  	[tilespmem:s10], [sflag:$0x1] =	stream.linear.gather [hbm4b:s9+s2], $0x80, $0x38;
	[tilespmem:$0x1F2A0] =	vst v63  }
0x219: {  	s22 =	simm.s32 $0x1C220;
	s24 =	rddreg [dreg:$0x1b]  }
0x21a: {  	[tilespmem:s22], [sflag:$0x1] =	stream.linear.gather [hbm4b:s11+s2], $0x80, $0x38;
	[tilespmem:$0x1F2A0] =	vst v63  }
0x21b: {  	s30 =	simm.s32 $0x1C320;
	s1 =	rddreg [dreg:$0x1c]  }
0x21c: {  	[tilespmem:s30], [sflag:$0x1] =	stream.linear.gather [hbm4b:s24+s2], $0x80, $0x38;
	[tilespmem:$0x1F2A0] =	vst v63  }
0x21d: {  	s3 =	simm.s32 $0x1C420;
	s4 =	rddreg [dreg:$0x1d]  }
0x21e: {  	[tilespmem:s3], [sflag:$0x1] =	stream.linear.gather [hbm4b:s1+s2], $0x80, $0x38;
	[tilespmem:$0x1F2A0] =	vst v63  }
0x21f: {  	s5 =	simm.s32 $0x1C520;
	s6 =	rddreg [dreg:$0x1e]  }
0x220: {  	[tilespmem:s5], [sflag:$0x1] =	stream.linear.gather [hbm4b:s4+s2], $0x80, $0x38;
	[tilespmem:$0x1F2A0] =	vst v63  }
0x221: {  	s7 =	simm.s32 $0x1C620;
	s9 =	rddreg [dreg:$0x1f]  }
0x222: {  	[tilespmem:s7], [sflag:$0x1] =	stream.linear.gather [hbm4b:s6+s2], $0x80, $0x38;
	[tilespmem:$0x1F2A0] =	vst v63  }
0x223: {  	s10 =	simm.s32 $0x1C720;
	s11 =	sld [smem:$0x7F1]  }
0x224: {  	[tilespmem:s10], [sflag:$0x1] =	stream.linear.gather [hbm4b:s9+s2], $0x80, $0x38;
	[tilespmem:$0x1F2A0] =	vst v63  }
0x225: {  	s22 =	simm.s32 $0x1C820;
	s24 =	sld [smem:$0x7F2]  }
0x226: {  	[tilespmem:s22], [sflag:$0x1] =	stream.linear.gather [hbm4b:s11+s2], $0x80, $0x38;
	[tilespmem:$0x1F2A0] =	vst v63  }
0x227: {  	s30 =	simm.s32 $0x1C920;
	s1 =	sld [smem:$0x7F3]  }
0x228: {  	[tilespmem:s30], [sflag:$0x1] =	stream.linear.gather [hbm4b:s24+s2], $0x80, $0x38;
	[tilespmem:$0x1F2A0] =	vst v63  }
0x229: {  	s3 =	simm.s32 $0x1CA20;
	s4 =	sld [smem:$0x7F4]  }
0x22a: {  	[tilespmem:s3], [sflag:$0x1] =	stream.linear.gather [hbm4b:s1+s2], $0x80, $0x38;
	[tilespmem:$0x1F2A0] =	vst v63  }
0x22b: {  	s5 =	simm.s32 $0x1CB20;
	s6 =	rddreg [dreg:$0x6]  }
0x22c: {  	[tilespmem:s5], [sflag:$0x1] =	stream.linear.gather [hbm4b:s4+s2], $0x80, $0x38;
	[tilespmem:$0x1F2A0] =	vst v63  }
0x22d: {  	s7 =	simm.s32 $0x1CC20;
	s9 =	sld [smem:$0x7F5]  }
0x22e: {  	[tilespmem:s7], [sflag:$0x2] =	stream.linear.gather [spmem:s6], $0x80, $0x38;
	[tilespmem:$0x1F2A0] =	vst v63  }
0x22f: {  	s10 =	simm.s32 $0x1CD20;
	s11 =	sld [smem:$0x7F6]  }
0x230: {  	[tilespmem:s10], [sflag:$0x2] =	stream.linear.gather [spmem:s9], $0x80, $0x38;
	[tilespmem:$0x1F2A0] =	vst v63  }
0x231: {  	s22 =	simm.s32 $0x1CE20;
	s24 =	sld [smem:$0x7F7]  }
0x232: {  	[tilespmem:s22], [sflag:$0x2] =	stream.linear.gather [spmem:s11], $0x80, $0x38;
	[tilespmem:$0x1F2A0] =	vst v63  }
0x233: {  	s30 =	simm.s32 $0x1CF20;
	s1 =	sld [smem:$0x7F8]  }
0x234: {  	[tilespmem:s30], [sflag:$0x2] =	stream.linear.gather [spmem:s24], $0x80, $0x38;
	[tilespmem:$0x1F2A0] =	vst v63  }
0x235: {  	s3 =	simm.s32 $0x1D020;
	s4 =	sld [smem:$0x7F9]  }
0x236: {  	[tilespmem:s3], [sflag:$0x2] =	stream.linear.gather [spmem:s1], $0x80, $0x38;
	[tilespmem:$0x1F2A0] =	vst v63  }
0x237: {  	s5 =	simm.s32 $0x1D120;
	s6 =	sld [smem:$0x7FA]  }
0x238: {  	[tilespmem:s5], [sflag:$0x2] =	stream.linear.gather [spmem:s4], $0x80, $0x38;
	[tilespmem:$0x1F2A0] =	vst v63  }
0x239: {  	s7 =	simm.s32 $0x1D220;
	s9 =	sld [smem:$0x7FB]  }
0x23a: {  	[tilespmem:s7], [sflag:$0x2] =	stream.linear.gather [spmem:s6], $0x80, $0x38;
	[tilespmem:$0x1F2A0] =	vst v63  }
0x23b: {  	s10 =	simm.s32 $0x1D320;
	s11 =	sld [smem:$0x7FC]  }
0x23c: {  	[tilespmem:s10], [sflag:$0x2] =	stream.linear.gather [spmem:s9], $0x80, $0x38;
	[tilespmem:$0x1F2A0] =	vst v63  }
.Ltmp10:
0x23d: {  	_ = 	snop;
	(pc) =	sbr.rel .LBB2_18-.Ltmp10, $4  }
0x23e: {  	s22 =	simm.s32 $0x1D420;
	s24 =	sld [smem:$0x7FD]  }
0x23f: {  	[tilespmem:s22], [sflag:$0x2] =	stream.linear.gather [spmem:s11], $0x80, $0x38;
	[tilespmem:$0x1F2A0] =	vst v63  }
0x240: {  	s30 =	simm.s32 $0x1D520  }
0x241: {  	[tilespmem:s30], [sflag:$0x2] =	stream.linear.gather [spmem:s24], $0x80, $0x38;
	[tilespmem:$0x1F2A0] =	vst v63  }
.LBB2_38:
0x242: {  	s2 =	sadd.s32 $0x1, s2  }
0x243: {  	p2 =	sne.s32 s2, $0x7D  }
.Ltmp11:
0x244: {  	_ = 	snop;
	(pc) =	sbr.rel @!p2 .LBB2_39-.Ltmp11, $1  }
0x245: {  	_ =	sdelay $0x3  }
.LBB2_18:
0x246: {  	p2 =	seq.s32 s2, $0x7C  }
.Ltmp12:
0x247: {  	_ = 	snop;
	(pc) =	sbr.rel @p2 .LBB2_20-.Ltmp12, $2  }
0x248: {  	_ =	sdelay $0x2  }
0x249: {  	s1 =	simm.s32 $0x0  }
0x24a: {  	s0 =	smul.u32 $0x500, s2  }
0x24b: {  	s1 =	sshll.u32 s2, $0x7  }
0x24c: {  	s1 =	sand.u32 $0x80, s1;
	s3 =	sadd.s32 $0x500, s0  }
0x24d: {  	s6 =	rddreg [dreg:$0x0];
	s0 =	sxor.u32 $0x80, s1;
	s4 =	sshrl.u32 s3, $0x3  }
0x24e: {  	s9 =	simm.s32 $0x0;
	s5 =	sor.u32 $0x1B820, s0;
	s6 =	sadd.s32 s6, s4  }
0x24f: {  	[tilespmem:s5], [sflag:$0x1] =	stream.linear.gather [hbm4b:s6+s9], $0x80, $0x38;
	[tilespmem:$0x1F2A0] =	vst v63  }
0x250: {  	s7 =	sor.u32 $0x1B920, s0;
	s30 =	sadd.s32 $0x10, s6  }
0x251: {  	[tilespmem:s7], [sflag:$0x1] =	stream.linear.gather [hbm4b:s30+s9], $0x80, $0x38;
	[tilespmem:$0x1F2A0] =	vst v63  }
0x252: {  	s10 =	sor.u32 $0x1BA20, s0;
	s7 =	sadd.s32 $0x20, s6  }
0x253: {  	[tilespmem:s10], [sflag:$0x1] =	stream.linear.gather [hbm4b:s7+s9], $0x80, $0x38;
	[tilespmem:$0x1F2A0] =	vst v63  }
0x254: {  	s22 =	sor.u32 $0x1BB20, s0;
	s11 =	sadd.s32 $0x30, s6  }
0x255: {  	[tilespmem:s22], [sflag:$0x1] =	stream.linear.gather [hbm4b:s11+s9], $0x80, $0x38;
	[tilespmem:$0x1F2A0] =	vst v63  }
0x256: {  	s24 =	sadd.s32 $0x40, s6;
	s30 =	sor.u32 $0x1BC20, s0  }
0x257: {  	[tilespmem:s30], [sflag:$0x1] =	stream.linear.gather [hbm4b:s24+s9], $0x80, $0x38;
	[tilespmem:$0x1F2A0] =	vst v63  }
0x258: {  	s7 =	sadd.s32 $0x50, s6;
	s10 =	sor.u32 $0x1BD20, s0  }
0x259: {  	[tilespmem:s10], [sflag:$0x1] =	stream.linear.gather [hbm4b:s7+s9], $0x80, $0x38;
	[tilespmem:$0x1F2A0] =	vst v63  }
0x25a: {  	s11 =	sadd.s32 $0x60, s6;
	s22 =	sor.u32 $0x1BE20, s0  }
0x25b: {  	[tilespmem:s22], [sflag:$0x1] =	stream.linear.gather [hbm4b:s11+s9], $0x80, $0x38;
	[tilespmem:$0x1F2A0] =	vst v63  }
0x25c: {  	s24 =	sadd.s32 $0x70, s6;
	s30 =	sor.u32 $0x1BF20, s0  }
0x25d: {  	[tilespmem:s30], [sflag:$0x1] =	stream.linear.gather [hbm4b:s24+s9], $0x80, $0x38;
	[tilespmem:$0x1F2A0] =	vst v63  }
0x25e: {  	s7 =	sadd.s32 $0x80, s6;
	s10 =	sor.u32 $0x1C020, s0  }
0x25f: {  	[tilespmem:s10], [sflag:$0x1] =	stream.linear.gather [hbm4b:s7+s9], $0x80, $0x38;
	[tilespmem:$0x1F2A0] =	vst v63  }
0x260: {  	s11 =	sadd.s32 $0x90, s6;
	s22 =	sor.u32 $0x1C120, s0;
	s30 =	rddreg [dreg:$0xa]  }
0x261: {  	[tilespmem:s22], [sflag:$0x1] =	stream.linear.gather [hbm4b:s11+s9], $0x80, $0x38;
	[tilespmem:$0x1F2A0] =	vst v63  }
0x262: {  	s24 =	sor.u32 $0x1C220, s0;
	s4 =	sadd.s32 s30, s4  }
0x263: {  	[tilespmem:s24], [sflag:$0x1] =	stream.linear.gather [hbm4b:s4+s9], $0x80, $0x38;
	[tilespmem:$0x1F2A0] =	vst v63  }
0x264: {  	s7 =	sadd.s32 $0x10, s4;
	s10 =	sor.u32 $0x1C320, s0  }
0x265: {  	[tilespmem:s10], [sflag:$0x1] =	stream.linear.gather [hbm4b:s7+s9], $0x80, $0x38;
	[tilespmem:$0x1F2A0] =	vst v63  }
0x266: {  	s11 =	sadd.s32 $0x20, s4;
	s22 =	sor.u32 $0x1C420, s0  }
0x267: {  	[tilespmem:s22], [sflag:$0x1] =	stream.linear.gather [hbm4b:s11+s9], $0x80, $0x38;
	[tilespmem:$0x1F2A0] =	vst v63  }
0x268: {  	s30 =	sor.u32 $0x1C520, s0;
	s24 =	sadd.s32 $0x30, s4  }
0x269: {  	[tilespmem:s30], [sflag:$0x1] =	stream.linear.gather [hbm4b:s24+s9], $0x80, $0x38;
	[tilespmem:$0x1F2A0] =	vst v63  }
0x26a: {  	s7 =	sadd.s32 $0x40, s4;
	s10 =	sor.u32 $0x1C620, s0  }
0x26b: {  	[tilespmem:s10], [sflag:$0x1] =	stream.linear.gather [hbm4b:s7+s9], $0x80, $0x38;
	[tilespmem:$0x1F2A0] =	vst v63  }
0x26c: {  	s11 =	sadd.s32 $0x50, s4;
	s22 =	sor.u32 $0x1C720, s0  }
0x26d: {  	[tilespmem:s22], [sflag:$0x1] =	stream.linear.gather [hbm4b:s11+s9], $0x80, $0x38;
	[tilespmem:$0x1F2A0] =	vst v63  }
0x26e: {  	s24 =	sadd.s32 $0x60, s4;
	s30 =	sor.u32 $0x1C820, s0  }
0x26f: {  	[tilespmem:s30], [sflag:$0x1] =	stream.linear.gather [hbm4b:s24+s9], $0x80, $0x38;
	[tilespmem:$0x1F2A0] =	vst v63  }
0x270: {  	s6 =	sadd.s32 $0x70, s4;
	s7 =	sor.u32 $0x1C920, s0  }
0x271: {  	[tilespmem:s7], [sflag:$0x1] =	stream.linear.gather [hbm4b:s6+s9], $0x80, $0x38;
	[tilespmem:$0x1F2A0] =	vst v63  }
0x272: {  	s10 =	sadd.s32 $0x80, s4;
	s11 =	sor.u32 $0x1CA20, s0  }
0x273: {  	[tilespmem:s11], [sflag:$0x1] =	stream.linear.gather [hbm4b:s10+s9], $0x80, $0x38;
	[tilespmem:$0x1F2A0] =	vst v63  }
0x274: {  	s4 =	sadd.s32 $0x90, s4;
	s22 =	sor.u32 $0x1CB20, s0;
	s30 =	rddreg [dreg:$0x6]  }
0x275: {  	[tilespmem:s22], [sflag:$0x1] =	stream.linear.gather [hbm4b:s4+s9], $0x80, $0x38;
	[tilespmem:$0x1F2A0] =	vst v63  }
0x276: {  	s24 =	sor.u32 $0x1CC20, s0;
	s3 =	sadd.s32 s3, s30  }
0x277: {  	[tilespmem:s24], [sflag:$0x2] =	stream.linear.gather [spmem:s3], $0x80, $0x38;
	[tilespmem:$0x1F2A0] =	vst v63  }
0x278: {  	s6 =	sadd.s32 $0x80, s3;
	s7 =	sor.u32 $0x1CD20, s0  }
0x279: {  	[tilespmem:s7], [sflag:$0x2] =	stream.linear.gather [spmem:s6], $0x80, $0x38;
	[tilespmem:$0x1F2A0] =	vst v63  }
0x27a: {  	s10 =	sor.u32 $0x1CE20, s0;
	s9 =	sadd.s32 $0x100, s3  }
0x27b: {  	[tilespmem:s10], [sflag:$0x2] =	stream.linear.gather [spmem:s9], $0x80, $0x38;
	[tilespmem:$0x1F2A0] =	vst v63  }
0x27c: {  	s11 =	sadd.s32 $0x180, s3;
	s22 =	sor.u32 $0x1CF20, s0  }
0x27d: {  	[tilespmem:s22], [sflag:$0x2] =	stream.linear.gather [spmem:s11], $0x80, $0x38;
	[tilespmem:$0x1F2A0] =	vst v63  }
0x27e: {  	s30 =	sor.u32 $0x1D020, s0;
	s24 =	sadd.s32 $0x200, s3  }
0x27f: {  	[tilespmem:s30], [sflag:$0x2] =	stream.linear.gather [spmem:s24], $0x80, $0x38;
	[tilespmem:$0x1F2A0] =	vst v63  }
0x280: {  	s6 =	sadd.s32 $0x280, s3;
	s7 =	sor.u32 $0x1D120, s0  }
0x281: {  	[tilespmem:s7], [sflag:$0x2] =	stream.linear.gather [spmem:s6], $0x80, $0x38;
	[tilespmem:$0x1F2A0] =	vst v63  }
0x282: {  	s9 =	sadd.s32 $0x300, s3;
	s10 =	sor.u32 $0x1D220, s0  }
0x283: {  	[tilespmem:s10], [sflag:$0x2] =	stream.linear.gather [spmem:s9], $0x80, $0x38;
	[tilespmem:$0x1F2A0] =	vst v63  }
0x284: {  	s11 =	sadd.s32 $0x380, s3;
	s22 =	sor.u32 $0x1D320, s0  }
0x285: {  	[tilespmem:s22], [sflag:$0x2] =	stream.linear.gather [spmem:s11], $0x80, $0x38;
	[tilespmem:$0x1F2A0] =	vst v63  }
0x286: {  	s24 =	sadd.s32 $0x400, s3;
	s30 =	sor.u32 $0x1D420, s0  }
0x287: {  	[tilespmem:s30], [sflag:$0x2] =	stream.linear.gather [spmem:s24], $0x80, $0x38;
	[tilespmem:$0x1F2A0] =	vst v63  }
0x288: {  	s3 =	sadd.s32 $0x480, s3;
	s0 =	sor.u32 $0x1D520, s0  }
0x289: {  	[tilespmem:s0], [sflag:$0x2] =	stream.linear.gather [spmem:s3], $0x80, $0x38;
	[tilespmem:$0x1F2A0] =	vst v63  }
.LBB2_20:
0x28a: {  	s0 =	simm.s32 $0x1  }
0x28b: {  	_ =	swait.ge [sflag:s0], $0x500  }
0x28c: {  	[sflag:s0] =	ssyncset.done $0x0  }
0x28d: {  	[sflag:s0] =	ssyncadd.s32 $0xFFFFFB00  }
0x28e: {  	_ =	swait.ge [sflag:s0], $0x500  }
0x28f: {  	[sflag:s0] =	ssyncset.done $0x0  }
0x290: {  	s3 =	simm.s32 $0x2;
	[sflag:s0] =	ssyncadd.s32 $0xFFFFFB00  }
0x291: {  	s0 =	simm.s32 $0x0;
	_ =	swait.ge [sflag:s3], $0x500  }
0x292: {  	s5 =	simm.s32 $0x20;
	s6 =	sand.u32 $0xF00, s0;
	[sflag:s3] =	ssyncset.done $0x0  }
0x293: {  	s4 =	sand.u32 $0x70, s0;
	[sflag:s3] =	ssyncadd.s32 $0xFFFFFB00;
	s3 =	sor.u32 s1, s6  }
0x294: {  	s7 =	sand.u32 $0xF00, s5;
	s6 =	simm.s32 $0x10;
	s3 =	sor.u32 s4, s3  }
0x295: {  	s9 =	sand.u32 $0x70, s6;
	s4 =	sor.u32 s1, s7;
	v20 =	vld [tilespmem:s3+$0x1B820]  }
0x296: {  	s4 =	sor.u32 s9, s4  }
0x297: {  	v21 =	vld [tilespmem:s4+$0x1B820];
	_ =	sdelay $0x2  }
0x298: {  	vm1 =	vge.s32 v20, v2;
	vm2 =	vlt.s32 v20, v3  }
0x299: {  	vm1 =	vmand vm1, vm2  }
0x29a: {  	vm2 =	vge.s32 v21, v2;
	vm3 =	vlt.s32 v21, v3;
	v23 =	vmpcnt.ones.xlane vm1  }
0x29b: {  	s10 =	simm.s32 $0x40;
	vm2 =	vmand vm2, vm3  }
0x29c: {  	s11 =	simm.s32 $0x20;
	s5 =	sand.u32 $0xF00, s10;
	v28 =	vsub.s32 v20, v2;
	v20 =	vmpcnt.ones.xlane vm2;
	(v2sf) =	vpush v23, $0x0  }
0x29d: {  	s5 =	sor.u32 s1, s5;
	s6 =	sand.u32 $0x70, s11;
	v16 =	vld [tilespmem:s3+$0x1C220]  }
0x29e: {  	v18 =	vld [tilespmem:s3+$0x1CC20];
	s22 =	sor.u32 s6, s5;
	(v2sf) =	vpush v20, $0x0  }
0x29f: {  	s24 =	simm.s32 $0x60;
	v22 =	vld [tilespmem:s22+$0x1B820]  }
0x2a0: {  	s30 =	simm.s32 $0x30;
	s5 =	sand.u32 $0xF00, s24;
	v17 =	vld [tilespmem:s4+$0x1C220]  }
0x2a1: {  	v19 =	vld [tilespmem:s4+$0x1CC20];
	s4 =	sand.u32 $0x70, s30;
	s5 =	sor.u32 s1, s5  }
0x2a2: {  	v24 =	vld [tilespmem:s22+$0x1C220];
	s4 =	sor.u32 s4, s5  }
0x2a3: {  	v25 =	vsub.s32 v21, v2;
	v21 =	vld [tilespmem:s4+$0x1B820]  }
0x2a4: {  	vm4 =	vlt.s32 v22, v3;
	vm1 =	vmmov vm1;
	vm3 =	vge.s32 v22, v2;
	v23 =	vld [tilespmem:s22+$0x1CC20]  }
0x2a5: {  	v26 =	vsub.s32 v22, v2;
	v22 =	vld [tilespmem:s4+$0x1CC20];
	vm1 =	vmmov vm1;
	vm3 =	vmand vm3, vm4  }
0x2a6: {  	s3 =	simm.s32 $0x40;
	vm2 =	vmmov vm2;
	v27 =	vmpcnt.ones.xlane vm3;
	[tilespmem:s0+$0x1D620] =	vst.msk vm1, v28;
	v20 =	vld [tilespmem:s4+$0x1C220];
	s4 =	simm.s32 $0x80  }
.LBB2_21:
0x2a7: {  	s5 =	sand.u32 $0xF00, s4  }
0x2a8: {  	p2 =	sne.s32 s3, $0x4F0;
	(v2sf) =	vpush v27, $0x0;
	[tilespmem:s0+$0x1DB20] =	vst.msk vm1, v16;
	v16 =	vmov v17;
	v17 =	vmov v24;
	s6 =	smov.u32 s3;
	s3 =	sadd.s32 $0x10, s3  }
.Ltmp13:
0x2a9: {  	s6 =	sand.u32 $0x70, s6;
	s5 =	sor.u32 s1, s5;
	[tilespmem:s0+$0x1E020] =	vst.msk vm1, v18;
	v18 =	vmovc v19;
	v19 =	vmov v23;
	vm1 =	vmmov vm2;
	vm2 =	vmmov vm3;
	(pc) =	sbr.rel @p2 .LBB2_21-.Ltmp13, $4  }
0x2aa: {  	s5 =	sor.u32 s6, s5;
	vm3 =	vge.s32 v21, v2;
	vm4 =	vlt.s32 v21, v3;
	v28 =	vsub.s32 v21, v2  }
0x2ab: {  	v21 =	vld [tilespmem:s5+$0x1B820];
	vm3 =	vmand vm3, vm4;
	s6 =	spop (v2sf);
	v24 =	vmov v20  }
0x2ac: {  	v20 =	vld [tilespmem:s5+$0x1C220];
	v27 =	vmpcnt.ones.xlane vm3;
	s0 =	sadd.s32 s0, s6;
	v23 =	vmov v22  }
0x2ad: {  	s4 =	sadd.s32 $0x20, s4;
	v22 =	vld [tilespmem:s5+$0x1CC20];
	[tilespmem:s0+$0x1D620] =	vst.msk vm1, v25;
	v25 =	vmov v26;
	v26 =	vmov v28  }
0x2ae: {  	_ =	sdelay $0x1  }
0x2af: {  	vm4 =	vge.s32 v21, v2;
	vm5 =	vlt.s32 v21, v3  }
0x2b0: {  	vm4 =	vmand vm4, vm5  }
0x2b1: {  	v28 =	vmpcnt.ones.xlane vm4  }
0x2b2: {  	(v2sf) =	vpush v27, $0x0  }
0x2b3: {  	(v2sf) =	vpush v28, $0x0;
	_ =	sdelay $0xb  }
0x2b4: {  	s1 =	spop (v2sf)  }
0x2b5: {  	s3 =	sadd.s32 s0, s1;
	s10 =	spop (v2sf)  }
0x2b6: {  	s4 =	sadd.s32 s3, s10;
	s11 =	spop (v2sf)  }
0x2b7: {  	s5 =	sadd.s32 s4, s11;
	s22 =	spop (v2sf)  }
0x2b8: {  	[tilespmem:s0+$0x1DB20] =	vst.msk vm1, v16;
	s1 =	sadd.s32 s5, s22  }
0x2b9: {  	[tilespmem:s0+$0x1E020] =	vst.msk vm1, v18;
	vm1 =	vmmov vm2;
	s24 =	sadd.s32 $0xF, s1  }
0x2ba: {  	[tilespmem:s3+$0x1D620] =	vst.msk vm1, v25;
	s6 =	sand.u32 $0xF, s24  }
0x2bb: {  	vm2 =	vmmov vm3;
	[tilespmem:s3+$0x1DB20] =	vst.msk vm1, v17;
	s30 =	sshra.s32 s24, $0x1F;
	p3 =	slt.s32 s24, $0x1;
	p2 =	sne.s32 s6, $0x0  }
0x2bc: {  	[tilespmem:s3+$0x1E020] =	vst.msk vm1, v19;
	vm1 =	vmmov vm2;
	s3 =	sshrl.u32 s30, $0x1C;
	p2 =	por !p3, !p2  }
0x2bd: {  	[tilespmem:s4+$0x1D620] =	vst.msk vm1, v26;
	s0 =	sadd.s32 s3, s24;
	s3 =	simm.s32 $0x1;
	p2 =	por !p2, !p2  }
0x2be: {  	[tilespmem:s4+$0x1DB20] =	vst.msk vm1, v24;
	s0 =	sshra.s32 s0, $0x4;
	s3 =	simm.s32 @!p2 $0x0  }
0x2bf: {  	[tilespmem:s4+$0x1E020] =	vst.msk vm1, v23;
	s4 =	ssub.s32 s0, s3  }
0x2c0: {  	p2 =	slt.s32 s4, $0x1  }
.Ltmp14:
0x2c1: {  	vm2 =	vmmov vm4;
	(pc) =	sbr.rel @p2 .LBB2_32-.Ltmp14, $4  }
0x2c2: {  	v16 =	vsub.s32 v21, v2;
	vm1 =	vmmov vm2  }
0x2c3: {  	[tilespmem:s5+$0x1D620] =	vst.msk vm1, v16  }
0x2c4: {  	[tilespmem:s5+$0x1DB20] =	vst.msk vm1, v20  }
0x2c5: {  	[tilespmem:s5+$0x1E020] =	vst.msk vm1, v22  }
0x2c6: {  	s0 =	simm.s32 $0x1D620  }
0x2c7: {  	p4 =	sne.s32 s4, $0x1;
	v16 =	vld [tilespmem:s0+$0x0]  }
.Ltmp15:
0x2c8: {  	_ = 	snop;
	(pc) =	sbr.rel @!p4 .LBB2_24-.Ltmp15, $3  }
0x2c9: {  	_ =	sdelay $0x1  }
0x2ca: {  	s3 =	simm.s32 $0x1E020;
	s4 =	sadd.s32 $0xFFFFFFFF, s4;
	s5 =	simm.s32 $0x1D630  }
0x2cb: {  	p2 =	por $0x0, $0x0;
	p3 =	por $0x0, $0x0;
	s0 =	simm.s32 $0x1E520;
	v16 =	vadd.s32 v4, v16  }
0x2cc: {  	v17 =	vld [tilespmem:s5+$0x0];
	p4 =	sne.s32 s4, $0x1  }
.Ltmp16:
0x2cd: {  	_ = 	snop;
	(pc) =	sbr.rel @!p4 .LBB2_26-.Ltmp16, $3  }
0x2ce: {  	_ =	sdelay $0x1  }
0x2cf: {  	v20 =	vld.idx.msk [tilespmem:v16+s31+$0x0], $0xffff  }
0x2d0: {  	s4 =	sadd.s32 $0xFFFFFFFF, s4;
	s5 =	simm.s32 $0x1D640;
	v18 =	vld [tilespmem:s3+$0x0];
	p2 =	por $0x1, $0x1;
	v16 =	vadd.s32 v4, v17  }
0x2d1: {  	v21 =	vld [tilespmem:s5+$0x0];
	p4 =	sne.s32 s4, $0x1  }
.Ltmp17:
0x2d2: {  	_ = 	snop;
	(pc) =	sbr.rel @!p4 .LBB2_28-.Ltmp17, $3  }
0x2d3: {  	_ =	sdelay $0x1  }
0x2d4: {  	s6 =	sadd.s32 $0xFFFFFFFF, s4;
	v19 =	vld.idx.msk [tilespmem:v16+s31+$0x0], $0xffff;
	s5 =	simm.s32 $0x1E030;
	v17 =	vmul.f32 v18, v20  }
0x2d5: {  	s7 =	simm.s32 $0x1D650;
	p3 =	por $0x1, $0x1;
	s4 =	simm.s32 $0x1E520;
	v18 =	vld [tilespmem:s5+$0x0];
	v16 =	vadd.s32 v4, v21  }
.LBB2_29:
0x2d6: {  	v20 =	vld [tilespmem:s7+$0x0];
	p4 =	sne.s32 s6, $0x1;
	s6 =	sadd.s32 $0xFFFFFFFF, s6;
	[tilespmem:s4+$0x0] =	vst v17  }
.Ltmp18:
0x2d7: {  	(pc) =	sbr.rel @p4 .LBB2_29-.Ltmp18, $3  }
0x2d8: {  	_ =	sdelay $0x1  }
0x2d9: {  	s5 =	sadd.s32 $0x10, s5;
	v17 =	vmul.f32 v18, v19;
	v19 =	vld.idx.msk [tilespmem:v16+s31+$0x0], $0xffff  }
0x2da: {  	s7 =	sadd.s32 $0x10, s7;
	s4 =	sadd.s32 $0x10, s4;
	v16 =	vadd.s32 v4, v20;
	v18 =	vld [tilespmem:s5+$0x0]  }
0x2db: {  	_ =	sdelay $0x2  }
0x2dc: {  	v20 =	vmov v19  }
.LBB2_31:
0x2dd: {  	_ =	sdelay $0x2  }
0x2de: {  	s5 =	sadd.s32 @p2 $0x10, s5  }
0x2df: {  	v16 =	vld.idx.msk [tilespmem:v16+s31+$0x0], $0xffff;
	s3 =	smov.u32 @p2 s5  }
0x2e0: {  	v19 =	vld [tilespmem:s3+$0x0];
	_ =	sdelay $0x2  }
0x2e1: {  	v18 =	vmul.f32 @p2 v18, v20;
	s5 =	simm.s32 $0x1E520;
	s3 =	sadd.s32 @p3 $0x10, s4  }
0x2e2: {  	s5 =	smov.u32 @p3 s3  }
0x2e3: {  	[tilespmem:s4+$0x0] =	vst @p3 v17;
	v17 =	vpsel p2, v18, v0;
	s3 =	sadd.s32 @p2 $0x10, s5;
	v16 =	vmul.f32 v19, v16  }
0x2e4: {  	[tilespmem:s5+$0x0] =	vst @p2 v17;
	s0 =	smov.u32 @p2 s3  }
0x2e5: {  	[tilespmem:s0+$0x0] =	vst v16  }
.LBB2_32:
0x2e6: {  	s0 =	sadd.s32 $0x3F, s1  }
0x2e7: {  	s3 =	sand.u32 $0x3F, s0  }
0x2e8: {  	s4 =	sshra.s32 s0, $0x1F;
	p2 =	slt.s32 s0, $0x1;
	p3 =	sne.s32 s3, $0x0  }
0x2e9: {  	s24 =	sshrl.u32 s4, $0x1A;
	p2 =	por !p2, !p3  }
0x2ea: {  	s3 =	simm.s32 $0x1;
	s0 =	sadd.s32 s24, s0;
	p2 =	por !p2, !p2  }
0x2eb: {  	s0 =	sshra.s32 s0, $0x6;
	s3 =	simm.s32 @!p2 $0x0  }
0x2ec: {  	s4 =	ssub.s32 s0, s3  }
0x2ed: {  	p2 =	slt.s32 s4, $0x1  }
.Ltmp19:
0x2ee: {  	_ = 	snop;
	(pc) =	sbr.rel @!p2 .LBB2_33-.Ltmp19, $4  }
.Ltmp20:
0x2ef: {  	_ = 	snop;
	(pc) =	sbr.rel @p2 .LBB2_38-.Ltmp20, $4  }
0x2f0: {  	_ = 	snop  }
0x2f1: {  	_ = 	snop  }
0x2f2: {  	s30 =	simm.s32 $0x0;
	s22 =	simm.s32 $0x0;
	s3 =	smov.u32 s1  }
0x2f3: {  	_ = 	snop  }
.LBB2_36:
0x2f4: {  	v26 =	vld [tilespmem:s7+$0x420]  }
0x2f5: {  	v27 =	vld [tilespmem:s7+$0x430]  }
0x2f6: {  	v28 =	vld [tilespmem:s7+$0x440]  }
0x2f7: {  	v29 =	vld [tilespmem:s7+$0x450]  }
0x2f8: {  	v30 =	vld [tilespmem:s7+$0x460]  }
0x2f9: {  	v31 =	vld [tilespmem:s24+$0x17820]  }
0x2fa: {  	[tilespmem:s6+$0x3030] =	vst.add.f32.msk $0xffff, v17  }
0x2fb: {  	[tilespmem:s6+$0x3040] =	vst.add.f32.msk $0xffff, v19  }
0x2fc: {  	[tilespmem:s6+$0x3050] =	vst.add.f32.msk $0xffff, v20  }
0x2fd: {  	v17 =	vmul.f32 v23, v16;
	[tilespmem:s6+$0x3060] =	vst.add.f32.msk $0xffff, v21  }
0x2fe: {  	[tilespmem:s6+$0x3070] =	vst.add.f32.msk $0xffff, v18;
	v59 =	vmul.f32 v22, v16  }
0x2ff: {  	v60 =	vmul.f32 v25, v16;
	[tilespmem:s6+$0x3080] =	vst.add.f32.msk $0xffff, v17  }
0x300: {  	v17 =	vmul.f32 v24, v16;
	[tilespmem:s6+$0x3090] =	vst.add.f32.msk $0xffff, v59  }
0x301: {  	[tilespmem:s6+$0x3430] =	vst.add.f32.msk $0xffff, v60;
	v58 =	vmul.f32 v31, v16  }
0x302: {  	[tilespmem:s6+$0x3420] =	vst.add.f32.msk $0xffff, v17;
	v61 =	vmul.f32 v26, v16  }
0x303: {  	v17 =	vmul.f32 v27, v16;
	[tilespmem:s6+$0x3020] =	vst.add.f32.msk $0xffff, v58  }
0x304: {  	v62 =	vmul.f32 v28, v16;
	[tilespmem:s6+$0x3440] =	vst.add.f32.msk $0xffff, v61  }
0x305: {  	v63 =	vmul.f32 v29, v16;
	[tilespmem:s6+$0x3450] =	vst.add.f32.msk $0xffff, v17  }
0x306: {  	v16 =	vmul.f32 v30, v16;
	[tilespmem:s6+$0x3460] =	vst.add.f32.msk $0xffff, v62  }
0x307: {  	[tilespmem:s6+$0x3470] =	vst.add.f32.msk $0xffff, v63  }
0x308: {  	[tilespmem:s6+$0x3480] =	vst.add.f32.msk $0xffff, v16  }
.LBB2_37:
0x309: {  	s22 =	sadd.s32 $0x1, s22  }
0x30a: {  	p2 =	sne.s32 s22, s4  }
.Ltmp21:
0x30b: {  	_ = 	snop;
	(pc) =	sbr.rel @!p2 .LBB2_38-.Ltmp21, $2  }
0x30c: {  	_ =	sdelay $0x2  }
0x30d: {  	s3 =	sadd.s32 $0xFFFFFFC0, s3;
	s30 =	sadd.s32 $0x40, s30  }
.LBB2_33:
0x30e: {  	s0 =	sshll.u32 s22, $0x6  }
0x30f: {  	v16 =	vld [tilespmem:s0+$0x1DB20];
	_ =	sdelay $0x4  }
0x310: {  	v17 =	vshll.u32 v16, $0x1  }
0x311: {  	v16 =	vand.u32 $0x7, v16;
	v17 =	vand.u32 $0xFFFFFFF0, v17  }
0x312: {  	v16 =	vor.u32 v16, v17  }
0x313: {  	v17 =	vperm.xlane v16, v13;
	_ =	sdelay $0x1  }
0x314: {  	v16 =	vperm.xlane v16, v15;
	v17 =	vadd.s32 v14, v17;
	_ =	sdelay $0x1  }
0x315: {  	v16 =	vadd.s32 v14, v16;
	_ =	sdelay $0x1  }
0x316: {  	s5 =	simm.s32 $0x17820  }
0x317: {  	[tilespmem:s5], [sflag:$0x3] =	stream.indirect_vreg.gather [hbm4b:s8+s29], $0x80, v17, vm0, $0xb8;
	[tilespmem:$0x1F2A0] =	vst v63  }
0x318: {  	_ = 	snop  }
0x319: {  	[tilespmem:s12], [sflag:$0x3] =	stream.indirect_vreg.gather [hbm4b:s8+s29], $0x80, v16, vm0, $0xb8;
	[tilespmem:$0x1F2A0] =	vst v63  }
0x31a: {  	v16 =	vld [tilespmem:s0+$0x1DB30];
	_ =	sdelay $0x4  }
0x31b: {  	v17 =	vshll.u32 v16, $0x1  }
0x31c: {  	v16 =	vand.u32 $0x7, v16;
	v17 =	vand.u32 $0xFFFFFFF0, v17  }
0x31d: {  	v16 =	vor.u32 v16, v17  }
0x31e: {  	v17 =	vperm.xlane v16, v13;
	_ =	sdelay $0x1  }
0x31f: {  	v16 =	vperm.xlane v16, v15;
	v17 =	vadd.s32 v14, v17;
	_ =	sdelay $0x1  }
0x320: {  	v16 =	vadd.s32 v14, v16;
	_ =	sdelay $0x2  }
0x321: {  	[tilespmem:s13], [sflag:$0x3] =	stream.indirect_vreg.gather [hbm4b:s8+s29], $0x80, v17, vm0, $0xb8;
	[tilespmem:$0x1F2A0] =	vst v63  }
0x322: {  	_ = 	snop  }
0x323: {  	[tilespmem:s14], [sflag:$0x3] =	stream.indirect_vreg.gather [hbm4b:s8+s29], $0x80, v16, vm0, $0xb8;
	[tilespmem:$0x1F2A0] =	vst v63  }
0x324: {  	v16 =	vld [tilespmem:s0+$0x1DB40];
	_ =	sdelay $0x4  }
0x325: {  	v17 =	vshll.u32 v16, $0x1  }
0x326: {  	v16 =	vand.u32 $0x7, v16;
	v17 =	vand.u32 $0xFFFFFFF0, v17  }
0x327: {  	v16 =	vor.u32 v16, v17  }
0x328: {  	v17 =	vperm.xlane v16, v13;
	_ =	sdelay $0x1  }
0x329: {  	v16 =	vperm.xlane v16, v15;
	v17 =	vadd.s32 v14, v17;
	_ =	sdelay $0x1  }
0x32a: {  	v16 =	vadd.s32 v14, v16;
	_ =	sdelay $0x2  }
0x32b: {  	[tilespmem:s15], [sflag:$0x3] =	stream.indirect_vreg.gather [hbm4b:s8+s29], $0x80, v17, vm0, $0xb8;
	[tilespmem:$0x1F2A0] =	vst v63  }
0x32c: {  	_ = 	snop  }
0x32d: {  	[tilespmem:s16], [sflag:$0x3] =	stream.indirect_vreg.gather [hbm4b:s8+s29], $0x80, v16, vm0, $0xb8;
	[tilespmem:$0x1F2A0] =	vst v63  }
0x32e: {  	v16 =	vld [tilespmem:s0+$0x1DB50];
	_ =	sdelay $0x4  }
0x32f: {  	v17 =	vshll.u32 v16, $0x1  }
0x330: {  	v16 =	vand.u32 $0x7, v16;
	v17 =	vand.u32 $0xFFFFFFF0, v17  }
0x331: {  	v16 =	vor.u32 v16, v17  }
0x332: {  	v17 =	vperm.xlane v16, v13;
	_ =	sdelay $0x1  }
0x333: {  	v16 =	vperm.xlane v16, v15;
	v17 =	vadd.s32 v14, v17;
	_ =	sdelay $0x1  }
0x334: {  	v16 =	vadd.s32 v14, v16  }
0x335: {  	s0 =	ssub.s32 s1, s0  }
0x336: {  	p2 =	slt.s32 s0, $0x1  }
0x337: {  	[tilespmem:s17], [sflag:$0x3] =	stream.indirect_vreg.gather [hbm4b:s8+s29], $0x80, v17, vm0, $0xb8;
	[tilespmem:$0x1F2A0] =	vst v63  }
.Ltmp22:
0x338: {  	_ = 	snop;
	(pc) =	sbr.rel @p2 .LBB2_37-.Ltmp22, $4  }
0x339: {  	[tilespmem:s18], [sflag:$0x3] =	stream.indirect_vreg.gather [hbm4b:s8+s29], $0x80, v16, vm0, $0xb8;
	[tilespmem:$0x1F2A0] =	vst v63  }
0x33a: {  	_ =	swait.ge [sflag:s19], $0x4000  }
0x33b: {  	[sflag:s19] =	ssyncset.done $0x0  }
0x33c: {  	[sflag:s19] =	ssyncadd.s32 $0xFFFFC000  }
0x33d: {  	v16 =	vmov s30;
	_ =	sdelay $0x4  }
0x33e: {  	v17 =	vld.idx.msk [tilespmem:v16+s20+$0x0], $0xffff;
	_ =	sdelay $0x4  }
0x33f: {  	(v2sf) =	vpush v17, $0x0;
	_ =	sdelay $0xa  }
0x340: {  	s0 =	sand.u32 $0xFFFFF800, s29;
	s5 =	sand.u32 $0x380, s29  }
0x341: {  	s24 =	sor.u32 s5, s0  }
0x342: {  	s7 =	sadd.s32 $0x17820, s24  }
0x343: {  	v18 =	vld [tilespmem:s7+$0x10]  }
0x344: {  	p2 =	sgt.s32 s3, $0x1;
	v19 =	vld [tilespmem:s7+$0x20];
	s9 =	spop (v2sf)  }
0x345: {  	v16 =	vld.idx.msk [tilespmem:v16+s21+$0x0], $0xffff;
	s10 =	sshll.u32 s9, $0x8;
	s0 =	sshll.u32 s9, $0x7;
	s9 =	smov.u32 s3  }
0x346: {  	v17 =	vld [tilespmem:s7+$0x470];
	s9 =	simm.s32 @!p2 $0x1  }
0x347: {  	v20 =	vld [tilespmem:s7+$0x30];
	s5 =	sand.u32 $0xFFFFF800, s10;
	s0 =	sand.u32 $0x380, s0;
	s11 =	smin.u32 s9, $0x40  }
0x348: {  	v21 =	vld [tilespmem:s7+$0x40];
	s6 =	sor.u32 s0, s5;
	s0 =	sshll.u32 s11, $0x8  }
0x349: {  	v25 =	vld [tilespmem:s7+$0x50];
	p2 =	sne.s32 s0, $0x100  }
.Ltmp23:
0x34a: {  	v23 =	vld [tilespmem:s7+$0x60];
	(pc) =	sbr.rel @!p2 .LBB2_36-.Ltmp23, $4  }
0x34b: {  	v22 =	vld [tilespmem:s7+$0x70];
	v17 =	vmul.f32 v17, v16  }
0x34c: {  	v24 =	vld [tilespmem:s7+$0x400];
	v19 =	vmul.f32 v19, v16  }
0x34d: {  	v20 =	vmul.f32 v20, v16;
	v21 =	vmul.f32 v21, v16;
	[tilespmem:s6+$0x3490] =	vst.add.f32.msk $0xffff, v17  }
0x34e: {  	s9 =	sadd.s32 $0x1, s30;
	s5 =	simm.s32 $0x0;
	v17 =	vmul.f32 v18, v16;
	s11 =	simm.s32 $0x100;
	v18 =	vmul.f32 v25, v16;
	v25 =	vld [tilespmem:s7+$0x410]  }
.LBB2_35:
0x34f: {  	v26 =	vmov s9;
	v23 =	vmul.f32 v23, v16;
	v27 =	vld [tilespmem:s7+$0x420];
	s10 =	smov.u32 s11;
	s11 =	sadd.s32 $0x100, s11  }
0x350: {  	p2 =	sne.s32 s0, s11;
	v28 =	vld [tilespmem:s7+$0x430]  }
0x351: {  	v22 =	vmul.f32 v22, v16;
	v29 =	vld [tilespmem:s7+$0x440]  }
0x352: {  	v24 =	vmul.f32 v24, v16;
	v30 =	vld [tilespmem:s7+$0x450]  }
0x353: {  	v25 =	vmul.f32 v25, v16;
	v31 =	vld [tilespmem:s7+$0x460]  }
0x354: {  	v32 =	vld.idx.msk [tilespmem:v26+s20+$0x0], $0xffff;
	v27 =	vmul.f32 v27, v16  }
0x355: {  	v33 =	vld [tilespmem:s24+$0x17820];
	v28 =	vmul.f32 v28, v16  }
0x356: {  	[tilespmem:s6+$0x3030] =	vst.add.f32.msk $0xffff, v17;
	v17 =	vmul.f32 v29, v16  }
0x357: {  	[tilespmem:s6+$0x3040] =	vst.add.f32.msk $0xffff, v19;
	v19 =	vmul.f32 v30, v16  }
0x358: {  	[tilespmem:s6+$0x3050] =	vst.add.f32.msk $0xffff, v20;
	v20 =	vmul.f32 v31, v16  }
0x359: {  	[tilespmem:s6+$0x3060] =	vst.add.f32.msk $0xffff, v21  }
0x35a: {  	(v2sf) =	vpush v32, $0x0;
	v16 =	vmul.f32 v33, v16;
	[tilespmem:s6+$0x3070] =	vst.add.f32.msk $0xffff, v18  }
0x35b: {  	[tilespmem:s6+$0x3080] =	vst.add.f32.msk $0xffff, v23  }
0x35c: {  	[tilespmem:s6+$0x3020] =	vst.add.f32.msk $0xffff, v16  }
0x35d: {  	[tilespmem:s6+$0x3090] =	vst.add.f32.msk $0xffff, v22  }
0x35e: {  	[tilespmem:s6+$0x3420] =	vst.add.f32.msk $0xffff, v24  }
0x35f: {  	[tilespmem:s6+$0x3430] =	vst.add.f32.msk $0xffff, v25  }
0x360: {  	[tilespmem:s6+$0x3440] =	vst.add.f32.msk $0xffff, v27  }
0x361: {  	[tilespmem:s6+$0x3450] =	vst.add.f32.msk $0xffff, v28  }
0x362: {  	s5 =	sadd.s32 $0x80, s5;
	[tilespmem:s6+$0x3460] =	vst.add.f32.msk $0xffff, v17  }
0x363: {  	s7 =	sand.u32 $0xFFFFF800, s10;
	s10 =	sand.u32 $0x380, s5;
	[tilespmem:s6+$0x3470] =	vst.add.f32.msk $0xffff, v19  }
0x364: {  	s24 =	sor.u32 s10, s7;
	[tilespmem:s6+$0x3480] =	vst.add.f32.msk $0xffff, v20  }
0x365: {  	s7 =	sadd.s32 $0x17820, s24;
	v16 =	vld.idx.msk [tilespmem:v26+s21+$0x0], $0xffff  }
0x366: {  	v17 =	vld [tilespmem:s7+$0x470]  }
0x367: {  	v18 =	vld [tilespmem:s7+$0x10]  }
0x368: {  	v19 =	vld [tilespmem:s7+$0x20]  }
0x369: {  	v20 =	vld [tilespmem:s7+$0x30];
	s6 =	spop (v2sf)  }
0x36a: {  	s10 =	sshll.u32 s6, $0x8;
	s6 =	sshll.u32 s6, $0x7;
	v21 =	vld [tilespmem:s7+$0x40]  }
0x36b: {  	s10 =	sand.u32 $0xFFFFF800, s10;
	s6 =	sand.u32 $0x380, s6;
	v25 =	vld [tilespmem:s7+$0x50];
	v22 =	vmul.f32 v17, v16  }
.Ltmp24:
0x36c: {  	s6 =	sor.u32 s6, s10;
	v17 =	vmul.f32 v18, v16;
	v23 =	vld [tilespmem:s7+$0x60];
	(pc) =	sbr.rel @p2 .LBB2_35-.Ltmp24, $4  }
0x36d: {  	v19 =	vmul.f32 v19, v16;
	[tilespmem:s6+$0x3490] =	vst.add.f32.msk $0xffff, v22  }
0x36e: {  	v20 =	vmul.f32 v20, v16;
	v22 =	vld [tilespmem:s7+$0x70]  }
0x36f: {  	v21 =	vmul.f32 v21, v16;
	v24 =	vld [tilespmem:s7+$0x400]  }
0x370: {  	s9 =	sadd.s32 $0x1, s9;
	v18 =	vmul.f32 v25, v16;
	v25 =	vld [tilespmem:s7+$0x410]  }
.Ltmp25:
0x371: {  	_ = 	snop;
	(pc) =	sbr.rel .LBB2_36-.Ltmp25, $1  }
0x372: {  	_ =	sdelay $0x3  }
.LBB2_24:
.Ltmp26:
0x373: {  	(pc) =	sbr.rel .LBB2_31-.Ltmp26, $2  }
0x374: {  	_ =	sdelay $0x2  }
0x375: {  	s4 =	simm.s32 $0x1E520;
	s5 =	simm.s32 $0x1E020  }
.LBB2_26:
.Ltmp27:
0x376: {  	(pc) =	sbr.rel .LBB2_31-.Ltmp27, $2  }
0x377: {  	_ =	sdelay $0x2  }
0x378: {  	s4 =	simm.s32 $0x1E520;
	s5 =	simm.s32 $0x1E020  }
.LBB2_28:
.Ltmp28:
0x379: {  	(pc) =	sbr.rel .LBB2_31-.Ltmp28, $2  }
0x37a: {  	_ =	sdelay $0x2  }
0x37b: {  	s4 =	simm.s32 $0x1E520;
	v20 =	vmov v19  }
.LBB2_40:
0x37c: {  	_ =	sfence.sel $0x180000  }
0x37d: {  	[bflag:$0x0] =	sbarrier.arrive $0xFFFF  }
0x37e: {  	_ =	strace $0x90000047  }
0x37f: {  	[bflag:$0x2] =	sbarrier.arrive $0xFFFF  }
0x380: {  	s0 =	rddreg [dreg:$0x7]  }
0x381: {  	s0 =	sadd.s32 @!p0 $0x100000, s0  }
0x382: {  	[sflag:s0] =	ssyncadd.tile.s32 @!p0 $0x1;
	_ =	shalt  }
.Lfunc_end2:
_tile_overlayer_lowered:
.L_overlay_start_2:
0x383: {  	(tag) =	ssettag $0x2  }
0x384: {  	s0 =	rddreg [dreg:$0x0];
	s2 =	stileid.u32  }
0x385: {  	s1 =	rddreg [dreg:$0x1];
	p0 =	sne.s32 s2, $0x0  }
0x386: {  	s3 =	rddreg [dreg:$0x2];
	[bflag:$0x3] =	sbarrier.arrive $0xFFFF;
	s2 =	simm.s32 @!p0 $0x1C04  }
0x387: {  	[timem:s3], [sflag:s2] =	dma.local @!p0 [hbm:s0], s1  }
0x388: {  	s0 =	simm.s32 @!p0 $0x4  }
0x389: {  	_ =	swait.ge @!p0 [sflag:s0], s1  }
0x38a: {  	s1 =	ssub.s32 @!p0 $0x0, s1;
	[sflag:s0] =	ssyncset.done @!p0 $0x0  }
0x38b: {  	[sflag:s0] =	ssyncadd.s32 @!p0 s1  }
0x38c: {  	[bflag:$0x3] =	sbarrier.arrive $0xFFFF  }
0x38d: {  	_ =	shalt  }

</sc_bundles>
